<compile_context>
chip_gen: v7x
topology: tpu7x:2x2x1
jax: 0.10.2.dev20260603
libtpu: 0.0.44.dev20260713+nightly
codegen_flags: <defaults>
</compile_context>

<pallas_src>
import functools

import jax
import jax.numpy as jnp
from jax import lax
from jax.experimental import pallas as pl
from jax.experimental.pallas import tpu as pltpu
from jax.experimental.pallas import tpu_sc as plsc

NUM_ROWS = 1000001
EMBED_DIM = 64
BATCH = 16384

_NC = 2
_NS = 16
_NW = _NC * _NS
_B_PER_W = BATCH // _NW
_TAIL_START = (NUM_ROWS - 1) // 128 * 128
_TAIL_LEN = NUM_ROWS - _TAIL_START

_mesh = plsc.VectorSubcoreMesh(core_axis_name="c", subcore_axis_name="s")


@functools.partial(
    pl.kernel,
    mesh=_mesh,
    out_type=jax.ShapeDtypeStruct((BATCH * EMBED_DIM,), jnp.float32),
    scratch_types=[
        pltpu.VMEM((_B_PER_W + 16,), jnp.int32),
        pltpu.VMEM((8, EMBED_DIM, 128), jnp.float32),
        pltpu.VMEM((_B_PER_W * EMBED_DIM,), jnp.float32),
        pltpu.VMEM((1, EMBED_DIM), jnp.float32),
        pltpu.SemaphoreType.DMA,
        pltpu.SemaphoreType.DMA,
    ],
    compiler_params=pltpu.CompilerParams(needs_layout_passes=False),
)
def _embedding_gather(idx_hbm, tt_hbm, tail_hbm, out_hbm,
                      idx_v, tcb, rowbuf, tailbuf, sem_a, sem_b):
    wid = lax.axis_index("s") * _NC + lax.axis_index("c")
    base = wid * _B_PER_W
    pltpu.sync_copy(idx_hbm.at[pl.ds(base, _B_PER_W)],
                    idx_v.at[pl.ds(0, _B_PER_W)])

    def fire(vec, lane0, slot0, sem):
        for j in range(4):
            idx = vec[lane0 + j]
            tcol = jnp.where(idx >= _TAIL_START, 0, idx >> 7)
            tcol = jnp.clip(tcol, 0, (_TAIL_START // 128) - 1)
            start = pl.multiple_of(tcol * 128, 128)
            pltpu.async_copy(tt_hbm.at[:, pl.ds(start, 128)],
                             tcb.at[slot0 + j], sem)

    def drain(slot0, sem):
        for j in range(4):
            pltpu.make_async_copy(tt_hbm.at[:, pl.ds(0, 128)],
                                  tcb.at[slot0 + j], sem).wait()

    def extract(q, vec, w, slot0):
        for j in range(4):
            idx = vec[4 * w + j]
            rm = lax.broadcast(idx & 127, (16,))
            gid64 = (q * 16 + 4 * w + j) * EMBED_DIM

            @pl.when(idx < _TAIL_START)
            def _():
                for c in range(4):
                    cvec = lax.iota(jnp.int32, 16) + 16 * c
                    vals = plsc.load_gather(tcb.at[slot0 + j], [cvec, rm])
                    rowbuf[pl.ds(gid64 + 16 * c, 16)] = vals

            @pl.when(idx >= _TAIL_START)
            def _():
                pltpu.sync_copy(tail_hbm.at[pl.ds(idx - _TAIL_START, 1)],
                                tailbuf)
                for c in range(4):
                    rowbuf[pl.ds(gid64 + 16 * c, 16)] = (
                        tailbuf.at[0][pl.ds(16 * c, 16)])

    def body(q, carry):
        vec = idx_v[pl.ds(q * 16, 16)]
        vec_n = idx_v[pl.ds(q * 16 + 16, 16)]
        drain(0, sem_a)
        extract(q, vec, 0, 0)
        fire(vec, 8, 0, sem_a)
        drain(4, sem_b)
        extract(q, vec, 1, 4)
        fire(vec, 12, 4, sem_b)
        drain(0, sem_a)
        extract(q, vec, 2, 0)
        fire(vec_n, 0, 0, sem_a)
        drain(4, sem_b)
        extract(q, vec, 3, 4)
        fire(vec_n, 4, 4, sem_b)
        return carry

    vec0 = idx_v[pl.ds(0, 16)]
    fire(vec0, 0, 0, sem_a)
    fire(vec0, 4, 4, sem_b)
    lax.fori_loop(0, _B_PER_W // 16, body, 0)
    drain(0, sem_a)
    drain(4, sem_b)
    pltpu.sync_copy(rowbuf, out_hbm.at[pl.ds(base * EMBED_DIM,
                                              _B_PER_W * EMBED_DIM)])


def kernel(domain_ids, table):
    tail = lax.slice(table, (_TAIL_START, 0), (NUM_ROWS, EMBED_DIM))
    out_flat = _embedding_gather(domain_ids.astype(jnp.int32), table.T, tail)
    return out_flat.reshape(BATCH, EMBED_DIM)

# --- scband reference (transcript-rebuilt; emitter-appended) ---
"""Pipeline reference for scband-domain-embedding-41996190220733 (READ-ONLY COPY).

The authoritative reference and input builder live on the scoring server;
editing this copy changes nothing except your own understanding.
"""

import jax, jax.numpy as jnp
import numpy as np

NUM_DOMAINS = 1000000
EMBED_DIM = 64
BATCH = 16384

def setup_inputs(seed: int = 0) -> dict:
    key = jax.random.key(seed)
    k_idx, k_tab = jax.random.split(key)
    domain_ids = jax.random.randint(k_idx, (BATCH,), 0, NUM_DOMAINS + 1, dtype=jnp.int64 if jax.config.jax_enable_x64 else jnp.int32)
    table = jax.random.normal(k_tab, (NUM_DOMAINS + 1, EMBED_DIM), dtype=jnp.float32)
    return {"domain_ids": domain_ids, "table": table}

def reference(domain_ids, table):
    # Equivalent of nn.Embedding(num_domains + 1, embedding_dim)(domain_ids)
    return jnp.take(table, domain_ids, axis=0)

if __name__ == "__main__":
    import jax
    _d = setup_inputs()
    print(jax.jit(kernel)(*tuple(_d.values())))

</pallas_src>

<mosaic_0001>
#map = affine_map<(d0, d1) -> (0)>
#map1 = affine_map<(d0, d1) -> (0, 0)>
module attributes {stable_mosaic.version = 14 : i64} {
  func.func @_embedding_gather(%arg0: i32, %arg1: i32, %arg2: memref<16384xi32, #tpu.memory_space<hbm>>, %arg3: memref<64x1000001xf32, #tpu.memory_space<hbm>>, %arg4: memref<65x64xf32, #tpu.memory_space<hbm>>, %arg5: memref<1048576xf32, #tpu.memory_space<hbm>>, %arg6: memref<528xi32, #tpu.memory_space<vmem>>, %arg7: memref<8x64x128xf32, #tpu.memory_space<vmem>>, %arg8: memref<32768xf32, #tpu.memory_space<vmem>>, %arg9: memref<1x64xf32, #tpu.memory_space<vmem>>, %arg10: memref<!tpu.dma_semaphore, #tpu.memory_space<semaphore_mem>>, %arg11: memref<!tpu.dma_semaphore, #tpu.memory_space<semaphore_mem>>) attributes {dimension_semantics = [#tpu.dimension_semantics<core_parallel>, #tpu.dimension_semantics<subcore_parallel>], iteration_bounds = array<i64: 2, 16>, scalar_prefetch = 0 : i64, scratch_operands = 6 : i64, tpu.core_type = #tpu.core_type<sc_vector_subcore>, window_params = [{transform_indices = #map}, {transform_indices = #map1}, {transform_indices = #map1}, {transform_indices = #map}]} {
    %mul3A = arith.constant 2 : i32
    %mul3A_0 = arith.muli %arg1, %mul3A : i32
    %add3A = arith.addi %mul3A_0, %arg0 : i32
    %mul3A_1 = arith.constant 512 : i32
    %mul3A_2 = arith.muli %add3A, %mul3A_1 : i32
    "tpu.region"() ({
      %run_scoped3A = tpu.sem_alloc : memref<!tpu.dma_semaphore, #tpu.memory_space<semaphore_mem>>
      %dma_start3A_344 = arith.constant 0 : i32
      %dma_start3A_345 = tpu.memref_slice %arg6[%dma_start3A_344] : memref<528xi32, #tpu.memory_space<vmem>> -> memref<512xi32, #tpu.memory_space<vmem>>
      %dma_start3A_346 = tpu.memref_slice %arg2[%mul3A_2] : memref<16384xi32, #tpu.memory_space<hbm>> -> memref<512xi32, #tpu.memory_space<hbm>>
      %dma_start3A_347 = arith.constant 0 : i32
      %dma_start3A_348 = tpu.memref_slice %arg6[%dma_start3A_347] : memref<528xi32, #tpu.memory_space<vmem>> -> memref<512xi32, #tpu.memory_space<vmem>>
      %dma_start3A_349 = tpu.memref_slice %arg2[%mul3A_2] : memref<16384xi32, #tpu.memory_space<hbm>> -> memref<512xi32, #tpu.memory_space<hbm>>
      tpu.enqueue_dma source(%dma_start3A_349 : memref<512xi32, #tpu.memory_space<hbm>>) target(%dma_start3A_348 : memref<512xi32, #tpu.memory_space<vmem>>) target_semaphore(%run_scoped3A : memref<!tpu.dma_semaphore, #tpu.memory_space<semaphore_mem>>)
      %dma_wait3A_350 = arith.constant 0 : i32
      %dma_wait3A_351 = tpu.memref_slice %arg6[%dma_wait3A_350] : memref<528xi32, #tpu.memory_space<vmem>> -> memref<512xi32, #tpu.memory_space<vmem>>
      %dma_wait3A_352 = tpu.memref_slice %arg2[%mul3A_2] : memref<16384xi32, #tpu.memory_space<hbm>> -> memref<512xi32, #tpu.memory_space<hbm>>
      %dma_wait3A_353 = arith.constant 0 : i32
      %dma_wait3A_354 = tpu.memref_slice %arg6[%dma_wait3A_353] : memref<528xi32, #tpu.memory_space<vmem>> -> memref<512xi32, #tpu.memory_space<vmem>>
      %dma_wait3A_355 = tpu.memref_slice %arg2[%mul3A_2] : memref<16384xi32, #tpu.memory_space<hbm>> -> memref<512xi32, #tpu.memory_space<hbm>>
      tpu.wait_dma2 semaphore(%run_scoped3A : memref<!tpu.dma_semaphore, #tpu.memory_space<semaphore_mem>>) src(%dma_wait3A_355 : memref<512xi32, #tpu.memory_space<hbm>>) dst(%dma_wait3A_354 : memref<512xi32, #tpu.memory_space<vmem>>)
      tpu.yield
    }) : () -> ()
    %get3A = arith.constant 0 : index
    %get3A_3 = tpu.vector_load %arg6[%get3A] {strides = array<i32>} : memref<528xi32, #tpu.memory_space<vmem>>, vector<16xi32>,
    %slice3A = vector.extract_strided_slice %get3A_3 {offsets = [0], sizes = [1], strides = [1]} : vector<16xi32> to vector<1xi32>
    %squeeze3A = vector.extract %slice3A[0] : i32 from vector<1xi32>
    %ge3A = arith.constant 999936 : i32
    %ge3A_4 = arith.cmpi sge, %squeeze3A, %ge3A : i32
    %shift_right_arithmetic3A = arith.constant 7 : i32
    %shift_right_arithmetic3A_5 = arith.shrsi %squeeze3A, %shift_right_arithmetic3A : i32
    %jit3A = arith.constant 0 : i32
    %select_n3A = arith.select %ge3A_4, %jit3A, %shift_right_arithmetic3A_5 : i32
    %jit3A_6 = arith.constant 0 : i32
    %jit3A_7 = arith.constant 7811 : i32
    %max3A = arith.maxsi %jit3A_6, %select_n3A : i32
    %min3A = arith.minsi %jit3A_7, %max3A : i32
    %mul3A_8 = arith.constant 128 : i32
    %mul3A_9 = arith.muli %min3A, %mul3A_8 : i32
    %multiple_of3A = tpu.assume_multiple %mul3A_9, 128 : i32
    %dma_start3A = arith.constant 0 : i32
    %dma_start3A_10 = arith.constant 0 : i32
    %dma_start3A_11 = arith.constant 0 : i32
    %dma_start3A_12 = tpu.memref_slice %arg7[%dma_start3A, %dma_start3A_10, %dma_start3A_11] : memref<8x64x128xf32, #tpu.memory_space<vmem>> -> memref<1x64x128xf32, #tpu.memory_space<vmem>>
    %dma_start3A_13 = tpu.memref_squeeze %dma_start3A_12 : memref<1x64x128xf32, #tpu.memory_space<vmem>> -> memref<64x128xf32, #tpu.memory_space<vmem>>
    %dma_start3A_14 = arith.constant 0 : i32
    %dma_start3A_15 = tpu.memref_slice %arg3[%dma_start3A_14, %multiple_of3A] : memref<64x1000001xf32, #tpu.memory_space<hbm>> -> memref<64x128xf32, #tpu.memory_space<hbm>>
    %dma_start3A_16 = arith.constant 0 : i32
    %dma_start3A_17 = arith.constant 0 : i32
    %dma_start3A_18 = tpu.memref_slice %arg7[%dma_start3A, %dma_start3A_16, %dma_start3A_17] : memref<8x64x128xf32, #tpu.memory_space<vmem>> -> memref<1x64x128xf32, #tpu.memory_space<vmem>>
    %dma_start3A_19 = tpu.memref_squeeze %dma_start3A_18 : memref<1x64x128xf32, #tpu.memory_space<vmem>> -> memref<64x128xf32, #tpu.memory_space<vmem>>
    %dma_start3A_20 = arith.constant 0 : i32
    %dma_start3A_21 = tpu.memref_slice %arg3[%dma_start3A_20, %multiple_of3A] : memref<64x1000001xf32, #tpu.memory_space<hbm>> -> memref<64x128xf32, #tpu.memory_space<hbm>>
    tpu.enqueue_dma source(%dma_start3A_21 : memref<64x128xf32, #tpu.memory_space<hbm>>) target(%dma_start3A_19 : memref<64x128xf32, #tpu.memory_space<vmem>>) target_semaphore(%arg10 : memref<!tpu.dma_semaphore, #tpu.memory_space<semaphore_mem>>)
    %slice3A_22 = vector.extract_strided_slice %get3A_3 {offsets = [1], sizes = [1], strides = [1]} : vector<16xi32> to vector<1xi32>
    %squeeze3A_23 = vector.extract %slice3A_22[0] : i32 from vector<1xi32>
    %ge3A_24 = arith.constant 999936 : i32
    %ge3A_25 = arith.cmpi sge, %squeeze3A_23, %ge3A_24 : i32
    %shift_right_arithmetic3A_26 = arith.constant 7 : i32
    %shift_right_arithmetic3A_27 = arith.shrsi %squeeze3A_23, %shift_right_arithmetic3A_26 : i32
    %jit3A_28 = arith.constant 0 : i32
    %select_n3A_29 = arith.select %ge3A_25, %jit3A_28, %shift_right_arithmetic3A_27 : i32
    %jit3A_30 = arith.constant 0 : i32
    %jit3A_31 = arith.constant 7811 : i32
    %max3A_32 = arith.maxsi %jit3A_30, %select_n3A_29 : i32
    %min3A_33 = arith.minsi %jit3A_31, %max3A_32 : i32
    %mul3A_34 = arith.constant 128 : i32
    %mul3A_35 = arith.muli %min3A_33, %mul3A_34 : i32
    %multiple_of3A_36 = tpu.assume_multiple %mul3A_35, 128 : i32
    %dma_start3A_37 = arith.constant 1 : i32
    %dma_start3A_38 = arith.constant 0 : i32
    %dma_start3A_39 = arith.constant 0 : i32
    %dma_start3A_40 = tpu.memref_slice %arg7[%dma_start3A_37, %dma_start3A_38, %dma_start3A_39] : memref<8x64x128xf32, #tpu.memory_space<vmem>> -> memref<1x64x128xf32, #tpu.memory_space<vmem>>
    %dma_start3A_41 = tpu.memref_squeeze %dma_start3A_40 : memref<1x64x128xf32, #tpu.memory_space<vmem>> -> memref<64x128xf32, #tpu.memory_space<vmem>>
    %dma_start3A_42 = arith.constant 0 : i32
    %dma_start3A_43 = tpu.memref_slice %arg3[%dma_start3A_42, %multiple_of3A_36] : memref<64x1000001xf32, #tpu.memory_space<hbm>> -> memref<64x128xf32, #tpu.memory_space<hbm>>
    %dma_start3A_44 = arith.constant 0 : i32
    %dma_start3A_45 = arith.constant 0 : i32
    %dma_start3A_46 = tpu.memref_slice %arg7[%dma_start3A_37, %dma_start3A_44, %dma_start3A_45] : memref<8x64x128xf32, #tpu.memory_space<vmem>> -> memref<1x64x128xf32, #tpu.memory_space<vmem>>
    %dma_start3A_47 = tpu.memref_squeeze %dma_start3A_46 : memref<1x64x128xf32, #tpu.memory_space<vmem>> -> memref<64x128xf32, #tpu.memory_space<vmem>>
    %dma_start3A_48 = arith.constant 0 : i32
    %dma_start3A_49 = tpu.memref_slice %arg3[%dma_start3A_48, %multiple_of3A_36] : memref<64x1000001xf32, #tpu.memory_space<hbm>> -> memref<64x128xf32, #tpu.memory_space<hbm>>
    tpu.enqueue_dma source(%dma_start3A_49 : memref<64x128xf32, #tpu.memory_space<hbm>>) target(%dma_start3A_47 : memref<64x128xf32, #tpu.memory_space<vmem>>) target_semaphore(%arg10 : memref<!tpu.dma_semaphore, #tpu.memory_space<semaphore_mem>>)
    %slice3A_50 = vector.extract_strided_slice %get3A_3 {offsets = [2], sizes = [1], strides = [1]} : vector<16xi32> to vector<1xi32>
    %squeeze3A_51 = vector.extract %slice3A_50[0] : i32 from vector<1xi32>
    %ge3A_52 = arith.constant 999936 : i32
    %ge3A_53 = arith.cmpi sge, %squeeze3A_51, %ge3A_52 : i32
    %shift_right_arithmetic3A_54 = arith.constant 7 : i32
    %shift_right_arithmetic3A_55 = arith.shrsi %squeeze3A_51, %shift_right_arithmetic3A_54 : i32
    %jit3A_56 = arith.constant 0 : i32
    %select_n3A_57 = arith.select %ge3A_53, %jit3A_56, %shift_right_arithmetic3A_55 : i32
    %jit3A_58 = arith.constant 0 : i32
    %jit3A_59 = arith.constant 7811 : i32
    %max3A_60 = arith.maxsi %jit3A_58, %select_n3A_57 : i32
    %min3A_61 = arith.minsi %jit3A_59, %max3A_60 : i32
    %mul3A_62 = arith.constant 128 : i32
    %mul3A_63 = arith.muli %min3A_61, %mul3A_62 : i32
    %multiple_of3A_64 = tpu.assume_multiple %mul3A_63, 128 : i32
    %dma_start3A_65 = arith.constant 2 : i32
    %dma_start3A_66 = arith.constant 0 : i32
    %dma_start3A_67 = arith.constant 0 : i32
    %dma_start3A_68 = tpu.memref_slice %arg7[%dma_start3A_65, %dma_start3A_66, %dma_start3A_67] : memref<8x64x128xf32, #tpu.memory_space<vmem>> -> memref<1x64x128xf32, #tpu.memory_space<vmem>>
    %dma_start3A_69 = tpu.memref_squeeze %dma_start3A_68 : memref<1x64x128xf32, #tpu.memory_space<vmem>> -> memref<64x128xf32, #tpu.memory_space<vmem>>
    %dma_start3A_70 = arith.constant 0 : i32
    %dma_start3A_71 = tpu.memref_slice %arg3[%dma_start3A_70, %multiple_of3A_64] : memref<64x1000001xf32, #tpu.memory_space<hbm>> -> memref<64x128xf32, #tpu.memory_space<hbm>>
    %dma_start3A_72 = arith.constant 0 : i32
    %dma_start3A_73 = arith.constant 0 : i32
    %dma_start3A_74 = tpu.memref_slice %arg7[%dma_start3A_65, %dma_start3A_72, %dma_start3A_73] : memref<8x64x128xf32, #tpu.memory_space<vmem>> -> memref<1x64x128xf32, #tpu.memory_space<vmem>>
    %dma_start3A_75 = tpu.memref_squeeze %dma_start3A_74 : memref<1x64x128xf32, #tpu.memory_space<vmem>> -> memref<64x128xf32, #tpu.memory_space<vmem>>
    %dma_start3A_76 = arith.constant 0 : i32
    %dma_start3A_77 = tpu.memref_slice %arg3[%dma_start3A_76, %multiple_of3A_64] : memref<64x1000001xf32, #tpu.memory_space<hbm>> -> memref<64x128xf32, #tpu.memory_space<hbm>>
    tpu.enqueue_dma source(%dma_start3A_77 : memref<64x128xf32, #tpu.memory_space<hbm>>) target(%dma_start3A_75 : memref<64x128xf32, #tpu.memory_space<vmem>>) target_semaphore(%arg10 : memref<!tpu.dma_semaphore, #tpu.memory_space<semaphore_mem>>)
    %slice3A_78 = vector.extract_strided_slice %get3A_3 {offsets = [3], sizes = [1], strides = [1]} : vector<16xi32> to vector<1xi32>
    %squeeze3A_79 = vector.extract %slice3A_78[0] : i32 from vector<1xi32>
    %ge3A_80 = arith.constant 999936 : i32
    %ge3A_81 = arith.cmpi sge, %squeeze3A_79, %ge3A_80 : i32
    %shift_right_arithmetic3A_82 = arith.constant 7 : i32
    %shift_right_arithmetic3A_83 = arith.shrsi %squeeze3A_79, %shift_right_arithmetic3A_82 : i32
    %jit3A_84 = arith.constant 0 : i32
    %select_n3A_85 = arith.select %ge3A_81, %jit3A_84, %shift_right_arithmetic3A_83 : i32
    %jit3A_86 = arith.constant 0 : i32
    %jit3A_87 = arith.constant 7811 : i32
    %max3A_88 = arith.maxsi %jit3A_86, %select_n3A_85 : i32
    %min3A_89 = arith.minsi %jit3A_87, %max3A_88 : i32
    %mul3A_90 = arith.constant 128 : i32
    %mul3A_91 = arith.muli %min3A_89, %mul3A_90 : i32
    %multiple_of3A_92 = tpu.assume_multiple %mul3A_91, 128 : i32
    %dma_start3A_93 = arith.constant 3 : i32
    %dma_start3A_94 = arith.constant 0 : i32
    %dma_start3A_95 = arith.constant 0 : i32
    %dma_start3A_96 = tpu.memref_slice %arg7[%dma_start3A_93, %dma_start3A_94, %dma_start3A_95] : memref<8x64x128xf32, #tpu.memory_space<vmem>> -> memref<1x64x128xf32, #tpu.memory_space<vmem>>
    %dma_start3A_97 = tpu.memref_squeeze %dma_start3A_96 : memref<1x64x128xf32, #tpu.memory_space<vmem>> -> memref<64x128xf32, #tpu.memory_space<vmem>>
    %dma_start3A_98 = arith.constant 0 : i32
    %dma_start3A_99 = tpu.memref_slice %arg3[%dma_start3A_98, %multiple_of3A_92] : memref<64x1000001xf32, #tpu.memory_space<hbm>> -> memref<64x128xf32, #tpu.memory_space<hbm>>
    %dma_start3A_100 = arith.constant 0 : i32
    %dma_start3A_101 = arith.constant 0 : i32
    %dma_start3A_102 = tpu.memref_slice %arg7[%dma_start3A_93, %dma_start3A_100, %dma_start3A_101] : memref<8x64x128xf32, #tpu.memory_space<vmem>> -> memref<1x64x128xf32, #tpu.memory_space<vmem>>
    %dma_start3A_103 = tpu.memref_squeeze %dma_start3A_102 : memref<1x64x128xf32, #tpu.memory_space<vmem>> -> memref<64x128xf32, #tpu.memory_space<vmem>>
    %dma_start3A_104 = arith.constant 0 : i32
    %dma_start3A_105 = tpu.memref_slice %arg3[%dma_start3A_104, %multiple_of3A_92] : memref<64x1000001xf32, #tpu.memory_space<hbm>> -> memref<64x128xf32, #tpu.memory_space<hbm>>
    tpu.enqueue_dma source(%dma_start3A_105 : memref<64x128xf32, #tpu.memory_space<hbm>>) target(%dma_start3A_103 : memref<64x128xf32, #tpu.memory_space<vmem>>) target_semaphore(%arg10 : memref<!tpu.dma_semaphore, #tpu.memory_space<semaphore_mem>>)
    %slice3A_106 = vector.extract_strided_slice %get3A_3 {offsets = [4], sizes = [1], strides = [1]} : vector<16xi32> to vector<1xi32>
    %squeeze3A_107 = vector.extract %slice3A_106[0] : i32 from vector<1xi32>
    %ge3A_108 = arith.constant 999936 : i32
    %ge3A_109 = arith.cmpi sge, %squeeze3A_107, %ge3A_108 : i32
    %shift_right_arithmetic3A_110 = arith.constant 7 : i32
    %shift_right_arithmetic3A_111 = arith.shrsi %squeeze3A_107, %shift_right_arithmetic3A_110 : i32
    %jit3A_112 = arith.constant 0 : i32
    %select_n3A_113 = arith.select %ge3A_109, %jit3A_112, %shift_right_arithmetic3A_111 : i32
    %jit3A_114 = arith.constant 0 : i32
    %jit3A_115 = arith.constant 7811 : i32
    %max3A_116 = arith.maxsi %jit3A_114, %select_n3A_113 : i32
    %min3A_117 = arith.minsi %jit3A_115, %max3A_116 : i32
    %mul3A_118 = arith.constant 128 : i32
    %mul3A_119 = arith.muli %min3A_117, %mul3A_118 : i32
    %multiple_of3A_120 = tpu.assume_multiple %mul3A_119, 128 : i32
    %dma_start3A_121 = arith.constant 4 : i32
    %dma_start3A_122 = arith.constant 0 : i32
    %dma_start3A_123 = arith.constant 0 : i32
    %dma_start3A_124 = tpu.memref_slice %arg7[%dma_start3A_121, %dma_start3A_122, %dma_start3A_123] : memref<8x64x128xf32, #tpu.memory_space<vmem>> -> memref<1x64x128xf32, #tpu.memory_space<vmem>>
    %dma_start3A_125 = tpu.memref_squeeze %dma_start3A_124 : memref<1x64x128xf32, #tpu.memory_space<vmem>> -> memref<64x128xf32, #tpu.memory_space<vmem>>
    %dma_start3A_126 = arith.constant 0 : i32
    %dma_start3A_127 = tpu.memref_slice %arg3[%dma_start3A_126, %multiple_of3A_120] : memref<64x1000001xf32, #tpu.memory_space<hbm>> -> memref<64x128xf32, #tpu.memory_space<hbm>>
    %dma_start3A_128 = arith.constant 0 : i32
    %dma_start3A_129 = arith.constant 0 : i32
    %dma_start3A_130 = tpu.memref_slice %arg7[%dma_start3A_121, %dma_start3A_128, %dma_start3A_129] : memref<8x64x128xf32, #tpu.memory_space<vmem>> -> memref<1x64x128xf32, #tpu.memory_space<vmem>>
    %dma_start3A_131 = tpu.memref_squeeze %dma_start3A_130 : memref<1x64x128xf32, #tpu.memory_space<vmem>> -> memref<64x128xf32, #tpu.memory_space<vmem>>
    %dma_start3A_132 = arith.constant 0 : i32
    %dma_start3A_133 = tpu.memref_slice %arg3[%dma_start3A_132, %multiple_of3A_120] : memref<64x1000001xf32, #tpu.memory_space<hbm>> -> memref<64x128xf32, #tpu.memory_space<hbm>>
    tpu.enqueue_dma source(%dma_start3A_133 : memref<64x128xf32, #tpu.memory_space<hbm>>) target(%dma_start3A_131 : memref<64x128xf32, #tpu.memory_space<vmem>>) target_semaphore(%arg11 : memref<!tpu.dma_semaphore, #tpu.memory_space<semaphore_mem>>)
    %slice3A_134 = vector.extract_strided_slice %get3A_3 {offsets = [5], sizes = [1], strides = [1]} : vector<16xi32> to vector<1xi32>
    %squeeze3A_135 = vector.extract %slice3A_134[0] : i32 from vector<1xi32>
    %ge3A_136 = arith.constant 999936 : i32
    %ge3A_137 = arith.cmpi sge, %squeeze3A_135, %ge3A_136 : i32
    %shift_right_arithmetic3A_138 = arith.constant 7 : i32
    %shift_right_arithmetic3A_139 = arith.shrsi %squeeze3A_135, %shift_right_arithmetic3A_138 : i32
    %jit3A_140 = arith.constant 0 : i32
    %select_n3A_141 = arith.select %ge3A_137, %jit3A_140, %shift_right_arithmetic3A_139 : i32
    %jit3A_142 = arith.constant 0 : i32
    %jit3A_143 = arith.constant 7811 : i32
    %max3A_144 = arith.maxsi %jit3A_142, %select_n3A_141 : i32
    %min3A_145 = arith.minsi %jit3A_143, %max3A_144 : i32
    %mul3A_146 = arith.constant 128 : i32
    %mul3A_147 = arith.muli %min3A_145, %mul3A_146 : i32
    %multiple_of3A_148 = tpu.assume_multiple %mul3A_147, 128 : i32
    %dma_start3A_149 = arith.constant 5 : i32
    %dma_start3A_150 = arith.constant 0 : i32
    %dma_start3A_151 = arith.constant 0 : i32
    %dma_start3A_152 = tpu.memref_slice %arg7[%dma_start3A_149, %dma_start3A_150, %dma_start3A_151] : memref<8x64x128xf32, #tpu.memory_space<vmem>> -> memref<1x64x128xf32, #tpu.memory_space<vmem>>
    %dma_start3A_153 = tpu.memref_squeeze %dma_start3A_152 : memref<1x64x128xf32, #tpu.memory_space<vmem>> -> memref<64x128xf32, #tpu.memory_space<vmem>>
    %dma_start3A_154 = arith.constant 0 : i32
    %dma_start3A_155 = tpu.memref_slice %arg3[%dma_start3A_154, %multiple_of3A_148] : memref<64x1000001xf32, #tpu.memory_space<hbm>> -> memref<64x128xf32, #tpu.memory_space<hbm>>
    %dma_start3A_156 = arith.constant 0 : i32
    %dma_start3A_157 = arith.constant 0 : i32
    %dma_start3A_158 = tpu.memref_slice %arg7[%dma_start3A_149, %dma_start3A_156, %dma_start3A_157] : memref<8x64x128xf32, #tpu.memory_space<vmem>> -> memref<1x64x128xf32, #tpu.memory_space<vmem>>
    %dma_start3A_159 = tpu.memref_squeeze %dma_start3A_158 : memref<1x64x128xf32, #tpu.memory_space<vmem>> -> memref<64x128xf32, #tpu.memory_space<vmem>>
    %dma_start3A_160 = arith.constant 0 : i32
    %dma_start3A_161 = tpu.memref_slice %arg3[%dma_start3A_160, %multiple_of3A_148] : memref<64x1000001xf32, #tpu.memory_space<hbm>> -> memref<64x128xf32, #tpu.memory_space<hbm>>
    tpu.enqueue_dma source(%dma_start3A_161 : memref<64x128xf32, #tpu.memory_space<hbm>>) target(%dma_start3A_159 : memref<64x128xf32, #tpu.memory_space<vmem>>) target_semaphore(%arg11 : memref<!tpu.dma_semaphore, #tpu.memory_space<semaphore_mem>>)
    %slice3A_162 = vector.extract_strided_slice %get3A_3 {offsets = [6], sizes = [1], strides = [1]} : vector<16xi32> to vector<1xi32>
    %squeeze3A_163 = vector.extract %slice3A_162[0] : i32 from vector<1xi32>
    %ge3A_164 = arith.constant 999936 : i32
    %ge3A_165 = arith.cmpi sge, %squeeze3A_163, %ge3A_164 : i32
    %shift_right_arithmetic3A_166 = arith.constant 7 : i32
    %shift_right_arithmetic3A_167 = arith.shrsi %squeeze3A_163, %shift_right_arithmetic3A_166 : i32
    %jit3A_168 = arith.constant 0 : i32
    %select_n3A_169 = arith.select %ge3A_165, %jit3A_168, %shift_right_arithmetic3A_167 : i32
    %jit3A_170 = arith.constant 0 : i32
    %jit3A_171 = arith.constant 7811 : i32
    %max3A_172 = arith.maxsi %jit3A_170, %select_n3A_169 : i32
    %min3A_173 = arith.minsi %jit3A_171, %max3A_172 : i32
    %mul3A_174 = arith.constant 128 : i32
    %mul3A_175 = arith.muli %min3A_173, %mul3A_174 : i32
    %multiple_of3A_176 = tpu.assume_multiple %mul3A_175, 128 : i32
    %dma_start3A_177 = arith.constant 6 : i32
    %dma_start3A_178 = arith.constant 0 : i32
    %dma_start3A_179 = arith.constant 0 : i32
    %dma_start3A_180 = tpu.memref_slice %arg7[%dma_start3A_177, %dma_start3A_178, %dma_start3A_179] : memref<8x64x128xf32, #tpu.memory_space<vmem>> -> memref<1x64x128xf32, #tpu.memory_space<vmem>>
    %dma_start3A_181 = tpu.memref_squeeze %dma_start3A_180 : memref<1x64x128xf32, #tpu.memory_space<vmem>> -> memref<64x128xf32, #tpu.memory_space<vmem>>
    %dma_start3A_182 = arith.constant 0 : i32
    %dma_start3A_183 = tpu.memref_slice %arg3[%dma_start3A_182, %multiple_of3A_176] : memref<64x1000001xf32, #tpu.memory_space<hbm>> -> memref<64x128xf32, #tpu.memory_space<hbm>>
    %dma_start3A_184 = arith.constant 0 : i32
    %dma_start3A_185 = arith.constant 0 : i32
    %dma_start3A_186 = tpu.memref_slice %arg7[%dma_start3A_177, %dma_start3A_184, %dma_start3A_185] : memref<8x64x128xf32, #tpu.memory_space<vmem>> -> memref<1x64x128xf32, #tpu.memory_space<vmem>>
    %dma_start3A_187 = tpu.memref_squeeze %dma_start3A_186 : memref<1x64x128xf32, #tpu.memory_space<vmem>> -> memref<64x128xf32, #tpu.memory_space<vmem>>
    %dma_start3A_188 = arith.constant 0 : i32
    %dma_start3A_189 = tpu.memref_slice %arg3[%dma_start3A_188, %multiple_of3A_176] : memref<64x1000001xf32, #tpu.memory_space<hbm>> -> memref<64x128xf32, #tpu.memory_space<hbm>>
    tpu.enqueue_dma source(%dma_start3A_189 : memref<64x128xf32, #tpu.memory_space<hbm>>) target(%dma_start3A_187 : memref<64x128xf32, #tpu.memory_space<vmem>>) target_semaphore(%arg11 : memref<!tpu.dma_semaphore, #tpu.memory_space<semaphore_mem>>)
    %slice3A_190 = vector.extract_strided_slice %get3A_3 {offsets = [7], sizes = [1], strides = [1]} : vector<16xi32> to vector<1xi32>
    %squeeze3A_191 = vector.extract %slice3A_190[0] : i32 from vector<1xi32>
    %ge3A_192 = arith.constant 999936 : i32
    %ge3A_193 = arith.cmpi sge, %squeeze3A_191, %ge3A_192 : i32
    %shift_right_arithmetic3A_194 = arith.constant 7 : i32
    %shift_right_arithmetic3A_195 = arith.shrsi %squeeze3A_191, %shift_right_arithmetic3A_194 : i32
    %jit3A_196 = arith.constant 0 : i32
    %select_n3A_197 = arith.select %ge3A_193, %jit3A_196, %shift_right_arithmetic3A_195 : i32
    %jit3A_198 = arith.constant 0 : i32
    %jit3A_199 = arith.constant 7811 : i32
    %max3A_200 = arith.maxsi %jit3A_198, %select_n3A_197 : i32
    %min3A_201 = arith.minsi %jit3A_199, %max3A_200 : i32
    %mul3A_202 = arith.constant 128 : i32
    %mul3A_203 = arith.muli %min3A_201, %mul3A_202 : i32
    %multiple_of3A_204 = tpu.assume_multiple %mul3A_203, 128 : i32
    %dma_start3A_205 = arith.constant 7 : i32
    %dma_start3A_206 = arith.constant 0 : i32
    %dma_start3A_207 = arith.constant 0 : i32
    %dma_start3A_208 = tpu.memref_slice %arg7[%dma_start3A_205, %dma_start3A_206, %dma_start3A_207] : memref<8x64x128xf32, #tpu.memory_space<vmem>> -> memref<1x64x128xf32, #tpu.memory_space<vmem>>
    %dma_start3A_209 = tpu.memref_squeeze %dma_start3A_208 : memref<1x64x128xf32, #tpu.memory_space<vmem>> -> memref<64x128xf32, #tpu.memory_space<vmem>>
    %dma_start3A_210 = arith.constant 0 : i32
    %dma_start3A_211 = tpu.memref_slice %arg3[%dma_start3A_210, %multiple_of3A_204] : memref<64x1000001xf32, #tpu.memory_space<hbm>> -> memref<64x128xf32, #tpu.memory_space<hbm>>
    %dma_start3A_212 = arith.constant 0 : i32
    %dma_start3A_213 = arith.constant 0 : i32
    %dma_start3A_214 = tpu.memref_slice %arg7[%dma_start3A_205, %dma_start3A_212, %dma_start3A_213] : memref<8x64x128xf32, #tpu.memory_space<vmem>> -> memref<1x64x128xf32, #tpu.memory_space<vmem>>
    %dma_start3A_215 = tpu.memref_squeeze %dma_start3A_214 : memref<1x64x128xf32, #tpu.memory_space<vmem>> -> memref<64x128xf32, #tpu.memory_space<vmem>>
    %dma_start3A_216 = arith.constant 0 : i32
    %dma_start3A_217 = tpu.memref_slice %arg3[%dma_start3A_216, %multiple_of3A_204] : memref<64x1000001xf32, #tpu.memory_space<hbm>> -> memref<64x128xf32, #tpu.memory_space<hbm>>
    tpu.enqueue_dma source(%dma_start3A_217 : memref<64x128xf32, #tpu.memory_space<hbm>>) target(%dma_start3A_215 : memref<64x128xf32, #tpu.memory_space<vmem>>) target_semaphore(%arg11 : memref<!tpu.dma_semaphore, #tpu.memory_space<semaphore_mem>>)
    %scan3A = arith.constant 0 : i32
    %scan3A_218 = arith.constant 0 : i32
    %scan3A_219 = arith.constant 32 : i32
    %scan3A_220 = arith.addi %scan3A_218, %scan3A_219 : i32
    %scan3A_221 = arith.constant 1 : i32
    scf.for %scan3A_344 = %scan3A_218 to %scan3A_220 step %scan3A_221  : i32 {
      %mul3A_345 = arith.constant 16 : i32
      %mul3A_346 = arith.muli %scan3A_344, %mul3A_345 : i32
      %get3A_347 = arith.index_cast %mul3A_346 : i32 to index
      %get3A_348 = tpu.vector_load %arg6[%get3A_347] {strides = array<i32>} : memref<528xi32, #tpu.memory_space<vmem>>, vector<16xi32>,
      %mul3A_349 = arith.constant 16 : i32
      %mul3A_350 = arith.muli %scan3A_344, %mul3A_349 : i32
      %add3A_351 = arith.constant 16 : i32
      %add3A_352 = arith.addi %mul3A_350, %add3A_351 : i32
      %get3A_353 = arith.index_cast %add3A_352 : i32 to index
      %get3A_354 = tpu.vector_load %arg6[%get3A_353] {strides = array<i32>} : memref<528xi32, #tpu.memory_space<vmem>>, vector<16xi32>,
      %dma_wait3A_355 = arith.constant 0 : i32
      %dma_wait3A_356 = arith.constant 0 : i32
      %dma_wait3A_357 = arith.constant 0 : i32
      %dma_wait3A_358 = tpu.memref_slice %arg7[%dma_wait3A_355, %dma_wait3A_356, %dma_wait3A_357] : memref<8x64x128xf32, #tpu.memory_space<vmem>> -> memref<1x64x128xf32, #tpu.memory_space<vmem>>
      %dma_wait3A_359 = tpu.memref_squeeze %dma_wait3A_358 : memref<1x64x128xf32, #tpu.memory_space<vmem>> -> memref<64x128xf32, #tpu.memory_space<vmem>>
      %dma_wait3A_360 = arith.constant 0 : i32
      %dma_wait3A_361 = arith.constant 0 : i32
      %dma_wait3A_362 = tpu.memref_slice %arg3[%dma_wait3A_360, %dma_wait3A_361] : memref<64x1000001xf32, #tpu.memory_space<hbm>> -> memref<64x128xf32, #tpu.memory_space<hbm>>
      %dma_wait3A_363 = arith.constant 0 : i32
      %dma_wait3A_364 = arith.constant 0 : i32
      %dma_wait3A_365 = tpu.memref_slice %arg7[%dma_wait3A_355, %dma_wait3A_363, %dma_wait3A_364] : memref<8x64x128xf32, #tpu.memory_space<vmem>> -> memref<1x64x128xf32, #tpu.memory_space<vmem>>
      %dma_wait3A_366 = tpu.memref_squeeze %dma_wait3A_365 : memref<1x64x128xf32, #tpu.memory_space<vmem>> -> memref<64x128xf32, #tpu.memory_space<vmem>>
      %dma_wait3A_367 = arith.constant 0 : i32
      %dma_wait3A_368 = arith.constant 0 : i32
      %dma_wait3A_369 = tpu.memref_slice %arg3[%dma_wait3A_367, %dma_wait3A_368] : memref<64x1000001xf32, #tpu.memory_space<hbm>> -> memref<64x128xf32, #tpu.memory_space<hbm>>
      tpu.wait_dma2 semaphore(%arg10 : memref<!tpu.dma_semaphore, #tpu.memory_space<semaphore_mem>>) src(%dma_wait3A_369 : memref<64x128xf32, #tpu.memory_space<hbm>>) dst(%dma_wait3A_366 : memref<64x128xf32, #tpu.memory_space<vmem>>)
      %dma_wait3A_370 = arith.constant 1 : i32
      %dma_wait3A_371 = arith.constant 0 : i32
      %dma_wait3A_372 = arith.constant 0 : i32
      %dma_wait3A_373 = tpu.memref_slice %arg7[%dma_wait3A_370, %dma_wait3A_371, %dma_wait3A_372] : memref<8x64x128xf32, #tpu.memory_space<vmem>> -> memref<1x64x128xf32, #tpu.memory_space<vmem>>
      %dma_wait3A_374 = tpu.memref_squeeze %dma_wait3A_373 : memref<1x64x128xf32, #tpu.memory_space<vmem>> -> memref<64x128xf32, #tpu.memory_space<vmem>>
      %dma_wait3A_375 = arith.constant 0 : i32
      %dma_wait3A_376 = arith.constant 0 : i32
      %dma_wait3A_377 = tpu.memref_slice %arg3[%dma_wait3A_375, %dma_wait3A_376] : memref<64x1000001xf32, #tpu.memory_space<hbm>> -> memref<64x128xf32, #tpu.memory_space<hbm>>
      %dma_wait3A_378 = arith.constant 0 : i32
      %dma_wait3A_379 = arith.constant 0 : i32
      %dma_wait3A_380 = tpu.memref_slice %arg7[%dma_wait3A_370, %dma_wait3A_378, %dma_wait3A_379] : memref<8x64x128xf32, #tpu.memory_space<vmem>> -> memref<1x64x128xf32, #tpu.memory_space<vmem>>
      %dma_wait3A_381 = tpu.memref_squeeze %dma_wait3A_380 : memref<1x64x128xf32, #tpu.memory_space<vmem>> -> memref<64x128xf32, #tpu.memory_space<vmem>>
      %dma_wait3A_382 = arith.constant 0 : i32
      %dma_wait3A_383 = arith.constant 0 : i32
      %dma_wait3A_384 = tpu.memref_slice %arg3[%dma_wait3A_382, %dma_wait3A_383] : memref<64x1000001xf32, #tpu.memory_space<hbm>> -> memref<64x128xf32, #tpu.memory_space<hbm>>
      tpu.wait_dma2 semaphore(%arg10 : memref<!tpu.dma_semaphore, #tpu.memory_space<semaphore_mem>>) src(%dma_wait3A_384 : memref<64x128xf32, #tpu.memory_space<hbm>>) dst(%dma_wait3A_381 : memref<64x128xf32, #tpu.memory_space<vmem>>)
      %dma_wait3A_385 = arith.constant 2 : i32
      %dma_wait3A_386 = arith.constant 0 : i32
      %dma_wait3A_387 = arith.constant 0 : i32
      %dma_wait3A_388 = tpu.memref_slice %arg7[%dma_wait3A_385, %dma_wait3A_386, %dma_wait3A_387] : memref<8x64x128xf32, #tpu.memory_space<vmem>> -> memref<1x64x128xf32, #tpu.memory_space<vmem>>
      %dma_wait3A_389 = tpu.memref_squeeze %dma_wait3A_388 : memref<1x64x128xf32, #tpu.memory_space<vmem>> -> memref<64x128xf32, #tpu.memory_space<vmem>>
      %dma_wait3A_390 = arith.constant 0 : i32
      %dma_wait3A_391 = arith.constant 0 : i32
      %dma_wait3A_392 = tpu.memref_slice %arg3[%dma_wait3A_390, %dma_wait3A_391] : memref<64x1000001xf32, #tpu.memory_space<hbm>> -> memref<64x128xf32, #tpu.memory_space<hbm>>
      %dma_wait3A_393 = arith.constant 0 : i32
      %dma_wait3A_394 = arith.constant 0 : i32
      %dma_wait3A_395 = tpu.memref_slice %arg7[%dma_wait3A_385, %dma_wait3A_393, %dma_wait3A_394] : memref<8x64x128xf32, #tpu.memory_space<vmem>> -> memref<1x64x128xf32, #tpu.memory_space<vmem>>
      %dma_wait3A_396 = tpu.memref_squeeze %dma_wait3A_395 : memref<1x64x128xf32, #tpu.memory_space<vmem>> -> memref<64x128xf32, #tpu.memory_space<vmem>>
      %dma_wait3A_397 = arith.constant 0 : i32
      %dma_wait3A_398 = arith.constant 0 : i32
      %dma_wait3A_399 = tpu.memref_slice %arg3[%dma_wait3A_397, %dma_wait3A_398] : memref<64x1000001xf32, #tpu.memory_space<hbm>> -> memref<64x128xf32, #tpu.memory_space<hbm>>
      tpu.wait_dma2 semaphore(%arg10 : memref<!tpu.dma_semaphore, #tpu.memory_space<semaphore_mem>>) src(%dma_wait3A_399 : memref<64x128xf32, #tpu.memory_space<hbm>>) dst(%dma_wait3A_396 : memref<64x128xf32, #tpu.memory_space<vmem>>)
      %dma_wait3A_400 = arith.constant 3 : i32
      %dma_wait3A_401 = arith.constant 0 : i32
      %dma_wait3A_402 = arith.constant 0 : i32
      %dma_wait3A_403 = tpu.memref_slice %arg7[%dma_wait3A_400, %dma_wait3A_401, %dma_wait3A_402] : memref<8x64x128xf32, #tpu.memory_space<vmem>> -> memref<1x64x128xf32, #tpu.memory_space<vmem>>
      %dma_wait3A_404 = tpu.memref_squeeze %dma_wait3A_403 : memref<1x64x128xf32, #tpu.memory_space<vmem>> -> memref<64x128xf32, #tpu.memory_space<vmem>>
      %dma_wait3A_405 = arith.constant 0 : i32
      %dma_wait3A_406 = arith.constant 0 : i32
      %dma_wait3A_407 = tpu.memref_slice %arg3[%dma_wait3A_405, %dma_wait3A_406] : memref<64x1000001xf32, #tpu.memory_space<hbm>> -> memref<64x128xf32, #tpu.memory_space<hbm>>
      %dma_wait3A_408 = arith.constant 0 : i32
      %dma_wait3A_409 = arith.constant 0 : i32
      %dma_wait3A_410 = tpu.memref_slice %arg7[%dma_wait3A_400, %dma_wait3A_408, %dma_wait3A_409] : memref<8x64x128xf32, #tpu.memory_space<vmem>> -> memref<1x64x128xf32, #tpu.memory_space<vmem>>
      %dma_wait3A_411 = tpu.memref_squeeze %dma_wait3A_410 : memref<1x64x128xf32, #tpu.memory_space<vmem>> -> memref<64x128xf32, #tpu.memory_space<vmem>>
      %dma_wait3A_412 = arith.constant 0 : i32
      %dma_wait3A_413 = arith.constant 0 : i32
      %dma_wait3A_414 = tpu.memref_slice %arg3[%dma_wait3A_412, %dma_wait3A_413] : memref<64x1000001xf32, #tpu.memory_space<hbm>> -> memref<64x128xf32, #tpu.memory_space<hbm>>
      tpu.wait_dma2 semaphore(%arg10 : memref<!tpu.dma_semaphore, #tpu.memory_space<semaphore_mem>>) src(%dma_wait3A_414 : memref<64x128xf32, #tpu.memory_space<hbm>>) dst(%dma_wait3A_411 : memref<64x128xf32, #tpu.memory_space<vmem>>)
      %slice3A_415 = vector.extract_strided_slice %get3A_348 {offsets = [0], sizes = [1], strides = [1]} : vector<16xi32> to vector<1xi32>
      %squeeze3A_416 = vector.extract %slice3A_415[0] : i32 from vector<1xi32>
      %and3A = arith.constant 127 : i32
      %and3A_417 = arith.andi %squeeze3A_416, %and3A : i32
      %broadcast_in_dim3A = vector.broadcast %and3A_417 : i32 to vector<16xi32>
      %mul3A_418 = arith.constant 16 : i32
      %mul3A_419 = arith.muli %scan3A_344, %mul3A_418 : i32
      %add3A_420 = arith.constant 0 : i32
      %add3A_421 = arith.addi %mul3A_419, %add3A_420 : i32
      %add3A_422 = arith.constant 0 : i32
      %add3A_423 = arith.addi %add3A_421, %add3A_422 : i32
      %mul3A_424 = arith.constant 64 : i32
      %mul3A_425 = arith.muli %add3A_423, %mul3A_424 : i32
      %lt3A = arith.constant 999936 : i32
      %lt3A_426 = arith.cmpi slt, %squeeze3A_416, %lt3A : i32
      %convert_element_type3A = arith.extui %lt3A_426 : i1 to i32
      %cond3A = arith.constant 0 : i32
      %cond3A_427 = arith.cmpi ne, %convert_element_type3A, %cond3A : i32
      scf.if %cond3A_427 {
        %iota3A = tpu.iota {dimensions = array<i32: 0>} : vector<16xi32>
        %add3A_1406 = arith.constant 0 : i32
        %add3A_1407 = vector.broadcast %add3A_1406 : i32 to vector<16xi32>
        %add3A_1408 = arith.addi %iota3A, %add3A_1407 : vector<16xi32>
        %gather3A = arith.constant 0 : i32
        %gather3A_1409 = arith.constant 0 : i32
        %gather3A_1410 = arith.constant 0 : i32
        %gather3A_1411 = tpu.memref_slice %arg7[%gather3A, %gather3A_1409, %gather3A_1410] : memref<8x64x128xf32, #tpu.memory_space<vmem>> -> memref<1x64x128xf32, #tpu.memory_space<vmem>>
        %gather3A_1412 = tpu.memref_squeeze %gather3A_1411 : memref<1x64x128xf32, #tpu.memory_space<vmem>> -> memref<64x128xf32, #tpu.memory_space<vmem>>
        %gather3A_1413 = tpu.vector_load_idx %gather3A_1412[%add3A_1408, %broadcast_in_dim3A] : memref<64x128xf32, #tpu.memory_space<vmem>>[vector<16xi32>, vector<16xi32>], vector<16xf32>,
        %add3A_1414 = arith.constant 0 : i32
        %add3A_1415 = arith.addi %mul3A_425, %add3A_1414 : i32
        %swap3A = arith.index_cast %add3A_1415 : i32 to index
        %swap3A_1416 = tpu.vector_load %arg8[%swap3A] {strides = array<i32>} : memref<32768xf32, #tpu.memory_space<vmem>>, vector<16xf32>,
        tpu.vector_store %arg8[%swap3A], %gather3A_1413 {strides = array<i32>} : memref<32768xf32, #tpu.memory_space<vmem>>, vector<16xf32>,
        %iota3A_1417 = tpu.iota {dimensions = array<i32: 0>} : vector<16xi32>
        %add3A_1418 = arith.constant 16 : i32
        %add3A_1419 = vector.broadcast %add3A_1418 : i32 to vector<16xi32>
        %add3A_1420 = arith.addi %iota3A_1417, %add3A_1419 : vector<16xi32>
        %gather3A_1421 = arith.constant 0 : i32
        %gather3A_1422 = arith.constant 0 : i32
        %gather3A_1423 = arith.constant 0 : i32
        %gather3A_1424 = tpu.memref_slice %arg7[%gather3A_1421, %gather3A_1422, %gather3A_1423] : memref<8x64x128xf32, #tpu.memory_space<vmem>> -> memref<1x64x128xf32, #tpu.memory_space<vmem>>
        %gather3A_1425 = tpu.memref_squeeze %gather3A_1424 : memref<1x64x128xf32, #tpu.memory_space<vmem>> -> memref<64x128xf32, #tpu.memory_space<vmem>>
        %gather3A_1426 = tpu.vector_load_idx %gather3A_1425[%add3A_1420, %broadcast_in_dim3A] : memref<64x128xf32, #tpu.memory_space<vmem>>[vector<16xi32>, vector<16xi32>], vector<16xf32>,
        %add3A_1427 = arith.constant 16 : i32
        %add3A_1428 = arith.addi %mul3A_425, %add3A_1427 : i32
        %swap3A_1429 = arith.index_cast %add3A_1428 : i32 to index
        %swap3A_1430 = tpu.vector_load %arg8[%swap3A_1429] {strides = array<i32>} : memref<32768xf32, #tpu.memory_space<vmem>>, vector<16xf32>,
        tpu.vector_store %arg8[%swap3A_1429], %gather3A_1426 {strides = array<i32>} : memref<32768xf32, #tpu.memory_space<vmem>>, vector<16xf32>,
        %iota3A_1431 = tpu.iota {dimensions = array<i32: 0>} : vector<16xi32>
        %add3A_1432 = arith.constant 32 : i32
        %add3A_1433 = vector.broadcast %add3A_1432 : i32 to vector<16xi32>
        %add3A_1434 = arith.addi %iota3A_1431, %add3A_1433 : vector<16xi32>
        %gather3A_1435 = arith.constant 0 : i32
        %gather3A_1436 = arith.constant 0 : i32
        %gather3A_1437 = arith.constant 0 : i32
        %gather3A_1438 = tpu.memref_slice %arg7[%gather3A_1435, %gather3A_1436, %gather3A_1437] : memref<8x64x128xf32, #tpu.memory_space<vmem>> -> memref<1x64x128xf32, #tpu.memory_space<vmem>>
        %gather3A_1439 = tpu.memref_squeeze %gather3A_1438 : memref<1x64x128xf32, #tpu.memory_space<vmem>> -> memref<64x128xf32, #tpu.memory_space<vmem>>
        %gather3A_1440 = tpu.vector_load_idx %gather3A_1439[%add3A_1434, %broadcast_in_dim3A] : memref<64x128xf32, #tpu.memory_space<vmem>>[vector<16xi32>, vector<16xi32>], vector<16xf32>,
        %add3A_1441 = arith.constant 32 : i32
        %add3A_1442 = arith.addi %mul3A_425, %add3A_1441 : i32
        %swap3A_1443 = arith.index_cast %add3A_1442 : i32 to index
        %swap3A_1444 = tpu.vector_load %arg8[%swap3A_1443] {strides = array<i32>} : memref<32768xf32, #tpu.memory_space<vmem>>, vector<16xf32>,
        tpu.vector_store %arg8[%swap3A_1443], %gather3A_1440 {strides = array<i32>} : memref<32768xf32, #tpu.memory_space<vmem>>, vector<16xf32>,
        %iota3A_1445 = tpu.iota {dimensions = array<i32: 0>} : vector<16xi32>
        %add3A_1446 = arith.constant 48 : i32
        %add3A_1447 = vector.broadcast %add3A_1446 : i32 to vector<16xi32>
        %add3A_1448 = arith.addi %iota3A_1445, %add3A_1447 : vector<16xi32>
        %gather3A_1449 = arith.constant 0 : i32
        %gather3A_1450 = arith.constant 0 : i32
        %gather3A_1451 = arith.constant 0 : i32
        %gather3A_1452 = tpu.memref_slice %arg7[%gather3A_1449, %gather3A_1450, %gather3A_1451] : memref<8x64x128xf32, #tpu.memory_space<vmem>> -> memref<1x64x128xf32, #tpu.memory_space<vmem>>
        %gather3A_1453 = tpu.memref_squeeze %gather3A_1452 : memref<1x64x128xf32, #tpu.memory_space<vmem>> -> memref<64x128xf32, #tpu.memory_space<vmem>>
        %gather3A_1454 = tpu.vector_load_idx %gather3A_1453[%add3A_1448, %broadcast_in_dim3A] : memref<64x128xf32, #tpu.memory_space<vmem>>[vector<16xi32>, vector<16xi32>], vector<16xf32>,
        %add3A_1455 = arith.constant 48 : i32
        %add3A_1456 = arith.addi %mul3A_425, %add3A_1455 : i32
        %swap3A_1457 = arith.index_cast %add3A_1456 : i32 to index
        %swap3A_1458 = tpu.vector_load %arg8[%swap3A_1457] {strides = array<i32>} : memref<32768xf32, #tpu.memory_space<vmem>>, vector<16xf32>,
        tpu.vector_store %arg8[%swap3A_1457], %gather3A_1454 {strides = array<i32>} : memref<32768xf32, #tpu.memory_space<vmem>>, vector<16xf32>,
      } else {
      }
      %ge3A_428 = arith.constant 999936 : i32
      %ge3A_429 = arith.cmpi sge, %squeeze3A_416, %ge3A_428 : i32
      %convert_element_type3A_430 = arith.extui %ge3A_429 : i1 to i32
      %cond3A_431 = arith.constant 0 : i32
      %cond3A_432 = arith.cmpi ne, %convert_element_type3A_430, %cond3A_431 : i32
      scf.if %cond3A_432 {
        %sub3A = arith.constant 999936 : i32
        %sub3A_1406 = arith.subi %squeeze3A_416, %sub3A : i32
        "tpu.region"() ({
          %run_scoped3A = tpu.sem_alloc : memref<!tpu.dma_semaphore, #tpu.memory_space<semaphore_mem>>
          %dma_start3A_1446 = arith.constant 0 : i32
          %dma_start3A_1447 = tpu.memref_slice %arg4[%sub3A_1406, %dma_start3A_1446] : memref<65x64xf32, #tpu.memory_space<hbm>> -> memref<1x64xf32, #tpu.memory_space<hbm>>
          %dma_start3A_1448 = arith.constant 0 : i32
          %dma_start3A_1449 = tpu.memref_slice %arg4[%sub3A_1406, %dma_start3A_1448] : memref<65x64xf32, #tpu.memory_space<hbm>> -> memref<1x64xf32, #tpu.memory_space<hbm>>
          tpu.enqueue_dma source(%dma_start3A_1449 : memref<1x64xf32, #tpu.memory_space<hbm>>) target(%arg9 : memref<1x64xf32, #tpu.memory_space<vmem>>) target_semaphore(%run_scoped3A : memref<!tpu.dma_semaphore, #tpu.memory_space<semaphore_mem>>)
          %dma_wait3A_1450 = arith.constant 0 : i32
          %dma_wait3A_1451 = tpu.memref_slice %arg4[%sub3A_1406, %dma_wait3A_1450] : memref<65x64xf32, #tpu.memory_space<hbm>> -> memref<1x64xf32, #tpu.memory_space<hbm>>
          %dma_wait3A_1452 = arith.constant 0 : i32
          %dma_wait3A_1453 = tpu.memref_slice %arg4[%sub3A_1406, %dma_wait3A_1452] : memref<65x64xf32, #tpu.memory_space<hbm>> -> memref<1x64xf32, #tpu.memory_space<hbm>>
          tpu.wait_dma2 semaphore(%run_scoped3A : memref<!tpu.dma_semaphore, #tpu.memory_space<semaphore_mem>>) src(%dma_wait3A_1453 : memref<1x64xf32, #tpu.memory_space<hbm>>) dst(%arg9 : memref<1x64xf32, #tpu.memory_space<vmem>>)
          tpu.yield
        }) : () -> ()
        %get3A_1407 = arith.constant 0 : i32
        %get3A_1408 = arith.constant 0 : i32
        %get3A_1409 = tpu.memref_slice %arg9[%get3A_1407, %get3A_1408] : memref<1x64xf32, #tpu.memory_space<vmem>> -> memref<1x64xf32, #tpu.memory_space<vmem>>
        %get3A_1410 = tpu.memref_squeeze %get3A_1409 : memref<1x64xf32, #tpu.memory_space<vmem>> -> memref<64xf32, #tpu.memory_space<vmem>>
        %get3A_1411 = arith.constant 0 : index
        %get3A_1412 = tpu.vector_load %get3A_1410[%get3A_1411] {strides = array<i32>} : memref<64xf32, #tpu.memory_space<vmem>>, vector<16xf32>,
        %add3A_1413 = arith.constant 0 : i32
        %add3A_1414 = arith.addi %mul3A_425, %add3A_1413 : i32
        %swap3A = arith.index_cast %add3A_1414 : i32 to index
        %swap3A_1415 = tpu.vector_load %arg8[%swap3A] {strides = array<i32>} : memref<32768xf32, #tpu.memory_space<vmem>>, vector<16xf32>,
        tpu.vector_store %arg8[%swap3A], %get3A_1412 {strides = array<i32>} : memref<32768xf32, #tpu.memory_space<vmem>>, vector<16xf32>,
        %get3A_1416 = arith.constant 0 : i32
        %get3A_1417 = arith.constant 0 : i32
        %get3A_1418 = tpu.memref_slice %arg9[%get3A_1416, %get3A_1417] : memref<1x64xf32, #tpu.memory_space<vmem>> -> memref<1x64xf32, #tpu.memory_space<vmem>>
        %get3A_1419 = tpu.memref_squeeze %get3A_1418 : memref<1x64xf32, #tpu.memory_space<vmem>> -> memref<64xf32, #tpu.memory_space<vmem>>
        %get3A_1420 = arith.constant 16 : index
        %get3A_1421 = tpu.vector_load %get3A_1419[%get3A_1420] {strides = array<i32>} : memref<64xf32, #tpu.memory_space<vmem>>, vector<16xf32>,
        %add3A_1422 = arith.constant 16 : i32
        %add3A_1423 = arith.addi %mul3A_425, %add3A_1422 : i32
        %swap3A_1424 = arith.index_cast %add3A_1423 : i32 to index
        %swap3A_1425 = tpu.vector_load %arg8[%swap3A_1424] {strides = array<i32>} : memref<32768xf32, #tpu.memory_space<vmem>>, vector<16xf32>,
        tpu.vector_store %arg8[%swap3A_1424], %get3A_1421 {strides = array<i32>} : memref<32768xf32, #tpu.memory_space<vmem>>, vector<16xf32>,
        %get3A_1426 = arith.constant 0 : i32
        %get3A_1427 = arith.constant 0 : i32
        %get3A_1428 = tpu.memref_slice %arg9[%get3A_1426, %get3A_1427] : memref<1x64xf32, #tpu.memory_space<vmem>> -> memref<1x64xf32, #tpu.memory_space<vmem>>
        %get3A_1429 = tpu.memref_squeeze %get3A_1428 : memref<1x64xf32, #tpu.memory_space<vmem>> -> memref<64xf32, #tpu.memory_space<vmem>>
        %get3A_1430 = arith.constant 32 : index
        %get3A_1431 = tpu.vector_load %get3A_1429[%get3A_1430] {strides = array<i32>} : memref<64xf32, #tpu.memory_space<vmem>>, vector<16xf32>,
        %add3A_1432 = arith.constant 32 : i32
        %add3A_1433 = arith.addi %mul3A_425, %add3A_1432 : i32
        %swap3A_1434 = arith.index_cast %add3A_1433 : i32 to index
        %swap3A_1435 = tpu.vector_load %arg8[%swap3A_1434] {strides = array<i32>} : memref<32768xf32, #tpu.memory_space<vmem>>, vector<16xf32>,
        tpu.vector_store %arg8[%swap3A_1434], %get3A_1431 {strides = array<i32>} : memref<32768xf32, #tpu.memory_space<vmem>>, vector<16xf32>,
        %get3A_1436 = arith.constant 0 : i32
        %get3A_1437 = arith.constant 0 : i32
        %get3A_1438 = tpu.memref_slice %arg9[%get3A_1436, %get3A_1437] : memref<1x64xf32, #tpu.memory_space<vmem>> -> memref<1x64xf32, #tpu.memory_space<vmem>>
        %get3A_1439 = tpu.memref_squeeze %get3A_1438 : memref<1x64xf32, #tpu.memory_space<vmem>> -> memref<64xf32, #tpu.memory_space<vmem>>
        %get3A_1440 = arith.constant 48 : index
        %get3A_1441 = tpu.vector_load %get3A_1439[%get3A_1440] {strides = array<i32>} : memref<64xf32, #tpu.memory_space<vmem>>, vector<16xf32>,
        %add3A_1442 = arith.constant 48 : i32
        %add3A_1443 = arith.addi %mul3A_425, %add3A_1442 : i32
        %swap3A_1444 = arith.index_cast %add3A_1443 : i32 to index
        %swap3A_1445 = tpu.vector_load %arg8[%swap3A_1444] {strides = array<i32>} : memref<32768xf32, #tpu.memory_space<vmem>>, vector<16xf32>,
        tpu.vector_store %arg8[%swap3A_1444], %get3A_1441 {strides = array<i32>} : memref<32768xf32, #tpu.memory_space<vmem>>, vector<16xf32>,
      } else {
      }
      %slice3A_433 = vector.extract_strided_slice %get3A_348 {offsets = [1], sizes = [1], strides = [1]} : vector<16xi32> to vector<1xi32>
      %squeeze3A_434 = vector.extract %slice3A_433[0] : i32 from vector<1xi32>
      %and3A_435 = arith.constant 127 : i32
      %and3A_436 = arith.andi %squeeze3A_434, %and3A_435 : i32
      %broadcast_in_dim3A_437 = vector.broadcast %and3A_436 : i32 to vector<16xi32>
      %mul3A_438 = arith.constant 16 : i32
      %mul3A_439 = arith.muli %scan3A_344, %mul3A_438 : i32
      %add3A_440 = arith.constant 0 : i32
      %add3A_441 = arith.addi %mul3A_439, %add3A_440 : i32
      %add3A_442 = arith.constant 1 : i32
      %add3A_443 = arith.addi %add3A_441, %add3A_442 : i32
      %mul3A_444 = arith.constant 64 : i32
      %mul3A_445 = arith.muli %add3A_443, %mul3A_444 : i32
      %lt3A_446 = arith.constant 999936 : i32
      %lt3A_447 = arith.cmpi slt, %squeeze3A_434, %lt3A_446 : i32
      %convert_element_type3A_448 = arith.extui %lt3A_447 : i1 to i32
      %cond3A_449 = arith.constant 0 : i32
      %cond3A_450 = arith.cmpi ne, %convert_element_type3A_448, %cond3A_449 : i32
      scf.if %cond3A_450 {
        %iota3A = tpu.iota {dimensions = array<i32: 0>} : vector<16xi32>
        %add3A_1406 = arith.constant 0 : i32
        %add3A_1407 = vector.broadcast %add3A_1406 : i32 to vector<16xi32>
        %add3A_1408 = arith.addi %iota3A, %add3A_1407 : vector<16xi32>
        %gather3A = arith.constant 1 : i32
        %gather3A_1409 = arith.constant 0 : i32
        %gather3A_1410 = arith.constant 0 : i32
        %gather3A_1411 = tpu.memref_slice %arg7[%gather3A, %gather3A_1409, %gather3A_1410] : memref<8x64x128xf32, #tpu.memory_space<vmem>> -> memref<1x64x128xf32, #tpu.memory_space<vmem>>
        %gather3A_1412 = tpu.memref_squeeze %gather3A_1411 : memref<1x64x128xf32, #tpu.memory_space<vmem>> -> memref<64x128xf32, #tpu.memory_space<vmem>>
        %gather3A_1413 = tpu.vector_load_idx %gather3A_1412[%add3A_1408, %broadcast_in_dim3A_437] : memref<64x128xf32, #tpu.memory_space<vmem>>[vector<16xi32>, vector<16xi32>], vector<16xf32>,
        %add3A_1414 = arith.constant 0 : i32
        %add3A_1415 = arith.addi %mul3A_445, %add3A_1414 : i32
        %swap3A = arith.index_cast %add3A_1415 : i32 to index
        %swap3A_1416 = tpu.vector_load %arg8[%swap3A] {strides = array<i32>} : memref<32768xf32, #tpu.memory_space<vmem>>, vector<16xf32>,
        tpu.vector_store %arg8[%swap3A], %gather3A_1413 {strides = array<i32>} : memref<32768xf32, #tpu.memory_space<vmem>>, vector<16xf32>,
        %iota3A_1417 = tpu.iota {dimensions = array<i32: 0>} : vector<16xi32>
        %add3A_1418 = arith.constant 16 : i32
        %add3A_1419 = vector.broadcast %add3A_1418 : i32 to vector<16xi32>
        %add3A_1420 = arith.addi %iota3A_1417, %add3A_1419 : vector<16xi32>
        %gather3A_1421 = arith.constant 1 : i32
        %gather3A_1422 = arith.constant 0 : i32
        %gather3A_1423 = arith.constant 0 : i32
        %gather3A_1424 = tpu.memref_slice %arg7[%gather3A_1421, %gather3A_1422, %gather3A_1423] : memref<8x64x128xf32, #tpu.memory_space<vmem>> -> memref<1x64x128xf32, #tpu.memory_space<vmem>>
        %gather3A_1425 = tpu.memref_squeeze %gather3A_1424 : memref<1x64x128xf32, #tpu.memory_space<vmem>> -> memref<64x128xf32, #tpu.memory_space<vmem>>
        %gather3A_1426 = tpu.vector_load_idx %gather3A_1425[%add3A_1420, %broadcast_in_dim3A_437] : memref<64x128xf32, #tpu.memory_space<vmem>>[vector<16xi32>, vector<16xi32>], vector<16xf32>,
        %add3A_1427 = arith.constant 16 : i32
        %add3A_1428 = arith.addi %mul3A_445, %add3A_1427 : i32
        %swap3A_1429 = arith.index_cast %add3A_1428 : i32 to index
        %swap3A_1430 = tpu.vector_load %arg8[%swap3A_1429] {strides = array<i32>} : memref<32768xf32, #tpu.memory_space<vmem>>, vector<16xf32>,
        tpu.vector_store %arg8[%swap3A_1429], %gather3A_1426 {strides = array<i32>} : memref<32768xf32, #tpu.memory_space<vmem>>, vector<16xf32>,
        %iota3A_1431 = tpu.iota {dimensions = array<i32: 0>} : vector<16xi32>
        %add3A_1432 = arith.constant 32 : i32
        %add3A_1433 = vector.broadcast %add3A_1432 : i32 to vector<16xi32>
        %add3A_1434 = arith.addi %iota3A_1431, %add3A_1433 : vector<16xi32>
        %gather3A_1435 = arith.constant 1 : i32
        %gather3A_1436 = arith.constant 0 : i32
        %gather3A_1437 = arith.constant 0 : i32
        %gather3A_1438 = tpu.memref_slice %arg7[%gather3A_1435, %gather3A_1436, %gather3A_1437] : memref<8x64x128xf32, #tpu.memory_space<vmem>> -> memref<1x64x128xf32, #tpu.memory_space<vmem>>
        %gather3A_1439 = tpu.memref_squeeze %gather3A_1438 : memref<1x64x128xf32, #tpu.memory_space<vmem>> -> memref<64x128xf32, #tpu.memory_space<vmem>>
        %gather3A_1440 = tpu.vector_load_idx %gather3A_1439[%add3A_1434, %broadcast_in_dim3A_437] : memref<64x128xf32, #tpu.memory_space<vmem>>[vector<16xi32>, vector<16xi32>], vector<16xf32>,
        %add3A_1441 = arith.constant 32 : i32
        %add3A_1442 = arith.addi %mul3A_445, %add3A_1441 : i32
        %swap3A_1443 = arith.index_cast %add3A_1442 : i32 to index
        %swap3A_1444 = tpu.vector_load %arg8[%swap3A_1443] {strides = array<i32>} : memref<32768xf32, #tpu.memory_space<vmem>>, vector<16xf32>,
        tpu.vector_store %arg8[%swap3A_1443], %gather3A_1440 {strides = array<i32>} : memref<32768xf32, #tpu.memory_space<vmem>>, vector<16xf32>,
        %iota3A_1445 = tpu.iota {dimensions = array<i32: 0>} : vector<16xi32>
        %add3A_1446 = arith.constant 48 : i32
        %add3A_1447 = vector.broadcast %add3A_1446 : i32 to vector<16xi32>
        %add3A_1448 = arith.addi %iota3A_1445, %add3A_1447 : vector<16xi32>
        %gather3A_1449 = arith.constant 1 : i32
        %gather3A_1450 = arith.constant 0 : i32
        %gather3A_1451 = arith.constant 0 : i32
        %gather3A_1452 = tpu.memref_slice %arg7[%gather3A_1449, %gather3A_1450, %gather3A_1451] : memref<8x64x128xf32, #tpu.memory_space<vmem>> -> memref<1x64x128xf32, #tpu.memory_space<vmem>>
        %gather3A_1453 = tpu.memref_squeeze %gather3A_1452 : memref<1x64x128xf32, #tpu.memory_space<vmem>> -> memref<64x128xf32, #tpu.memory_space<vmem>>
        %gather3A_1454 = tpu.vector_load_idx %gather3A_1453[%add3A_1448, %broadcast_in_dim3A_437] : memref<64x128xf32, #tpu.memory_space<vmem>>[vector<16xi32>, vector<16xi32>], vector<16xf32>,
        %add3A_1455 = arith.constant 48 : i32
        %add3A_1456 = arith.addi %mul3A_445, %add3A_1455 : i32
        %swap3A_1457 = arith.index_cast %add3A_1456 : i32 to index
        %swap3A_1458 = tpu.vector_load %arg8[%swap3A_1457] {strides = array<i32>} : memref<32768xf32, #tpu.memory_space<vmem>>, vector<16xf32>,
        tpu.vector_store %arg8[%swap3A_1457], %gather3A_1454 {strides = array<i32>} : memref<32768xf32, #tpu.memory_space<vmem>>, vector<16xf32>,
      } else {
      }
      %ge3A_451 = arith.constant 999936 : i32
      %ge3A_452 = arith.cmpi sge, %squeeze3A_434, %ge3A_451 : i32
      %convert_element_type3A_453 = arith.extui %ge3A_452 : i1 to i32
      %cond3A_454 = arith.constant 0 : i32
      %cond3A_455 = arith.cmpi ne, %convert_element_type3A_453, %cond3A_454 : i32
      scf.if %cond3A_455 {
        %sub3A = arith.constant 999936 : i32
        %sub3A_1406 = arith.subi %squeeze3A_434, %sub3A : i32
        "tpu.region"() ({
          %run_scoped3A = tpu.sem_alloc : memref<!tpu.dma_semaphore, #tpu.memory_space<semaphore_mem>>
          %dma_start3A_1446 = arith.constant 0 : i32
          %dma_start3A_1447 = tpu.memref_slice %arg4[%sub3A_1406, %dma_start3A_1446] : memref<65x64xf32, #tpu.memory_space<hbm>> -> memref<1x64xf32, #tpu.memory_space<hbm>>
          %dma_start3A_1448 = arith.constant 0 : i32
          %dma_start3A_1449 = tpu.memref_slice %arg4[%sub3A_1406, %dma_start3A_1448] : memref<65x64xf32, #tpu.memory_space<hbm>> -> memref<1x64xf32, #tpu.memory_space<hbm>>
          tpu.enqueue_dma source(%dma_start3A_1449 : memref<1x64xf32, #tpu.memory_space<hbm>>) target(%arg9 : memref<1x64xf32, #tpu.memory_space<vmem>>) target_semaphore(%run_scoped3A : memref<!tpu.dma_semaphore, #tpu.memory_space<semaphore_mem>>)
          %dma_wait3A_1450 = arith.constant 0 : i32
          %dma_wait3A_1451 = tpu.memref_slice %arg4[%sub3A_1406, %dma_wait3A_1450] : memref<65x64xf32, #tpu.memory_space<hbm>> -> memref<1x64xf32, #tpu.memory_space<hbm>>
          %dma_wait3A_1452 = arith.constant 0 : i32
          %dma_wait3A_1453 = tpu.memref_slice %arg4[%sub3A_1406, %dma_wait3A_1452] : memref<65x64xf32, #tpu.memory_space<hbm>> -> memref<1x64xf32, #tpu.memory_space<hbm>>
          tpu.wait_dma2 semaphore(%run_scoped3A : memref<!tpu.dma_semaphore, #tpu.memory_space<semaphore_mem>>) src(%dma_wait3A_1453 : memref<1x64xf32, #tpu.memory_space<hbm>>) dst(%arg9 : memref<1x64xf32, #tpu.memory_space<vmem>>)
          tpu.yield
        }) : () -> ()
        %get3A_1407 = arith.constant 0 : i32
        %get3A_1408 = arith.constant 0 : i32
        %get3A_1409 = tpu.memref_slice %arg9[%get3A_1407, %get3A_1408] : memref<1x64xf32, #tpu.memory_space<vmem>> -> memref<1x64xf32, #tpu.memory_space<vmem>>
        %get3A_1410 = tpu.memref_squeeze %get3A_1409 : memref<1x64xf32, #tpu.memory_space<vmem>> -> memref<64xf32, #tpu.memory_space<vmem>>
        %get3A_1411 = arith.constant 0 : index
        %get3A_1412 = tpu.vector_load %get3A_1410[%get3A_1411] {strides = array<i32>} : memref<64xf32, #tpu.memory_space<vmem>>, vector<16xf32>,
        %add3A_1413 = arith.constant 0 : i32
        %add3A_1414 = arith.addi %mul3A_445, %add3A_1413 : i32
        %swap3A = arith.index_cast %add3A_1414 : i32 to index
        %swap3A_1415 = tpu.vector_load %arg8[%swap3A] {strides = array<i32>} : memref<32768xf32, #tpu.memory_space<vmem>>, vector<16xf32>,
        tpu.vector_store %arg8[%swap3A], %get3A_1412 {strides = array<i32>} : memref<32768xf32, #tpu.memory_space<vmem>>, vector<16xf32>,
        %get3A_1416 = arith.constant 0 : i32
        %get3A_1417 = arith.constant 0 : i32
        %get3A_1418 = tpu.memref_slice %arg9[%get3A_1416, %get3A_1417] : memref<1x64xf32, #tpu.memory_space<vmem>> -> memref<1x64xf32, #tpu.memory_space<vmem>>
        %get3A_1419 = tpu.memref_squeeze %get3A_1418 : memref<1x64xf32, #tpu.memory_space<vmem>> -> memref<64xf32, #tpu.memory_space<vmem>>
        %get3A_1420 = arith.constant 16 : index
        %get3A_1421 = tpu.vector_load %get3A_1419[%get3A_1420] {strides = array<i32>} : memref<64xf32, #tpu.memory_space<vmem>>, vector<16xf32>,
        %add3A_1422 = arith.constant 16 : i32
        %add3A_1423 = arith.addi %mul3A_445, %add3A_1422 : i32
        %swap3A_1424 = arith.index_cast %add3A_1423 : i32 to index
        %swap3A_1425 = tpu.vector_load %arg8[%swap3A_1424] {strides = array<i32>} : memref<32768xf32, #tpu.memory_space<vmem>>, vector<16xf32>,
        tpu.vector_store %arg8[%swap3A_1424], %get3A_1421 {strides = array<i32>} : memref<32768xf32, #tpu.memory_space<vmem>>, vector<16xf32>,
        %get3A_1426 = arith.constant 0 : i32
        %get3A_1427 = arith.constant 0 : i32
        %get3A_1428 = tpu.memref_slice %arg9[%get3A_1426, %get3A_1427] : memref<1x64xf32, #tpu.memory_space<vmem>> -> memref<1x64xf32, #tpu.memory_space<vmem>>
        %get3A_1429 = tpu.memref_squeeze %get3A_1428 : memref<1x64xf32, #tpu.memory_space<vmem>> -> memref<64xf32, #tpu.memory_space<vmem>>
        %get3A_1430 = arith.constant 32 : index
        %get3A_1431 = tpu.vector_load %get3A_1429[%get3A_1430] {strides = array<i32>} : memref<64xf32, #tpu.memory_space<vmem>>, vector<16xf32>,
        %add3A_1432 = arith.constant 32 : i32
        %add3A_1433 = arith.addi %mul3A_445, %add3A_1432 : i32
        %swap3A_1434 = arith.index_cast %add3A_1433 : i32 to index
        %swap3A_1435 = tpu.vector_load %arg8[%swap3A_1434] {strides = array<i32>} : memref<32768xf32, #tpu.memory_space<vmem>>, vector<16xf32>,
        tpu.vector_store %arg8[%swap3A_1434], %get3A_1431 {strides = array<i32>} : memref<32768xf32, #tpu.memory_space<vmem>>, vector<16xf32>,
        %get3A_1436 = arith.constant 0 : i32
        %get3A_1437 = arith.constant 0 : i32
        %get3A_1438 = tpu.memref_slice %arg9[%get3A_1436, %get3A_1437] : memref<1x64xf32, #tpu.memory_space<vmem>> -> memref<1x64xf32, #tpu.memory_space<vmem>>
        %get3A_1439 = tpu.memref_squeeze %get3A_1438 : memref<1x64xf32, #tpu.memory_space<vmem>> -> memref<64xf32, #tpu.memory_space<vmem>>
        %get3A_1440 = arith.constant 48 : index
        %get3A_1441 = tpu.vector_load %get3A_1439[%get3A_1440] {strides = array<i32>} : memref<64xf32, #tpu.memory_space<vmem>>, vector<16xf32>,
        %add3A_1442 = arith.constant 48 : i32
        %add3A_1443 = arith.addi %mul3A_445, %add3A_1442 : i32
        %swap3A_1444 = arith.index_cast %add3A_1443 : i32 to index
        %swap3A_1445 = tpu.vector_load %arg8[%swap3A_1444] {strides = array<i32>} : memref<32768xf32, #tpu.memory_space<vmem>>, vector<16xf32>,
        tpu.vector_store %arg8[%swap3A_1444], %get3A_1441 {strides = array<i32>} : memref<32768xf32, #tpu.memory_space<vmem>>, vector<16xf32>,
      } else {
      }
      %slice3A_456 = vector.extract_strided_slice %get3A_348 {offsets = [2], sizes = [1], strides = [1]} : vector<16xi32> to vector<1xi32>
      %squeeze3A_457 = vector.extract %slice3A_456[0] : i32 from vector<1xi32>
      %and3A_458 = arith.constant 127 : i32
      %and3A_459 = arith.andi %squeeze3A_457, %and3A_458 : i32
      %broadcast_in_dim3A_460 = vector.broadcast %and3A_459 : i32 to vector<16xi32>
      %mul3A_461 = arith.constant 16 : i32
      %mul3A_462 = arith.muli %scan3A_344, %mul3A_461 : i32
      %add3A_463 = arith.constant 0 : i32
      %add3A_464 = arith.addi %mul3A_462, %add3A_463 : i32
      %add3A_465 = arith.constant 2 : i32
      %add3A_466 = arith.addi %add3A_464, %add3A_465 : i32
      %mul3A_467 = arith.constant 64 : i32
      %mul3A_468 = arith.muli %add3A_466, %mul3A_467 : i32
      %lt3A_469 = arith.constant 999936 : i32
      %lt3A_470 = arith.cmpi slt, %squeeze3A_457, %lt3A_469 : i32
      %convert_element_type3A_471 = arith.extui %lt3A_470 : i1 to i32
      %cond3A_472 = arith.constant 0 : i32
      %cond3A_473 = arith.cmpi ne, %convert_element_type3A_471, %cond3A_472 : i32
      scf.if %cond3A_473 {
        %iota3A = tpu.iota {dimensions = array<i32: 0>} : vector<16xi32>
        %add3A_1406 = arith.constant 0 : i32
        %add3A_1407 = vector.broadcast %add3A_1406 : i32 to vector<16xi32>
        %add3A_1408 = arith.addi %iota3A, %add3A_1407 : vector<16xi32>
        %gather3A = arith.constant 2 : i32
        %gather3A_1409 = arith.constant 0 : i32
        %gather3A_1410 = arith.constant 0 : i32
        %gather3A_1411 = tpu.memref_slice %arg7[%gather3A, %gather3A_1409, %gather3A_1410] : memref<8x64x128xf32, #tpu.memory_space<vmem>> -> memref<1x64x128xf32, #tpu.memory_space<vmem>>
        %gather3A_1412 = tpu.memref_squeeze %gather3A_1411 : memref<1x64x128xf32, #tpu.memory_space<vmem>> -> memref<64x128xf32, #tpu.memory_space<vmem>>
        %gather3A_1413 = tpu.vector_load_idx %gather3A_1412[%add3A_1408, %broadcast_in_dim3A_460] : memref<64x128xf32, #tpu.memory_space<vmem>>[vector<16xi32>, vector<16xi32>], vector<16xf32>,
        %add3A_1414 = arith.constant 0 : i32
        %add3A_1415 = arith.addi %mul3A_468, %add3A_1414 : i32
        %swap3A = arith.index_cast %add3A_1415 : i32 to index
        %swap3A_1416 = tpu.vector_load %arg8[%swap3A] {strides = array<i32>} : memref<32768xf32, #tpu.memory_space<vmem>>, vector<16xf32>,
        tpu.vector_store %arg8[%swap3A], %gather3A_1413 {strides = array<i32>} : memref<32768xf32, #tpu.memory_space<vmem>>, vector<16xf32>,
        %iota3A_1417 = tpu.iota {dimensions = array<i32: 0>} : vector<16xi32>
        %add3A_1418 = arith.constant 16 : i32
        %add3A_1419 = vector.broadcast %add3A_1418 : i32 to vector<16xi32>
        %add3A_1420 = arith.addi %iota3A_1417, %add3A_1419 : vector<16xi32>
        %gather3A_1421 = arith.constant 2 : i32
        %gather3A_1422 = arith.constant 0 : i32
        %gather3A_1423 = arith.constant 0 : i32
        %gather3A_1424 = tpu.memref_slice %arg7[%gather3A_1421, %gather3A_1422, %gather3A_1423] : memref<8x64x128xf32, #tpu.memory_space<vmem>> -> memref<1x64x128xf32, #tpu.memory_space<vmem>>
        %gather3A_1425 = tpu.memref_squeeze %gather3A_1424 : memref<1x64x128xf32, #tpu.memory_space<vmem>> -> memref<64x128xf32, #tpu.memory_space<vmem>>
        %gather3A_1426 = tpu.vector_load_idx %gather3A_1425[%add3A_1420, %broadcast_in_dim3A_460] : memref<64x128xf32, #tpu.memory_space<vmem>>[vector<16xi32>, vector<16xi32>], vector<16xf32>,
        %add3A_1427 = arith.constant 16 : i32
        %add3A_1428 = arith.addi %mul3A_468, %add3A_1427 : i32
        %swap3A_1429 = arith.index_cast %add3A_1428 : i32 to index
        %swap3A_1430 = tpu.vector_load %arg8[%swap3A_1429] {strides = array<i32>} : memref<32768xf32, #tpu.memory_space<vmem>>, vector<16xf32>,
        tpu.vector_store %arg8[%swap3A_1429], %gather3A_1426 {strides = array<i32>} : memref<32768xf32, #tpu.memory_space<vmem>>, vector<16xf32>,
        %iota3A_1431 = tpu.iota {dimensions = array<i32: 0>} : vector<16xi32>
        %add3A_1432 = arith.constant 32 : i32
        %add3A_1433 = vector.broadcast %add3A_1432 : i32 to vector<16xi32>
        %add3A_1434 = arith.addi %iota3A_1431, %add3A_1433 : vector<16xi32>
        %gather3A_1435 = arith.constant 2 : i32
        %gather3A_1436 = arith.constant 0 : i32
        %gather3A_1437 = arith.constant 0 : i32
        %gather3A_1438 = tpu.memref_slice %arg7[%gather3A_1435, %gather3A_1436, %gather3A_1437] : memref<8x64x128xf32, #tpu.memory_space<vmem>> -> memref<1x64x128xf32, #tpu.memory_space<vmem>>
        %gather3A_1439 = tpu.memref_squeeze %gather3A_1438 : memref<1x64x128xf32, #tpu.memory_space<vmem>> -> memref<64x128xf32, #tpu.memory_space<vmem>>
        %gather3A_1440 = tpu.vector_load_idx %gather3A_1439[%add3A_1434, %broadcast_in_dim3A_460] : memref<64x128xf32, #tpu.memory_space<vmem>>[vector<16xi32>, vector<16xi32>], vector<16xf32>,
        %add3A_1441 = arith.constant 32 : i32
        %add3A_1442 = arith.addi %mul3A_468, %add3A_1441 : i32
        %swap3A_1443 = arith.index_cast %add3A_1442 : i32 to index
        %swap3A_1444 = tpu.vector_load %arg8[%swap3A_1443] {strides = array<i32>} : memref<32768xf32, #tpu.memory_space<vmem>>, vector<16xf32>,
        tpu.vector_store %arg8[%swap3A_1443], %gather3A_1440 {strides = array<i32>} : memref<32768xf32, #tpu.memory_space<vmem>>, vector<16xf32>,
        %iota3A_1445 = tpu.iota {dimensions = array<i32: 0>} : vector<16xi32>
        %add3A_1446 = arith.constant 48 : i32
        %add3A_1447 = vector.broadcast %add3A_1446 : i32 to vector<16xi32>
        %add3A_1448 = arith.addi %iota3A_1445, %add3A_1447 : vector<16xi32>
        %gather3A_1449 = arith.constant 2 : i32
        %gather3A_1450 = arith.constant 0 : i32
        %gather3A_1451 = arith.constant 0 : i32
        %gather3A_1452 = tpu.memref_slice %arg7[%gather3A_1449, %gather3A_1450, %gather3A_1451] : memref<8x64x128xf32, #tpu.memory_space<vmem>> -> memref<1x64x128xf32, #tpu.memory_space<vmem>>
        %gather3A_1453 = tpu.memref_squeeze %gather3A_1452 : memref<1x64x128xf32, #tpu.memory_space<vmem>> -> memref<64x128xf32, #tpu.memory_space<vmem>>
        %gather3A_1454 = tpu.vector_load_idx %gather3A_1453[%add3A_1448, %broadcast_in_dim3A_460] : memref<64x128xf32, #tpu.memory_space<vmem>>[vector<16xi32>, vector<16xi32>], vector<16xf32>,
        %add3A_1455 = arith.constant 48 : i32
        %add3A_1456 = arith.addi %mul3A_468, %add3A_1455 : i32
        %swap3A_1457 = arith.index_cast %add3A_1456 : i32 to index
        %swap3A_1458 = tpu.vector_load %arg8[%swap3A_1457] {strides = array<i32>} : memref<32768xf32, #tpu.memory_space<vmem>>, vector<16xf32>,
        tpu.vector_store %arg8[%swap3A_1457], %gather3A_1454 {strides = array<i32>} : memref<32768xf32, #tpu.memory_space<vmem>>, vector<16xf32>,
      } else {
      }
      %ge3A_474 = arith.constant 999936 : i32
      %ge3A_475 = arith.cmpi sge, %squeeze3A_457, %ge3A_474 : i32
      %convert_element_type3A_476 = arith.extui %ge3A_475 : i1 to i32
      %cond3A_477 = arith.constant 0 : i32
      %cond3A_478 = arith.cmpi ne, %convert_element_type3A_476, %cond3A_477 : i32
      scf.if %cond3A_478 {
        %sub3A = arith.constant 999936 : i32
        %sub3A_1406 = arith.subi %squeeze3A_457, %sub3A : i32
        "tpu.region"() ({
          %run_scoped3A = tpu.sem_alloc : memref<!tpu.dma_semaphore, #tpu.memory_space<semaphore_mem>>
          %dma_start3A_1446 = arith.constant 0 : i32
          %dma_start3A_1447 = tpu.memref_slice %arg4[%sub3A_1406, %dma_start3A_1446] : memref<65x64xf32, #tpu.memory_space<hbm>> -> memref<1x64xf32, #tpu.memory_space<hbm>>
          %dma_start3A_1448 = arith.constant 0 : i32
          %dma_start3A_1449 = tpu.memref_slice %arg4[%sub3A_1406, %dma_start3A_1448] : memref<65x64xf32, #tpu.memory_space<hbm>> -> memref<1x64xf32, #tpu.memory_space<hbm>>
          tpu.enqueue_dma source(%dma_start3A_1449 : memref<1x64xf32, #tpu.memory_space<hbm>>) target(%arg9 : memref<1x64xf32, #tpu.memory_space<vmem>>) target_semaphore(%run_scoped3A : memref<!tpu.dma_semaphore, #tpu.memory_space<semaphore_mem>>)
          %dma_wait3A_1450 = arith.constant 0 : i32
          %dma_wait3A_1451 = tpu.memref_slice %arg4[%sub3A_1406, %dma_wait3A_1450] : memref<65x64xf32, #tpu.memory_space<hbm>> -> memref<1x64xf32, #tpu.memory_space<hbm>>
          %dma_wait3A_1452 = arith.constant 0 : i32
          %dma_wait3A_1453 = tpu.memref_slice %arg4[%sub3A_1406, %dma_wait3A_1452] : memref<65x64xf32, #tpu.memory_space<hbm>> -> memref<1x64xf32, #tpu.memory_space<hbm>>
          tpu.wait_dma2 semaphore(%run_scoped3A : memref<!tpu.dma_semaphore, #tpu.memory_space<semaphore_mem>>) src(%dma_wait3A_1453 : memref<1x64xf32, #tpu.memory_space<hbm>>) dst(%arg9 : memref<1x64xf32, #tpu.memory_space<vmem>>)
          tpu.yield
        }) : () -> ()
        %get3A_1407 = arith.constant 0 : i32
        %get3A_1408 = arith.constant 0 : i32
        %get3A_1409 = tpu.memref_slice %arg9[%get3A_1407, %get3A_1408] : memref<1x64xf32, #tpu.memory_space<vmem>> -> memref<1x64xf32, #tpu.memory_space<vmem>>
        %get3A_1410 = tpu.memref_squeeze %get3A_1409 : memref<1x64xf32, #tpu.memory_space<vmem>> -> memref<64xf32, #tpu.memory_space<vmem>>
        %get3A_1411 = arith.constant 0 : index
        %get3A_1412 = tpu.vector_load %get3A_1410[%get3A_1411] {strides = array<i32>} : memref<64xf32, #tpu.memory_space<vmem>>, vector<16xf32>,
        %add3A_1413 = arith.constant 0 : i32
        %add3A_1414 = arith.addi %mul3A_468, %add3A_1413 : i32
        %swap3A = arith.index_cast %add3A_1414 : i32 to index
        %swap3A_1415 = tpu.vector_load %arg8[%swap3A] {strides = array<i32>} : memref<32768xf32, #tpu.memory_space<vmem>>, vector<16xf32>,
        tpu.vector_store %arg8[%swap3A], %get3A_1412 {strides = array<i32>} : memref<32768xf32, #tpu.memory_space<vmem>>, vector<16xf32>,
        %get3A_1416 = arith.constant 0 : i32
        %get3A_1417 = arith.constant 0 : i32
        %get3A_1418 = tpu.memref_slice %arg9[%get3A_1416, %get3A_1417] : memref<1x64xf32, #tpu.memory_space<vmem>> -> memref<1x64xf32, #tpu.memory_space<vmem>>
        %get3A_1419 = tpu.memref_squeeze %get3A_1418 : memref<1x64xf32, #tpu.memory_space<vmem>> -> memref<64xf32, #tpu.memory_space<vmem>>
        %get3A_1420 = arith.constant 16 : index
        %get3A_1421 = tpu.vector_load %get3A_1419[%get3A_1420] {strides = array<i32>} : memref<64xf32, #tpu.memory_space<vmem>>, vector<16xf32>,
        %add3A_1422 = arith.constant 16 : i32
        %add3A_1423 = arith.addi %mul3A_468, %add3A_1422 : i32
        %swap3A_1424 = arith.index_cast %add3A_1423 : i32 to index
        %swap3A_1425 = tpu.vector_load %arg8[%swap3A_1424] {strides = array<i32>} : memref<32768xf32, #tpu.memory_space<vmem>>, vector<16xf32>,
        tpu.vector_store %arg8[%swap3A_1424], %get3A_1421 {strides = array<i32>} : memref<32768xf32, #tpu.memory_space<vmem>>, vector<16xf32>,
        %get3A_1426 = arith.constant 0 : i32
        %get3A_1427 = arith.constant 0 : i32
        %get3A_1428 = tpu.memref_slice %arg9[%get3A_1426, %get3A_1427] : memref<1x64xf32, #tpu.memory_space<vmem>> -> memref<1x64xf32, #tpu.memory_space<vmem>>
        %get3A_1429 = tpu.memref_squeeze %get3A_1428 : memref<1x64xf32, #tpu.memory_space<vmem>> -> memref<64xf32, #tpu.memory_space<vmem>>
        %get3A_1430 = arith.constant 32 : index
        %get3A_1431 = tpu.vector_load %get3A_1429[%get3A_1430] {strides = array<i32>} : memref<64xf32, #tpu.memory_space<vmem>>, vector<16xf32>,
        %add3A_1432 = arith.constant 32 : i32
        %add3A_1433 = arith.addi %mul3A_468, %add3A_1432 : i32
        %swap3A_1434 = arith.index_cast %add3A_1433 : i32 to index
        %swap3A_1435 = tpu.vector_load %arg8[%swap3A_1434] {strides = array<i32>} : memref<32768xf32, #tpu.memory_space<vmem>>, vector<16xf32>,
        tpu.vector_store %arg8[%swap3A_1434], %get3A_1431 {strides = array<i32>} : memref<32768xf32, #tpu.memory_space<vmem>>, vector<16xf32>,
        %get3A_1436 = arith.constant 0 : i32
        %get3A_1437 = arith.constant 0 : i32
        %get3A_1438 = tpu.memref_slice %arg9[%get3A_1436, %get3A_1437] : memref<1x64xf32, #tpu.memory_space<vmem>> -> memref<1x64xf32, #tpu.memory_space<vmem>>
        %get3A_1439 = tpu.memref_squeeze %get3A_1438 : memref<1x64xf32, #tpu.memory_space<vmem>> -> memref<64xf32, #tpu.memory_space<vmem>>
        %get3A_1440 = arith.constant 48 : index
        %get3A_1441 = tpu.vector_load %get3A_1439[%get3A_1440] {strides = array<i32>} : memref<64xf32, #tpu.memory_space<vmem>>, vector<16xf32>,
        %add3A_1442 = arith.constant 48 : i32
        %add3A_1443 = arith.addi %mul3A_468, %add3A_1442 : i32
        %swap3A_1444 = arith.index_cast %add3A_1443 : i32 to index
        %swap3A_1445 = tpu.vector_load %arg8[%swap3A_1444] {strides = array<i32>} : memref<32768xf32, #tpu.memory_space<vmem>>, vector<16xf32>,
        tpu.vector_store %arg8[%swap3A_1444], %get3A_1441 {strides = array<i32>} : memref<32768xf32, #tpu.memory_space<vmem>>, vector<16xf32>,
      } else {
      }
      %slice3A_479 = vector.extract_strided_slice %get3A_348 {offsets = [3], sizes = [1], strides = [1]} : vector<16xi32> to vector<1xi32>
      %squeeze3A_480 = vector.extract %slice3A_479[0] : i32 from vector<1xi32>
      %and3A_481 = arith.constant 127 : i32
      %and3A_482 = arith.andi %squeeze3A_480, %and3A_481 : i32
      %broadcast_in_dim3A_483 = vector.broadcast %and3A_482 : i32 to vector<16xi32>
      %mul3A_484 = arith.constant 16 : i32
      %mul3A_485 = arith.muli %scan3A_344, %mul3A_484 : i32
      %add3A_486 = arith.constant 0 : i32
      %add3A_487 = arith.addi %mul3A_485, %add3A_486 : i32
      %add3A_488 = arith.constant 3 : i32
      %add3A_489 = arith.addi %add3A_487, %add3A_488 : i32
      %mul3A_490 = arith.constant 64 : i32
      %mul3A_491 = arith.muli %add3A_489, %mul3A_490 : i32
      %lt3A_492 = arith.constant 999936 : i32
      %lt3A_493 = arith.cmpi slt, %squeeze3A_480, %lt3A_492 : i32
      %convert_element_type3A_494 = arith.extui %lt3A_493 : i1 to i32
      %cond3A_495 = arith.constant 0 : i32
      %cond3A_496 = arith.cmpi ne, %convert_element_type3A_494, %cond3A_495 : i32
      scf.if %cond3A_496 {
        %iota3A = tpu.iota {dimensions = array<i32: 0>} : vector<16xi32>
        %add3A_1406 = arith.constant 0 : i32
        %add3A_1407 = vector.broadcast %add3A_1406 : i32 to vector<16xi32>
        %add3A_1408 = arith.addi %iota3A, %add3A_1407 : vector<16xi32>
        %gather3A = arith.constant 3 : i32
        %gather3A_1409 = arith.constant 0 : i32
        %gather3A_1410 = arith.constant 0 : i32
        %gather3A_1411 = tpu.memref_slice %arg7[%gather3A, %gather3A_1409, %gather3A_1410] : memref<8x64x128xf32, #tpu.memory_space<vmem>> -> memref<1x64x128xf32, #tpu.memory_space<vmem>>
        %gather3A_1412 = tpu.memref_squeeze %gather3A_1411 : memref<1x64x128xf32, #tpu.memory_space<vmem>> -> memref<64x128xf32, #tpu.memory_space<vmem>>
        %gather3A_1413 = tpu.vector_load_idx %gather3A_1412[%add3A_1408, %broadcast_in_dim3A_483] : memref<64x128xf32, #tpu.memory_space<vmem>>[vector<16xi32>, vector<16xi32>], vector<16xf32>,
        %add3A_1414 = arith.constant 0 : i32
        %add3A_1415 = arith.addi %mul3A_491, %add3A_1414 : i32
        %swap3A = arith.index_cast %add3A_1415 : i32 to index
        %swap3A_1416 = tpu.vector_load %arg8[%swap3A] {strides = array<i32>} : memref<32768xf32, #tpu.memory_space<vmem>>, vector<16xf32>,
        tpu.vector_store %arg8[%swap3A], %gather3A_1413 {strides = array<i32>} : memref<32768xf32, #tpu.memory_space<vmem>>, vector<16xf32>,
        %iota3A_1417 = tpu.iota {dimensions = array<i32: 0>} : vector<16xi32>
        %add3A_1418 = arith.constant 16 : i32
        %add3A_1419 = vector.broadcast %add3A_1418 : i32 to vector<16xi32>
        %add3A_1420 = arith.addi %iota3A_1417, %add3A_1419 : vector<16xi32>
        %gather3A_1421 = arith.constant 3 : i32
        %gather3A_1422 = arith.constant 0 : i32
        %gather3A_1423 = arith.constant 0 : i32
        %gather3A_1424 = tpu.memref_slice %arg7[%gather3A_1421, %gather3A_1422, %gather3A_1423] : memref<8x64x128xf32, #tpu.memory_space<vmem>> -> memref<1x64x128xf32, #tpu.memory_space<vmem>>
        %gather3A_1425 = tpu.memref_squeeze %gather3A_1424 : memref<1x64x128xf32, #tpu.memory_space<vmem>> -> memref<64x128xf32, #tpu.memory_space<vmem>>
        %gather3A_1426 = tpu.vector_load_idx %gather3A_1425[%add3A_1420, %broadcast_in_dim3A_483] : memref<64x128xf32, #tpu.memory_space<vmem>>[vector<16xi32>, vector<16xi32>], vector<16xf32>,
        %add3A_1427 = arith.constant 16 : i32
        %add3A_1428 = arith.addi %mul3A_491, %add3A_1427 : i32
        %swap3A_1429 = arith.index_cast %add3A_1428 : i32 to index
        %swap3A_1430 = tpu.vector_load %arg8[%swap3A_1429] {strides = array<i32>} : memref<32768xf32, #tpu.memory_space<vmem>>, vector<16xf32>,
        tpu.vector_store %arg8[%swap3A_1429], %gather3A_1426 {strides = array<i32>} : memref<32768xf32, #tpu.memory_space<vmem>>, vector<16xf32>,
        %iota3A_1431 = tpu.iota {dimensions = array<i32: 0>} : vector<16xi32>
        %add3A_1432 = arith.constant 32 : i32
        %add3A_1433 = vector.broadcast %add3A_1432 : i32 to vector<16xi32>
        %add3A_1434 = arith.addi %iota3A_1431, %add3A_1433 : vector<16xi32>
        %gather3A_1435 = arith.constant 3 : i32
        %gather3A_1436 = arith.constant 0 : i32
        %gather3A_1437 = arith.constant 0 : i32
        %gather3A_1438 = tpu.memref_slice %arg7[%gather3A_1435, %gather3A_1436, %gather3A_1437] : memref<8x64x128xf32, #tpu.memory_space<vmem>> -> memref<1x64x128xf32, #tpu.memory_space<vmem>>
        %gather3A_1439 = tpu.memref_squeeze %gather3A_1438 : memref<1x64x128xf32, #tpu.memory_space<vmem>> -> memref<64x128xf32, #tpu.memory_space<vmem>>
        %gather3A_1440 = tpu.vector_load_idx %gather3A_1439[%add3A_1434, %broadcast_in_dim3A_483] : memref<64x128xf32, #tpu.memory_space<vmem>>[vector<16xi32>, vector<16xi32>], vector<16xf32>,
        %add3A_1441 = arith.constant 32 : i32
        %add3A_1442 = arith.addi %mul3A_491, %add3A_1441 : i32
        %swap3A_1443 = arith.index_cast %add3A_1442 : i32 to index
        %swap3A_1444 = tpu.vector_load %arg8[%swap3A_1443] {strides = array<i32>} : memref<32768xf32, #tpu.memory_space<vmem>>, vector<16xf32>,
        tpu.vector_store %arg8[%swap3A_1443], %gather3A_1440 {strides = array<i32>} : memref<32768xf32, #tpu.memory_space<vmem>>, vector<16xf32>,
        %iota3A_1445 = tpu.iota {dimensions = array<i32: 0>} : vector<16xi32>
        %add3A_1446 = arith.constant 48 : i32
        %add3A_1447 = vector.broadcast %add3A_1446 : i32 to vector<16xi32>
        %add3A_1448 = arith.addi %iota3A_1445, %add3A_1447 : vector<16xi32>
        %gather3A_1449 = arith.constant 3 : i32
        %gather3A_1450 = arith.constant 0 : i32
        %gather3A_1451 = arith.constant 0 : i32
        %gather3A_1452 = tpu.memref_slice %arg7[%gather3A_1449, %gather3A_1450, %gather3A_1451] : memref<8x64x128xf32, #tpu.memory_space<vmem>> -> memref<1x64x128xf32, #tpu.memory_space<vmem>>
        %gather3A_1453 = tpu.memref_squeeze %gather3A_1452 : memref<1x64x128xf32, #tpu.memory_space<vmem>> -> memref<64x128xf32, #tpu.memory_space<vmem>>
        %gather3A_1454 = tpu.vector_load_idx %gather3A_1453[%add3A_1448, %broadcast_in_dim3A_483] : memref<64x128xf32, #tpu.memory_space<vmem>>[vector<16xi32>, vector<16xi32>], vector<16xf32>,
        %add3A_1455 = arith.constant 48 : i32
        %add3A_1456 = arith.addi %mul3A_491, %add3A_1455 : i32
        %swap3A_1457 = arith.index_cast %add3A_1456 : i32 to index
        %swap3A_1458 = tpu.vector_load %arg8[%swap3A_1457] {strides = array<i32>} : memref<32768xf32, #tpu.memory_space<vmem>>, vector<16xf32>,
        tpu.vector_store %arg8[%swap3A_1457], %gather3A_1454 {strides = array<i32>} : memref<32768xf32, #tpu.memory_space<vmem>>, vector<16xf32>,
      } else {
      }
      %ge3A_497 = arith.constant 999936 : i32
      %ge3A_498 = arith.cmpi sge, %squeeze3A_480, %ge3A_497 : i32
      %convert_element_type3A_499 = arith.extui %ge3A_498 : i1 to i32
      %cond3A_500 = arith.constant 0 : i32
      %cond3A_501 = arith.cmpi ne, %convert_element_type3A_499, %cond3A_500 : i32
      scf.if %cond3A_501 {
        %sub3A = arith.constant 999936 : i32
        %sub3A_1406 = arith.subi %squeeze3A_480, %sub3A : i32
        "tpu.region"() ({
          %run_scoped3A = tpu.sem_alloc : memref<!tpu.dma_semaphore, #tpu.memory_space<semaphore_mem>>
          %dma_start3A_1446 = arith.constant 0 : i32
          %dma_start3A_1447 = tpu.memref_slice %arg4[%sub3A_1406, %dma_start3A_1446] : memref<65x64xf32, #tpu.memory_space<hbm>> -> memref<1x64xf32, #tpu.memory_space<hbm>>
          %dma_start3A_1448 = arith.constant 0 : i32
          %dma_start3A_1449 = tpu.memref_slice %arg4[%sub3A_1406, %dma_start3A_1448] : memref<65x64xf32, #tpu.memory_space<hbm>> -> memref<1x64xf32, #tpu.memory_space<hbm>>
          tpu.enqueue_dma source(%dma_start3A_1449 : memref<1x64xf32, #tpu.memory_space<hbm>>) target(%arg9 : memref<1x64xf32, #tpu.memory_space<vmem>>) target_semaphore(%run_scoped3A : memref<!tpu.dma_semaphore, #tpu.memory_space<semaphore_mem>>)
          %dma_wait3A_1450 = arith.constant 0 : i32
          %dma_wait3A_1451 = tpu.memref_slice %arg4[%sub3A_1406, %dma_wait3A_1450] : memref<65x64xf32, #tpu.memory_space<hbm>> -> memref<1x64xf32, #tpu.memory_space<hbm>>
          %dma_wait3A_1452 = arith.constant 0 : i32
          %dma_wait3A_1453 = tpu.memref_slice %arg4[%sub3A_1406, %dma_wait3A_1452] : memref<65x64xf32, #tpu.memory_space<hbm>> -> memref<1x64xf32, #tpu.memory_space<hbm>>
          tpu.wait_dma2 semaphore(%run_scoped3A : memref<!tpu.dma_semaphore, #tpu.memory_space<semaphore_mem>>) src(%dma_wait3A_1453 : memref<1x64xf32, #tpu.memory_space<hbm>>) dst(%arg9 : memref<1x64xf32, #tpu.memory_space<vmem>>)
          tpu.yield
        }) : () -> ()
        %get3A_1407 = arith.constant 0 : i32
        %get3A_1408 = arith.constant 0 : i32
        %get3A_1409 = tpu.memref_slice %arg9[%get3A_1407, %get3A_1408] : memref<1x64xf32, #tpu.memory_space<vmem>> -> memref<1x64xf32, #tpu.memory_space<vmem>>
        %get3A_1410 = tpu.memref_squeeze %get3A_1409 : memref<1x64xf32, #tpu.memory_space<vmem>> -> memref<64xf32, #tpu.memory_space<vmem>>
        %get3A_1411 = arith.constant 0 : index
        %get3A_1412 = tpu.vector_load %get3A_1410[%get3A_1411] {strides = array<i32>} : memref<64xf32, #tpu.memory_space<vmem>>, vector<16xf32>,
        %add3A_1413 = arith.constant 0 : i32
        %add3A_1414 = arith.addi %mul3A_491, %add3A_1413 : i32
        %swap3A = arith.index_cast %add3A_1414 : i32 to index
        %swap3A_1415 = tpu.vector_load %arg8[%swap3A] {strides = array<i32>} : memref<32768xf32, #tpu.memory_space<vmem>>, vector<16xf32>,
        tpu.vector_store %arg8[%swap3A], %get3A_1412 {strides = array<i32>} : memref<32768xf32, #tpu.memory_space<vmem>>, vector<16xf32>,
        %get3A_1416 = arith.constant 0 : i32
        %get3A_1417 = arith.constant 0 : i32
        %get3A_1418 = tpu.memref_slice %arg9[%get3A_1416, %get3A_1417] : memref<1x64xf32, #tpu.memory_space<vmem>> -> memref<1x64xf32, #tpu.memory_space<vmem>>
        %get3A_1419 = tpu.memref_squeeze %get3A_1418 : memref<1x64xf32, #tpu.memory_space<vmem>> -> memref<64xf32, #tpu.memory_space<vmem>>
        %get3A_1420 = arith.constant 16 : index
        %get3A_1421 = tpu.vector_load %get3A_1419[%get3A_1420] {strides = array<i32>} : memref<64xf32, #tpu.memory_space<vmem>>, vector<16xf32>,
        %add3A_1422 = arith.constant 16 : i32
        %add3A_1423 = arith.addi %mul3A_491, %add3A_1422 : i32
        %swap3A_1424 = arith.index_cast %add3A_1423 : i32 to index
        %swap3A_1425 = tpu.vector_load %arg8[%swap3A_1424] {strides = array<i32>} : memref<32768xf32, #tpu.memory_space<vmem>>, vector<16xf32>,
        tpu.vector_store %arg8[%swap3A_1424], %get3A_1421 {strides = array<i32>} : memref<32768xf32, #tpu.memory_space<vmem>>, vector<16xf32>,
        %get3A_1426 = arith.constant 0 : i32
        %get3A_1427 = arith.constant 0 : i32
        %get3A_1428 = tpu.memref_slice %arg9[%get3A_1426, %get3A_1427] : memref<1x64xf32, #tpu.memory_space<vmem>> -> memref<1x64xf32, #tpu.memory_space<vmem>>
        %get3A_1429 = tpu.memref_squeeze %get3A_1428 : memref<1x64xf32, #tpu.memory_space<vmem>> -> memref<64xf32, #tpu.memory_space<vmem>>
        %get3A_1430 = arith.constant 32 : index
        %get3A_1431 = tpu.vector_load %get3A_1429[%get3A_1430] {strides = array<i32>} : memref<64xf32, #tpu.memory_space<vmem>>, vector<16xf32>,
        %add3A_1432 = arith.constant 32 : i32
        %add3A_1433 = arith.addi %mul3A_491, %add3A_1432 : i32
        %swap3A_1434 = arith.index_cast %add3A_1433 : i32 to index
        %swap3A_1435 = tpu.vector_load %arg8[%swap3A_1434] {strides = array<i32>} : memref<32768xf32, #tpu.memory_space<vmem>>, vector<16xf32>,
        tpu.vector_store %arg8[%swap3A_1434], %get3A_1431 {strides = array<i32>} : memref<32768xf32, #tpu.memory_space<vmem>>, vector<16xf32>,
        %get3A_1436 = arith.constant 0 : i32
        %get3A_1437 = arith.constant 0 : i32
        %get3A_1438 = tpu.memref_slice %arg9[%get3A_1436, %get3A_1437] : memref<1x64xf32, #tpu.memory_space<vmem>> -> memref<1x64xf32, #tpu.memory_space<vmem>>
        %get3A_1439 = tpu.memref_squeeze %get3A_1438 : memref<1x64xf32, #tpu.memory_space<vmem>> -> memref<64xf32, #tpu.memory_space<vmem>>
        %get3A_1440 = arith.constant 48 : index
        %get3A_1441 = tpu.vector_load %get3A_1439[%get3A_1440] {strides = array<i32>} : memref<64xf32, #tpu.memory_space<vmem>>, vector<16xf32>,
        %add3A_1442 = arith.constant 48 : i32
        %add3A_1443 = arith.addi %mul3A_491, %add3A_1442 : i32
        %swap3A_1444 = arith.index_cast %add3A_1443 : i32 to index
        %swap3A_1445 = tpu.vector_load %arg8[%swap3A_1444] {strides = array<i32>} : memref<32768xf32, #tpu.memory_space<vmem>>, vector<16xf32>,
        tpu.vector_store %arg8[%swap3A_1444], %get3A_1441 {strides = array<i32>} : memref<32768xf32, #tpu.memory_space<vmem>>, vector<16xf32>,
      } else {
      }
      %slice3A_502 = vector.extract_strided_slice %get3A_348 {offsets = [8], sizes = [1], strides = [1]} : vector<16xi32> to vector<1xi32>
      %squeeze3A_503 = vector.extract %slice3A_502[0] : i32 from vector<1xi32>
      %ge3A_504 = arith.constant 999936 : i32
      %ge3A_505 = arith.cmpi sge, %squeeze3A_503, %ge3A_504 : i32
      %shift_right_arithmetic3A_506 = arith.constant 7 : i32
      %shift_right_arithmetic3A_507 = arith.shrsi %squeeze3A_503, %shift_right_arithmetic3A_506 : i32
      %jit3A_508 = arith.constant 0 : i32
      %select_n3A_509 = arith.select %ge3A_505, %jit3A_508, %shift_right_arithmetic3A_507 : i32
      %jit3A_510 = arith.constant 0 : i32
      %jit3A_511 = arith.constant 7811 : i32
      %max3A_512 = arith.maxsi %jit3A_510, %select_n3A_509 : i32
      %min3A_513 = arith.minsi %jit3A_511, %max3A_512 : i32
      %mul3A_514 = arith.constant 128 : i32
      %mul3A_515 = arith.muli %min3A_513, %mul3A_514 : i32
      %multiple_of3A_516 = tpu.assume_multiple %mul3A_515, 128 : i32
      %dma_start3A_517 = arith.constant 0 : i32
      %dma_start3A_518 = arith.constant 0 : i32
      %dma_start3A_519 = arith.constant 0 : i32
      %dma_start3A_520 = tpu.memref_slice %arg7[%dma_start3A_517, %dma_start3A_518, %dma_start3A_519] : memref<8x64x128xf32, #tpu.memory_space<vmem>> -> memref<1x64x128xf32, #tpu.memory_space<vmem>>
      %dma_start3A_521 = tpu.memref_squeeze %dma_start3A_520 : memref<1x64x128xf32, #tpu.memory_space<vmem>> -> memref<64x128xf32, #tpu.memory_space<vmem>>
      %dma_start3A_522 = arith.constant 0 : i32
      %dma_start3A_523 = tpu.memref_slice %arg3[%dma_start3A_522, %multiple_of3A_516] : memref<64x1000001xf32, #tpu.memory_space<hbm>> -> memref<64x128xf32, #tpu.memory_space<hbm>>
      %dma_start3A_524 = arith.constant 0 : i32
      %dma_start3A_525 = arith.constant 0 : i32
      %dma_start3A_526 = tpu.memref_slice %arg7[%dma_start3A_517, %dma_start3A_524, %dma_start3A_525] : memref<8x64x128xf32, #tpu.memory_space<vmem>> -> memref<1x64x128xf32, #tpu.memory_space<vmem>>
      %dma_start3A_527 = tpu.memref_squeeze %dma_start3A_526 : memref<1x64x128xf32, #tpu.memory_space<vmem>> -> memref<64x128xf32, #tpu.memory_space<vmem>>
      %dma_start3A_528 = arith.constant 0 : i32
      %dma_start3A_529 = tpu.memref_slice %arg3[%dma_start3A_528, %multiple_of3A_516] : memref<64x1000001xf32, #tpu.memory_space<hbm>> -> memref<64x128xf32, #tpu.memory_space<hbm>>
      tpu.enqueue_dma source(%dma_start3A_529 : memref<64x128xf32, #tpu.memory_space<hbm>>) target(%dma_start3A_527 : memref<64x128xf32, #tpu.memory_space<vmem>>) target_semaphore(%arg10 : memref<!tpu.dma_semaphore, #tpu.memory_space<semaphore_mem>>)
      %slice3A_530 = vector.extract_strided_slice %get3A_348 {offsets = [9], sizes = [1], strides = [1]} : vector<16xi32> to vector<1xi32>
      %squeeze3A_531 = vector.extract %slice3A_530[0] : i32 from vector<1xi32>
      %ge3A_532 = arith.constant 999936 : i32
      %ge3A_533 = arith.cmpi sge, %squeeze3A_531, %ge3A_532 : i32
      %shift_right_arithmetic3A_534 = arith.constant 7 : i32
      %shift_right_arithmetic3A_535 = arith.shrsi %squeeze3A_531, %shift_right_arithmetic3A_534 : i32
      %jit3A_536 = arith.constant 0 : i32
      %select_n3A_537 = arith.select %ge3A_533, %jit3A_536, %shift_right_arithmetic3A_535 : i32
      %jit3A_538 = arith.constant 0 : i32
      %jit3A_539 = arith.constant 7811 : i32
      %max3A_540 = arith.maxsi %jit3A_538, %select_n3A_537 : i32
      %min3A_541 = arith.minsi %jit3A_539, %max3A_540 : i32
      %mul3A_542 = arith.constant 128 : i32
      %mul3A_543 = arith.muli %min3A_541, %mul3A_542 : i32
      %multiple_of3A_544 = tpu.assume_multiple %mul3A_543, 128 : i32
      %dma_start3A_545 = arith.constant 1 : i32
      %dma_start3A_546 = arith.constant 0 : i32
      %dma_start3A_547 = arith.constant 0 : i32
      %dma_start3A_548 = tpu.memref_slice %arg7[%dma_start3A_545, %dma_start3A_546, %dma_start3A_547] : memref<8x64x128xf32, #tpu.memory_space<vmem>> -> memref<1x64x128xf32, #tpu.memory_space<vmem>>
      %dma_start3A_549 = tpu.memref_squeeze %dma_start3A_548 : memref<1x64x128xf32, #tpu.memory_space<vmem>> -> memref<64x128xf32, #tpu.memory_space<vmem>>
      %dma_start3A_550 = arith.constant 0 : i32
      %dma_start3A_551 = tpu.memref_slice %arg3[%dma_start3A_550, %multiple_of3A_544] : memref<64x1000001xf32, #tpu.memory_space<hbm>> -> memref<64x128xf32, #tpu.memory_space<hbm>>
      %dma_start3A_552 = arith.constant 0 : i32
      %dma_start3A_553 = arith.constant 0 : i32
      %dma_start3A_554 = tpu.memref_slice %arg7[%dma_start3A_545, %dma_start3A_552, %dma_start3A_553] : memref<8x64x128xf32, #tpu.memory_space<vmem>> -> memref<1x64x128xf32, #tpu.memory_space<vmem>>
      %dma_start3A_555 = tpu.memref_squeeze %dma_start3A_554 : memref<1x64x128xf32, #tpu.memory_space<vmem>> -> memref<64x128xf32, #tpu.memory_space<vmem>>
      %dma_start3A_556 = arith.constant 0 : i32
      %dma_start3A_557 = tpu.memref_slice %arg3[%dma_start3A_556, %multiple_of3A_544] : memref<64x1000001xf32, #tpu.memory_space<hbm>> -> memref<64x128xf32, #tpu.memory_space<hbm>>
      tpu.enqueue_dma source(%dma_start3A_557 : memref<64x128xf32, #tpu.memory_space<hbm>>) target(%dma_start3A_555 : memref<64x128xf32, #tpu.memory_space<vmem>>) target_semaphore(%arg10 : memref<!tpu.dma_semaphore, #tpu.memory_space<semaphore_mem>>)
      %slice3A_558 = vector.extract_strided_slice %get3A_348 {offsets = [10], sizes = [1], strides = [1]} : vector<16xi32> to vector<1xi32>
      %squeeze3A_559 = vector.extract %slice3A_558[0] : i32 from vector<1xi32>
      %ge3A_560 = arith.constant 999936 : i32
      %ge3A_561 = arith.cmpi sge, %squeeze3A_559, %ge3A_560 : i32
      %shift_right_arithmetic3A_562 = arith.constant 7 : i32
      %shift_right_arithmetic3A_563 = arith.shrsi %squeeze3A_559, %shift_right_arithmetic3A_562 : i32
      %jit3A_564 = arith.constant 0 : i32
      %select_n3A_565 = arith.select %ge3A_561, %jit3A_564, %shift_right_arithmetic3A_563 : i32
      %jit3A_566 = arith.constant 0 : i32
      %jit3A_567 = arith.constant 7811 : i32
      %max3A_568 = arith.maxsi %jit3A_566, %select_n3A_565 : i32
      %min3A_569 = arith.minsi %jit3A_567, %max3A_568 : i32
      %mul3A_570 = arith.constant 128 : i32
      %mul3A_571 = arith.muli %min3A_569, %mul3A_570 : i32
      %multiple_of3A_572 = tpu.assume_multiple %mul3A_571, 128 : i32
      %dma_start3A_573 = arith.constant 2 : i32
      %dma_start3A_574 = arith.constant 0 : i32
      %dma_start3A_575 = arith.constant 0 : i32
      %dma_start3A_576 = tpu.memref_slice %arg7[%dma_start3A_573, %dma_start3A_574, %dma_start3A_575] : memref<8x64x128xf32, #tpu.memory_space<vmem>> -> memref<1x64x128xf32, #tpu.memory_space<vmem>>
      %dma_start3A_577 = tpu.memref_squeeze %dma_start3A_576 : memref<1x64x128xf32, #tpu.memory_space<vmem>> -> memref<64x128xf32, #tpu.memory_space<vmem>>
      %dma_start3A_578 = arith.constant 0 : i32
      %dma_start3A_579 = tpu.memref_slice %arg3[%dma_start3A_578, %multiple_of3A_572] : memref<64x1000001xf32, #tpu.memory_space<hbm>> -> memref<64x128xf32, #tpu.memory_space<hbm>>
      %dma_start3A_580 = arith.constant 0 : i32
      %dma_start3A_581 = arith.constant 0 : i32
      %dma_start3A_582 = tpu.memref_slice %arg7[%dma_start3A_573, %dma_start3A_580, %dma_start3A_581] : memref<8x64x128xf32, #tpu.memory_space<vmem>> -> memref<1x64x128xf32, #tpu.memory_space<vmem>>
      %dma_start3A_583 = tpu.memref_squeeze %dma_start3A_582 : memref<1x64x128xf32, #tpu.memory_space<vmem>> -> memref<64x128xf32, #tpu.memory_space<vmem>>
      %dma_start3A_584 = arith.constant 0 : i32
      %dma_start3A_585 = tpu.memref_slice %arg3[%dma_start3A_584, %multiple_of3A_572] : memref<64x1000001xf32, #tpu.memory_space<hbm>> -> memref<64x128xf32, #tpu.memory_space<hbm>>
      tpu.enqueue_dma source(%dma_start3A_585 : memref<64x128xf32, #tpu.memory_space<hbm>>) target(%dma_start3A_583 : memref<64x128xf32, #tpu.memory_space<vmem>>) target_semaphore(%arg10 : memref<!tpu.dma_semaphore, #tpu.memory_space<semaphore_mem>>)
      %slice3A_586 = vector.extract_strided_slice %get3A_348 {offsets = [11], sizes = [1], strides = [1]} : vector<16xi32> to vector<1xi32>
      %squeeze3A_587 = vector.extract %slice3A_586[0] : i32 from vector<1xi32>
      %ge3A_588 = arith.constant 999936 : i32
      %ge3A_589 = arith.cmpi sge, %squeeze3A_587, %ge3A_588 : i32
      %shift_right_arithmetic3A_590 = arith.constant 7 : i32
      %shift_right_arithmetic3A_591 = arith.shrsi %squeeze3A_587, %shift_right_arithmetic3A_590 : i32
      %jit3A_592 = arith.constant 0 : i32
      %select_n3A_593 = arith.select %ge3A_589, %jit3A_592, %shift_right_arithmetic3A_591 : i32
      %jit3A_594 = arith.constant 0 : i32
      %jit3A_595 = arith.constant 7811 : i32
      %max3A_596 = arith.maxsi %jit3A_594, %select_n3A_593 : i32
      %min3A_597 = arith.minsi %jit3A_595, %max3A_596 : i32
      %mul3A_598 = arith.constant 128 : i32
      %mul3A_599 = arith.muli %min3A_597, %mul3A_598 : i32
      %multiple_of3A_600 = tpu.assume_multiple %mul3A_599, 128 : i32
      %dma_start3A_601 = arith.constant 3 : i32
      %dma_start3A_602 = arith.constant 0 : i32
      %dma_start3A_603 = arith.constant 0 : i32
      %dma_start3A_604 = tpu.memref_slice %arg7[%dma_start3A_601, %dma_start3A_602, %dma_start3A_603] : memref<8x64x128xf32, #tpu.memory_space<vmem>> -> memref<1x64x128xf32, #tpu.memory_space<vmem>>
      %dma_start3A_605 = tpu.memref_squeeze %dma_start3A_604 : memref<1x64x128xf32, #tpu.memory_space<vmem>> -> memref<64x128xf32, #tpu.memory_space<vmem>>
      %dma_start3A_606 = arith.constant 0 : i32
      %dma_start3A_607 = tpu.memref_slice %arg3[%dma_start3A_606, %multiple_of3A_600] : memref<64x1000001xf32, #tpu.memory_space<hbm>> -> memref<64x128xf32, #tpu.memory_space<hbm>>
      %dma_start3A_608 = arith.constant 0 : i32
      %dma_start3A_609 = arith.constant 0 : i32
      %dma_start3A_610 = tpu.memref_slice %arg7[%dma_start3A_601, %dma_start3A_608, %dma_start3A_609] : memref<8x64x128xf32, #tpu.memory_space<vmem>> -> memref<1x64x128xf32, #tpu.memory_space<vmem>>
      %dma_start3A_611 = tpu.memref_squeeze %dma_start3A_610 : memref<1x64x128xf32, #tpu.memory_space<vmem>> -> memref<64x128xf32, #tpu.memory_space<vmem>>
      %dma_start3A_612 = arith.constant 0 : i32
      %dma_start3A_613 = tpu.memref_slice %arg3[%dma_start3A_612, %multiple_of3A_600] : memref<64x1000001xf32, #tpu.memory_space<hbm>> -> memref<64x128xf32, #tpu.memory_space<hbm>>
      tpu.enqueue_dma source(%dma_start3A_613 : memref<64x128xf32, #tpu.memory_space<hbm>>) target(%dma_start3A_611 : memref<64x128xf32, #tpu.memory_space<vmem>>) target_semaphore(%arg10 : memref<!tpu.dma_semaphore, #tpu.memory_space<semaphore_mem>>)
      %dma_wait3A_614 = arith.constant 4 : i32
      %dma_wait3A_615 = arith.constant 0 : i32
      %dma_wait3A_616 = arith.constant 0 : i32
      %dma_wait3A_617 = tpu.memref_slice %arg7[%dma_wait3A_614, %dma_wait3A_615, %dma_wait3A_616] : memref<8x64x128xf32, #tpu.memory_space<vmem>> -> memref<1x64x128xf32, #tpu.memory_space<vmem>>
      %dma_wait3A_618 = tpu.memref_squeeze %dma_wait3A_617 : memref<1x64x128xf32, #tpu.memory_space<vmem>> -> memref<64x128xf32, #tpu.memory_space<vmem>>
      %dma_wait3A_619 = arith.constant 0 : i32
      %dma_wait3A_620 = arith.constant 0 : i32
      %dma_wait3A_621 = tpu.memref_slice %arg3[%dma_wait3A_619, %dma_wait3A_620] : memref<64x1000001xf32, #tpu.memory_space<hbm>> -> memref<64x128xf32, #tpu.memory_space<hbm>>
      %dma_wait3A_622 = arith.constant 0 : i32
      %dma_wait3A_623 = arith.constant 0 : i32
      %dma_wait3A_624 = tpu.memref_slice %arg7[%dma_wait3A_614, %dma_wait3A_622, %dma_wait3A_623] : memref<8x64x128xf32, #tpu.memory_space<vmem>> -> memref<1x64x128xf32, #tpu.memory_space<vmem>>
      %dma_wait3A_625 = tpu.memref_squeeze %dma_wait3A_624 : memref<1x64x128xf32, #tpu.memory_space<vmem>> -> memref<64x128xf32, #tpu.memory_space<vmem>>
      %dma_wait3A_626 = arith.constant 0 : i32
      %dma_wait3A_627 = arith.constant 0 : i32
      %dma_wait3A_628 = tpu.memref_slice %arg3[%dma_wait3A_626, %dma_wait3A_627] : memref<64x1000001xf32, #tpu.memory_space<hbm>> -> memref<64x128xf32, #tpu.memory_space<hbm>>
      tpu.wait_dma2 semaphore(%arg11 : memref<!tpu.dma_semaphore, #tpu.memory_space<semaphore_mem>>) src(%dma_wait3A_628 : memref<64x128xf32, #tpu.memory_space<hbm>>) dst(%dma_wait3A_625 : memref<64x128xf32, #tpu.memory_space<vmem>>)
      %dma_wait3A_629 = arith.constant 5 : i32
      %dma_wait3A_630 = arith.constant 0 : i32
      %dma_wait3A_631 = arith.constant 0 : i32
      %dma_wait3A_632 = tpu.memref_slice %arg7[%dma_wait3A_629, %dma_wait3A_630, %dma_wait3A_631] : memref<8x64x128xf32, #tpu.memory_space<vmem>> -> memref<1x64x128xf32, #tpu.memory_space<vmem>>
      %dma_wait3A_633 = tpu.memref_squeeze %dma_wait3A_632 : memref<1x64x128xf32, #tpu.memory_space<vmem>> -> memref<64x128xf32, #tpu.memory_space<vmem>>
      %dma_wait3A_634 = arith.constant 0 : i32
      %dma_wait3A_635 = arith.constant 0 : i32
      %dma_wait3A_636 = tpu.memref_slice %arg3[%dma_wait3A_634, %dma_wait3A_635] : memref<64x1000001xf32, #tpu.memory_space<hbm>> -> memref<64x128xf32, #tpu.memory_space<hbm>>
      %dma_wait3A_637 = arith.constant 0 : i32
      %dma_wait3A_638 = arith.constant 0 : i32
      %dma_wait3A_639 = tpu.memref_slice %arg7[%dma_wait3A_629, %dma_wait3A_637, %dma_wait3A_638] : memref<8x64x128xf32, #tpu.memory_space<vmem>> -> memref<1x64x128xf32, #tpu.memory_space<vmem>>
      %dma_wait3A_640 = tpu.memref_squeeze %dma_wait3A_639 : memref<1x64x128xf32, #tpu.memory_space<vmem>> -> memref<64x128xf32, #tpu.memory_space<vmem>>
      %dma_wait3A_641 = arith.constant 0 : i32
      %dma_wait3A_642 = arith.constant 0 : i32
      %dma_wait3A_643 = tpu.memref_slice %arg3[%dma_wait3A_641, %dma_wait3A_642] : memref<64x1000001xf32, #tpu.memory_space<hbm>> -> memref<64x128xf32, #tpu.memory_space<hbm>>
      tpu.wait_dma2 semaphore(%arg11 : memref<!tpu.dma_semaphore, #tpu.memory_space<semaphore_mem>>) src(%dma_wait3A_643 : memref<64x128xf32, #tpu.memory_space<hbm>>) dst(%dma_wait3A_640 : memref<64x128xf32, #tpu.memory_space<vmem>>)
      %dma_wait3A_644 = arith.constant 6 : i32
      %dma_wait3A_645 = arith.constant 0 : i32
      %dma_wait3A_646 = arith.constant 0 : i32
      %dma_wait3A_647 = tpu.memref_slice %arg7[%dma_wait3A_644, %dma_wait3A_645, %dma_wait3A_646] : memref<8x64x128xf32, #tpu.memory_space<vmem>> -> memref<1x64x128xf32, #tpu.memory_space<vmem>>
      %dma_wait3A_648 = tpu.memref_squeeze %dma_wait3A_647 : memref<1x64x128xf32, #tpu.memory_space<vmem>> -> memref<64x128xf32, #tpu.memory_space<vmem>>
      %dma_wait3A_649 = arith.constant 0 : i32
      %dma_wait3A_650 = arith.constant 0 : i32
      %dma_wait3A_651 = tpu.memref_slice %arg3[%dma_wait3A_649, %dma_wait3A_650] : memref<64x1000001xf32, #tpu.memory_space<hbm>> -> memref<64x128xf32, #tpu.memory_space<hbm>>
      %dma_wait3A_652 = arith.constant 0 : i32
      %dma_wait3A_653 = arith.constant 0 : i32
      %dma_wait3A_654 = tpu.memref_slice %arg7[%dma_wait3A_644, %dma_wait3A_652, %dma_wait3A_653] : memref<8x64x128xf32, #tpu.memory_space<vmem>> -> memref<1x64x128xf32, #tpu.memory_space<vmem>>
      %dma_wait3A_655 = tpu.memref_squeeze %dma_wait3A_654 : memref<1x64x128xf32, #tpu.memory_space<vmem>> -> memref<64x128xf32, #tpu.memory_space<vmem>>
      %dma_wait3A_656 = arith.constant 0 : i32
      %dma_wait3A_657 = arith.constant 0 : i32
      %dma_wait3A_658 = tpu.memref_slice %arg3[%dma_wait3A_656, %dma_wait3A_657] : memref<64x1000001xf32, #tpu.memory_space<hbm>> -> memref<64x128xf32, #tpu.memory_space<hbm>>
      tpu.wait_dma2 semaphore(%arg11 : memref<!tpu.dma_semaphore, #tpu.memory_space<semaphore_mem>>) src(%dma_wait3A_658 : memref<64x128xf32, #tpu.memory_space<hbm>>) dst(%dma_wait3A_655 : memref<64x128xf32, #tpu.memory_space<vmem>>)
      %dma_wait3A_659 = arith.constant 7 : i32
      %dma_wait3A_660 = arith.constant 0 : i32
      %dma_wait3A_661 = arith.constant 0 : i32
      %dma_wait3A_662 = tpu.memref_slice %arg7[%dma_wait3A_659, %dma_wait3A_660, %dma_wait3A_661] : memref<8x64x128xf32, #tpu.memory_space<vmem>> -> memref<1x64x128xf32, #tpu.memory_space<vmem>>
      %dma_wait3A_663 = tpu.memref_squeeze %dma_wait3A_662 : memref<1x64x128xf32, #tpu.memory_space<vmem>> -> memref<64x128xf32, #tpu.memory_space<vmem>>
      %dma_wait3A_664 = arith.constant 0 : i32
      %dma_wait3A_665 = arith.constant 0 : i32
      %dma_wait3A_666 = tpu.memref_slice %arg3[%dma_wait3A_664, %dma_wait3A_665] : memref<64x1000001xf32, #tpu.memory_space<hbm>> -> memref<64x128xf32, #tpu.memory_space<hbm>>
      %dma_wait3A_667 = arith.constant 0 : i32
      %dma_wait3A_668 = arith.constant 0 : i32
      %dma_wait3A_669 = tpu.memref_slice %arg7[%dma_wait3A_659, %dma_wait3A_667, %dma_wait3A_668] : memref<8x64x128xf32, #tpu.memory_space<vmem>> -> memref<1x64x128xf32, #tpu.memory_space<vmem>>
      %dma_wait3A_670 = tpu.memref_squeeze %dma_wait3A_669 : memref<1x64x128xf32, #tpu.memory_space<vmem>> -> memref<64x128xf32, #tpu.memory_space<vmem>>
      %dma_wait3A_671 = arith.constant 0 : i32
      %dma_wait3A_672 = arith.constant 0 : i32
      %dma_wait3A_673 = tpu.memref_slice %arg3[%dma_wait3A_671, %dma_wait3A_672] : memref<64x1000001xf32, #tpu.memory_space<hbm>> -> memref<64x128xf32, #tpu.memory_space<hbm>>
      tpu.wait_dma2 semaphore(%arg11 : memref<!tpu.dma_semaphore, #tpu.memory_space<semaphore_mem>>) src(%dma_wait3A_673 : memref<64x128xf32, #tpu.memory_space<hbm>>) dst(%dma_wait3A_670 : memref<64x128xf32, #tpu.memory_space<vmem>>)
      %slice3A_674 = vector.extract_strided_slice %get3A_348 {offsets = [4], sizes = [1], strides = [1]} : vector<16xi32> to vector<1xi32>
      %squeeze3A_675 = vector.extract %slice3A_674[0] : i32 from vector<1xi32>
      %and3A_676 = arith.constant 127 : i32
      %and3A_677 = arith.andi %squeeze3A_675, %and3A_676 : i32
      %broadcast_in_dim3A_678 = vector.broadcast %and3A_677 : i32 to vector<16xi32>
      %mul3A_679 = arith.constant 16 : i32
      %mul3A_680 = arith.muli %scan3A_344, %mul3A_679 : i32
      %add3A_681 = arith.constant 4 : i32
      %add3A_682 = arith.addi %mul3A_680, %add3A_681 : i32
      %add3A_683 = arith.constant 0 : i32
      %add3A_684 = arith.addi %add3A_682, %add3A_683 : i32
      %mul3A_685 = arith.constant 64 : i32
      %mul3A_686 = arith.muli %add3A_684, %mul3A_685 : i32
      %lt3A_687 = arith.constant 999936 : i32
      %lt3A_688 = arith.cmpi slt, %squeeze3A_675, %lt3A_687 : i32
      %convert_element_type3A_689 = arith.extui %lt3A_688 : i1 to i32
      %cond3A_690 = arith.constant 0 : i32
      %cond3A_691 = arith.cmpi ne, %convert_element_type3A_689, %cond3A_690 : i32
      scf.if %cond3A_691 {
        %iota3A = tpu.iota {dimensions = array<i32: 0>} : vector<16xi32>
        %add3A_1406 = arith.constant 0 : i32
        %add3A_1407 = vector.broadcast %add3A_1406 : i32 to vector<16xi32>
        %add3A_1408 = arith.addi %iota3A, %add3A_1407 : vector<16xi32>
        %gather3A = arith.constant 4 : i32
        %gather3A_1409 = arith.constant 0 : i32
        %gather3A_1410 = arith.constant 0 : i32
        %gather3A_1411 = tpu.memref_slice %arg7[%gather3A, %gather3A_1409, %gather3A_1410] : memref<8x64x128xf32, #tpu.memory_space<vmem>> -> memref<1x64x128xf32, #tpu.memory_space<vmem>>
        %gather3A_1412 = tpu.memref_squeeze %gather3A_1411 : memref<1x64x128xf32, #tpu.memory_space<vmem>> -> memref<64x128xf32, #tpu.memory_space<vmem>>
        %gather3A_1413 = tpu.vector_load_idx %gather3A_1412[%add3A_1408, %broadcast_in_dim3A_678] : memref<64x128xf32, #tpu.memory_space<vmem>>[vector<16xi32>, vector<16xi32>], vector<16xf32>,
        %add3A_1414 = arith.constant 0 : i32
        %add3A_1415 = arith.addi %mul3A_686, %add3A_1414 : i32
        %swap3A = arith.index_cast %add3A_1415 : i32 to index
        %swap3A_1416 = tpu.vector_load %arg8[%swap3A] {strides = array<i32>} : memref<32768xf32, #tpu.memory_space<vmem>>, vector<16xf32>,
        tpu.vector_store %arg8[%swap3A], %gather3A_1413 {strides = array<i32>} : memref<32768xf32, #tpu.memory_space<vmem>>, vector<16xf32>,
        %iota3A_1417 = tpu.iota {dimensions = array<i32: 0>} : vector<16xi32>
        %add3A_1418 = arith.constant 16 : i32
        %add3A_1419 = vector.broadcast %add3A_1418 : i32 to vector<16xi32>
        %add3A_1420 = arith.addi %iota3A_1417, %add3A_1419 : vector<16xi32>
        %gather3A_1421 = arith.constant 4 : i32
        %gather3A_1422 = arith.constant 0 : i32
        %gather3A_1423 = arith.constant 0 : i32
        %gather3A_1424 = tpu.memref_slice %arg7[%gather3A_1421, %gather3A_1422, %gather3A_1423] : memref<8x64x128xf32, #tpu.memory_space<vmem>> -> memref<1x64x128xf32, #tpu.memory_space<vmem>>
        %gather3A_1425 = tpu.memref_squeeze %gather3A_1424 : memref<1x64x128xf32, #tpu.memory_space<vmem>> -> memref<64x128xf32, #tpu.memory_space<vmem>>
        %gather3A_1426 = tpu.vector_load_idx %gather3A_1425[%add3A_1420, %broadcast_in_dim3A_678] : memref<64x128xf32, #tpu.memory_space<vmem>>[vector<16xi32>, vector<16xi32>], vector<16xf32>,
        %add3A_1427 = arith.constant 16 : i32
        %add3A_1428 = arith.addi %mul3A_686, %add3A_1427 : i32
        %swap3A_1429 = arith.index_cast %add3A_1428 : i32 to index
        %swap3A_1430 = tpu.vector_load %arg8[%swap3A_1429] {strides = array<i32>} : memref<32768xf32, #tpu.memory_space<vmem>>, vector<16xf32>,
        tpu.vector_store %arg8[%swap3A_1429], %gather3A_1426 {strides = array<i32>} : memref<32768xf32, #tpu.memory_space<vmem>>, vector<16xf32>,
        %iota3A_1431 = tpu.iota {dimensions = array<i32: 0>} : vector<16xi32>
        %add3A_1432 = arith.constant 32 : i32
        %add3A_1433 = vector.broadcast %add3A_1432 : i32 to vector<16xi32>
        %add3A_1434 = arith.addi %iota3A_1431, %add3A_1433 : vector<16xi32>
        %gather3A_1435 = arith.constant 4 : i32
        %gather3A_1436 = arith.constant 0 : i32
        %gather3A_1437 = arith.constant 0 : i32
        %gather3A_1438 = tpu.memref_slice %arg7[%gather3A_1435, %gather3A_1436, %gather3A_1437] : memref<8x64x128xf32, #tpu.memory_space<vmem>> -> memref<1x64x128xf32, #tpu.memory_space<vmem>>
        %gather3A_1439 = tpu.memref_squeeze %gather3A_1438 : memref<1x64x128xf32, #tpu.memory_space<vmem>> -> memref<64x128xf32, #tpu.memory_space<vmem>>
        %gather3A_1440 = tpu.vector_load_idx %gather3A_1439[%add3A_1434, %broadcast_in_dim3A_678] : memref<64x128xf32, #tpu.memory_space<vmem>>[vector<16xi32>, vector<16xi32>], vector<16xf32>,
        %add3A_1441 = arith.constant 32 : i32
        %add3A_1442 = arith.addi %mul3A_686, %add3A_1441 : i32
        %swap3A_1443 = arith.index_cast %add3A_1442 : i32 to index
        %swap3A_1444 = tpu.vector_load %arg8[%swap3A_1443] {strides = array<i32>} : memref<32768xf32, #tpu.memory_space<vmem>>, vector<16xf32>,
        tpu.vector_store %arg8[%swap3A_1443], %gather3A_1440 {strides = array<i32>} : memref<32768xf32, #tpu.memory_space<vmem>>, vector<16xf32>,
        %iota3A_1445 = tpu.iota {dimensions = array<i32: 0>} : vector<16xi32>
        %add3A_1446 = arith.constant 48 : i32
        %add3A_1447 = vector.broadcast %add3A_1446 : i32 to vector<16xi32>
        %add3A_1448 = arith.addi %iota3A_1445, %add3A_1447 : vector<16xi32>
        %gather3A_1449 = arith.constant 4 : i32
        %gather3A_1450 = arith.constant 0 : i32
        %gather3A_1451 = arith.constant 0 : i32
        %gather3A_1452 = tpu.memref_slice %arg7[%gather3A_1449, %gather3A_1450, %gather3A_1451] : memref<8x64x128xf32, #tpu.memory_space<vmem>> -> memref<1x64x128xf32, #tpu.memory_space<vmem>>
        %gather3A_1453 = tpu.memref_squeeze %gather3A_1452 : memref<1x64x128xf32, #tpu.memory_space<vmem>> -> memref<64x128xf32, #tpu.memory_space<vmem>>
        %gather3A_1454 = tpu.vector_load_idx %gather3A_1453[%add3A_1448, %broadcast_in_dim3A_678] : memref<64x128xf32, #tpu.memory_space<vmem>>[vector<16xi32>, vector<16xi32>], vector<16xf32>,
        %add3A_1455 = arith.constant 48 : i32
        %add3A_1456 = arith.addi %mul3A_686, %add3A_1455 : i32
        %swap3A_1457 = arith.index_cast %add3A_1456 : i32 to index
        %swap3A_1458 = tpu.vector_load %arg8[%swap3A_1457] {strides = array<i32>} : memref<32768xf32, #tpu.memory_space<vmem>>, vector<16xf32>,
        tpu.vector_store %arg8[%swap3A_1457], %gather3A_1454 {strides = array<i32>} : memref<32768xf32, #tpu.memory_space<vmem>>, vector<16xf32>,
      } else {
      }
      %ge3A_692 = arith.constant 999936 : i32
      %ge3A_693 = arith.cmpi sge, %squeeze3A_675, %ge3A_692 : i32
      %convert_element_type3A_694 = arith.extui %ge3A_693 : i1 to i32
      %cond3A_695 = arith.constant 0 : i32
      %cond3A_696 = arith.cmpi ne, %convert_element_type3A_694, %cond3A_695 : i32
      scf.if %cond3A_696 {
        %sub3A = arith.constant 999936 : i32
        %sub3A_1406 = arith.subi %squeeze3A_675, %sub3A : i32
        "tpu.region"() ({
          %run_scoped3A = tpu.sem_alloc : memref<!tpu.dma_semaphore, #tpu.memory_space<semaphore_mem>>
          %dma_start3A_1446 = arith.constant 0 : i32
          %dma_start3A_1447 = tpu.memref_slice %arg4[%sub3A_1406, %dma_start3A_1446] : memref<65x64xf32, #tpu.memory_space<hbm>> -> memref<1x64xf32, #tpu.memory_space<hbm>>
          %dma_start3A_1448 = arith.constant 0 : i32
          %dma_start3A_1449 = tpu.memref_slice %arg4[%sub3A_1406, %dma_start3A_1448] : memref<65x64xf32, #tpu.memory_space<hbm>> -> memref<1x64xf32, #tpu.memory_space<hbm>>
          tpu.enqueue_dma source(%dma_start3A_1449 : memref<1x64xf32, #tpu.memory_space<hbm>>) target(%arg9 : memref<1x64xf32, #tpu.memory_space<vmem>>) target_semaphore(%run_scoped3A : memref<!tpu.dma_semaphore, #tpu.memory_space<semaphore_mem>>)
          %dma_wait3A_1450 = arith.constant 0 : i32
          %dma_wait3A_1451 = tpu.memref_slice %arg4[%sub3A_1406, %dma_wait3A_1450] : memref<65x64xf32, #tpu.memory_space<hbm>> -> memref<1x64xf32, #tpu.memory_space<hbm>>
          %dma_wait3A_1452 = arith.constant 0 : i32
          %dma_wait3A_1453 = tpu.memref_slice %arg4[%sub3A_1406, %dma_wait3A_1452] : memref<65x64xf32, #tpu.memory_space<hbm>> -> memref<1x64xf32, #tpu.memory_space<hbm>>
          tpu.wait_dma2 semaphore(%run_scoped3A : memref<!tpu.dma_semaphore, #tpu.memory_space<semaphore_mem>>) src(%dma_wait3A_1453 : memref<1x64xf32, #tpu.memory_space<hbm>>) dst(%arg9 : memref<1x64xf32, #tpu.memory_space<vmem>>)
          tpu.yield
        }) : () -> ()
        %get3A_1407 = arith.constant 0 : i32
        %get3A_1408 = arith.constant 0 : i32
        %get3A_1409 = tpu.memref_slice %arg9[%get3A_1407, %get3A_1408] : memref<1x64xf32, #tpu.memory_space<vmem>> -> memref<1x64xf32, #tpu.memory_space<vmem>>
        %get3A_1410 = tpu.memref_squeeze %get3A_1409 : memref<1x64xf32, #tpu.memory_space<vmem>> -> memref<64xf32, #tpu.memory_space<vmem>>
        %get3A_1411 = arith.constant 0 : index
        %get3A_1412 = tpu.vector_load %get3A_1410[%get3A_1411] {strides = array<i32>} : memref<64xf32, #tpu.memory_space<vmem>>, vector<16xf32>,
        %add3A_1413 = arith.constant 0 : i32
        %add3A_1414 = arith.addi %mul3A_686, %add3A_1413 : i32
        %swap3A = arith.index_cast %add3A_1414 : i32 to index
        %swap3A_1415 = tpu.vector_load %arg8[%swap3A] {strides = array<i32>} : memref<32768xf32, #tpu.memory_space<vmem>>, vector<16xf32>,
        tpu.vector_store %arg8[%swap3A], %get3A_1412 {strides = array<i32>} : memref<32768xf32, #tpu.memory_space<vmem>>, vector<16xf32>,
        %get3A_1416 = arith.constant 0 : i32
        %get3A_1417 = arith.constant 0 : i32
        %get3A_1418 = tpu.memref_slice %arg9[%get3A_1416, %get3A_1417] : memref<1x64xf32, #tpu.memory_space<vmem>> -> memref<1x64xf32, #tpu.memory_space<vmem>>
        %get3A_1419 = tpu.memref_squeeze %get3A_1418 : memref<1x64xf32, #tpu.memory_space<vmem>> -> memref<64xf32, #tpu.memory_space<vmem>>
        %get3A_1420 = arith.constant 16 : index
        %get3A_1421 = tpu.vector_load %get3A_1419[%get3A_1420] {strides = array<i32>} : memref<64xf32, #tpu.memory_space<vmem>>, vector<16xf32>,
        %add3A_1422 = arith.constant 16 : i32
        %add3A_1423 = arith.addi %mul3A_686, %add3A_1422 : i32
        %swap3A_1424 = arith.index_cast %add3A_1423 : i32 to index
        %swap3A_1425 = tpu.vector_load %arg8[%swap3A_1424] {strides = array<i32>} : memref<32768xf32, #tpu.memory_space<vmem>>, vector<16xf32>,
        tpu.vector_store %arg8[%swap3A_1424], %get3A_1421 {strides = array<i32>} : memref<32768xf32, #tpu.memory_space<vmem>>, vector<16xf32>,
        %get3A_1426 = arith.constant 0 : i32
        %get3A_1427 = arith.constant 0 : i32
        %get3A_1428 = tpu.memref_slice %arg9[%get3A_1426, %get3A_1427] : memref<1x64xf32, #tpu.memory_space<vmem>> -> memref<1x64xf32, #tpu.memory_space<vmem>>
        %get3A_1429 = tpu.memref_squeeze %get3A_1428 : memref<1x64xf32, #tpu.memory_space<vmem>> -> memref<64xf32, #tpu.memory_space<vmem>>
        %get3A_1430 = arith.constant 32 : index
        %get3A_1431 = tpu.vector_load %get3A_1429[%get3A_1430] {strides = array<i32>} : memref<64xf32, #tpu.memory_space<vmem>>, vector<16xf32>,
        %add3A_1432 = arith.constant 32 : i32
        %add3A_1433 = arith.addi %mul3A_686, %add3A_1432 : i32
        %swap3A_1434 = arith.index_cast %add3A_1433 : i32 to index
        %swap3A_1435 = tpu.vector_load %arg8[%swap3A_1434] {strides = array<i32>} : memref<32768xf32, #tpu.memory_space<vmem>>, vector<16xf32>,
        tpu.vector_store %arg8[%swap3A_1434], %get3A_1431 {strides = array<i32>} : memref<32768xf32, #tpu.memory_space<vmem>>, vector<16xf32>,
        %get3A_1436 = arith.constant 0 : i32
        %get3A_1437 = arith.constant 0 : i32
        %get3A_1438 = tpu.memref_slice %arg9[%get3A_1436, %get3A_1437] : memref<1x64xf32, #tpu.memory_space<vmem>> -> memref<1x64xf32, #tpu.memory_space<vmem>>
        %get3A_1439 = tpu.memref_squeeze %get3A_1438 : memref<1x64xf32, #tpu.memory_space<vmem>> -> memref<64xf32, #tpu.memory_space<vmem>>
        %get3A_1440 = arith.constant 48 : index
        %get3A_1441 = tpu.vector_load %get3A_1439[%get3A_1440] {strides = array<i32>} : memref<64xf32, #tpu.memory_space<vmem>>, vector<16xf32>,
        %add3A_1442 = arith.constant 48 : i32
        %add3A_1443 = arith.addi %mul3A_686, %add3A_1442 : i32
        %swap3A_1444 = arith.index_cast %add3A_1443 : i32 to index
        %swap3A_1445 = tpu.vector_load %arg8[%swap3A_1444] {strides = array<i32>} : memref<32768xf32, #tpu.memory_space<vmem>>, vector<16xf32>,
        tpu.vector_store %arg8[%swap3A_1444], %get3A_1441 {strides = array<i32>} : memref<32768xf32, #tpu.memory_space<vmem>>, vector<16xf32>,
      } else {
      }
      %slice3A_697 = vector.extract_strided_slice %get3A_348 {offsets = [5], sizes = [1], strides = [1]} : vector<16xi32> to vector<1xi32>
      %squeeze3A_698 = vector.extract %slice3A_697[0] : i32 from vector<1xi32>
      %and3A_699 = arith.constant 127 : i32
      %and3A_700 = arith.andi %squeeze3A_698, %and3A_699 : i32
      %broadcast_in_dim3A_701 = vector.broadcast %and3A_700 : i32 to vector<16xi32>
      %mul3A_702 = arith.constant 16 : i32
      %mul3A_703 = arith.muli %scan3A_344, %mul3A_702 : i32
      %add3A_704 = arith.constant 4 : i32
      %add3A_705 = arith.addi %mul3A_703, %add3A_704 : i32
      %add3A_706 = arith.constant 1 : i32
      %add3A_707 = arith.addi %add3A_705, %add3A_706 : i32
      %mul3A_708 = arith.constant 64 : i32
      %mul3A_709 = arith.muli %add3A_707, %mul3A_708 : i32
      %lt3A_710 = arith.constant 999936 : i32
      %lt3A_711 = arith.cmpi slt, %squeeze3A_698, %lt3A_710 : i32
      %convert_element_type3A_712 = arith.extui %lt3A_711 : i1 to i32
      %cond3A_713 = arith.constant 0 : i32
      %cond3A_714 = arith.cmpi ne, %convert_element_type3A_712, %cond3A_713 : i32
      scf.if %cond3A_714 {
        %iota3A = tpu.iota {dimensions = array<i32: 0>} : vector<16xi32>
        %add3A_1406 = arith.constant 0 : i32
        %add3A_1407 = vector.broadcast %add3A_1406 : i32 to vector<16xi32>
        %add3A_1408 = arith.addi %iota3A, %add3A_1407 : vector<16xi32>
        %gather3A = arith.constant 5 : i32
        %gather3A_1409 = arith.constant 0 : i32
        %gather3A_1410 = arith.constant 0 : i32
        %gather3A_1411 = tpu.memref_slice %arg7[%gather3A, %gather3A_1409, %gather3A_1410] : memref<8x64x128xf32, #tpu.memory_space<vmem>> -> memref<1x64x128xf32, #tpu.memory_space<vmem>>
        %gather3A_1412 = tpu.memref_squeeze %gather3A_1411 : memref<1x64x128xf32, #tpu.memory_space<vmem>> -> memref<64x128xf32, #tpu.memory_space<vmem>>
        %gather3A_1413 = tpu.vector_load_idx %gather3A_1412[%add3A_1408, %broadcast_in_dim3A_701] : memref<64x128xf32, #tpu.memory_space<vmem>>[vector<16xi32>, vector<16xi32>], vector<16xf32>,
        %add3A_1414 = arith.constant 0 : i32
        %add3A_1415 = arith.addi %mul3A_709, %add3A_1414 : i32
        %swap3A = arith.index_cast %add3A_1415 : i32 to index
        %swap3A_1416 = tpu.vector_load %arg8[%swap3A] {strides = array<i32>} : memref<32768xf32, #tpu.memory_space<vmem>>, vector<16xf32>,
        tpu.vector_store %arg8[%swap3A], %gather3A_1413 {strides = array<i32>} : memref<32768xf32, #tpu.memory_space<vmem>>, vector<16xf32>,
        %iota3A_1417 = tpu.iota {dimensions = array<i32: 0>} : vector<16xi32>
        %add3A_1418 = arith.constant 16 : i32
        %add3A_1419 = vector.broadcast %add3A_1418 : i32 to vector<16xi32>
        %add3A_1420 = arith.addi %iota3A_1417, %add3A_1419 : vector<16xi32>
        %gather3A_1421 = arith.constant 5 : i32
        %gather3A_1422 = arith.constant 0 : i32
        %gather3A_1423 = arith.constant 0 : i32
        %gather3A_1424 = tpu.memref_slice %arg7[%gather3A_1421, %gather3A_1422, %gather3A_1423] : memref<8x64x128xf32, #tpu.memory_space<vmem>> -> memref<1x64x128xf32, #tpu.memory_space<vmem>>
        %gather3A_1425 = tpu.memref_squeeze %gather3A_1424 : memref<1x64x128xf32, #tpu.memory_space<vmem>> -> memref<64x128xf32, #tpu.memory_space<vmem>>
        %gather3A_1426 = tpu.vector_load_idx %gather3A_1425[%add3A_1420, %broadcast_in_dim3A_701] : memref<64x128xf32, #tpu.memory_space<vmem>>[vector<16xi32>, vector<16xi32>], vector<16xf32>,
        %add3A_1427 = arith.constant 16 : i32
        %add3A_1428 = arith.addi %mul3A_709, %add3A_1427 : i32
        %swap3A_1429 = arith.index_cast %add3A_1428 : i32 to index
        %swap3A_1430 = tpu.vector_load %arg8[%swap3A_1429] {strides = array<i32>} : memref<32768xf32, #tpu.memory_space<vmem>>, vector<16xf32>,
        tpu.vector_store %arg8[%swap3A_1429], %gather3A_1426 {strides = array<i32>} : memref<32768xf32, #tpu.memory_space<vmem>>, vector<16xf32>,
        %iota3A_1431 = tpu.iota {dimensions = array<i32: 0>} : vector<16xi32>
        %add3A_1432 = arith.constant 32 : i32
        %add3A_1433 = vector.broadcast %add3A_1432 : i32 to vector<16xi32>
        %add3A_1434 = arith.addi %iota3A_1431, %add3A_1433 : vector<16xi32>
        %gather3A_1435 = arith.constant 5 : i32
        %gather3A_1436 = arith.constant 0 : i32
        %gather3A_1437 = arith.constant 0 : i32
        %gather3A_1438 = tpu.memref_slice %arg7[%gather3A_1435, %gather3A_1436, %gather3A_1437] : memref<8x64x128xf32, #tpu.memory_space<vmem>> -> memref<1x64x128xf32, #tpu.memory_space<vmem>>
        %gather3A_1439 = tpu.memref_squeeze %gather3A_1438 : memref<1x64x128xf32, #tpu.memory_space<vmem>> -> memref<64x128xf32, #tpu.memory_space<vmem>>
        %gather3A_1440 = tpu.vector_load_idx %gather3A_1439[%add3A_1434, %broadcast_in_dim3A_701] : memref<64x128xf32, #tpu.memory_space<vmem>>[vector<16xi32>, vector<16xi32>], vector<16xf32>,
        %add3A_1441 = arith.constant 32 : i32
        %add3A_1442 = arith.addi %mul3A_709, %add3A_1441 : i32
        %swap3A_1443 = arith.index_cast %add3A_1442 : i32 to index
        %swap3A_1444 = tpu.vector_load %arg8[%swap3A_1443] {strides = array<i32>} : memref<32768xf32, #tpu.memory_space<vmem>>, vector<16xf32>,
        tpu.vector_store %arg8[%swap3A_1443], %gather3A_1440 {strides = array<i32>} : memref<32768xf32, #tpu.memory_space<vmem>>, vector<16xf32>,
        %iota3A_1445 = tpu.iota {dimensions = array<i32: 0>} : vector<16xi32>
        %add3A_1446 = arith.constant 48 : i32
        %add3A_1447 = vector.broadcast %add3A_1446 : i32 to vector<16xi32>
        %add3A_1448 = arith.addi %iota3A_1445, %add3A_1447 : vector<16xi32>
        %gather3A_1449 = arith.constant 5 : i32
        %gather3A_1450 = arith.constant 0 : i32
        %gather3A_1451 = arith.constant 0 : i32
        %gather3A_1452 = tpu.memref_slice %arg7[%gather3A_1449, %gather3A_1450, %gather3A_1451] : memref<8x64x128xf32, #tpu.memory_space<vmem>> -> memref<1x64x128xf32, #tpu.memory_space<vmem>>
        %gather3A_1453 = tpu.memref_squeeze %gather3A_1452 : memref<1x64x128xf32, #tpu.memory_space<vmem>> -> memref<64x128xf32, #tpu.memory_space<vmem>>
        %gather3A_1454 = tpu.vector_load_idx %gather3A_1453[%add3A_1448, %broadcast_in_dim3A_701] : memref<64x128xf32, #tpu.memory_space<vmem>>[vector<16xi32>, vector<16xi32>], vector<16xf32>,
        %add3A_1455 = arith.constant 48 : i32
        %add3A_1456 = arith.addi %mul3A_709, %add3A_1455 : i32
        %swap3A_1457 = arith.index_cast %add3A_1456 : i32 to index
        %swap3A_1458 = tpu.vector_load %arg8[%swap3A_1457] {strides = array<i32>} : memref<32768xf32, #tpu.memory_space<vmem>>, vector<16xf32>,
        tpu.vector_store %arg8[%swap3A_1457], %gather3A_1454 {strides = array<i32>} : memref<32768xf32, #tpu.memory_space<vmem>>, vector<16xf32>,
      } else {
      }
      %ge3A_715 = arith.constant 999936 : i32
      %ge3A_716 = arith.cmpi sge, %squeeze3A_698, %ge3A_715 : i32
      %convert_element_type3A_717 = arith.extui %ge3A_716 : i1 to i32
      %cond3A_718 = arith.constant 0 : i32
      %cond3A_719 = arith.cmpi ne, %convert_element_type3A_717, %cond3A_718 : i32
      scf.if %cond3A_719 {
        %sub3A = arith.constant 999936 : i32
        %sub3A_1406 = arith.subi %squeeze3A_698, %sub3A : i32
        "tpu.region"() ({
          %run_scoped3A = tpu.sem_alloc : memref<!tpu.dma_semaphore, #tpu.memory_space<semaphore_mem>>
          %dma_start3A_1446 = arith.constant 0 : i32
          %dma_start3A_1447 = tpu.memref_slice %arg4[%sub3A_1406, %dma_start3A_1446] : memref<65x64xf32, #tpu.memory_space<hbm>> -> memref<1x64xf32, #tpu.memory_space<hbm>>
          %dma_start3A_1448 = arith.constant 0 : i32
          %dma_start3A_1449 = tpu.memref_slice %arg4[%sub3A_1406, %dma_start3A_1448] : memref<65x64xf32, #tpu.memory_space<hbm>> -> memref<1x64xf32, #tpu.memory_space<hbm>>
          tpu.enqueue_dma source(%dma_start3A_1449 : memref<1x64xf32, #tpu.memory_space<hbm>>) target(%arg9 : memref<1x64xf32, #tpu.memory_space<vmem>>) target_semaphore(%run_scoped3A : memref<!tpu.dma_semaphore, #tpu.memory_space<semaphore_mem>>)
          %dma_wait3A_1450 = arith.constant 0 : i32
          %dma_wait3A_1451 = tpu.memref_slice %arg4[%sub3A_1406, %dma_wait3A_1450] : memref<65x64xf32, #tpu.memory_space<hbm>> -> memref<1x64xf32, #tpu.memory_space<hbm>>
          %dma_wait3A_1452 = arith.constant 0 : i32
          %dma_wait3A_1453 = tpu.memref_slice %arg4[%sub3A_1406, %dma_wait3A_1452] : memref<65x64xf32, #tpu.memory_space<hbm>> -> memref<1x64xf32, #tpu.memory_space<hbm>>
          tpu.wait_dma2 semaphore(%run_scoped3A : memref<!tpu.dma_semaphore, #tpu.memory_space<semaphore_mem>>) src(%dma_wait3A_1453 : memref<1x64xf32, #tpu.memory_space<hbm>>) dst(%arg9 : memref<1x64xf32, #tpu.memory_space<vmem>>)
          tpu.yield
        }) : () -> ()
        %get3A_1407 = arith.constant 0 : i32
        %get3A_1408 = arith.constant 0 : i32
        %get3A_1409 = tpu.memref_slice %arg9[%get3A_1407, %get3A_1408] : memref<1x64xf32, #tpu.memory_space<vmem>> -> memref<1x64xf32, #tpu.memory_space<vmem>>
        %get3A_1410 = tpu.memref_squeeze %get3A_1409 : memref<1x64xf32, #tpu.memory_space<vmem>> -> memref<64xf32, #tpu.memory_space<vmem>>
        %get3A_1411 = arith.constant 0 : index
        %get3A_1412 = tpu.vector_load %get3A_1410[%get3A_1411] {strides = array<i32>} : memref<64xf32, #tpu.memory_space<vmem>>, vector<16xf32>,
        %add3A_1413 = arith.constant 0 : i32
        %add3A_1414 = arith.addi %mul3A_709, %add3A_1413 : i32
        %swap3A = arith.index_cast %add3A_1414 : i32 to index
        %swap3A_1415 = tpu.vector_load %arg8[%swap3A] {strides = array<i32>} : memref<32768xf32, #tpu.memory_space<vmem>>, vector<16xf32>,
        tpu.vector_store %arg8[%swap3A], %get3A_1412 {strides = array<i32>} : memref<32768xf32, #tpu.memory_space<vmem>>, vector<16xf32>,
        %get3A_1416 = arith.constant 0 : i32
        %get3A_1417 = arith.constant 0 : i32
        %get3A_1418 = tpu.memref_slice %arg9[%get3A_1416, %get3A_1417] : memref<1x64xf32, #tpu.memory_space<vmem>> -> memref<1x64xf32, #tpu.memory_space<vmem>>
        %get3A_1419 = tpu.memref_squeeze %get3A_1418 : memref<1x64xf32, #tpu.memory_space<vmem>> -> memref<64xf32, #tpu.memory_space<vmem>>
        %get3A_1420 = arith.constant 16 : index
        %get3A_1421 = tpu.vector_load %get3A_1419[%get3A_1420] {strides = array<i32>} : memref<64xf32, #tpu.memory_space<vmem>>, vector<16xf32>,
        %add3A_1422 = arith.constant 16 : i32
        %add3A_1423 = arith.addi %mul3A_709, %add3A_1422 : i32
        %swap3A_1424 = arith.index_cast %add3A_1423 : i32 to index
        %swap3A_1425 = tpu.vector_load %arg8[%swap3A_1424] {strides = array<i32>} : memref<32768xf32, #tpu.memory_space<vmem>>, vector<16xf32>,
        tpu.vector_store %arg8[%swap3A_1424], %get3A_1421 {strides = array<i32>} : memref<32768xf32, #tpu.memory_space<vmem>>, vector<16xf32>,
        %get3A_1426 = arith.constant 0 : i32
        %get3A_1427 = arith.constant 0 : i32
        %get3A_1428 = tpu.memref_slice %arg9[%get3A_1426, %get3A_1427] : memref<1x64xf32, #tpu.memory_space<vmem>> -> memref<1x64xf32, #tpu.memory_space<vmem>>
        %get3A_1429 = tpu.memref_squeeze %get3A_1428 : memref<1x64xf32, #tpu.memory_space<vmem>> -> memref<64xf32, #tpu.memory_space<vmem>>
        %get3A_1430 = arith.constant 32 : index
        %get3A_1431 = tpu.vector_load %get3A_1429[%get3A_1430] {strides = array<i32>} : memref<64xf32, #tpu.memory_space<vmem>>, vector<16xf32>,
        %add3A_1432 = arith.constant 32 : i32
        %add3A_1433 = arith.addi %mul3A_709, %add3A_1432 : i32
        %swap3A_1434 = arith.index_cast %add3A_1433 : i32 to index
        %swap3A_1435 = tpu.vector_load %arg8[%swap3A_1434] {strides = array<i32>} : memref<32768xf32, #tpu.memory_space<vmem>>, vector<16xf32>,
        tpu.vector_store %arg8[%swap3A_1434], %get3A_1431 {strides = array<i32>} : memref<32768xf32, #tpu.memory_space<vmem>>, vector<16xf32>,
        %get3A_1436 = arith.constant 0 : i32
        %get3A_1437 = arith.constant 0 : i32
        %get3A_1438 = tpu.memref_slice %arg9[%get3A_1436, %get3A_1437] : memref<1x64xf32, #tpu.memory_space<vmem>> -> memref<1x64xf32, #tpu.memory_space<vmem>>
        %get3A_1439 = tpu.memref_squeeze %get3A_1438 : memref<1x64xf32, #tpu.memory_space<vmem>> -> memref<64xf32, #tpu.memory_space<vmem>>
        %get3A_1440 = arith.constant 48 : index
        %get3A_1441 = tpu.vector_load %get3A_1439[%get3A_1440] {strides = array<i32>} : memref<64xf32, #tpu.memory_space<vmem>>, vector<16xf32>,
        %add3A_1442 = arith.constant 48 : i32
        %add3A_1443 = arith.addi %mul3A_709, %add3A_1442 : i32
        %swap3A_1444 = arith.index_cast %add3A_1443 : i32 to index
        %swap3A_1445 = tpu.vector_load %arg8[%swap3A_1444] {strides = array<i32>} : memref<32768xf32, #tpu.memory_space<vmem>>, vector<16xf32>,
        tpu.vector_store %arg8[%swap3A_1444], %get3A_1441 {strides = array<i32>} : memref<32768xf32, #tpu.memory_space<vmem>>, vector<16xf32>,
      } else {
      }
      %slice3A_720 = vector.extract_strided_slice %get3A_348 {offsets = [6], sizes = [1], strides = [1]} : vector<16xi32> to vector<1xi32>
      %squeeze3A_721 = vector.extract %slice3A_720[0] : i32 from vector<1xi32>
      %and3A_722 = arith.constant 127 : i32
      %and3A_723 = arith.andi %squeeze3A_721, %and3A_722 : i32
      %broadcast_in_dim3A_724 = vector.broadcast %and3A_723 : i32 to vector<16xi32>
      %mul3A_725 = arith.constant 16 : i32
      %mul3A_726 = arith.muli %scan3A_344, %mul3A_725 : i32
      %add3A_727 = arith.constant 4 : i32
      %add3A_728 = arith.addi %mul3A_726, %add3A_727 : i32
      %add3A_729 = arith.constant 2 : i32
      %add3A_730 = arith.addi %add3A_728, %add3A_729 : i32
      %mul3A_731 = arith.constant 64 : i32
      %mul3A_732 = arith.muli %add3A_730, %mul3A_731 : i32
      %lt3A_733 = arith.constant 999936 : i32
      %lt3A_734 = arith.cmpi slt, %squeeze3A_721, %lt3A_733 : i32
      %convert_element_type3A_735 = arith.extui %lt3A_734 : i1 to i32
      %cond3A_736 = arith.constant 0 : i32
      %cond3A_737 = arith.cmpi ne, %convert_element_type3A_735, %cond3A_736 : i32
      scf.if %cond3A_737 {
        %iota3A = tpu.iota {dimensions = array<i32: 0>} : vector<16xi32>
        %add3A_1406 = arith.constant 0 : i32
        %add3A_1407 = vector.broadcast %add3A_1406 : i32 to vector<16xi32>
        %add3A_1408 = arith.addi %iota3A, %add3A_1407 : vector<16xi32>
        %gather3A = arith.constant 6 : i32
        %gather3A_1409 = arith.constant 0 : i32
        %gather3A_1410 = arith.constant 0 : i32
        %gather3A_1411 = tpu.memref_slice %arg7[%gather3A, %gather3A_1409, %gather3A_1410] : memref<8x64x128xf32, #tpu.memory_space<vmem>> -> memref<1x64x128xf32, #tpu.memory_space<vmem>>
        %gather3A_1412 = tpu.memref_squeeze %gather3A_1411 : memref<1x64x128xf32, #tpu.memory_space<vmem>> -> memref<64x128xf32, #tpu.memory_space<vmem>>
        %gather3A_1413 = tpu.vector_load_idx %gather3A_1412[%add3A_1408, %broadcast_in_dim3A_724] : memref<64x128xf32, #tpu.memory_space<vmem>>[vector<16xi32>, vector<16xi32>], vector<16xf32>,
        %add3A_1414 = arith.constant 0 : i32
        %add3A_1415 = arith.addi %mul3A_732, %add3A_1414 : i32
        %swap3A = arith.index_cast %add3A_1415 : i32 to index
        %swap3A_1416 = tpu.vector_load %arg8[%swap3A] {strides = array<i32>} : memref<32768xf32, #tpu.memory_space<vmem>>, vector<16xf32>,
        tpu.vector_store %arg8[%swap3A], %gather3A_1413 {strides = array<i32>} : memref<32768xf32, #tpu.memory_space<vmem>>, vector<16xf32>,
        %iota3A_1417 = tpu.iota {dimensions = array<i32: 0>} : vector<16xi32>
        %add3A_1418 = arith.constant 16 : i32
        %add3A_1419 = vector.broadcast %add3A_1418 : i32 to vector<16xi32>
        %add3A_1420 = arith.addi %iota3A_1417, %add3A_1419 : vector<16xi32>
        %gather3A_1421 = arith.constant 6 : i32
        %gather3A_1422 = arith.constant 0 : i32
        %gather3A_1423 = arith.constant 0 : i32
        %gather3A_1424 = tpu.memref_slice %arg7[%gather3A_1421, %gather3A_1422, %gather3A_1423] : memref<8x64x128xf32, #tpu.memory_space<vmem>> -> memref<1x64x128xf32, #tpu.memory_space<vmem>>
        %gather3A_1425 = tpu.memref_squeeze %gather3A_1424 : memref<1x64x128xf32, #tpu.memory_space<vmem>> -> memref<64x128xf32, #tpu.memory_space<vmem>>
        %gather3A_1426 = tpu.vector_load_idx %gather3A_1425[%add3A_1420, %broadcast_in_dim3A_724] : memref<64x128xf32, #tpu.memory_space<vmem>>[vector<16xi32>, vector<16xi32>], vector<16xf32>,
        %add3A_1427 = arith.constant 16 : i32
        %add3A_1428 = arith.addi %mul3A_732, %add3A_1427 : i32
        %swap3A_1429 = arith.index_cast %add3A_1428 : i32 to index
        %swap3A_1430 = tpu.vector_load %arg8[%swap3A_1429] {strides = array<i32>} : memref<32768xf32, #tpu.memory_space<vmem>>, vector<16xf32>,
        tpu.vector_store %arg8[%swap3A_1429], %gather3A_1426 {strides = array<i32>} : memref<32768xf32, #tpu.memory_space<vmem>>, vector<16xf32>,
        %iota3A_1431 = tpu.iota {dimensions = array<i32: 0>} : vector<16xi32>
        %add3A_1432 = arith.constant 32 : i32
        %add3A_1433 = vector.broadcast %add3A_1432 : i32 to vector<16xi32>
        %add3A_1434 = arith.addi %iota3A_1431, %add3A_1433 : vector<16xi32>
        %gather3A_1435 = arith.constant 6 : i32
        %gather3A_1436 = arith.constant 0 : i32
        %gather3A_1437 = arith.constant 0 : i32
        %gather3A_1438 = tpu.memref_slice %arg7[%gather3A_1435, %gather3A_1436, %gather3A_1437] : memref<8x64x128xf32, #tpu.memory_space<vmem>> -> memref<1x64x128xf32, #tpu.memory_space<vmem>>
        %gather3A_1439 = tpu.memref_squeeze %gather3A_1438 : memref<1x64x128xf32, #tpu.memory_space<vmem>> -> memref<64x128xf32, #tpu.memory_space<vmem>>
        %gather3A_1440 = tpu.vector_load_idx %gather3A_1439[%add3A_1434, %broadcast_in_dim3A_724] : memref<64x128xf32, #tpu.memory_space<vmem>>[vector<16xi32>, vector<16xi32>], vector<16xf32>,
        %add3A_1441 = arith.constant 32 : i32
        %add3A_1442 = arith.addi %mul3A_732, %add3A_1441 : i32
        %swap3A_1443 = arith.index_cast %add3A_1442 : i32 to index
        %swap3A_1444 = tpu.vector_load %arg8[%swap3A_1443] {strides = array<i32>} : memref<32768xf32, #tpu.memory_space<vmem>>, vector<16xf32>,
        tpu.vector_store %arg8[%swap3A_1443], %gather3A_1440 {strides = array<i32>} : memref<32768xf32, #tpu.memory_space<vmem>>, vector<16xf32>,
        %iota3A_1445 = tpu.iota {dimensions = array<i32: 0>} : vector<16xi32>
        %add3A_1446 = arith.constant 48 : i32
        %add3A_1447 = vector.broadcast %add3A_1446 : i32 to vector<16xi32>
        %add3A_1448 = arith.addi %iota3A_1445, %add3A_1447 : vector<16xi32>
        %gather3A_1449 = arith.constant 6 : i32
        %gather3A_1450 = arith.constant 0 : i32
        %gather3A_1451 = arith.constant 0 : i32
        %gather3A_1452 = tpu.memref_slice %arg7[%gather3A_1449, %gather3A_1450, %gather3A_1451] : memref<8x64x128xf32, #tpu.memory_space<vmem>> -> memref<1x64x128xf32, #tpu.memory_space<vmem>>
        %gather3A_1453 = tpu.memref_squeeze %gather3A_1452 : memref<1x64x128xf32, #tpu.memory_space<vmem>> -> memref<64x128xf32, #tpu.memory_space<vmem>>
        %gather3A_1454 = tpu.vector_load_idx %gather3A_1453[%add3A_1448, %broadcast_in_dim3A_724] : memref<64x128xf32, #tpu.memory_space<vmem>>[vector<16xi32>, vector<16xi32>], vector<16xf32>,
        %add3A_1455 = arith.constant 48 : i32
        %add3A_1456 = arith.addi %mul3A_732, %add3A_1455 : i32
        %swap3A_1457 = arith.index_cast %add3A_1456 : i32 to index
        %swap3A_1458 = tpu.vector_load %arg8[%swap3A_1457] {strides = array<i32>} : memref<32768xf32, #tpu.memory_space<vmem>>, vector<16xf32>,
        tpu.vector_store %arg8[%swap3A_1457], %gather3A_1454 {strides = array<i32>} : memref<32768xf32, #tpu.memory_space<vmem>>, vector<16xf32>,
      } else {
      }
      %ge3A_738 = arith.constant 999936 : i32
      %ge3A_739 = arith.cmpi sge, %squeeze3A_721, %ge3A_738 : i32
      %convert_element_type3A_740 = arith.extui %ge3A_739 : i1 to i32
      %cond3A_741 = arith.constant 0 : i32
      %cond3A_742 = arith.cmpi ne, %convert_element_type3A_740, %cond3A_741 : i32
      scf.if %cond3A_742 {
        %sub3A = arith.constant 999936 : i32
        %sub3A_1406 = arith.subi %squeeze3A_721, %sub3A : i32
        "tpu.region"() ({
          %run_scoped3A = tpu.sem_alloc : memref<!tpu.dma_semaphore, #tpu.memory_space<semaphore_mem>>
          %dma_start3A_1446 = arith.constant 0 : i32
          %dma_start3A_1447 = tpu.memref_slice %arg4[%sub3A_1406, %dma_start3A_1446] : memref<65x64xf32, #tpu.memory_space<hbm>> -> memref<1x64xf32, #tpu.memory_space<hbm>>
          %dma_start3A_1448 = arith.constant 0 : i32
          %dma_start3A_1449 = tpu.memref_slice %arg4[%sub3A_1406, %dma_start3A_1448] : memref<65x64xf32, #tpu.memory_space<hbm>> -> memref<1x64xf32, #tpu.memory_space<hbm>>
          tpu.enqueue_dma source(%dma_start3A_1449 : memref<1x64xf32, #tpu.memory_space<hbm>>) target(%arg9 : memref<1x64xf32, #tpu.memory_space<vmem>>) target_semaphore(%run_scoped3A : memref<!tpu.dma_semaphore, #tpu.memory_space<semaphore_mem>>)
          %dma_wait3A_1450 = arith.constant 0 : i32
          %dma_wait3A_1451 = tpu.memref_slice %arg4[%sub3A_1406, %dma_wait3A_1450] : memref<65x64xf32, #tpu.memory_space<hbm>> -> memref<1x64xf32, #tpu.memory_space<hbm>>
          %dma_wait3A_1452 = arith.constant 0 : i32
          %dma_wait3A_1453 = tpu.memref_slice %arg4[%sub3A_1406, %dma_wait3A_1452] : memref<65x64xf32, #tpu.memory_space<hbm>> -> memref<1x64xf32, #tpu.memory_space<hbm>>
          tpu.wait_dma2 semaphore(%run_scoped3A : memref<!tpu.dma_semaphore, #tpu.memory_space<semaphore_mem>>) src(%dma_wait3A_1453 : memref<1x64xf32, #tpu.memory_space<hbm>>) dst(%arg9 : memref<1x64xf32, #tpu.memory_space<vmem>>)
          tpu.yield
        }) : () -> ()
        %get3A_1407 = arith.constant 0 : i32
        %get3A_1408 = arith.constant 0 : i32
        %get3A_1409 = tpu.memref_slice %arg9[%get3A_1407, %get3A_1408] : memref<1x64xf32, #tpu.memory_space<vmem>> -> memref<1x64xf32, #tpu.memory_space<vmem>>
        %get3A_1410 = tpu.memref_squeeze %get3A_1409 : memref<1x64xf32, #tpu.memory_space<vmem>> -> memref<64xf32, #tpu.memory_space<vmem>>
        %get3A_1411 = arith.constant 0 : index
        %get3A_1412 = tpu.vector_load %get3A_1410[%get3A_1411] {strides = array<i32>} : memref<64xf32, #tpu.memory_space<vmem>>, vector<16xf32>,
        %add3A_1413 = arith.constant 0 : i32
        %add3A_1414 = arith.addi %mul3A_732, %add3A_1413 : i32
        %swap3A = arith.index_cast %add3A_1414 : i32 to index
        %swap3A_1415 = tpu.vector_load %arg8[%swap3A] {strides = array<i32>} : memref<32768xf32, #tpu.memory_space<vmem>>, vector<16xf32>,
        tpu.vector_store %arg8[%swap3A], %get3A_1412 {strides = array<i32>} : memref<32768xf32, #tpu.memory_space<vmem>>, vector<16xf32>,
        %get3A_1416 = arith.constant 0 : i32
        %get3A_1417 = arith.constant 0 : i32
        %get3A_1418 = tpu.memref_slice %arg9[%get3A_1416, %get3A_1417] : memref<1x64xf32, #tpu.memory_space<vmem>> -> memref<1x64xf32, #tpu.memory_space<vmem>>
        %get3A_1419 = tpu.memref_squeeze %get3A_1418 : memref<1x64xf32, #tpu.memory_space<vmem>> -> memref<64xf32, #tpu.memory_space<vmem>>
        %get3A_1420 = arith.constant 16 : index
        %get3A_1421 = tpu.vector_load %get3A_1419[%get3A_1420] {strides = array<i32>} : memref<64xf32, #tpu.memory_space<vmem>>, vector<16xf32>,
        %add3A_1422 = arith.constant 16 : i32
        %add3A_1423 = arith.addi %mul3A_732, %add3A_1422 : i32
        %swap3A_1424 = arith.index_cast %add3A_1423 : i32 to index
        %swap3A_1425 = tpu.vector_load %arg8[%swap3A_1424] {strides = array<i32>} : memref<32768xf32, #tpu.memory_space<vmem>>, vector<16xf32>,
        tpu.vector_store %arg8[%swap3A_1424], %get3A_1421 {strides = array<i32>} : memref<32768xf32, #tpu.memory_space<vmem>>, vector<16xf32>,
        %get3A_1426 = arith.constant 0 : i32
        %get3A_1427 = arith.constant 0 : i32
        %get3A_1428 = tpu.memref_slice %arg9[%get3A_1426, %get3A_1427] : memref<1x64xf32, #tpu.memory_space<vmem>> -> memref<1x64xf32, #tpu.memory_space<vmem>>
        %get3A_1429 = tpu.memref_squeeze %get3A_1428 : memref<1x64xf32, #tpu.memory_space<vmem>> -> memref<64xf32, #tpu.memory_space<vmem>>
        %get3A_1430 = arith.constant 32 : index
        %get3A_1431 = tpu.vector_load %get3A_1429[%get3A_1430] {strides = array<i32>} : memref<64xf32, #tpu.memory_space<vmem>>, vector<16xf32>,
        %add3A_1432 = arith.constant 32 : i32
        %add3A_1433 = arith.addi %mul3A_732, %add3A_1432 : i32
        %swap3A_1434 = arith.index_cast %add3A_1433 : i32 to index
        %swap3A_1435 = tpu.vector_load %arg8[%swap3A_1434] {strides = array<i32>} : memref<32768xf32, #tpu.memory_space<vmem>>, vector<16xf32>,
        tpu.vector_store %arg8[%swap3A_1434], %get3A_1431 {strides = array<i32>} : memref<32768xf32, #tpu.memory_space<vmem>>, vector<16xf32>,
        %get3A_1436 = arith.constant 0 : i32
        %get3A_1437 = arith.constant 0 : i32
        %get3A_1438 = tpu.memref_slice %arg9[%get3A_1436, %get3A_1437] : memref<1x64xf32, #tpu.memory_space<vmem>> -> memref<1x64xf32, #tpu.memory_space<vmem>>
        %get3A_1439 = tpu.memref_squeeze %get3A_1438 : memref<1x64xf32, #tpu.memory_space<vmem>> -> memref<64xf32, #tpu.memory_space<vmem>>
        %get3A_1440 = arith.constant 48 : index
        %get3A_1441 = tpu.vector_load %get3A_1439[%get3A_1440] {strides = array<i32>} : memref<64xf32, #tpu.memory_space<vmem>>, vector<16xf32>,
        %add3A_1442 = arith.constant 48 : i32
        %add3A_1443 = arith.addi %mul3A_732, %add3A_1442 : i32
        %swap3A_1444 = arith.index_cast %add3A_1443 : i32 to index
        %swap3A_1445 = tpu.vector_load %arg8[%swap3A_1444] {strides = array<i32>} : memref<32768xf32, #tpu.memory_space<vmem>>, vector<16xf32>,
        tpu.vector_store %arg8[%swap3A_1444], %get3A_1441 {strides = array<i32>} : memref<32768xf32, #tpu.memory_space<vmem>>, vector<16xf32>,
      } else {
      }
      %slice3A_743 = vector.extract_strided_slice %get3A_348 {offsets = [7], sizes = [1], strides = [1]} : vector<16xi32> to vector<1xi32>
      %squeeze3A_744 = vector.extract %slice3A_743[0] : i32 from vector<1xi32>
      %and3A_745 = arith.constant 127 : i32
      %and3A_746 = arith.andi %squeeze3A_744, %and3A_745 : i32
      %broadcast_in_dim3A_747 = vector.broadcast %and3A_746 : i32 to vector<16xi32>
      %mul3A_748 = arith.constant 16 : i32
      %mul3A_749 = arith.muli %scan3A_344, %mul3A_748 : i32
      %add3A_750 = arith.constant 4 : i32
      %add3A_751 = arith.addi %mul3A_749, %add3A_750 : i32
      %add3A_752 = arith.constant 3 : i32
      %add3A_753 = arith.addi %add3A_751, %add3A_752 : i32
      %mul3A_754 = arith.constant 64 : i32
      %mul3A_755 = arith.muli %add3A_753, %mul3A_754 : i32
      %lt3A_756 = arith.constant 999936 : i32
      %lt3A_757 = arith.cmpi slt, %squeeze3A_744, %lt3A_756 : i32
      %convert_element_type3A_758 = arith.extui %lt3A_757 : i1 to i32
      %cond3A_759 = arith.constant 0 : i32
      %cond3A_760 = arith.cmpi ne, %convert_element_type3A_758, %cond3A_759 : i32
      scf.if %cond3A_760 {
        %iota3A = tpu.iota {dimensions = array<i32: 0>} : vector<16xi32>
        %add3A_1406 = arith.constant 0 : i32
        %add3A_1407 = vector.broadcast %add3A_1406 : i32 to vector<16xi32>
        %add3A_1408 = arith.addi %iota3A, %add3A_1407 : vector<16xi32>
        %gather3A = arith.constant 7 : i32
        %gather3A_1409 = arith.constant 0 : i32
        %gather3A_1410 = arith.constant 0 : i32
        %gather3A_1411 = tpu.memref_slice %arg7[%gather3A, %gather3A_1409, %gather3A_1410] : memref<8x64x128xf32, #tpu.memory_space<vmem>> -> memref<1x64x128xf32, #tpu.memory_space<vmem>>
        %gather3A_1412 = tpu.memref_squeeze %gather3A_1411 : memref<1x64x128xf32, #tpu.memory_space<vmem>> -> memref<64x128xf32, #tpu.memory_space<vmem>>
        %gather3A_1413 = tpu.vector_load_idx %gather3A_1412[%add3A_1408, %broadcast_in_dim3A_747] : memref<64x128xf32, #tpu.memory_space<vmem>>[vector<16xi32>, vector<16xi32>], vector<16xf32>,
        %add3A_1414 = arith.constant 0 : i32
        %add3A_1415 = arith.addi %mul3A_755, %add3A_1414 : i32
        %swap3A = arith.index_cast %add3A_1415 : i32 to index
        %swap3A_1416 = tpu.vector_load %arg8[%swap3A] {strides = array<i32>} : memref<32768xf32, #tpu.memory_space<vmem>>, vector<16xf32>,
        tpu.vector_store %arg8[%swap3A], %gather3A_1413 {strides = array<i32>} : memref<32768xf32, #tpu.memory_space<vmem>>, vector<16xf32>,
        %iota3A_1417 = tpu.iota {dimensions = array<i32: 0>} : vector<16xi32>
        %add3A_1418 = arith.constant 16 : i32
        %add3A_1419 = vector.broadcast %add3A_1418 : i32 to vector<16xi32>
        %add3A_1420 = arith.addi %iota3A_1417, %add3A_1419 : vector<16xi32>
        %gather3A_1421 = arith.constant 7 : i32
        %gather3A_1422 = arith.constant 0 : i32
        %gather3A_1423 = arith.constant 0 : i32
        %gather3A_1424 = tpu.memref_slice %arg7[%gather3A_1421, %gather3A_1422, %gather3A_1423] : memref<8x64x128xf32, #tpu.memory_space<vmem>> -> memref<1x64x128xf32, #tpu.memory_space<vmem>>
        %gather3A_1425 = tpu.memref_squeeze %gather3A_1424 : memref<1x64x128xf32, #tpu.memory_space<vmem>> -> memref<64x128xf32, #tpu.memory_space<vmem>>
        %gather3A_1426 = tpu.vector_load_idx %gather3A_1425[%add3A_1420, %broadcast_in_dim3A_747] : memref<64x128xf32, #tpu.memory_space<vmem>>[vector<16xi32>, vector<16xi32>], vector<16xf32>,
        %add3A_1427 = arith.constant 16 : i32
        %add3A_1428 = arith.addi %mul3A_755, %add3A_1427 : i32
        %swap3A_1429 = arith.index_cast %add3A_1428 : i32 to index
        %swap3A_1430 = tpu.vector_load %arg8[%swap3A_1429] {strides = array<i32>} : memref<32768xf32, #tpu.memory_space<vmem>>, vector<16xf32>,
        tpu.vector_store %arg8[%swap3A_1429], %gather3A_1426 {strides = array<i32>} : memref<32768xf32, #tpu.memory_space<vmem>>, vector<16xf32>,
        %iota3A_1431 = tpu.iota {dimensions = array<i32: 0>} : vector<16xi32>
        %add3A_1432 = arith.constant 32 : i32
        %add3A_1433 = vector.broadcast %add3A_1432 : i32 to vector<16xi32>
        %add3A_1434 = arith.addi %iota3A_1431, %add3A_1433 : vector<16xi32>
        %gather3A_1435 = arith.constant 7 : i32
        %gather3A_1436 = arith.constant 0 : i32
        %gather3A_1437 = arith.constant 0 : i32
        %gather3A_1438 = tpu.memref_slice %arg7[%gather3A_1435, %gather3A_1436, %gather3A_1437] : memref<8x64x128xf32, #tpu.memory_space<vmem>> -> memref<1x64x128xf32, #tpu.memory_space<vmem>>
        %gather3A_1439 = tpu.memref_squeeze %gather3A_1438 : memref<1x64x128xf32, #tpu.memory_space<vmem>> -> memref<64x128xf32, #tpu.memory_space<vmem>>
        %gather3A_1440 = tpu.vector_load_idx %gather3A_1439[%add3A_1434, %broadcast_in_dim3A_747] : memref<64x128xf32, #tpu.memory_space<vmem>>[vector<16xi32>, vector<16xi32>], vector<16xf32>,
        %add3A_1441 = arith.constant 32 : i32
        %add3A_1442 = arith.addi %mul3A_755, %add3A_1441 : i32
        %swap3A_1443 = arith.index_cast %add3A_1442 : i32 to index
        %swap3A_1444 = tpu.vector_load %arg8[%swap3A_1443] {strides = array<i32>} : memref<32768xf32, #tpu.memory_space<vmem>>, vector<16xf32>,
        tpu.vector_store %arg8[%swap3A_1443], %gather3A_1440 {strides = array<i32>} : memref<32768xf32, #tpu.memory_space<vmem>>, vector<16xf32>,
        %iota3A_1445 = tpu.iota {dimensions = array<i32: 0>} : vector<16xi32>
        %add3A_1446 = arith.constant 48 : i32
        %add3A_1447 = vector.broadcast %add3A_1446 : i32 to vector<16xi32>
        %add3A_1448 = arith.addi %iota3A_1445, %add3A_1447 : vector<16xi32>
        %gather3A_1449 = arith.constant 7 : i32
        %gather3A_1450 = arith.constant 0 : i32
        %gather3A_1451 = arith.constant 0 : i32
        %gather3A_1452 = tpu.memref_slice %arg7[%gather3A_1449, %gather3A_1450, %gather3A_1451] : memref<8x64x128xf32, #tpu.memory_space<vmem>> -> memref<1x64x128xf32, #tpu.memory_space<vmem>>
        %gather3A_1453 = tpu.memref_squeeze %gather3A_1452 : memref<1x64x128xf32, #tpu.memory_space<vmem>> -> memref<64x128xf32, #tpu.memory_space<vmem>>
        %gather3A_1454 = tpu.vector_load_idx %gather3A_1453[%add3A_1448, %broadcast_in_dim3A_747] : memref<64x128xf32, #tpu.memory_space<vmem>>[vector<16xi32>, vector<16xi32>], vector<16xf32>,
        %add3A_1455 = arith.constant 48 : i32
        %add3A_1456 = arith.addi %mul3A_755, %add3A_1455 : i32
        %swap3A_1457 = arith.index_cast %add3A_1456 : i32 to index
        %swap3A_1458 = tpu.vector_load %arg8[%swap3A_1457] {strides = array<i32>} : memref<32768xf32, #tpu.memory_space<vmem>>, vector<16xf32>,
        tpu.vector_store %arg8[%swap3A_1457], %gather3A_1454 {strides = array<i32>} : memref<32768xf32, #tpu.memory_space<vmem>>, vector<16xf32>,
      } else {
      }
      %ge3A_761 = arith.constant 999936 : i32
      %ge3A_762 = arith.cmpi sge, %squeeze3A_744, %ge3A_761 : i32
      %convert_element_type3A_763 = arith.extui %ge3A_762 : i1 to i32
      %cond3A_764 = arith.constant 0 : i32
      %cond3A_765 = arith.cmpi ne, %convert_element_type3A_763, %cond3A_764 : i32
      scf.if %cond3A_765 {
        %sub3A = arith.constant 999936 : i32
        %sub3A_1406 = arith.subi %squeeze3A_744, %sub3A : i32
        "tpu.region"() ({
          %run_scoped3A = tpu.sem_alloc : memref<!tpu.dma_semaphore, #tpu.memory_space<semaphore_mem>>
          %dma_start3A_1446 = arith.constant 0 : i32
          %dma_start3A_1447 = tpu.memref_slice %arg4[%sub3A_1406, %dma_start3A_1446] : memref<65x64xf32, #tpu.memory_space<hbm>> -> memref<1x64xf32, #tpu.memory_space<hbm>>
          %dma_start3A_1448 = arith.constant 0 : i32
          %dma_start3A_1449 = tpu.memref_slice %arg4[%sub3A_1406, %dma_start3A_1448] : memref<65x64xf32, #tpu.memory_space<hbm>> -> memref<1x64xf32, #tpu.memory_space<hbm>>
          tpu.enqueue_dma source(%dma_start3A_1449 : memref<1x64xf32, #tpu.memory_space<hbm>>) target(%arg9 : memref<1x64xf32, #tpu.memory_space<vmem>>) target_semaphore(%run_scoped3A : memref<!tpu.dma_semaphore, #tpu.memory_space<semaphore_mem>>)
          %dma_wait3A_1450 = arith.constant 0 : i32
          %dma_wait3A_1451 = tpu.memref_slice %arg4[%sub3A_1406, %dma_wait3A_1450] : memref<65x64xf32, #tpu.memory_space<hbm>> -> memref<1x64xf32, #tpu.memory_space<hbm>>
          %dma_wait3A_1452 = arith.constant 0 : i32
          %dma_wait3A_1453 = tpu.memref_slice %arg4[%sub3A_1406, %dma_wait3A_1452] : memref<65x64xf32, #tpu.memory_space<hbm>> -> memref<1x64xf32, #tpu.memory_space<hbm>>
          tpu.wait_dma2 semaphore(%run_scoped3A : memref<!tpu.dma_semaphore, #tpu.memory_space<semaphore_mem>>) src(%dma_wait3A_1453 : memref<1x64xf32, #tpu.memory_space<hbm>>) dst(%arg9 : memref<1x64xf32, #tpu.memory_space<vmem>>)
          tpu.yield
        }) : () -> ()
        %get3A_1407 = arith.constant 0 : i32
        %get3A_1408 = arith.constant 0 : i32
        %get3A_1409 = tpu.memref_slice %arg9[%get3A_1407, %get3A_1408] : memref<1x64xf32, #tpu.memory_space<vmem>> -> memref<1x64xf32, #tpu.memory_space<vmem>>
        %get3A_1410 = tpu.memref_squeeze %get3A_1409 : memref<1x64xf32, #tpu.memory_space<vmem>> -> memref<64xf32, #tpu.memory_space<vmem>>
        %get3A_1411 = arith.constant 0 : index
        %get3A_1412 = tpu.vector_load %get3A_1410[%get3A_1411] {strides = array<i32>} : memref<64xf32, #tpu.memory_space<vmem>>, vector<16xf32>,
        %add3A_1413 = arith.constant 0 : i32
        %add3A_1414 = arith.addi %mul3A_755, %add3A_1413 : i32
        %swap3A = arith.index_cast %add3A_1414 : i32 to index
        %swap3A_1415 = tpu.vector_load %arg8[%swap3A] {strides = array<i32>} : memref<32768xf32, #tpu.memory_space<vmem>>, vector<16xf32>,
        tpu.vector_store %arg8[%swap3A], %get3A_1412 {strides = array<i32>} : memref<32768xf32, #tpu.memory_space<vmem>>, vector<16xf32>,
        %get3A_1416 = arith.constant 0 : i32
        %get3A_1417 = arith.constant 0 : i32
        %get3A_1418 = tpu.memref_slice %arg9[%get3A_1416, %get3A_1417] : memref<1x64xf32, #tpu.memory_space<vmem>> -> memref<1x64xf32, #tpu.memory_space<vmem>>
        %get3A_1419 = tpu.memref_squeeze %get3A_1418 : memref<1x64xf32, #tpu.memory_space<vmem>> -> memref<64xf32, #tpu.memory_space<vmem>>
        %get3A_1420 = arith.constant 16 : index
        %get3A_1421 = tpu.vector_load %get3A_1419[%get3A_1420] {strides = array<i32>} : memref<64xf32, #tpu.memory_space<vmem>>, vector<16xf32>,
        %add3A_1422 = arith.constant 16 : i32
        %add3A_1423 = arith.addi %mul3A_755, %add3A_1422 : i32
        %swap3A_1424 = arith.index_cast %add3A_1423 : i32 to index
        %swap3A_1425 = tpu.vector_load %arg8[%swap3A_1424] {strides = array<i32>} : memref<32768xf32, #tpu.memory_space<vmem>>, vector<16xf32>,
        tpu.vector_store %arg8[%swap3A_1424], %get3A_1421 {strides = array<i32>} : memref<32768xf32, #tpu.memory_space<vmem>>, vector<16xf32>,
        %get3A_1426 = arith.constant 0 : i32
        %get3A_1427 = arith.constant 0 : i32
        %get3A_1428 = tpu.memref_slice %arg9[%get3A_1426, %get3A_1427] : memref<1x64xf32, #tpu.memory_space<vmem>> -> memref<1x64xf32, #tpu.memory_space<vmem>>
        %get3A_1429 = tpu.memref_squeeze %get3A_1428 : memref<1x64xf32, #tpu.memory_space<vmem>> -> memref<64xf32, #tpu.memory_space<vmem>>
        %get3A_1430 = arith.constant 32 : index
        %get3A_1431 = tpu.vector_load %get3A_1429[%get3A_1430] {strides = array<i32>} : memref<64xf32, #tpu.memory_space<vmem>>, vector<16xf32>,
        %add3A_1432 = arith.constant 32 : i32
        %add3A_1433 = arith.addi %mul3A_755, %add3A_1432 : i32
        %swap3A_1434 = arith.index_cast %add3A_1433 : i32 to index
        %swap3A_1435 = tpu.vector_load %arg8[%swap3A_1434] {strides = array<i32>} : memref<32768xf32, #tpu.memory_space<vmem>>, vector<16xf32>,
        tpu.vector_store %arg8[%swap3A_1434], %get3A_1431 {strides = array<i32>} : memref<32768xf32, #tpu.memory_space<vmem>>, vector<16xf32>,
        %get3A_1436 = arith.constant 0 : i32
        %get3A_1437 = arith.constant 0 : i32
        %get3A_1438 = tpu.memref_slice %arg9[%get3A_1436, %get3A_1437] : memref<1x64xf32, #tpu.memory_space<vmem>> -> memref<1x64xf32, #tpu.memory_space<vmem>>
        %get3A_1439 = tpu.memref_squeeze %get3A_1438 : memref<1x64xf32, #tpu.memory_space<vmem>> -> memref<64xf32, #tpu.memory_space<vmem>>
        %get3A_1440 = arith.constant 48 : index
        %get3A_1441 = tpu.vector_load %get3A_1439[%get3A_1440] {strides = array<i32>} : memref<64xf32, #tpu.memory_space<vmem>>, vector<16xf32>,
        %add3A_1442 = arith.constant 48 : i32
        %add3A_1443 = arith.addi %mul3A_755, %add3A_1442 : i32
        %swap3A_1444 = arith.index_cast %add3A_1443 : i32 to index
        %swap3A_1445 = tpu.vector_load %arg8[%swap3A_1444] {strides = array<i32>} : memref<32768xf32, #tpu.memory_space<vmem>>, vector<16xf32>,
        tpu.vector_store %arg8[%swap3A_1444], %get3A_1441 {strides = array<i32>} : memref<32768xf32, #tpu.memory_space<vmem>>, vector<16xf32>,
      } else {
      }
      %slice3A_766 = vector.extract_strided_slice %get3A_348 {offsets = [12], sizes = [1], strides = [1]} : vector<16xi32> to vector<1xi32>
      %squeeze3A_767 = vector.extract %slice3A_766[0] : i32 from vector<1xi32>
      %ge3A_768 = arith.constant 999936 : i32
      %ge3A_769 = arith.cmpi sge, %squeeze3A_767, %ge3A_768 : i32
      %shift_right_arithmetic3A_770 = arith.constant 7 : i32
      %shift_right_arithmetic3A_771 = arith.shrsi %squeeze3A_767, %shift_right_arithmetic3A_770 : i32
      %jit3A_772 = arith.constant 0 : i32
      %select_n3A_773 = arith.select %ge3A_769, %jit3A_772, %shift_right_arithmetic3A_771 : i32
      %jit3A_774 = arith.constant 0 : i32
      %jit3A_775 = arith.constant 7811 : i32
      %max3A_776 = arith.maxsi %jit3A_774, %select_n3A_773 : i32
      %min3A_777 = arith.minsi %jit3A_775, %max3A_776 : i32
      %mul3A_778 = arith.constant 128 : i32
      %mul3A_779 = arith.muli %min3A_777, %mul3A_778 : i32
      %multiple_of3A_780 = tpu.assume_multiple %mul3A_779, 128 : i32
      %dma_start3A_781 = arith.constant 4 : i32
      %dma_start3A_782 = arith.constant 0 : i32
      %dma_start3A_783 = arith.constant 0 : i32
      %dma_start3A_784 = tpu.memref_slice %arg7[%dma_start3A_781, %dma_start3A_782, %dma_start3A_783] : memref<8x64x128xf32, #tpu.memory_space<vmem>> -> memref<1x64x128xf32, #tpu.memory_space<vmem>>
      %dma_start3A_785 = tpu.memref_squeeze %dma_start3A_784 : memref<1x64x128xf32, #tpu.memory_space<vmem>> -> memref<64x128xf32, #tpu.memory_space<vmem>>
      %dma_start3A_786 = arith.constant 0 : i32
      %dma_start3A_787 = tpu.memref_slice %arg3[%dma_start3A_786, %multiple_of3A_780] : memref<64x1000001xf32, #tpu.memory_space<hbm>> -> memref<64x128xf32, #tpu.memory_space<hbm>>
      %dma_start3A_788 = arith.constant 0 : i32
      %dma_start3A_789 = arith.constant 0 : i32
      %dma_start3A_790 = tpu.memref_slice %arg7[%dma_start3A_781, %dma_start3A_788, %dma_start3A_789] : memref<8x64x128xf32, #tpu.memory_space<vmem>> -> memref<1x64x128xf32, #tpu.memory_space<vmem>>
      %dma_start3A_791 = tpu.memref_squeeze %dma_start3A_790 : memref<1x64x128xf32, #tpu.memory_space<vmem>> -> memref<64x128xf32, #tpu.memory_space<vmem>>
      %dma_start3A_792 = arith.constant 0 : i32
      %dma_start3A_793 = tpu.memref_slice %arg3[%dma_start3A_792, %multiple_of3A_780] : memref<64x1000001xf32, #tpu.memory_space<hbm>> -> memref<64x128xf32, #tpu.memory_space<hbm>>
      tpu.enqueue_dma source(%dma_start3A_793 : memref<64x128xf32, #tpu.memory_space<hbm>>) target(%dma_start3A_791 : memref<64x128xf32, #tpu.memory_space<vmem>>) target_semaphore(%arg11 : memref<!tpu.dma_semaphore, #tpu.memory_space<semaphore_mem>>)
      %slice3A_794 = vector.extract_strided_slice %get3A_348 {offsets = [13], sizes = [1], strides = [1]} : vector<16xi32> to vector<1xi32>
      %squeeze3A_795 = vector.extract %slice3A_794[0] : i32 from vector<1xi32>
      %ge3A_796 = arith.constant 999936 : i32
      %ge3A_797 = arith.cmpi sge, %squeeze3A_795, %ge3A_796 : i32
      %shift_right_arithmetic3A_798 = arith.constant 7 : i32
      %shift_right_arithmetic3A_799 = arith.shrsi %squeeze3A_795, %shift_right_arithmetic3A_798 : i32
      %jit3A_800 = arith.constant 0 : i32
      %select_n3A_801 = arith.select %ge3A_797, %jit3A_800, %shift_right_arithmetic3A_799 : i32
      %jit3A_802 = arith.constant 0 : i32
      %jit3A_803 = arith.constant 7811 : i32
      %max3A_804 = arith.maxsi %jit3A_802, %select_n3A_801 : i32
      %min3A_805 = arith.minsi %jit3A_803, %max3A_804 : i32
      %mul3A_806 = arith.constant 128 : i32
      %mul3A_807 = arith.muli %min3A_805, %mul3A_806 : i32
      %multiple_of3A_808 = tpu.assume_multiple %mul3A_807, 128 : i32
      %dma_start3A_809 = arith.constant 5 : i32
      %dma_start3A_810 = arith.constant 0 : i32
      %dma_start3A_811 = arith.constant 0 : i32
      %dma_start3A_812 = tpu.memref_slice %arg7[%dma_start3A_809, %dma_start3A_810, %dma_start3A_811] : memref<8x64x128xf32, #tpu.memory_space<vmem>> -> memref<1x64x128xf32, #tpu.memory_space<vmem>>
      %dma_start3A_813 = tpu.memref_squeeze %dma_start3A_812 : memref<1x64x128xf32, #tpu.memory_space<vmem>> -> memref<64x128xf32, #tpu.memory_space<vmem>>
      %dma_start3A_814 = arith.constant 0 : i32
      %dma_start3A_815 = tpu.memref_slice %arg3[%dma_start3A_814, %multiple_of3A_808] : memref<64x1000001xf32, #tpu.memory_space<hbm>> -> memref<64x128xf32, #tpu.memory_space<hbm>>
      %dma_start3A_816 = arith.constant 0 : i32
      %dma_start3A_817 = arith.constant 0 : i32
      %dma_start3A_818 = tpu.memref_slice %arg7[%dma_start3A_809, %dma_start3A_816, %dma_start3A_817] : memref<8x64x128xf32, #tpu.memory_space<vmem>> -> memref<1x64x128xf32, #tpu.memory_space<vmem>>
      %dma_start3A_819 = tpu.memref_squeeze %dma_start3A_818 : memref<1x64x128xf32, #tpu.memory_space<vmem>> -> memref<64x128xf32, #tpu.memory_space<vmem>>
      %dma_start3A_820 = arith.constant 0 : i32
      %dma_start3A_821 = tpu.memref_slice %arg3[%dma_start3A_820, %multiple_of3A_808] : memref<64x1000001xf32, #tpu.memory_space<hbm>> -> memref<64x128xf32, #tpu.memory_space<hbm>>
      tpu.enqueue_dma source(%dma_start3A_821 : memref<64x128xf32, #tpu.memory_space<hbm>>) target(%dma_start3A_819 : memref<64x128xf32, #tpu.memory_space<vmem>>) target_semaphore(%arg11 : memref<!tpu.dma_semaphore, #tpu.memory_space<semaphore_mem>>)
      %slice3A_822 = vector.extract_strided_slice %get3A_348 {offsets = [14], sizes = [1], strides = [1]} : vector<16xi32> to vector<1xi32>
      %squeeze3A_823 = vector.extract %slice3A_822[0] : i32 from vector<1xi32>
      %ge3A_824 = arith.constant 999936 : i32
      %ge3A_825 = arith.cmpi sge, %squeeze3A_823, %ge3A_824 : i32
      %shift_right_arithmetic3A_826 = arith.constant 7 : i32
      %shift_right_arithmetic3A_827 = arith.shrsi %squeeze3A_823, %shift_right_arithmetic3A_826 : i32
      %jit3A_828 = arith.constant 0 : i32
      %select_n3A_829 = arith.select %ge3A_825, %jit3A_828, %shift_right_arithmetic3A_827 : i32
      %jit3A_830 = arith.constant 0 : i32
      %jit3A_831 = arith.constant 7811 : i32
      %max3A_832 = arith.maxsi %jit3A_830, %select_n3A_829 : i32
      %min3A_833 = arith.minsi %jit3A_831, %max3A_832 : i32
      %mul3A_834 = arith.constant 128 : i32
      %mul3A_835 = arith.muli %min3A_833, %mul3A_834 : i32
      %multiple_of3A_836 = tpu.assume_multiple %mul3A_835, 128 : i32
      %dma_start3A_837 = arith.constant 6 : i32
      %dma_start3A_838 = arith.constant 0 : i32
      %dma_start3A_839 = arith.constant 0 : i32
      %dma_start3A_840 = tpu.memref_slice %arg7[%dma_start3A_837, %dma_start3A_838, %dma_start3A_839] : memref<8x64x128xf32, #tpu.memory_space<vmem>> -> memref<1x64x128xf32, #tpu.memory_space<vmem>>
      %dma_start3A_841 = tpu.memref_squeeze %dma_start3A_840 : memref<1x64x128xf32, #tpu.memory_space<vmem>> -> memref<64x128xf32, #tpu.memory_space<vmem>>
      %dma_start3A_842 = arith.constant 0 : i32
      %dma_start3A_843 = tpu.memref_slice %arg3[%dma_start3A_842, %multiple_of3A_836] : memref<64x1000001xf32, #tpu.memory_space<hbm>> -> memref<64x128xf32, #tpu.memory_space<hbm>>
      %dma_start3A_844 = arith.constant 0 : i32
      %dma_start3A_845 = arith.constant 0 : i32
      %dma_start3A_846 = tpu.memref_slice %arg7[%dma_start3A_837, %dma_start3A_844, %dma_start3A_845] : memref<8x64x128xf32, #tpu.memory_space<vmem>> -> memref<1x64x128xf32, #tpu.memory_space<vmem>>
      %dma_start3A_847 = tpu.memref_squeeze %dma_start3A_846 : memref<1x64x128xf32, #tpu.memory_space<vmem>> -> memref<64x128xf32, #tpu.memory_space<vmem>>
      %dma_start3A_848 = arith.constant 0 : i32
      %dma_start3A_849 = tpu.memref_slice %arg3[%dma_start3A_848, %multiple_of3A_836] : memref<64x1000001xf32, #tpu.memory_space<hbm>> -> memref<64x128xf32, #tpu.memory_space<hbm>>
      tpu.enqueue_dma source(%dma_start3A_849 : memref<64x128xf32, #tpu.memory_space<hbm>>) target(%dma_start3A_847 : memref<64x128xf32, #tpu.memory_space<vmem>>) target_semaphore(%arg11 : memref<!tpu.dma_semaphore, #tpu.memory_space<semaphore_mem>>)
      %slice3A_850 = vector.extract_strided_slice %get3A_348 {offsets = [15], sizes = [1], strides = [1]} : vector<16xi32> to vector<1xi32>
      %squeeze3A_851 = vector.extract %slice3A_850[0] : i32 from vector<1xi32>
      %ge3A_852 = arith.constant 999936 : i32
      %ge3A_853 = arith.cmpi sge, %squeeze3A_851, %ge3A_852 : i32
      %shift_right_arithmetic3A_854 = arith.constant 7 : i32
      %shift_right_arithmetic3A_855 = arith.shrsi %squeeze3A_851, %shift_right_arithmetic3A_854 : i32
      %jit3A_856 = arith.constant 0 : i32
      %select_n3A_857 = arith.select %ge3A_853, %jit3A_856, %shift_right_arithmetic3A_855 : i32
      %jit3A_858 = arith.constant 0 : i32
      %jit3A_859 = arith.constant 7811 : i32
      %max3A_860 = arith.maxsi %jit3A_858, %select_n3A_857 : i32
      %min3A_861 = arith.minsi %jit3A_859, %max3A_860 : i32
      %mul3A_862 = arith.constant 128 : i32
      %mul3A_863 = arith.muli %min3A_861, %mul3A_862 : i32
      %multiple_of3A_864 = tpu.assume_multiple %mul3A_863, 128 : i32
      %dma_start3A_865 = arith.constant 7 : i32
      %dma_start3A_866 = arith.constant 0 : i32
      %dma_start3A_867 = arith.constant 0 : i32
      %dma_start3A_868 = tpu.memref_slice %arg7[%dma_start3A_865, %dma_start3A_866, %dma_start3A_867] : memref<8x64x128xf32, #tpu.memory_space<vmem>> -> memref<1x64x128xf32, #tpu.memory_space<vmem>>
      %dma_start3A_869 = tpu.memref_squeeze %dma_start3A_868 : memref<1x64x128xf32, #tpu.memory_space<vmem>> -> memref<64x128xf32, #tpu.memory_space<vmem>>
      %dma_start3A_870 = arith.constant 0 : i32
      %dma_start3A_871 = tpu.memref_slice %arg3[%dma_start3A_870, %multiple_of3A_864] : memref<64x1000001xf32, #tpu.memory_space<hbm>> -> memref<64x128xf32, #tpu.memory_space<hbm>>
      %dma_start3A_872 = arith.constant 0 : i32
      %dma_start3A_873 = arith.constant 0 : i32
      %dma_start3A_874 = tpu.memref_slice %arg7[%dma_start3A_865, %dma_start3A_872, %dma_start3A_873] : memref<8x64x128xf32, #tpu.memory_space<vmem>> -> memref<1x64x128xf32, #tpu.memory_space<vmem>>
      %dma_start3A_875 = tpu.memref_squeeze %dma_start3A_874 : memref<1x64x128xf32, #tpu.memory_space<vmem>> -> memref<64x128xf32, #tpu.memory_space<vmem>>
      %dma_start3A_876 = arith.constant 0 : i32
      %dma_start3A_877 = tpu.memref_slice %arg3[%dma_start3A_876, %multiple_of3A_864] : memref<64x1000001xf32, #tpu.memory_space<hbm>> -> memref<64x128xf32, #tpu.memory_space<hbm>>
      tpu.enqueue_dma source(%dma_start3A_877 : memref<64x128xf32, #tpu.memory_space<hbm>>) target(%dma_start3A_875 : memref<64x128xf32, #tpu.memory_space<vmem>>) target_semaphore(%arg11 : memref<!tpu.dma_semaphore, #tpu.memory_space<semaphore_mem>>)
      %dma_wait3A_878 = arith.constant 0 : i32
      %dma_wait3A_879 = arith.constant 0 : i32
      %dma_wait3A_880 = arith.constant 0 : i32
      %dma_wait3A_881 = tpu.memref_slice %arg7[%dma_wait3A_878, %dma_wait3A_879, %dma_wait3A_880] : memref<8x64x128xf32, #tpu.memory_space<vmem>> -> memref<1x64x128xf32, #tpu.memory_space<vmem>>
      %dma_wait3A_882 = tpu.memref_squeeze %dma_wait3A_881 : memref<1x64x128xf32, #tpu.memory_space<vmem>> -> memref<64x128xf32, #tpu.memory_space<vmem>>
      %dma_wait3A_883 = arith.constant 0 : i32
      %dma_wait3A_884 = arith.constant 0 : i32
      %dma_wait3A_885 = tpu.memref_slice %arg3[%dma_wait3A_883, %dma_wait3A_884] : memref<64x1000001xf32, #tpu.memory_space<hbm>> -> memref<64x128xf32, #tpu.memory_space<hbm>>
      %dma_wait3A_886 = arith.constant 0 : i32
      %dma_wait3A_887 = arith.constant 0 : i32
      %dma_wait3A_888 = tpu.memref_slice %arg7[%dma_wait3A_878, %dma_wait3A_886, %dma_wait3A_887] : memref<8x64x128xf32, #tpu.memory_space<vmem>> -> memref<1x64x128xf32, #tpu.memory_space<vmem>>
      %dma_wait3A_889 = tpu.memref_squeeze %dma_wait3A_888 : memref<1x64x128xf32, #tpu.memory_space<vmem>> -> memref<64x128xf32, #tpu.memory_space<vmem>>
      %dma_wait3A_890 = arith.constant 0 : i32
      %dma_wait3A_891 = arith.constant 0 : i32
      %dma_wait3A_892 = tpu.memref_slice %arg3[%dma_wait3A_890, %dma_wait3A_891] : memref<64x1000001xf32, #tpu.memory_space<hbm>> -> memref<64x128xf32, #tpu.memory_space<hbm>>
      tpu.wait_dma2 semaphore(%arg10 : memref<!tpu.dma_semaphore, #tpu.memory_space<semaphore_mem>>) src(%dma_wait3A_892 : memref<64x128xf32, #tpu.memory_space<hbm>>) dst(%dma_wait3A_889 : memref<64x128xf32, #tpu.memory_space<vmem>>)
      %dma_wait3A_893 = arith.constant 1 : i32
      %dma_wait3A_894 = arith.constant 0 : i32
      %dma_wait3A_895 = arith.constant 0 : i32
      %dma_wait3A_896 = tpu.memref_slice %arg7[%dma_wait3A_893, %dma_wait3A_894, %dma_wait3A_895] : memref<8x64x128xf32, #tpu.memory_space<vmem>> -> memref<1x64x128xf32, #tpu.memory_space<vmem>>
      %dma_wait3A_897 = tpu.memref_squeeze %dma_wait3A_896 : memref<1x64x128xf32, #tpu.memory_space<vmem>> -> memref<64x128xf32, #tpu.memory_space<vmem>>
      %dma_wait3A_898 = arith.constant 0 : i32
      %dma_wait3A_899 = arith.constant 0 : i32
      %dma_wait3A_900 = tpu.memref_slice %arg3[%dma_wait3A_898, %dma_wait3A_899] : memref<64x1000001xf32, #tpu.memory_space<hbm>> -> memref<64x128xf32, #tpu.memory_space<hbm>>
      %dma_wait3A_901 = arith.constant 0 : i32
      %dma_wait3A_902 = arith.constant 0 : i32
      %dma_wait3A_903 = tpu.memref_slice %arg7[%dma_wait3A_893, %dma_wait3A_901, %dma_wait3A_902] : memref<8x64x128xf32, #tpu.memory_space<vmem>> -> memref<1x64x128xf32, #tpu.memory_space<vmem>>
      %dma_wait3A_904 = tpu.memref_squeeze %dma_wait3A_903 : memref<1x64x128xf32, #tpu.memory_space<vmem>> -> memref<64x128xf32, #tpu.memory_space<vmem>>
      %dma_wait3A_905 = arith.constant 0 : i32
      %dma_wait3A_906 = arith.constant 0 : i32
      %dma_wait3A_907 = tpu.memref_slice %arg3[%dma_wait3A_905, %dma_wait3A_906] : memref<64x1000001xf32, #tpu.memory_space<hbm>> -> memref<64x128xf32, #tpu.memory_space<hbm>>
      tpu.wait_dma2 semaphore(%arg10 : memref<!tpu.dma_semaphore, #tpu.memory_space<semaphore_mem>>) src(%dma_wait3A_907 : memref<64x128xf32, #tpu.memory_space<hbm>>) dst(%dma_wait3A_904 : memref<64x128xf32, #tpu.memory_space<vmem>>)
      %dma_wait3A_908 = arith.constant 2 : i32
      %dma_wait3A_909 = arith.constant 0 : i32
      %dma_wait3A_910 = arith.constant 0 : i32
      %dma_wait3A_911 = tpu.memref_slice %arg7[%dma_wait3A_908, %dma_wait3A_909, %dma_wait3A_910] : memref<8x64x128xf32, #tpu.memory_space<vmem>> -> memref<1x64x128xf32, #tpu.memory_space<vmem>>
      %dma_wait3A_912 = tpu.memref_squeeze %dma_wait3A_911 : memref<1x64x128xf32, #tpu.memory_space<vmem>> -> memref<64x128xf32, #tpu.memory_space<vmem>>
      %dma_wait3A_913 = arith.constant 0 : i32
      %dma_wait3A_914 = arith.constant 0 : i32
      %dma_wait3A_915 = tpu.memref_slice %arg3[%dma_wait3A_913, %dma_wait3A_914] : memref<64x1000001xf32, #tpu.memory_space<hbm>> -> memref<64x128xf32, #tpu.memory_space<hbm>>
      %dma_wait3A_916 = arith.constant 0 : i32
      %dma_wait3A_917 = arith.constant 0 : i32
      %dma_wait3A_918 = tpu.memref_slice %arg7[%dma_wait3A_908, %dma_wait3A_916, %dma_wait3A_917] : memref<8x64x128xf32, #tpu.memory_space<vmem>> -> memref<1x64x128xf32, #tpu.memory_space<vmem>>
      %dma_wait3A_919 = tpu.memref_squeeze %dma_wait3A_918 : memref<1x64x128xf32, #tpu.memory_space<vmem>> -> memref<64x128xf32, #tpu.memory_space<vmem>>
      %dma_wait3A_920 = arith.constant 0 : i32
      %dma_wait3A_921 = arith.constant 0 : i32
      %dma_wait3A_922 = tpu.memref_slice %arg3[%dma_wait3A_920, %dma_wait3A_921] : memref<64x1000001xf32, #tpu.memory_space<hbm>> -> memref<64x128xf32, #tpu.memory_space<hbm>>
      tpu.wait_dma2 semaphore(%arg10 : memref<!tpu.dma_semaphore, #tpu.memory_space<semaphore_mem>>) src(%dma_wait3A_922 : memref<64x128xf32, #tpu.memory_space<hbm>>) dst(%dma_wait3A_919 : memref<64x128xf32, #tpu.memory_space<vmem>>)
      %dma_wait3A_923 = arith.constant 3 : i32
      %dma_wait3A_924 = arith.constant 0 : i32
      %dma_wait3A_925 = arith.constant 0 : i32
      %dma_wait3A_926 = tpu.memref_slice %arg7[%dma_wait3A_923, %dma_wait3A_924, %dma_wait3A_925] : memref<8x64x128xf32, #tpu.memory_space<vmem>> -> memref<1x64x128xf32, #tpu.memory_space<vmem>>
      %dma_wait3A_927 = tpu.memref_squeeze %dma_wait3A_926 : memref<1x64x128xf32, #tpu.memory_space<vmem>> -> memref<64x128xf32, #tpu.memory_space<vmem>>
      %dma_wait3A_928 = arith.constant 0 : i32
      %dma_wait3A_929 = arith.constant 0 : i32
      %dma_wait3A_930 = tpu.memref_slice %arg3[%dma_wait3A_928, %dma_wait3A_929] : memref<64x1000001xf32, #tpu.memory_space<hbm>> -> memref<64x128xf32, #tpu.memory_space<hbm>>
      %dma_wait3A_931 = arith.constant 0 : i32
      %dma_wait3A_932 = arith.constant 0 : i32
      %dma_wait3A_933 = tpu.memref_slice %arg7[%dma_wait3A_923, %dma_wait3A_931, %dma_wait3A_932] : memref<8x64x128xf32, #tpu.memory_space<vmem>> -> memref<1x64x128xf32, #tpu.memory_space<vmem>>
      %dma_wait3A_934 = tpu.memref_squeeze %dma_wait3A_933 : memref<1x64x128xf32, #tpu.memory_space<vmem>> -> memref<64x128xf32, #tpu.memory_space<vmem>>
      %dma_wait3A_935 = arith.constant 0 : i32
      %dma_wait3A_936 = arith.constant 0 : i32
      %dma_wait3A_937 = tpu.memref_slice %arg3[%dma_wait3A_935, %dma_wait3A_936] : memref<64x1000001xf32, #tpu.memory_space<hbm>> -> memref<64x128xf32, #tpu.memory_space<hbm>>
      tpu.wait_dma2 semaphore(%arg10 : memref<!tpu.dma_semaphore, #tpu.memory_space<semaphore_mem>>) src(%dma_wait3A_937 : memref<64x128xf32, #tpu.memory_space<hbm>>) dst(%dma_wait3A_934 : memref<64x128xf32, #tpu.memory_space<vmem>>)
      %slice3A_938 = vector.extract_strided_slice %get3A_348 {offsets = [8], sizes = [1], strides = [1]} : vector<16xi32> to vector<1xi32>
      %squeeze3A_939 = vector.extract %slice3A_938[0] : i32 from vector<1xi32>
      %and3A_940 = arith.constant 127 : i32
      %and3A_941 = arith.andi %squeeze3A_939, %and3A_940 : i32
      %broadcast_in_dim3A_942 = vector.broadcast %and3A_941 : i32 to vector<16xi32>
      %mul3A_943 = arith.constant 16 : i32
      %mul3A_944 = arith.muli %scan3A_344, %mul3A_943 : i32
      %add3A_945 = arith.constant 8 : i32
      %add3A_946 = arith.addi %mul3A_944, %add3A_945 : i32
      %add3A_947 = arith.constant 0 : i32
      %add3A_948 = arith.addi %add3A_946, %add3A_947 : i32
      %mul3A_949 = arith.constant 64 : i32
      %mul3A_950 = arith.muli %add3A_948, %mul3A_949 : i32
      %lt3A_951 = arith.constant 999936 : i32
      %lt3A_952 = arith.cmpi slt, %squeeze3A_939, %lt3A_951 : i32
      %convert_element_type3A_953 = arith.extui %lt3A_952 : i1 to i32
      %cond3A_954 = arith.constant 0 : i32
      %cond3A_955 = arith.cmpi ne, %convert_element_type3A_953, %cond3A_954 : i32
      scf.if %cond3A_955 {
        %iota3A = tpu.iota {dimensions = array<i32: 0>} : vector<16xi32>
        %add3A_1406 = arith.constant 0 : i32
        %add3A_1407 = vector.broadcast %add3A_1406 : i32 to vector<16xi32>
        %add3A_1408 = arith.addi %iota3A, %add3A_1407 : vector<16xi32>
        %gather3A = arith.constant 0 : i32
        %gather3A_1409 = arith.constant 0 : i32
        %gather3A_1410 = arith.constant 0 : i32
        %gather3A_1411 = tpu.memref_slice %arg7[%gather3A, %gather3A_1409, %gather3A_1410] : memref<8x64x128xf32, #tpu.memory_space<vmem>> -> memref<1x64x128xf32, #tpu.memory_space<vmem>>
        %gather3A_1412 = tpu.memref_squeeze %gather3A_1411 : memref<1x64x128xf32, #tpu.memory_space<vmem>> -> memref<64x128xf32, #tpu.memory_space<vmem>>
        %gather3A_1413 = tpu.vector_load_idx %gather3A_1412[%add3A_1408, %broadcast_in_dim3A_942] : memref<64x128xf32, #tpu.memory_space<vmem>>[vector<16xi32>, vector<16xi32>], vector<16xf32>,
        %add3A_1414 = arith.constant 0 : i32
        %add3A_1415 = arith.addi %mul3A_950, %add3A_1414 : i32
        %swap3A = arith.index_cast %add3A_1415 : i32 to index
        %swap3A_1416 = tpu.vector_load %arg8[%swap3A] {strides = array<i32>} : memref<32768xf32, #tpu.memory_space<vmem>>, vector<16xf32>,
        tpu.vector_store %arg8[%swap3A], %gather3A_1413 {strides = array<i32>} : memref<32768xf32, #tpu.memory_space<vmem>>, vector<16xf32>,
        %iota3A_1417 = tpu.iota {dimensions = array<i32: 0>} : vector<16xi32>
        %add3A_1418 = arith.constant 16 : i32
        %add3A_1419 = vector.broadcast %add3A_1418 : i32 to vector<16xi32>
        %add3A_1420 = arith.addi %iota3A_1417, %add3A_1419 : vector<16xi32>
        %gather3A_1421 = arith.constant 0 : i32
        %gather3A_1422 = arith.constant 0 : i32
        %gather3A_1423 = arith.constant 0 : i32
        %gather3A_1424 = tpu.memref_slice %arg7[%gather3A_1421, %gather3A_1422, %gather3A_1423] : memref<8x64x128xf32, #tpu.memory_space<vmem>> -> memref<1x64x128xf32, #tpu.memory_space<vmem>>
        %gather3A_1425 = tpu.memref_squeeze %gather3A_1424 : memref<1x64x128xf32, #tpu.memory_space<vmem>> -> memref<64x128xf32, #tpu.memory_space<vmem>>
        %gather3A_1426 = tpu.vector_load_idx %gather3A_1425[%add3A_1420, %broadcast_in_dim3A_942] : memref<64x128xf32, #tpu.memory_space<vmem>>[vector<16xi32>, vector<16xi32>], vector<16xf32>,
        %add3A_1427 = arith.constant 16 : i32
        %add3A_1428 = arith.addi %mul3A_950, %add3A_1427 : i32
        %swap3A_1429 = arith.index_cast %add3A_1428 : i32 to index
        %swap3A_1430 = tpu.vector_load %arg8[%swap3A_1429] {strides = array<i32>} : memref<32768xf32, #tpu.memory_space<vmem>>, vector<16xf32>,
        tpu.vector_store %arg8[%swap3A_1429], %gather3A_1426 {strides = array<i32>} : memref<32768xf32, #tpu.memory_space<vmem>>, vector<16xf32>,
        %iota3A_1431 = tpu.iota {dimensions = array<i32: 0>} : vector<16xi32>
        %add3A_1432 = arith.constant 32 : i32
        %add3A_1433 = vector.broadcast %add3A_1432 : i32 to vector<16xi32>
        %add3A_1434 = arith.addi %iota3A_1431, %add3A_1433 : vector<16xi32>
        %gather3A_1435 = arith.constant 0 : i32
        %gather3A_1436 = arith.constant 0 : i32
        %gather3A_1437 = arith.constant 0 : i32
        %gather3A_1438 = tpu.memref_slice %arg7[%gather3A_1435, %gather3A_1436, %gather3A_1437] : memref<8x64x128xf32, #tpu.memory_space<vmem>> -> memref<1x64x128xf32, #tpu.memory_space<vmem>>
        %gather3A_1439 = tpu.memref_squeeze %gather3A_1438 : memref<1x64x128xf32, #tpu.memory_space<vmem>> -> memref<64x128xf32, #tpu.memory_space<vmem>>
        %gather3A_1440 = tpu.vector_load_idx %gather3A_1439[%add3A_1434, %broadcast_in_dim3A_942] : memref<64x128xf32, #tpu.memory_space<vmem>>[vector<16xi32>, vector<16xi32>], vector<16xf32>,
        %add3A_1441 = arith.constant 32 : i32
        %add3A_1442 = arith.addi %mul3A_950, %add3A_1441 : i32
        %swap3A_1443 = arith.index_cast %add3A_1442 : i32 to index
        %swap3A_1444 = tpu.vector_load %arg8[%swap3A_1443] {strides = array<i32>} : memref<32768xf32, #tpu.memory_space<vmem>>, vector<16xf32>,
        tpu.vector_store %arg8[%swap3A_1443], %gather3A_1440 {strides = array<i32>} : memref<32768xf32, #tpu.memory_space<vmem>>, vector<16xf32>,
        %iota3A_1445 = tpu.iota {dimensions = array<i32: 0>} : vector<16xi32>
        %add3A_1446 = arith.constant 48 : i32
        %add3A_1447 = vector.broadcast %add3A_1446 : i32 to vector<16xi32>
        %add3A_1448 = arith.addi %iota3A_1445, %add3A_1447 : vector<16xi32>
        %gather3A_1449 = arith.constant 0 : i32
        %gather3A_1450 = arith.constant 0 : i32
        %gather3A_1451 = arith.constant 0 : i32
        %gather3A_1452 = tpu.memref_slice %arg7[%gather3A_1449, %gather3A_1450, %gather3A_1451] : memref<8x64x128xf32, #tpu.memory_space<vmem>> -> memref<1x64x128xf32, #tpu.memory_space<vmem>>
        %gather3A_1453 = tpu.memref_squeeze %gather3A_1452 : memref<1x64x128xf32, #tpu.memory_space<vmem>> -> memref<64x128xf32, #tpu.memory_space<vmem>>
        %gather3A_1454 = tpu.vector_load_idx %gather3A_1453[%add3A_1448, %broadcast_in_dim3A_942] : memref<64x128xf32, #tpu.memory_space<vmem>>[vector<16xi32>, vector<16xi32>], vector<16xf32>,
        %add3A_1455 = arith.constant 48 : i32
        %add3A_1456 = arith.addi %mul3A_950, %add3A_1455 : i32
        %swap3A_1457 = arith.index_cast %add3A_1456 : i32 to index
        %swap3A_1458 = tpu.vector_load %arg8[%swap3A_1457] {strides = array<i32>} : memref<32768xf32, #tpu.memory_space<vmem>>, vector<16xf32>,
        tpu.vector_store %arg8[%swap3A_1457], %gather3A_1454 {strides = array<i32>} : memref<32768xf32, #tpu.memory_space<vmem>>, vector<16xf32>,
      } else {
      }
      %ge3A_956 = arith.constant 999936 : i32
      %ge3A_957 = arith.cmpi sge, %squeeze3A_939, %ge3A_956 : i32
      %convert_element_type3A_958 = arith.extui %ge3A_957 : i1 to i32
      %cond3A_959 = arith.constant 0 : i32
      %cond3A_960 = arith.cmpi ne, %convert_element_type3A_958, %cond3A_959 : i32
      scf.if %cond3A_960 {
        %sub3A = arith.constant 999936 : i32
        %sub3A_1406 = arith.subi %squeeze3A_939, %sub3A : i32
        "tpu.region"() ({
          %run_scoped3A = tpu.sem_alloc : memref<!tpu.dma_semaphore, #tpu.memory_space<semaphore_mem>>
          %dma_start3A_1446 = arith.constant 0 : i32
          %dma_start3A_1447 = tpu.memref_slice %arg4[%sub3A_1406, %dma_start3A_1446] : memref<65x64xf32, #tpu.memory_space<hbm>> -> memref<1x64xf32, #tpu.memory_space<hbm>>
          %dma_start3A_1448 = arith.constant 0 : i32
          %dma_start3A_1449 = tpu.memref_slice %arg4[%sub3A_1406, %dma_start3A_1448] : memref<65x64xf32, #tpu.memory_space<hbm>> -> memref<1x64xf32, #tpu.memory_space<hbm>>
          tpu.enqueue_dma source(%dma_start3A_1449 : memref<1x64xf32, #tpu.memory_space<hbm>>) target(%arg9 : memref<1x64xf32, #tpu.memory_space<vmem>>) target_semaphore(%run_scoped3A : memref<!tpu.dma_semaphore, #tpu.memory_space<semaphore_mem>>)
          %dma_wait3A_1450 = arith.constant 0 : i32
          %dma_wait3A_1451 = tpu.memref_slice %arg4[%sub3A_1406, %dma_wait3A_1450] : memref<65x64xf32, #tpu.memory_space<hbm>> -> memref<1x64xf32, #tpu.memory_space<hbm>>
          %dma_wait3A_1452 = arith.constant 0 : i32
          %dma_wait3A_1453 = tpu.memref_slice %arg4[%sub3A_1406, %dma_wait3A_1452] : memref<65x64xf32, #tpu.memory_space<hbm>> -> memref<1x64xf32, #tpu.memory_space<hbm>>
          tpu.wait_dma2 semaphore(%run_scoped3A : memref<!tpu.dma_semaphore, #tpu.memory_space<semaphore_mem>>) src(%dma_wait3A_1453 : memref<1x64xf32, #tpu.memory_space<hbm>>) dst(%arg9 : memref<1x64xf32, #tpu.memory_space<vmem>>)
          tpu.yield
        }) : () -> ()
        %get3A_1407 = arith.constant 0 : i32
        %get3A_1408 = arith.constant 0 : i32
        %get3A_1409 = tpu.memref_slice %arg9[%get3A_1407, %get3A_1408] : memref<1x64xf32, #tpu.memory_space<vmem>> -> memref<1x64xf32, #tpu.memory_space<vmem>>
        %get3A_1410 = tpu.memref_squeeze %get3A_1409 : memref<1x64xf32, #tpu.memory_space<vmem>> -> memref<64xf32, #tpu.memory_space<vmem>>
        %get3A_1411 = arith.constant 0 : index
        %get3A_1412 = tpu.vector_load %get3A_1410[%get3A_1411] {strides = array<i32>} : memref<64xf32, #tpu.memory_space<vmem>>, vector<16xf32>,
        %add3A_1413 = arith.constant 0 : i32
        %add3A_1414 = arith.addi %mul3A_950, %add3A_1413 : i32
        %swap3A = arith.index_cast %add3A_1414 : i32 to index
        %swap3A_1415 = tpu.vector_load %arg8[%swap3A] {strides = array<i32>} : memref<32768xf32, #tpu.memory_space<vmem>>, vector<16xf32>,
        tpu.vector_store %arg8[%swap3A], %get3A_1412 {strides = array<i32>} : memref<32768xf32, #tpu.memory_space<vmem>>, vector<16xf32>,
        %get3A_1416 = arith.constant 0 : i32
        %get3A_1417 = arith.constant 0 : i32
        %get3A_1418 = tpu.memref_slice %arg9[%get3A_1416, %get3A_1417] : memref<1x64xf32, #tpu.memory_space<vmem>> -> memref<1x64xf32, #tpu.memory_space<vmem>>
        %get3A_1419 = tpu.memref_squeeze %get3A_1418 : memref<1x64xf32, #tpu.memory_space<vmem>> -> memref<64xf32, #tpu.memory_space<vmem>>
        %get3A_1420 = arith.constant 16 : index
        %get3A_1421 = tpu.vector_load %get3A_1419[%get3A_1420] {strides = array<i32>} : memref<64xf32, #tpu.memory_space<vmem>>, vector<16xf32>,
        %add3A_1422 = arith.constant 16 : i32
        %add3A_1423 = arith.addi %mul3A_950, %add3A_1422 : i32
        %swap3A_1424 = arith.index_cast %add3A_1423 : i32 to index
        %swap3A_1425 = tpu.vector_load %arg8[%swap3A_1424] {strides = array<i32>} : memref<32768xf32, #tpu.memory_space<vmem>>, vector<16xf32>,
        tpu.vector_store %arg8[%swap3A_1424], %get3A_1421 {strides = array<i32>} : memref<32768xf32, #tpu.memory_space<vmem>>, vector<16xf32>,
        %get3A_1426 = arith.constant 0 : i32
        %get3A_1427 = arith.constant 0 : i32
        %get3A_1428 = tpu.memref_slice %arg9[%get3A_1426, %get3A_1427] : memref<1x64xf32, #tpu.memory_space<vmem>> -> memref<1x64xf32, #tpu.memory_space<vmem>>
        %get3A_1429 = tpu.memref_squeeze %get3A_1428 : memref<1x64xf32, #tpu.memory_space<vmem>> -> memref<64xf32, #tpu.memory_space<vmem>>
        %get3A_1430 = arith.constant 32 : index
        %get3A_1431 = tpu.vector_load %get3A_1429[%get3A_1430] {strides = array<i32>} : memref<64xf32, #tpu.memory_space<vmem>>, vector<16xf32>,
        %add3A_1432 = arith.constant 32 : i32
        %add3A_1433 = arith.addi %mul3A_950, %add3A_1432 : i32
        %swap3A_1434 = arith.index_cast %add3A_1433 : i32 to index
        %swap3A_1435 = tpu.vector_load %arg8[%swap3A_1434] {strides = array<i32>} : memref<32768xf32, #tpu.memory_space<vmem>>, vector<16xf32>,
        tpu.vector_store %arg8[%swap3A_1434], %get3A_1431 {strides = array<i32>} : memref<32768xf32, #tpu.memory_space<vmem>>, vector<16xf32>,
        %get3A_1436 = arith.constant 0 : i32
        %get3A_1437 = arith.constant 0 : i32
        %get3A_1438 = tpu.memref_slice %arg9[%get3A_1436, %get3A_1437] : memref<1x64xf32, #tpu.memory_space<vmem>> -> memref<1x64xf32, #tpu.memory_space<vmem>>
        %get3A_1439 = tpu.memref_squeeze %get3A_1438 : memref<1x64xf32, #tpu.memory_space<vmem>> -> memref<64xf32, #tpu.memory_space<vmem>>
        %get3A_1440 = arith.constant 48 : index
        %get3A_1441 = tpu.vector_load %get3A_1439[%get3A_1440] {strides = array<i32>} : memref<64xf32, #tpu.memory_space<vmem>>, vector<16xf32>,
        %add3A_1442 = arith.constant 48 : i32
        %add3A_1443 = arith.addi %mul3A_950, %add3A_1442 : i32
        %swap3A_1444 = arith.index_cast %add3A_1443 : i32 to index
        %swap3A_1445 = tpu.vector_load %arg8[%swap3A_1444] {strides = array<i32>} : memref<32768xf32, #tpu.memory_space<vmem>>, vector<16xf32>,
        tpu.vector_store %arg8[%swap3A_1444], %get3A_1441 {strides = array<i32>} : memref<32768xf32, #tpu.memory_space<vmem>>, vector<16xf32>,
      } else {
      }
      %slice3A_961 = vector.extract_strided_slice %get3A_348 {offsets = [9], sizes = [1], strides = [1]} : vector<16xi32> to vector<1xi32>
      %squeeze3A_962 = vector.extract %slice3A_961[0] : i32 from vector<1xi32>
      %and3A_963 = arith.constant 127 : i32
      %and3A_964 = arith.andi %squeeze3A_962, %and3A_963 : i32
      %broadcast_in_dim3A_965 = vector.broadcast %and3A_964 : i32 to vector<16xi32>
      %mul3A_966 = arith.constant 16 : i32
      %mul3A_967 = arith.muli %scan3A_344, %mul3A_966 : i32
      %add3A_968 = arith.constant 8 : i32
      %add3A_969 = arith.addi %mul3A_967, %add3A_968 : i32
      %add3A_970 = arith.constant 1 : i32
      %add3A_971 = arith.addi %add3A_969, %add3A_970 : i32
      %mul3A_972 = arith.constant 64 : i32
      %mul3A_973 = arith.muli %add3A_971, %mul3A_972 : i32
      %lt3A_974 = arith.constant 999936 : i32
      %lt3A_975 = arith.cmpi slt, %squeeze3A_962, %lt3A_974 : i32
      %convert_element_type3A_976 = arith.extui %lt3A_975 : i1 to i32
      %cond3A_977 = arith.constant 0 : i32
      %cond3A_978 = arith.cmpi ne, %convert_element_type3A_976, %cond3A_977 : i32
      scf.if %cond3A_978 {
        %iota3A = tpu.iota {dimensions = array<i32: 0>} : vector<16xi32>
        %add3A_1406 = arith.constant 0 : i32
        %add3A_1407 = vector.broadcast %add3A_1406 : i32 to vector<16xi32>
        %add3A_1408 = arith.addi %iota3A, %add3A_1407 : vector<16xi32>
        %gather3A = arith.constant 1 : i32
        %gather3A_1409 = arith.constant 0 : i32
        %gather3A_1410 = arith.constant 0 : i32
        %gather3A_1411 = tpu.memref_slice %arg7[%gather3A, %gather3A_1409, %gather3A_1410] : memref<8x64x128xf32, #tpu.memory_space<vmem>> -> memref<1x64x128xf32, #tpu.memory_space<vmem>>
        %gather3A_1412 = tpu.memref_squeeze %gather3A_1411 : memref<1x64x128xf32, #tpu.memory_space<vmem>> -> memref<64x128xf32, #tpu.memory_space<vmem>>
        %gather3A_1413 = tpu.vector_load_idx %gather3A_1412[%add3A_1408, %broadcast_in_dim3A_965] : memref<64x128xf32, #tpu.memory_space<vmem>>[vector<16xi32>, vector<16xi32>], vector<16xf32>,
        %add3A_1414 = arith.constant 0 : i32
        %add3A_1415 = arith.addi %mul3A_973, %add3A_1414 : i32
        %swap3A = arith.index_cast %add3A_1415 : i32 to index
        %swap3A_1416 = tpu.vector_load %arg8[%swap3A] {strides = array<i32>} : memref<32768xf32, #tpu.memory_space<vmem>>, vector<16xf32>,
        tpu.vector_store %arg8[%swap3A], %gather3A_1413 {strides = array<i32>} : memref<32768xf32, #tpu.memory_space<vmem>>, vector<16xf32>,
        %iota3A_1417 = tpu.iota {dimensions = array<i32: 0>} : vector<16xi32>
        %add3A_1418 = arith.constant 16 : i32
        %add3A_1419 = vector.broadcast %add3A_1418 : i32 to vector<16xi32>
        %add3A_1420 = arith.addi %iota3A_1417, %add3A_1419 : vector<16xi32>
        %gather3A_1421 = arith.constant 1 : i32
        %gather3A_1422 = arith.constant 0 : i32
        %gather3A_1423 = arith.constant 0 : i32
        %gather3A_1424 = tpu.memref_slice %arg7[%gather3A_1421, %gather3A_1422, %gather3A_1423] : memref<8x64x128xf32, #tpu.memory_space<vmem>> -> memref<1x64x128xf32, #tpu.memory_space<vmem>>
        %gather3A_1425 = tpu.memref_squeeze %gather3A_1424 : memref<1x64x128xf32, #tpu.memory_space<vmem>> -> memref<64x128xf32, #tpu.memory_space<vmem>>
        %gather3A_1426 = tpu.vector_load_idx %gather3A_1425[%add3A_1420, %broadcast_in_dim3A_965] : memref<64x128xf32, #tpu.memory_space<vmem>>[vector<16xi32>, vector<16xi32>], vector<16xf32>,
        %add3A_1427 = arith.constant 16 : i32
        %add3A_1428 = arith.addi %mul3A_973, %add3A_1427 : i32
        %swap3A_1429 = arith.index_cast %add3A_1428 : i32 to index
        %swap3A_1430 = tpu.vector_load %arg8[%swap3A_1429] {strides = array<i32>} : memref<32768xf32, #tpu.memory_space<vmem>>, vector<16xf32>,
        tpu.vector_store %arg8[%swap3A_1429], %gather3A_1426 {strides = array<i32>} : memref<32768xf32, #tpu.memory_space<vmem>>, vector<16xf32>,
        %iota3A_1431 = tpu.iota {dimensions = array<i32: 0>} : vector<16xi32>
        %add3A_1432 = arith.constant 32 : i32
        %add3A_1433 = vector.broadcast %add3A_1432 : i32 to vector<16xi32>
        %add3A_1434 = arith.addi %iota3A_1431, %add3A_1433 : vector<16xi32>
        %gather3A_1435 = arith.constant 1 : i32
        %gather3A_1436 = arith.constant 0 : i32
        %gather3A_1437 = arith.constant 0 : i32
        %gather3A_1438 = tpu.memref_slice %arg7[%gather3A_1435, %gather3A_1436, %gather3A_1437] : memref<8x64x128xf32, #tpu.memory_space<vmem>> -> memref<1x64x128xf32, #tpu.memory_space<vmem>>
        %gather3A_1439 = tpu.memref_squeeze %gather3A_1438 : memref<1x64x128xf32, #tpu.memory_space<vmem>> -> memref<64x128xf32, #tpu.memory_space<vmem>>
        %gather3A_1440 = tpu.vector_load_idx %gather3A_1439[%add3A_1434, %broadcast_in_dim3A_965] : memref<64x128xf32, #tpu.memory_space<vmem>>[vector<16xi32>, vector<16xi32>], vector<16xf32>,
        %add3A_1441 = arith.constant 32 : i32
        %add3A_1442 = arith.addi %mul3A_973, %add3A_1441 : i32
        %swap3A_1443 = arith.index_cast %add3A_1442 : i32 to index
        %swap3A_1444 = tpu.vector_load %arg8[%swap3A_1443] {strides = array<i32>} : memref<32768xf32, #tpu.memory_space<vmem>>, vector<16xf32>,
        tpu.vector_store %arg8[%swap3A_1443], %gather3A_1440 {strides = array<i32>} : memref<32768xf32, #tpu.memory_space<vmem>>, vector<16xf32>,
        %iota3A_1445 = tpu.iota {dimensions = array<i32: 0>} : vector<16xi32>
        %add3A_1446 = arith.constant 48 : i32
        %add3A_1447 = vector.broadcast %add3A_1446 : i32 to vector<16xi32>
        %add3A_1448 = arith.addi %iota3A_1445, %add3A_1447 : vector<16xi32>
        %gather3A_1449 = arith.constant 1 : i32
        %gather3A_1450 = arith.constant 0 : i32
        %gather3A_1451 = arith.constant 0 : i32
        %gather3A_1452 = tpu.memref_slice %arg7[%gather3A_1449, %gather3A_1450, %gather3A_1451] : memref<8x64x128xf32, #tpu.memory_space<vmem>> -> memref<1x64x128xf32, #tpu.memory_space<vmem>>
        %gather3A_1453 = tpu.memref_squeeze %gather3A_1452 : memref<1x64x128xf32, #tpu.memory_space<vmem>> -> memref<64x128xf32, #tpu.memory_space<vmem>>
        %gather3A_1454 = tpu.vector_load_idx %gather3A_1453[%add3A_1448, %broadcast_in_dim3A_965] : memref<64x128xf32, #tpu.memory_space<vmem>>[vector<16xi32>, vector<16xi32>], vector<16xf32>,
        %add3A_1455 = arith.constant 48 : i32
        %add3A_1456 = arith.addi %mul3A_973, %add3A_1455 : i32
        %swap3A_1457 = arith.index_cast %add3A_1456 : i32 to index
        %swap3A_1458 = tpu.vector_load %arg8[%swap3A_1457] {strides = array<i32>} : memref<32768xf32, #tpu.memory_space<vmem>>, vector<16xf32>,
        tpu.vector_store %arg8[%swap3A_1457], %gather3A_1454 {strides = array<i32>} : memref<32768xf32, #tpu.memory_space<vmem>>, vector<16xf32>,
      } else {
      }
      %ge3A_979 = arith.constant 999936 : i32
      %ge3A_980 = arith.cmpi sge, %squeeze3A_962, %ge3A_979 : i32
      %convert_element_type3A_981 = arith.extui %ge3A_980 : i1 to i32
      %cond3A_982 = arith.constant 0 : i32
      %cond3A_983 = arith.cmpi ne, %convert_element_type3A_981, %cond3A_982 : i32
      scf.if %cond3A_983 {
        %sub3A = arith.constant 999936 : i32
        %sub3A_1406 = arith.subi %squeeze3A_962, %sub3A : i32
        "tpu.region"() ({
          %run_scoped3A = tpu.sem_alloc : memref<!tpu.dma_semaphore, #tpu.memory_space<semaphore_mem>>
          %dma_start3A_1446 = arith.constant 0 : i32
          %dma_start3A_1447 = tpu.memref_slice %arg4[%sub3A_1406, %dma_start3A_1446] : memref<65x64xf32, #tpu.memory_space<hbm>> -> memref<1x64xf32, #tpu.memory_space<hbm>>
          %dma_start3A_1448 = arith.constant 0 : i32
          %dma_start3A_1449 = tpu.memref_slice %arg4[%sub3A_1406, %dma_start3A_1448] : memref<65x64xf32, #tpu.memory_space<hbm>> -> memref<1x64xf32, #tpu.memory_space<hbm>>
          tpu.enqueue_dma source(%dma_start3A_1449 : memref<1x64xf32, #tpu.memory_space<hbm>>) target(%arg9 : memref<1x64xf32, #tpu.memory_space<vmem>>) target_semaphore(%run_scoped3A : memref<!tpu.dma_semaphore, #tpu.memory_space<semaphore_mem>>)
          %dma_wait3A_1450 = arith.constant 0 : i32
          %dma_wait3A_1451 = tpu.memref_slice %arg4[%sub3A_1406, %dma_wait3A_1450] : memref<65x64xf32, #tpu.memory_space<hbm>> -> memref<1x64xf32, #tpu.memory_space<hbm>>
          %dma_wait3A_1452 = arith.constant 0 : i32
          %dma_wait3A_1453 = tpu.memref_slice %arg4[%sub3A_1406, %dma_wait3A_1452] : memref<65x64xf32, #tpu.memory_space<hbm>> -> memref<1x64xf32, #tpu.memory_space<hbm>>
          tpu.wait_dma2 semaphore(%run_scoped3A : memref<!tpu.dma_semaphore, #tpu.memory_space<semaphore_mem>>) src(%dma_wait3A_1453 : memref<1x64xf32, #tpu.memory_space<hbm>>) dst(%arg9 : memref<1x64xf32, #tpu.memory_space<vmem>>)
          tpu.yield
        }) : () -> ()
        %get3A_1407 = arith.constant 0 : i32
        %get3A_1408 = arith.constant 0 : i32
        %get3A_1409 = tpu.memref_slice %arg9[%get3A_1407, %get3A_1408] : memref<1x64xf32, #tpu.memory_space<vmem>> -> memref<1x64xf32, #tpu.memory_space<vmem>>
        %get3A_1410 = tpu.memref_squeeze %get3A_1409 : memref<1x64xf32, #tpu.memory_space<vmem>> -> memref<64xf32, #tpu.memory_space<vmem>>
        %get3A_1411 = arith.constant 0 : index
        %get3A_1412 = tpu.vector_load %get3A_1410[%get3A_1411] {strides = array<i32>} : memref<64xf32, #tpu.memory_space<vmem>>, vector<16xf32>,
        %add3A_1413 = arith.constant 0 : i32
        %add3A_1414 = arith.addi %mul3A_973, %add3A_1413 : i32
        %swap3A = arith.index_cast %add3A_1414 : i32 to index
        %swap3A_1415 = tpu.vector_load %arg8[%swap3A] {strides = array<i32>} : memref<32768xf32, #tpu.memory_space<vmem>>, vector<16xf32>,
        tpu.vector_store %arg8[%swap3A], %get3A_1412 {strides = array<i32>} : memref<32768xf32, #tpu.memory_space<vmem>>, vector<16xf32>,
        %get3A_1416 = arith.constant 0 : i32
        %get3A_1417 = arith.constant 0 : i32
        %get3A_1418 = tpu.memref_slice %arg9[%get3A_1416, %get3A_1417] : memref<1x64xf32, #tpu.memory_space<vmem>> -> memref<1x64xf32, #tpu.memory_space<vmem>>
        %get3A_1419 = tpu.memref_squeeze %get3A_1418 : memref<1x64xf32, #tpu.memory_space<vmem>> -> memref<64xf32, #tpu.memory_space<vmem>>
        %get3A_1420 = arith.constant 16 : index
        %get3A_1421 = tpu.vector_load %get3A_1419[%get3A_1420] {strides = array<i32>} : memref<64xf32, #tpu.memory_space<vmem>>, vector<16xf32>,
        %add3A_1422 = arith.constant 16 : i32
        %add3A_1423 = arith.addi %mul3A_973, %add3A_1422 : i32
        %swap3A_1424 = arith.index_cast %add3A_1423 : i32 to index
        %swap3A_1425 = tpu.vector_load %arg8[%swap3A_1424] {strides = array<i32>} : memref<32768xf32, #tpu.memory_space<vmem>>, vector<16xf32>,
        tpu.vector_store %arg8[%swap3A_1424], %get3A_1421 {strides = array<i32>} : memref<32768xf32, #tpu.memory_space<vmem>>, vector<16xf32>,
        %get3A_1426 = arith.constant 0 : i32
        %get3A_1427 = arith.constant 0 : i32
        %get3A_1428 = tpu.memref_slice %arg9[%get3A_1426, %get3A_1427] : memref<1x64xf32, #tpu.memory_space<vmem>> -> memref<1x64xf32, #tpu.memory_space<vmem>>
        %get3A_1429 = tpu.memref_squeeze %get3A_1428 : memref<1x64xf32, #tpu.memory_space<vmem>> -> memref<64xf32, #tpu.memory_space<vmem>>
        %get3A_1430 = arith.constant 32 : index
        %get3A_1431 = tpu.vector_load %get3A_1429[%get3A_1430] {strides = array<i32>} : memref<64xf32, #tpu.memory_space<vmem>>, vector<16xf32>,
        %add3A_1432 = arith.constant 32 : i32
        %add3A_1433 = arith.addi %mul3A_973, %add3A_1432 : i32
        %swap3A_1434 = arith.index_cast %add3A_1433 : i32 to index
        %swap3A_1435 = tpu.vector_load %arg8[%swap3A_1434] {strides = array<i32>} : memref<32768xf32, #tpu.memory_space<vmem>>, vector<16xf32>,
        tpu.vector_store %arg8[%swap3A_1434], %get3A_1431 {strides = array<i32>} : memref<32768xf32, #tpu.memory_space<vmem>>, vector<16xf32>,
        %get3A_1436 = arith.constant 0 : i32
        %get3A_1437 = arith.constant 0 : i32
        %get3A_1438 = tpu.memref_slice %arg9[%get3A_1436, %get3A_1437] : memref<1x64xf32, #tpu.memory_space<vmem>> -> memref<1x64xf32, #tpu.memory_space<vmem>>
        %get3A_1439 = tpu.memref_squeeze %get3A_1438 : memref<1x64xf32, #tpu.memory_space<vmem>> -> memref<64xf32, #tpu.memory_space<vmem>>
        %get3A_1440 = arith.constant 48 : index
        %get3A_1441 = tpu.vector_load %get3A_1439[%get3A_1440] {strides = array<i32>} : memref<64xf32, #tpu.memory_space<vmem>>, vector<16xf32>,
        %add3A_1442 = arith.constant 48 : i32
        %add3A_1443 = arith.addi %mul3A_973, %add3A_1442 : i32
        %swap3A_1444 = arith.index_cast %add3A_1443 : i32 to index
        %swap3A_1445 = tpu.vector_load %arg8[%swap3A_1444] {strides = array<i32>} : memref<32768xf32, #tpu.memory_space<vmem>>, vector<16xf32>,
        tpu.vector_store %arg8[%swap3A_1444], %get3A_1441 {strides = array<i32>} : memref<32768xf32, #tpu.memory_space<vmem>>, vector<16xf32>,
      } else {
      }
      %slice3A_984 = vector.extract_strided_slice %get3A_348 {offsets = [10], sizes = [1], strides = [1]} : vector<16xi32> to vector<1xi32>
      %squeeze3A_985 = vector.extract %slice3A_984[0] : i32 from vector<1xi32>
      %and3A_986 = arith.constant 127 : i32
      %and3A_987 = arith.andi %squeeze3A_985, %and3A_986 : i32
      %broadcast_in_dim3A_988 = vector.broadcast %and3A_987 : i32 to vector<16xi32>
      %mul3A_989 = arith.constant 16 : i32
      %mul3A_990 = arith.muli %scan3A_344, %mul3A_989 : i32
      %add3A_991 = arith.constant 8 : i32
      %add3A_992 = arith.addi %mul3A_990, %add3A_991 : i32
      %add3A_993 = arith.constant 2 : i32
      %add3A_994 = arith.addi %add3A_992, %add3A_993 : i32
      %mul3A_995 = arith.constant 64 : i32
      %mul3A_996 = arith.muli %add3A_994, %mul3A_995 : i32
      %lt3A_997 = arith.constant 999936 : i32
      %lt3A_998 = arith.cmpi slt, %squeeze3A_985, %lt3A_997 : i32
      %convert_element_type3A_999 = arith.extui %lt3A_998 : i1 to i32
      %cond3A_1000 = arith.constant 0 : i32
      %cond3A_1001 = arith.cmpi ne, %convert_element_type3A_999, %cond3A_1000 : i32
      scf.if %cond3A_1001 {
        %iota3A = tpu.iota {dimensions = array<i32: 0>} : vector<16xi32>
        %add3A_1406 = arith.constant 0 : i32
        %add3A_1407 = vector.broadcast %add3A_1406 : i32 to vector<16xi32>
        %add3A_1408 = arith.addi %iota3A, %add3A_1407 : vector<16xi32>
        %gather3A = arith.constant 2 : i32
        %gather3A_1409 = arith.constant 0 : i32
        %gather3A_1410 = arith.constant 0 : i32
        %gather3A_1411 = tpu.memref_slice %arg7[%gather3A, %gather3A_1409, %gather3A_1410] : memref<8x64x128xf32, #tpu.memory_space<vmem>> -> memref<1x64x128xf32, #tpu.memory_space<vmem>>
        %gather3A_1412 = tpu.memref_squeeze %gather3A_1411 : memref<1x64x128xf32, #tpu.memory_space<vmem>> -> memref<64x128xf32, #tpu.memory_space<vmem>>
        %gather3A_1413 = tpu.vector_load_idx %gather3A_1412[%add3A_1408, %broadcast_in_dim3A_988] : memref<64x128xf32, #tpu.memory_space<vmem>>[vector<16xi32>, vector<16xi32>], vector<16xf32>,
        %add3A_1414 = arith.constant 0 : i32
        %add3A_1415 = arith.addi %mul3A_996, %add3A_1414 : i32
        %swap3A = arith.index_cast %add3A_1415 : i32 to index
        %swap3A_1416 = tpu.vector_load %arg8[%swap3A] {strides = array<i32>} : memref<32768xf32, #tpu.memory_space<vmem>>, vector<16xf32>,
        tpu.vector_store %arg8[%swap3A], %gather3A_1413 {strides = array<i32>} : memref<32768xf32, #tpu.memory_space<vmem>>, vector<16xf32>,
        %iota3A_1417 = tpu.iota {dimensions = array<i32: 0>} : vector<16xi32>
        %add3A_1418 = arith.constant 16 : i32
        %add3A_1419 = vector.broadcast %add3A_1418 : i32 to vector<16xi32>
        %add3A_1420 = arith.addi %iota3A_1417, %add3A_1419 : vector<16xi32>
        %gather3A_1421 = arith.constant 2 : i32
        %gather3A_1422 = arith.constant 0 : i32
        %gather3A_1423 = arith.constant 0 : i32
        %gather3A_1424 = tpu.memref_slice %arg7[%gather3A_1421, %gather3A_1422, %gather3A_1423] : memref<8x64x128xf32, #tpu.memory_space<vmem>> -> memref<1x64x128xf32, #tpu.memory_space<vmem>>
        %gather3A_1425 = tpu.memref_squeeze %gather3A_1424 : memref<1x64x128xf32, #tpu.memory_space<vmem>> -> memref<64x128xf32, #tpu.memory_space<vmem>>
        %gather3A_1426 = tpu.vector_load_idx %gather3A_1425[%add3A_1420, %broadcast_in_dim3A_988] : memref<64x128xf32, #tpu.memory_space<vmem>>[vector<16xi32>, vector<16xi32>], vector<16xf32>,
        %add3A_1427 = arith.constant 16 : i32
        %add3A_1428 = arith.addi %mul3A_996, %add3A_1427 : i32
        %swap3A_1429 = arith.index_cast %add3A_1428 : i32 to index
        %swap3A_1430 = tpu.vector_load %arg8[%swap3A_1429] {strides = array<i32>} : memref<32768xf32, #tpu.memory_space<vmem>>, vector<16xf32>,
        tpu.vector_store %arg8[%swap3A_1429], %gather3A_1426 {strides = array<i32>} : memref<32768xf32, #tpu.memory_space<vmem>>, vector<16xf32>,
        %iota3A_1431 = tpu.iota {dimensions = array<i32: 0>} : vector<16xi32>
        %add3A_1432 = arith.constant 32 : i32
        %add3A_1433 = vector.broadcast %add3A_1432 : i32 to vector<16xi32>
        %add3A_1434 = arith.addi %iota3A_1431, %add3A_1433 : vector<16xi32>
        %gather3A_1435 = arith.constant 2 : i32
        %gather3A_1436 = arith.constant 0 : i32
        %gather3A_1437 = arith.constant 0 : i32
        %gather3A_1438 = tpu.memref_slice %arg7[%gather3A_1435, %gather3A_1436, %gather3A_1437] : memref<8x64x128xf32, #tpu.memory_space<vmem>> -> memref<1x64x128xf32, #tpu.memory_space<vmem>>
        %gather3A_1439 = tpu.memref_squeeze %gather3A_1438 : memref<1x64x128xf32, #tpu.memory_space<vmem>> -> memref<64x128xf32, #tpu.memory_space<vmem>>
        %gather3A_1440 = tpu.vector_load_idx %gather3A_1439[%add3A_1434, %broadcast_in_dim3A_988] : memref<64x128xf32, #tpu.memory_space<vmem>>[vector<16xi32>, vector<16xi32>], vector<16xf32>,
        %add3A_1441 = arith.constant 32 : i32
        %add3A_1442 = arith.addi %mul3A_996, %add3A_1441 : i32
        %swap3A_1443 = arith.index_cast %add3A_1442 : i32 to index
        %swap3A_1444 = tpu.vector_load %arg8[%swap3A_1443] {strides = array<i32>} : memref<32768xf32, #tpu.memory_space<vmem>>, vector<16xf32>,
        tpu.vector_store %arg8[%swap3A_1443], %gather3A_1440 {strides = array<i32>} : memref<32768xf32, #tpu.memory_space<vmem>>, vector<16xf32>,
        %iota3A_1445 = tpu.iota {dimensions = array<i32: 0>} : vector<16xi32>
        %add3A_1446 = arith.constant 48 : i32
        %add3A_1447 = vector.broadcast %add3A_1446 : i32 to vector<16xi32>
        %add3A_1448 = arith.addi %iota3A_1445, %add3A_1447 : vector<16xi32>
        %gather3A_1449 = arith.constant 2 : i32
        %gather3A_1450 = arith.constant 0 : i32
        %gather3A_1451 = arith.constant 0 : i32
        %gather3A_1452 = tpu.memref_slice %arg7[%gather3A_1449, %gather3A_1450, %gather3A_1451] : memref<8x64x128xf32, #tpu.memory_space<vmem>> -> memref<1x64x128xf32, #tpu.memory_space<vmem>>
        %gather3A_1453 = tpu.memref_squeeze %gather3A_1452 : memref<1x64x128xf32, #tpu.memory_space<vmem>> -> memref<64x128xf32, #tpu.memory_space<vmem>>
        %gather3A_1454 = tpu.vector_load_idx %gather3A_1453[%add3A_1448, %broadcast_in_dim3A_988] : memref<64x128xf32, #tpu.memory_space<vmem>>[vector<16xi32>, vector<16xi32>], vector<16xf32>,
        %add3A_1455 = arith.constant 48 : i32
        %add3A_1456 = arith.addi %mul3A_996, %add3A_1455 : i32
        %swap3A_1457 = arith.index_cast %add3A_1456 : i32 to index
        %swap3A_1458 = tpu.vector_load %arg8[%swap3A_1457] {strides = array<i32>} : memref<32768xf32, #tpu.memory_space<vmem>>, vector<16xf32>,
        tpu.vector_store %arg8[%swap3A_1457], %gather3A_1454 {strides = array<i32>} : memref<32768xf32, #tpu.memory_space<vmem>>, vector<16xf32>,
      } else {
      }
      %ge3A_1002 = arith.constant 999936 : i32
      %ge3A_1003 = arith.cmpi sge, %squeeze3A_985, %ge3A_1002 : i32
      %convert_element_type3A_1004 = arith.extui %ge3A_1003 : i1 to i32
      %cond3A_1005 = arith.constant 0 : i32
      %cond3A_1006 = arith.cmpi ne, %convert_element_type3A_1004, %cond3A_1005 : i32
      scf.if %cond3A_1006 {
        %sub3A = arith.constant 999936 : i32
        %sub3A_1406 = arith.subi %squeeze3A_985, %sub3A : i32
        "tpu.region"() ({
          %run_scoped3A = tpu.sem_alloc : memref<!tpu.dma_semaphore, #tpu.memory_space<semaphore_mem>>
          %dma_start3A_1446 = arith.constant 0 : i32
          %dma_start3A_1447 = tpu.memref_slice %arg4[%sub3A_1406, %dma_start3A_1446] : memref<65x64xf32, #tpu.memory_space<hbm>> -> memref<1x64xf32, #tpu.memory_space<hbm>>
          %dma_start3A_1448 = arith.constant 0 : i32
          %dma_start3A_1449 = tpu.memref_slice %arg4[%sub3A_1406, %dma_start3A_1448] : memref<65x64xf32, #tpu.memory_space<hbm>> -> memref<1x64xf32, #tpu.memory_space<hbm>>
          tpu.enqueue_dma source(%dma_start3A_1449 : memref<1x64xf32, #tpu.memory_space<hbm>>) target(%arg9 : memref<1x64xf32, #tpu.memory_space<vmem>>) target_semaphore(%run_scoped3A : memref<!tpu.dma_semaphore, #tpu.memory_space<semaphore_mem>>)
          %dma_wait3A_1450 = arith.constant 0 : i32
          %dma_wait3A_1451 = tpu.memref_slice %arg4[%sub3A_1406, %dma_wait3A_1450] : memref<65x64xf32, #tpu.memory_space<hbm>> -> memref<1x64xf32, #tpu.memory_space<hbm>>
          %dma_wait3A_1452 = arith.constant 0 : i32
          %dma_wait3A_1453 = tpu.memref_slice %arg4[%sub3A_1406, %dma_wait3A_1452] : memref<65x64xf32, #tpu.memory_space<hbm>> -> memref<1x64xf32, #tpu.memory_space<hbm>>
          tpu.wait_dma2 semaphore(%run_scoped3A : memref<!tpu.dma_semaphore, #tpu.memory_space<semaphore_mem>>) src(%dma_wait3A_1453 : memref<1x64xf32, #tpu.memory_space<hbm>>) dst(%arg9 : memref<1x64xf32, #tpu.memory_space<vmem>>)
          tpu.yield
        }) : () -> ()
        %get3A_1407 = arith.constant 0 : i32
        %get3A_1408 = arith.constant 0 : i32
        %get3A_1409 = tpu.memref_slice %arg9[%get3A_1407, %get3A_1408] : memref<1x64xf32, #tpu.memory_space<vmem>> -> memref<1x64xf32, #tpu.memory_space<vmem>>
        %get3A_1410 = tpu.memref_squeeze %get3A_1409 : memref<1x64xf32, #tpu.memory_space<vmem>> -> memref<64xf32, #tpu.memory_space<vmem>>
        %get3A_1411 = arith.constant 0 : index
        %get3A_1412 = tpu.vector_load %get3A_1410[%get3A_1411] {strides = array<i32>} : memref<64xf32, #tpu.memory_space<vmem>>, vector<16xf32>,
        %add3A_1413 = arith.constant 0 : i32
        %add3A_1414 = arith.addi %mul3A_996, %add3A_1413 : i32
        %swap3A = arith.index_cast %add3A_1414 : i32 to index
        %swap3A_1415 = tpu.vector_load %arg8[%swap3A] {strides = array<i32>} : memref<32768xf32, #tpu.memory_space<vmem>>, vector<16xf32>,
        tpu.vector_store %arg8[%swap3A], %get3A_1412 {strides = array<i32>} : memref<32768xf32, #tpu.memory_space<vmem>>, vector<16xf32>,
        %get3A_1416 = arith.constant 0 : i32
        %get3A_1417 = arith.constant 0 : i32
        %get3A_1418 = tpu.memref_slice %arg9[%get3A_1416, %get3A_1417] : memref<1x64xf32, #tpu.memory_space<vmem>> -> memref<1x64xf32, #tpu.memory_space<vmem>>
        %get3A_1419 = tpu.memref_squeeze %get3A_1418 : memref<1x64xf32, #tpu.memory_space<vmem>> -> memref<64xf32, #tpu.memory_space<vmem>>
        %get3A_1420 = arith.constant 16 : index
        %get3A_1421 = tpu.vector_load %get3A_1419[%get3A_1420] {strides = array<i32>} : memref<64xf32, #tpu.memory_space<vmem>>, vector<16xf32>,
        %add3A_1422 = arith.constant 16 : i32
        %add3A_1423 = arith.addi %mul3A_996, %add3A_1422 : i32
        %swap3A_1424 = arith.index_cast %add3A_1423 : i32 to index
        %swap3A_1425 = tpu.vector_load %arg8[%swap3A_1424] {strides = array<i32>} : memref<32768xf32, #tpu.memory_space<vmem>>, vector<16xf32>,
        tpu.vector_store %arg8[%swap3A_1424], %get3A_1421 {strides = array<i32>} : memref<32768xf32, #tpu.memory_space<vmem>>, vector<16xf32>,
        %get3A_1426 = arith.constant 0 : i32
        %get3A_1427 = arith.constant 0 : i32
        %get3A_1428 = tpu.memref_slice %arg9[%get3A_1426, %get3A_1427] : memref<1x64xf32, #tpu.memory_space<vmem>> -> memref<1x64xf32, #tpu.memory_space<vmem>>
        %get3A_1429 = tpu.memref_squeeze %get3A_1428 : memref<1x64xf32, #tpu.memory_space<vmem>> -> memref<64xf32, #tpu.memory_space<vmem>>
        %get3A_1430 = arith.constant 32 : index
        %get3A_1431 = tpu.vector_load %get3A_1429[%get3A_1430] {strides = array<i32>} : memref<64xf32, #tpu.memory_space<vmem>>, vector<16xf32>,
        %add3A_1432 = arith.constant 32 : i32
        %add3A_1433 = arith.addi %mul3A_996, %add3A_1432 : i32
        %swap3A_1434 = arith.index_cast %add3A_1433 : i32 to index
        %swap3A_1435 = tpu.vector_load %arg8[%swap3A_1434] {strides = array<i32>} : memref<32768xf32, #tpu.memory_space<vmem>>, vector<16xf32>,
        tpu.vector_store %arg8[%swap3A_1434], %get3A_1431 {strides = array<i32>} : memref<32768xf32, #tpu.memory_space<vmem>>, vector<16xf32>,
        %get3A_1436 = arith.constant 0 : i32
        %get3A_1437 = arith.constant 0 : i32
        %get3A_1438 = tpu.memref_slice %arg9[%get3A_1436, %get3A_1437] : memref<1x64xf32, #tpu.memory_space<vmem>> -> memref<1x64xf32, #tpu.memory_space<vmem>>
        %get3A_1439 = tpu.memref_squeeze %get3A_1438 : memref<1x64xf32, #tpu.memory_space<vmem>> -> memref<64xf32, #tpu.memory_space<vmem>>
        %get3A_1440 = arith.constant 48 : index
        %get3A_1441 = tpu.vector_load %get3A_1439[%get3A_1440] {strides = array<i32>} : memref<64xf32, #tpu.memory_space<vmem>>, vector<16xf32>,
        %add3A_1442 = arith.constant 48 : i32
        %add3A_1443 = arith.addi %mul3A_996, %add3A_1442 : i32
        %swap3A_1444 = arith.index_cast %add3A_1443 : i32 to index
        %swap3A_1445 = tpu.vector_load %arg8[%swap3A_1444] {strides = array<i32>} : memref<32768xf32, #tpu.memory_space<vmem>>, vector<16xf32>,
        tpu.vector_store %arg8[%swap3A_1444], %get3A_1441 {strides = array<i32>} : memref<32768xf32, #tpu.memory_space<vmem>>, vector<16xf32>,
      } else {
      }
      %slice3A_1007 = vector.extract_strided_slice %get3A_348 {offsets = [11], sizes = [1], strides = [1]} : vector<16xi32> to vector<1xi32>
      %squeeze3A_1008 = vector.extract %slice3A_1007[0] : i32 from vector<1xi32>
      %and3A_1009 = arith.constant 127 : i32
      %and3A_1010 = arith.andi %squeeze3A_1008, %and3A_1009 : i32
      %broadcast_in_dim3A_1011 = vector.broadcast %and3A_1010 : i32 to vector<16xi32>
      %mul3A_1012 = arith.constant 16 : i32
      %mul3A_1013 = arith.muli %scan3A_344, %mul3A_1012 : i32
      %add3A_1014 = arith.constant 8 : i32
      %add3A_1015 = arith.addi %mul3A_1013, %add3A_1014 : i32
      %add3A_1016 = arith.constant 3 : i32
      %add3A_1017 = arith.addi %add3A_1015, %add3A_1016 : i32
      %mul3A_1018 = arith.constant 64 : i32
      %mul3A_1019 = arith.muli %add3A_1017, %mul3A_1018 : i32
      %lt3A_1020 = arith.constant 999936 : i32
      %lt3A_1021 = arith.cmpi slt, %squeeze3A_1008, %lt3A_1020 : i32
      %convert_element_type3A_1022 = arith.extui %lt3A_1021 : i1 to i32
      %cond3A_1023 = arith.constant 0 : i32
      %cond3A_1024 = arith.cmpi ne, %convert_element_type3A_1022, %cond3A_1023 : i32
      scf.if %cond3A_1024 {
        %iota3A = tpu.iota {dimensions = array<i32: 0>} : vector<16xi32>
        %add3A_1406 = arith.constant 0 : i32
        %add3A_1407 = vector.broadcast %add3A_1406 : i32 to vector<16xi32>
        %add3A_1408 = arith.addi %iota3A, %add3A_1407 : vector<16xi32>
        %gather3A = arith.constant 3 : i32
        %gather3A_1409 = arith.constant 0 : i32
        %gather3A_1410 = arith.constant 0 : i32
        %gather3A_1411 = tpu.memref_slice %arg7[%gather3A, %gather3A_1409, %gather3A_1410] : memref<8x64x128xf32, #tpu.memory_space<vmem>> -> memref<1x64x128xf32, #tpu.memory_space<vmem>>
        %gather3A_1412 = tpu.memref_squeeze %gather3A_1411 : memref<1x64x128xf32, #tpu.memory_space<vmem>> -> memref<64x128xf32, #tpu.memory_space<vmem>>
        %gather3A_1413 = tpu.vector_load_idx %gather3A_1412[%add3A_1408, %broadcast_in_dim3A_1011] : memref<64x128xf32, #tpu.memory_space<vmem>>[vector<16xi32>, vector<16xi32>], vector<16xf32>,
        %add3A_1414 = arith.constant 0 : i32
        %add3A_1415 = arith.addi %mul3A_1019, %add3A_1414 : i32
        %swap3A = arith.index_cast %add3A_1415 : i32 to index
        %swap3A_1416 = tpu.vector_load %arg8[%swap3A] {strides = array<i32>} : memref<32768xf32, #tpu.memory_space<vmem>>, vector<16xf32>,
        tpu.vector_store %arg8[%swap3A], %gather3A_1413 {strides = array<i32>} : memref<32768xf32, #tpu.memory_space<vmem>>, vector<16xf32>,
        %iota3A_1417 = tpu.iota {dimensions = array<i32: 0>} : vector<16xi32>
        %add3A_1418 = arith.constant 16 : i32
        %add3A_1419 = vector.broadcast %add3A_1418 : i32 to vector<16xi32>
        %add3A_1420 = arith.addi %iota3A_1417, %add3A_1419 : vector<16xi32>
        %gather3A_1421 = arith.constant 3 : i32
        %gather3A_1422 = arith.constant 0 : i32
        %gather3A_1423 = arith.constant 0 : i32
        %gather3A_1424 = tpu.memref_slice %arg7[%gather3A_1421, %gather3A_1422, %gather3A_1423] : memref<8x64x128xf32, #tpu.memory_space<vmem>> -> memref<1x64x128xf32, #tpu.memory_space<vmem>>
        %gather3A_1425 = tpu.memref_squeeze %gather3A_1424 : memref<1x64x128xf32, #tpu.memory_space<vmem>> -> memref<64x128xf32, #tpu.memory_space<vmem>>
        %gather3A_1426 = tpu.vector_load_idx %gather3A_1425[%add3A_1420, %broadcast_in_dim3A_1011] : memref<64x128xf32, #tpu.memory_space<vmem>>[vector<16xi32>, vector<16xi32>], vector<16xf32>,
        %add3A_1427 = arith.constant 16 : i32
        %add3A_1428 = arith.addi %mul3A_1019, %add3A_1427 : i32
        %swap3A_1429 = arith.index_cast %add3A_1428 : i32 to index
        %swap3A_1430 = tpu.vector_load %arg8[%swap3A_1429] {strides = array<i32>} : memref<32768xf32, #tpu.memory_space<vmem>>, vector<16xf32>,
        tpu.vector_store %arg8[%swap3A_1429], %gather3A_1426 {strides = array<i32>} : memref<32768xf32, #tpu.memory_space<vmem>>, vector<16xf32>,
        %iota3A_1431 = tpu.iota {dimensions = array<i32: 0>} : vector<16xi32>
        %add3A_1432 = arith.constant 32 : i32
        %add3A_1433 = vector.broadcast %add3A_1432 : i32 to vector<16xi32>
        %add3A_1434 = arith.addi %iota3A_1431, %add3A_1433 : vector<16xi32>
        %gather3A_1435 = arith.constant 3 : i32
        %gather3A_1436 = arith.constant 0 : i32
        %gather3A_1437 = arith.constant 0 : i32
        %gather3A_1438 = tpu.memref_slice %arg7[%gather3A_1435, %gather3A_1436, %gather3A_1437] : memref<8x64x128xf32, #tpu.memory_space<vmem>> -> memref<1x64x128xf32, #tpu.memory_space<vmem>>
        %gather3A_1439 = tpu.memref_squeeze %gather3A_1438 : memref<1x64x128xf32, #tpu.memory_space<vmem>> -> memref<64x128xf32, #tpu.memory_space<vmem>>
        %gather3A_1440 = tpu.vector_load_idx %gather3A_1439[%add3A_1434, %broadcast_in_dim3A_1011] : memref<64x128xf32, #tpu.memory_space<vmem>>[vector<16xi32>, vector<16xi32>], vector<16xf32>,
        %add3A_1441 = arith.constant 32 : i32
        %add3A_1442 = arith.addi %mul3A_1019, %add3A_1441 : i32
        %swap3A_1443 = arith.index_cast %add3A_1442 : i32 to index
        %swap3A_1444 = tpu.vector_load %arg8[%swap3A_1443] {strides = array<i32>} : memref<32768xf32, #tpu.memory_space<vmem>>, vector<16xf32>,
        tpu.vector_store %arg8[%swap3A_1443], %gather3A_1440 {strides = array<i32>} : memref<32768xf32, #tpu.memory_space<vmem>>, vector<16xf32>,
        %iota3A_1445 = tpu.iota {dimensions = array<i32: 0>} : vector<16xi32>
        %add3A_1446 = arith.constant 48 : i32
        %add3A_1447 = vector.broadcast %add3A_1446 : i32 to vector<16xi32>
        %add3A_1448 = arith.addi %iota3A_1445, %add3A_1447 : vector<16xi32>
        %gather3A_1449 = arith.constant 3 : i32
        %gather3A_1450 = arith.constant 0 : i32
        %gather3A_1451 = arith.constant 0 : i32
        %gather3A_1452 = tpu.memref_slice %arg7[%gather3A_1449, %gather3A_1450, %gather3A_1451] : memref<8x64x128xf32, #tpu.memory_space<vmem>> -> memref<1x64x128xf32, #tpu.memory_space<vmem>>
        %gather3A_1453 = tpu.memref_squeeze %gather3A_1452 : memref<1x64x128xf32, #tpu.memory_space<vmem>> -> memref<64x128xf32, #tpu.memory_space<vmem>>
        %gather3A_1454 = tpu.vector_load_idx %gather3A_1453[%add3A_1448, %broadcast_in_dim3A_1011] : memref<64x128xf32, #tpu.memory_space<vmem>>[vector<16xi32>, vector<16xi32>], vector<16xf32>,
        %add3A_1455 = arith.constant 48 : i32
        %add3A_1456 = arith.addi %mul3A_1019, %add3A_1455 : i32
        %swap3A_1457 = arith.index_cast %add3A_1456 : i32 to index
        %swap3A_1458 = tpu.vector_load %arg8[%swap3A_1457] {strides = array<i32>} : memref<32768xf32, #tpu.memory_space<vmem>>, vector<16xf32>,
        tpu.vector_store %arg8[%swap3A_1457], %gather3A_1454 {strides = array<i32>} : memref<32768xf32, #tpu.memory_space<vmem>>, vector<16xf32>,
      } else {
      }
      %ge3A_1025 = arith.constant 999936 : i32
      %ge3A_1026 = arith.cmpi sge, %squeeze3A_1008, %ge3A_1025 : i32
      %convert_element_type3A_1027 = arith.extui %ge3A_1026 : i1 to i32
      %cond3A_1028 = arith.constant 0 : i32
      %cond3A_1029 = arith.cmpi ne, %convert_element_type3A_1027, %cond3A_1028 : i32
      scf.if %cond3A_1029 {
        %sub3A = arith.constant 999936 : i32
        %sub3A_1406 = arith.subi %squeeze3A_1008, %sub3A : i32
        "tpu.region"() ({
          %run_scoped3A = tpu.sem_alloc : memref<!tpu.dma_semaphore, #tpu.memory_space<semaphore_mem>>
          %dma_start3A_1446 = arith.constant 0 : i32
          %dma_start3A_1447 = tpu.memref_slice %arg4[%sub3A_1406, %dma_start3A_1446] : memref<65x64xf32, #tpu.memory_space<hbm>> -> memref<1x64xf32, #tpu.memory_space<hbm>>
          %dma_start3A_1448 = arith.constant 0 : i32
          %dma_start3A_1449 = tpu.memref_slice %arg4[%sub3A_1406, %dma_start3A_1448] : memref<65x64xf32, #tpu.memory_space<hbm>> -> memref<1x64xf32, #tpu.memory_space<hbm>>
          tpu.enqueue_dma source(%dma_start3A_1449 : memref<1x64xf32, #tpu.memory_space<hbm>>) target(%arg9 : memref<1x64xf32, #tpu.memory_space<vmem>>) target_semaphore(%run_scoped3A : memref<!tpu.dma_semaphore, #tpu.memory_space<semaphore_mem>>)
          %dma_wait3A_1450 = arith.constant 0 : i32
          %dma_wait3A_1451 = tpu.memref_slice %arg4[%sub3A_1406, %dma_wait3A_1450] : memref<65x64xf32, #tpu.memory_space<hbm>> -> memref<1x64xf32, #tpu.memory_space<hbm>>
          %dma_wait3A_1452 = arith.constant 0 : i32
          %dma_wait3A_1453 = tpu.memref_slice %arg4[%sub3A_1406, %dma_wait3A_1452] : memref<65x64xf32, #tpu.memory_space<hbm>> -> memref<1x64xf32, #tpu.memory_space<hbm>>
          tpu.wait_dma2 semaphore(%run_scoped3A : memref<!tpu.dma_semaphore, #tpu.memory_space<semaphore_mem>>) src(%dma_wait3A_1453 : memref<1x64xf32, #tpu.memory_space<hbm>>) dst(%arg9 : memref<1x64xf32, #tpu.memory_space<vmem>>)
          tpu.yield
        }) : () -> ()
        %get3A_1407 = arith.constant 0 : i32
        %get3A_1408 = arith.constant 0 : i32
        %get3A_1409 = tpu.memref_slice %arg9[%get3A_1407, %get3A_1408] : memref<1x64xf32, #tpu.memory_space<vmem>> -> memref<1x64xf32, #tpu.memory_space<vmem>>
        %get3A_1410 = tpu.memref_squeeze %get3A_1409 : memref<1x64xf32, #tpu.memory_space<vmem>> -> memref<64xf32, #tpu.memory_space<vmem>>
        %get3A_1411 = arith.constant 0 : index
        %get3A_1412 = tpu.vector_load %get3A_1410[%get3A_1411] {strides = array<i32>} : memref<64xf32, #tpu.memory_space<vmem>>, vector<16xf32>,
        %add3A_1413 = arith.constant 0 : i32
        %add3A_1414 = arith.addi %mul3A_1019, %add3A_1413 : i32
        %swap3A = arith.index_cast %add3A_1414 : i32 to index
        %swap3A_1415 = tpu.vector_load %arg8[%swap3A] {strides = array<i32>} : memref<32768xf32, #tpu.memory_space<vmem>>, vector<16xf32>,
        tpu.vector_store %arg8[%swap3A], %get3A_1412 {strides = array<i32>} : memref<32768xf32, #tpu.memory_space<vmem>>, vector<16xf32>,
        %get3A_1416 = arith.constant 0 : i32
        %get3A_1417 = arith.constant 0 : i32
        %get3A_1418 = tpu.memref_slice %arg9[%get3A_1416, %get3A_1417] : memref<1x64xf32, #tpu.memory_space<vmem>> -> memref<1x64xf32, #tpu.memory_space<vmem>>
        %get3A_1419 = tpu.memref_squeeze %get3A_1418 : memref<1x64xf32, #tpu.memory_space<vmem>> -> memref<64xf32, #tpu.memory_space<vmem>>
        %get3A_1420 = arith.constant 16 : index
        %get3A_1421 = tpu.vector_load %get3A_1419[%get3A_1420] {strides = array<i32>} : memref<64xf32, #tpu.memory_space<vmem>>, vector<16xf32>,
        %add3A_1422 = arith.constant 16 : i32
        %add3A_1423 = arith.addi %mul3A_1019, %add3A_1422 : i32
        %swap3A_1424 = arith.index_cast %add3A_1423 : i32 to index
        %swap3A_1425 = tpu.vector_load %arg8[%swap3A_1424] {strides = array<i32>} : memref<32768xf32, #tpu.memory_space<vmem>>, vector<16xf32>,
        tpu.vector_store %arg8[%swap3A_1424], %get3A_1421 {strides = array<i32>} : memref<32768xf32, #tpu.memory_space<vmem>>, vector<16xf32>,
        %get3A_1426 = arith.constant 0 : i32
        %get3A_1427 = arith.constant 0 : i32
        %get3A_1428 = tpu.memref_slice %arg9[%get3A_1426, %get3A_1427] : memref<1x64xf32, #tpu.memory_space<vmem>> -> memref<1x64xf32, #tpu.memory_space<vmem>>
        %get3A_1429 = tpu.memref_squeeze %get3A_1428 : memref<1x64xf32, #tpu.memory_space<vmem>> -> memref<64xf32, #tpu.memory_space<vmem>>
        %get3A_1430 = arith.constant 32 : index
        %get3A_1431 = tpu.vector_load %get3A_1429[%get3A_1430] {strides = array<i32>} : memref<64xf32, #tpu.memory_space<vmem>>, vector<16xf32>,
        %add3A_1432 = arith.constant 32 : i32
        %add3A_1433 = arith.addi %mul3A_1019, %add3A_1432 : i32
        %swap3A_1434 = arith.index_cast %add3A_1433 : i32 to index
        %swap3A_1435 = tpu.vector_load %arg8[%swap3A_1434] {strides = array<i32>} : memref<32768xf32, #tpu.memory_space<vmem>>, vector<16xf32>,
        tpu.vector_store %arg8[%swap3A_1434], %get3A_1431 {strides = array<i32>} : memref<32768xf32, #tpu.memory_space<vmem>>, vector<16xf32>,
        %get3A_1436 = arith.constant 0 : i32
        %get3A_1437 = arith.constant 0 : i32
        %get3A_1438 = tpu.memref_slice %arg9[%get3A_1436, %get3A_1437] : memref<1x64xf32, #tpu.memory_space<vmem>> -> memref<1x64xf32, #tpu.memory_space<vmem>>
        %get3A_1439 = tpu.memref_squeeze %get3A_1438 : memref<1x64xf32, #tpu.memory_space<vmem>> -> memref<64xf32, #tpu.memory_space<vmem>>
        %get3A_1440 = arith.constant 48 : index
        %get3A_1441 = tpu.vector_load %get3A_1439[%get3A_1440] {strides = array<i32>} : memref<64xf32, #tpu.memory_space<vmem>>, vector<16xf32>,
        %add3A_1442 = arith.constant 48 : i32
        %add3A_1443 = arith.addi %mul3A_1019, %add3A_1442 : i32
        %swap3A_1444 = arith.index_cast %add3A_1443 : i32 to index
        %swap3A_1445 = tpu.vector_load %arg8[%swap3A_1444] {strides = array<i32>} : memref<32768xf32, #tpu.memory_space<vmem>>, vector<16xf32>,
        tpu.vector_store %arg8[%swap3A_1444], %get3A_1441 {strides = array<i32>} : memref<32768xf32, #tpu.memory_space<vmem>>, vector<16xf32>,
      } else {
      }
      %slice3A_1030 = vector.extract_strided_slice %get3A_354 {offsets = [0], sizes = [1], strides = [1]} : vector<16xi32> to vector<1xi32>
      %squeeze3A_1031 = vector.extract %slice3A_1030[0] : i32 from vector<1xi32>
      %ge3A_1032 = arith.constant 999936 : i32
      %ge3A_1033 = arith.cmpi sge, %squeeze3A_1031, %ge3A_1032 : i32
      %shift_right_arithmetic3A_1034 = arith.constant 7 : i32
      %shift_right_arithmetic3A_1035 = arith.shrsi %squeeze3A_1031, %shift_right_arithmetic3A_1034 : i32
      %jit3A_1036 = arith.constant 0 : i32
      %select_n3A_1037 = arith.select %ge3A_1033, %jit3A_1036, %shift_right_arithmetic3A_1035 : i32
      %jit3A_1038 = arith.constant 0 : i32
      %jit3A_1039 = arith.constant 7811 : i32
      %max3A_1040 = arith.maxsi %jit3A_1038, %select_n3A_1037 : i32
      %min3A_1041 = arith.minsi %jit3A_1039, %max3A_1040 : i32
      %mul3A_1042 = arith.constant 128 : i32
      %mul3A_1043 = arith.muli %min3A_1041, %mul3A_1042 : i32
      %multiple_of3A_1044 = tpu.assume_multiple %mul3A_1043, 128 : i32
      %dma_start3A_1045 = arith.constant 0 : i32
      %dma_start3A_1046 = arith.constant 0 : i32
      %dma_start3A_1047 = arith.constant 0 : i32
      %dma_start3A_1048 = tpu.memref_slice %arg7[%dma_start3A_1045, %dma_start3A_1046, %dma_start3A_1047] : memref<8x64x128xf32, #tpu.memory_space<vmem>> -> memref<1x64x128xf32, #tpu.memory_space<vmem>>
      %dma_start3A_1049 = tpu.memref_squeeze %dma_start3A_1048 : memref<1x64x128xf32, #tpu.memory_space<vmem>> -> memref<64x128xf32, #tpu.memory_space<vmem>>
      %dma_start3A_1050 = arith.constant 0 : i32
      %dma_start3A_1051 = tpu.memref_slice %arg3[%dma_start3A_1050, %multiple_of3A_1044] : memref<64x1000001xf32, #tpu.memory_space<hbm>> -> memref<64x128xf32, #tpu.memory_space<hbm>>
      %dma_start3A_1052 = arith.constant 0 : i32
      %dma_start3A_1053 = arith.constant 0 : i32
      %dma_start3A_1054 = tpu.memref_slice %arg7[%dma_start3A_1045, %dma_start3A_1052, %dma_start3A_1053] : memref<8x64x128xf32, #tpu.memory_space<vmem>> -> memref<1x64x128xf32, #tpu.memory_space<vmem>>
      %dma_start3A_1055 = tpu.memref_squeeze %dma_start3A_1054 : memref<1x64x128xf32, #tpu.memory_space<vmem>> -> memref<64x128xf32, #tpu.memory_space<vmem>>
      %dma_start3A_1056 = arith.constant 0 : i32
      %dma_start3A_1057 = tpu.memref_slice %arg3[%dma_start3A_1056, %multiple_of3A_1044] : memref<64x1000001xf32, #tpu.memory_space<hbm>> -> memref<64x128xf32, #tpu.memory_space<hbm>>
      tpu.enqueue_dma source(%dma_start3A_1057 : memref<64x128xf32, #tpu.memory_space<hbm>>) target(%dma_start3A_1055 : memref<64x128xf32, #tpu.memory_space<vmem>>) target_semaphore(%arg10 : memref<!tpu.dma_semaphore, #tpu.memory_space<semaphore_mem>>)
      %slice3A_1058 = vector.extract_strided_slice %get3A_354 {offsets = [1], sizes = [1], strides = [1]} : vector<16xi32> to vector<1xi32>
      %squeeze3A_1059 = vector.extract %slice3A_1058[0] : i32 from vector<1xi32>
      %ge3A_1060 = arith.constant 999936 : i32
      %ge3A_1061 = arith.cmpi sge, %squeeze3A_1059, %ge3A_1060 : i32
      %shift_right_arithmetic3A_1062 = arith.constant 7 : i32
      %shift_right_arithmetic3A_1063 = arith.shrsi %squeeze3A_1059, %shift_right_arithmetic3A_1062 : i32
      %jit3A_1064 = arith.constant 0 : i32
      %select_n3A_1065 = arith.select %ge3A_1061, %jit3A_1064, %shift_right_arithmetic3A_1063 : i32
      %jit3A_1066 = arith.constant 0 : i32
      %jit3A_1067 = arith.constant 7811 : i32
      %max3A_1068 = arith.maxsi %jit3A_1066, %select_n3A_1065 : i32
      %min3A_1069 = arith.minsi %jit3A_1067, %max3A_1068 : i32
      %mul3A_1070 = arith.constant 128 : i32
      %mul3A_1071 = arith.muli %min3A_1069, %mul3A_1070 : i32
      %multiple_of3A_1072 = tpu.assume_multiple %mul3A_1071, 128 : i32
      %dma_start3A_1073 = arith.constant 1 : i32
      %dma_start3A_1074 = arith.constant 0 : i32
      %dma_start3A_1075 = arith.constant 0 : i32
      %dma_start3A_1076 = tpu.memref_slice %arg7[%dma_start3A_1073, %dma_start3A_1074, %dma_start3A_1075] : memref<8x64x128xf32, #tpu.memory_space<vmem>> -> memref<1x64x128xf32, #tpu.memory_space<vmem>>
      %dma_start3A_1077 = tpu.memref_squeeze %dma_start3A_1076 : memref<1x64x128xf32, #tpu.memory_space<vmem>> -> memref<64x128xf32, #tpu.memory_space<vmem>>
      %dma_start3A_1078 = arith.constant 0 : i32
      %dma_start3A_1079 = tpu.memref_slice %arg3[%dma_start3A_1078, %multiple_of3A_1072] : memref<64x1000001xf32, #tpu.memory_space<hbm>> -> memref<64x128xf32, #tpu.memory_space<hbm>>
      %dma_start3A_1080 = arith.constant 0 : i32
      %dma_start3A_1081 = arith.constant 0 : i32
      %dma_start3A_1082 = tpu.memref_slice %arg7[%dma_start3A_1073, %dma_start3A_1080, %dma_start3A_1081] : memref<8x64x128xf32, #tpu.memory_space<vmem>> -> memref<1x64x128xf32, #tpu.memory_space<vmem>>
      %dma_start3A_1083 = tpu.memref_squeeze %dma_start3A_1082 : memref<1x64x128xf32, #tpu.memory_space<vmem>> -> memref<64x128xf32, #tpu.memory_space<vmem>>
      %dma_start3A_1084 = arith.constant 0 : i32
      %dma_start3A_1085 = tpu.memref_slice %arg3[%dma_start3A_1084, %multiple_of3A_1072] : memref<64x1000001xf32, #tpu.memory_space<hbm>> -> memref<64x128xf32, #tpu.memory_space<hbm>>
      tpu.enqueue_dma source(%dma_start3A_1085 : memref<64x128xf32, #tpu.memory_space<hbm>>) target(%dma_start3A_1083 : memref<64x128xf32, #tpu.memory_space<vmem>>) target_semaphore(%arg10 : memref<!tpu.dma_semaphore, #tpu.memory_space<semaphore_mem>>)
      %slice3A_1086 = vector.extract_strided_slice %get3A_354 {offsets = [2], sizes = [1], strides = [1]} : vector<16xi32> to vector<1xi32>
      %squeeze3A_1087 = vector.extract %slice3A_1086[0] : i32 from vector<1xi32>
      %ge3A_1088 = arith.constant 999936 : i32
      %ge3A_1089 = arith.cmpi sge, %squeeze3A_1087, %ge3A_1088 : i32
      %shift_right_arithmetic3A_1090 = arith.constant 7 : i32
      %shift_right_arithmetic3A_1091 = arith.shrsi %squeeze3A_1087, %shift_right_arithmetic3A_1090 : i32
      %jit3A_1092 = arith.constant 0 : i32
      %select_n3A_1093 = arith.select %ge3A_1089, %jit3A_1092, %shift_right_arithmetic3A_1091 : i32
      %jit3A_1094 = arith.constant 0 : i32
      %jit3A_1095 = arith.constant 7811 : i32
      %max3A_1096 = arith.maxsi %jit3A_1094, %select_n3A_1093 : i32
      %min3A_1097 = arith.minsi %jit3A_1095, %max3A_1096 : i32
      %mul3A_1098 = arith.constant 128 : i32
      %mul3A_1099 = arith.muli %min3A_1097, %mul3A_1098 : i32
      %multiple_of3A_1100 = tpu.assume_multiple %mul3A_1099, 128 : i32
      %dma_start3A_1101 = arith.constant 2 : i32
      %dma_start3A_1102 = arith.constant 0 : i32
      %dma_start3A_1103 = arith.constant 0 : i32
      %dma_start3A_1104 = tpu.memref_slice %arg7[%dma_start3A_1101, %dma_start3A_1102, %dma_start3A_1103] : memref<8x64x128xf32, #tpu.memory_space<vmem>> -> memref<1x64x128xf32, #tpu.memory_space<vmem>>
      %dma_start3A_1105 = tpu.memref_squeeze %dma_start3A_1104 : memref<1x64x128xf32, #tpu.memory_space<vmem>> -> memref<64x128xf32, #tpu.memory_space<vmem>>
      %dma_start3A_1106 = arith.constant 0 : i32
      %dma_start3A_1107 = tpu.memref_slice %arg3[%dma_start3A_1106, %multiple_of3A_1100] : memref<64x1000001xf32, #tpu.memory_space<hbm>> -> memref<64x128xf32, #tpu.memory_space<hbm>>
      %dma_start3A_1108 = arith.constant 0 : i32
      %dma_start3A_1109 = arith.constant 0 : i32
      %dma_start3A_1110 = tpu.memref_slice %arg7[%dma_start3A_1101, %dma_start3A_1108, %dma_start3A_1109] : memref<8x64x128xf32, #tpu.memory_space<vmem>> -> memref<1x64x128xf32, #tpu.memory_space<vmem>>
      %dma_start3A_1111 = tpu.memref_squeeze %dma_start3A_1110 : memref<1x64x128xf32, #tpu.memory_space<vmem>> -> memref<64x128xf32, #tpu.memory_space<vmem>>
      %dma_start3A_1112 = arith.constant 0 : i32
      %dma_start3A_1113 = tpu.memref_slice %arg3[%dma_start3A_1112, %multiple_of3A_1100] : memref<64x1000001xf32, #tpu.memory_space<hbm>> -> memref<64x128xf32, #tpu.memory_space<hbm>>
      tpu.enqueue_dma source(%dma_start3A_1113 : memref<64x128xf32, #tpu.memory_space<hbm>>) target(%dma_start3A_1111 : memref<64x128xf32, #tpu.memory_space<vmem>>) target_semaphore(%arg10 : memref<!tpu.dma_semaphore, #tpu.memory_space<semaphore_mem>>)
      %slice3A_1114 = vector.extract_strided_slice %get3A_354 {offsets = [3], sizes = [1], strides = [1]} : vector<16xi32> to vector<1xi32>
      %squeeze3A_1115 = vector.extract %slice3A_1114[0] : i32 from vector<1xi32>
      %ge3A_1116 = arith.constant 999936 : i32
      %ge3A_1117 = arith.cmpi sge, %squeeze3A_1115, %ge3A_1116 : i32
      %shift_right_arithmetic3A_1118 = arith.constant 7 : i32
      %shift_right_arithmetic3A_1119 = arith.shrsi %squeeze3A_1115, %shift_right_arithmetic3A_1118 : i32
      %jit3A_1120 = arith.constant 0 : i32
      %select_n3A_1121 = arith.select %ge3A_1117, %jit3A_1120, %shift_right_arithmetic3A_1119 : i32
      %jit3A_1122 = arith.constant 0 : i32
      %jit3A_1123 = arith.constant 7811 : i32
      %max3A_1124 = arith.maxsi %jit3A_1122, %select_n3A_1121 : i32
      %min3A_1125 = arith.minsi %jit3A_1123, %max3A_1124 : i32
      %mul3A_1126 = arith.constant 128 : i32
      %mul3A_1127 = arith.muli %min3A_1125, %mul3A_1126 : i32
      %multiple_of3A_1128 = tpu.assume_multiple %mul3A_1127, 128 : i32
      %dma_start3A_1129 = arith.constant 3 : i32
      %dma_start3A_1130 = arith.constant 0 : i32
      %dma_start3A_1131 = arith.constant 0 : i32
      %dma_start3A_1132 = tpu.memref_slice %arg7[%dma_start3A_1129, %dma_start3A_1130, %dma_start3A_1131] : memref<8x64x128xf32, #tpu.memory_space<vmem>> -> memref<1x64x128xf32, #tpu.memory_space<vmem>>
      %dma_start3A_1133 = tpu.memref_squeeze %dma_start3A_1132 : memref<1x64x128xf32, #tpu.memory_space<vmem>> -> memref<64x128xf32, #tpu.memory_space<vmem>>
      %dma_start3A_1134 = arith.constant 0 : i32
      %dma_start3A_1135 = tpu.memref_slice %arg3[%dma_start3A_1134, %multiple_of3A_1128] : memref<64x1000001xf32, #tpu.memory_space<hbm>> -> memref<64x128xf32, #tpu.memory_space<hbm>>
      %dma_start3A_1136 = arith.constant 0 : i32
      %dma_start3A_1137 = arith.constant 0 : i32
      %dma_start3A_1138 = tpu.memref_slice %arg7[%dma_start3A_1129, %dma_start3A_1136, %dma_start3A_1137] : memref<8x64x128xf32, #tpu.memory_space<vmem>> -> memref<1x64x128xf32, #tpu.memory_space<vmem>>
      %dma_start3A_1139 = tpu.memref_squeeze %dma_start3A_1138 : memref<1x64x128xf32, #tpu.memory_space<vmem>> -> memref<64x128xf32, #tpu.memory_space<vmem>>
      %dma_start3A_1140 = arith.constant 0 : i32
      %dma_start3A_1141 = tpu.memref_slice %arg3[%dma_start3A_1140, %multiple_of3A_1128] : memref<64x1000001xf32, #tpu.memory_space<hbm>> -> memref<64x128xf32, #tpu.memory_space<hbm>>
      tpu.enqueue_dma source(%dma_start3A_1141 : memref<64x128xf32, #tpu.memory_space<hbm>>) target(%dma_start3A_1139 : memref<64x128xf32, #tpu.memory_space<vmem>>) target_semaphore(%arg10 : memref<!tpu.dma_semaphore, #tpu.memory_space<semaphore_mem>>)
      %dma_wait3A_1142 = arith.constant 4 : i32
      %dma_wait3A_1143 = arith.constant 0 : i32
      %dma_wait3A_1144 = arith.constant 0 : i32
      %dma_wait3A_1145 = tpu.memref_slice %arg7[%dma_wait3A_1142, %dma_wait3A_1143, %dma_wait3A_1144] : memref<8x64x128xf32, #tpu.memory_space<vmem>> -> memref<1x64x128xf32, #tpu.memory_space<vmem>>
      %dma_wait3A_1146 = tpu.memref_squeeze %dma_wait3A_1145 : memref<1x64x128xf32, #tpu.memory_space<vmem>> -> memref<64x128xf32, #tpu.memory_space<vmem>>
      %dma_wait3A_1147 = arith.constant 0 : i32
      %dma_wait3A_1148 = arith.constant 0 : i32
      %dma_wait3A_1149 = tpu.memref_slice %arg3[%dma_wait3A_1147, %dma_wait3A_1148] : memref<64x1000001xf32, #tpu.memory_space<hbm>> -> memref<64x128xf32, #tpu.memory_space<hbm>>
      %dma_wait3A_1150 = arith.constant 0 : i32
      %dma_wait3A_1151 = arith.constant 0 : i32
      %dma_wait3A_1152 = tpu.memref_slice %arg7[%dma_wait3A_1142, %dma_wait3A_1150, %dma_wait3A_1151] : memref<8x64x128xf32, #tpu.memory_space<vmem>> -> memref<1x64x128xf32, #tpu.memory_space<vmem>>
      %dma_wait3A_1153 = tpu.memref_squeeze %dma_wait3A_1152 : memref<1x64x128xf32, #tpu.memory_space<vmem>> -> memref<64x128xf32, #tpu.memory_space<vmem>>
      %dma_wait3A_1154 = arith.constant 0 : i32
      %dma_wait3A_1155 = arith.constant 0 : i32
      %dma_wait3A_1156 = tpu.memref_slice %arg3[%dma_wait3A_1154, %dma_wait3A_1155] : memref<64x1000001xf32, #tpu.memory_space<hbm>> -> memref<64x128xf32, #tpu.memory_space<hbm>>
      tpu.wait_dma2 semaphore(%arg11 : memref<!tpu.dma_semaphore, #tpu.memory_space<semaphore_mem>>) src(%dma_wait3A_1156 : memref<64x128xf32, #tpu.memory_space<hbm>>) dst(%dma_wait3A_1153 : memref<64x128xf32, #tpu.memory_space<vmem>>)
      %dma_wait3A_1157 = arith.constant 5 : i32
      %dma_wait3A_1158 = arith.constant 0 : i32
      %dma_wait3A_1159 = arith.constant 0 : i32
      %dma_wait3A_1160 = tpu.memref_slice %arg7[%dma_wait3A_1157, %dma_wait3A_1158, %dma_wait3A_1159] : memref<8x64x128xf32, #tpu.memory_space<vmem>> -> memref<1x64x128xf32, #tpu.memory_space<vmem>>
      %dma_wait3A_1161 = tpu.memref_squeeze %dma_wait3A_1160 : memref<1x64x128xf32, #tpu.memory_space<vmem>> -> memref<64x128xf32, #tpu.memory_space<vmem>>
      %dma_wait3A_1162 = arith.constant 0 : i32
      %dma_wait3A_1163 = arith.constant 0 : i32
      %dma_wait3A_1164 = tpu.memref_slice %arg3[%dma_wait3A_1162, %dma_wait3A_1163] : memref<64x1000001xf32, #tpu.memory_space<hbm>> -> memref<64x128xf32, #tpu.memory_space<hbm>>
      %dma_wait3A_1165 = arith.constant 0 : i32
      %dma_wait3A_1166 = arith.constant 0 : i32
      %dma_wait3A_1167 = tpu.memref_slice %arg7[%dma_wait3A_1157, %dma_wait3A_1165, %dma_wait3A_1166] : memref<8x64x128xf32, #tpu.memory_space<vmem>> -> memref<1x64x128xf32, #tpu.memory_space<vmem>>
      %dma_wait3A_1168 = tpu.memref_squeeze %dma_wait3A_1167 : memref<1x64x128xf32, #tpu.memory_space<vmem>> -> memref<64x128xf32, #tpu.memory_space<vmem>>
      %dma_wait3A_1169 = arith.constant 0 : i32
      %dma_wait3A_1170 = arith.constant 0 : i32
      %dma_wait3A_1171 = tpu.memref_slice %arg3[%dma_wait3A_1169, %dma_wait3A_1170] : memref<64x1000001xf32, #tpu.memory_space<hbm>> -> memref<64x128xf32, #tpu.memory_space<hbm>>
      tpu.wait_dma2 semaphore(%arg11 : memref<!tpu.dma_semaphore, #tpu.memory_space<semaphore_mem>>) src(%dma_wait3A_1171 : memref<64x128xf32, #tpu.memory_space<hbm>>) dst(%dma_wait3A_1168 : memref<64x128xf32, #tpu.memory_space<vmem>>)
      %dma_wait3A_1172 = arith.constant 6 : i32
      %dma_wait3A_1173 = arith.constant 0 : i32
      %dma_wait3A_1174 = arith.constant 0 : i32
      %dma_wait3A_1175 = tpu.memref_slice %arg7[%dma_wait3A_1172, %dma_wait3A_1173, %dma_wait3A_1174] : memref<8x64x128xf32, #tpu.memory_space<vmem>> -> memref<1x64x128xf32, #tpu.memory_space<vmem>>
      %dma_wait3A_1176 = tpu.memref_squeeze %dma_wait3A_1175 : memref<1x64x128xf32, #tpu.memory_space<vmem>> -> memref<64x128xf32, #tpu.memory_space<vmem>>
      %dma_wait3A_1177 = arith.constant 0 : i32
      %dma_wait3A_1178 = arith.constant 0 : i32
      %dma_wait3A_1179 = tpu.memref_slice %arg3[%dma_wait3A_1177, %dma_wait3A_1178] : memref<64x1000001xf32, #tpu.memory_space<hbm>> -> memref<64x128xf32, #tpu.memory_space<hbm>>
      %dma_wait3A_1180 = arith.constant 0 : i32
      %dma_wait3A_1181 = arith.constant 0 : i32
      %dma_wait3A_1182 = tpu.memref_slice %arg7[%dma_wait3A_1172, %dma_wait3A_1180, %dma_wait3A_1181] : memref<8x64x128xf32, #tpu.memory_space<vmem>> -> memref<1x64x128xf32, #tpu.memory_space<vmem>>
      %dma_wait3A_1183 = tpu.memref_squeeze %dma_wait3A_1182 : memref<1x64x128xf32, #tpu.memory_space<vmem>> -> memref<64x128xf32, #tpu.memory_space<vmem>>
      %dma_wait3A_1184 = arith.constant 0 : i32
      %dma_wait3A_1185 = arith.constant 0 : i32
      %dma_wait3A_1186 = tpu.memref_slice %arg3[%dma_wait3A_1184, %dma_wait3A_1185] : memref<64x1000001xf32, #tpu.memory_space<hbm>> -> memref<64x128xf32, #tpu.memory_space<hbm>>
      tpu.wait_dma2 semaphore(%arg11 : memref<!tpu.dma_semaphore, #tpu.memory_space<semaphore_mem>>) src(%dma_wait3A_1186 : memref<64x128xf32, #tpu.memory_space<hbm>>) dst(%dma_wait3A_1183 : memref<64x128xf32, #tpu.memory_space<vmem>>)
      %dma_wait3A_1187 = arith.constant 7 : i32
      %dma_wait3A_1188 = arith.constant 0 : i32
      %dma_wait3A_1189 = arith.constant 0 : i32
      %dma_wait3A_1190 = tpu.memref_slice %arg7[%dma_wait3A_1187, %dma_wait3A_1188, %dma_wait3A_1189] : memref<8x64x128xf32, #tpu.memory_space<vmem>> -> memref<1x64x128xf32, #tpu.memory_space<vmem>>
      %dma_wait3A_1191 = tpu.memref_squeeze %dma_wait3A_1190 : memref<1x64x128xf32, #tpu.memory_space<vmem>> -> memref<64x128xf32, #tpu.memory_space<vmem>>
      %dma_wait3A_1192 = arith.constant 0 : i32
      %dma_wait3A_1193 = arith.constant 0 : i32
      %dma_wait3A_1194 = tpu.memref_slice %arg3[%dma_wait3A_1192, %dma_wait3A_1193] : memref<64x1000001xf32, #tpu.memory_space<hbm>> -> memref<64x128xf32, #tpu.memory_space<hbm>>
      %dma_wait3A_1195 = arith.constant 0 : i32
      %dma_wait3A_1196 = arith.constant 0 : i32
      %dma_wait3A_1197 = tpu.memref_slice %arg7[%dma_wait3A_1187, %dma_wait3A_1195, %dma_wait3A_1196] : memref<8x64x128xf32, #tpu.memory_space<vmem>> -> memref<1x64x128xf32, #tpu.memory_space<vmem>>
      %dma_wait3A_1198 = tpu.memref_squeeze %dma_wait3A_1197 : memref<1x64x128xf32, #tpu.memory_space<vmem>> -> memref<64x128xf32, #tpu.memory_space<vmem>>
      %dma_wait3A_1199 = arith.constant 0 : i32
      %dma_wait3A_1200 = arith.constant 0 : i32
      %dma_wait3A_1201 = tpu.memref_slice %arg3[%dma_wait3A_1199, %dma_wait3A_1200] : memref<64x1000001xf32, #tpu.memory_space<hbm>> -> memref<64x128xf32, #tpu.memory_space<hbm>>
      tpu.wait_dma2 semaphore(%arg11 : memref<!tpu.dma_semaphore, #tpu.memory_space<semaphore_mem>>) src(%dma_wait3A_1201 : memref<64x128xf32, #tpu.memory_space<hbm>>) dst(%dma_wait3A_1198 : memref<64x128xf32, #tpu.memory_space<vmem>>)
      %slice3A_1202 = vector.extract_strided_slice %get3A_348 {offsets = [12], sizes = [1], strides = [1]} : vector<16xi32> to vector<1xi32>
      %squeeze3A_1203 = vector.extract %slice3A_1202[0] : i32 from vector<1xi32>
      %and3A_1204 = arith.constant 127 : i32
      %and3A_1205 = arith.andi %squeeze3A_1203, %and3A_1204 : i32
      %broadcast_in_dim3A_1206 = vector.broadcast %and3A_1205 : i32 to vector<16xi32>
      %mul3A_1207 = arith.constant 16 : i32
      %mul3A_1208 = arith.muli %scan3A_344, %mul3A_1207 : i32
      %add3A_1209 = arith.constant 12 : i32
      %add3A_1210 = arith.addi %mul3A_1208, %add3A_1209 : i32
      %add3A_1211 = arith.constant 0 : i32
      %add3A_1212 = arith.addi %add3A_1210, %add3A_1211 : i32
      %mul3A_1213 = arith.constant 64 : i32
      %mul3A_1214 = arith.muli %add3A_1212, %mul3A_1213 : i32
      %lt3A_1215 = arith.constant 999936 : i32
      %lt3A_1216 = arith.cmpi slt, %squeeze3A_1203, %lt3A_1215 : i32
      %convert_element_type3A_1217 = arith.extui %lt3A_1216 : i1 to i32
      %cond3A_1218 = arith.constant 0 : i32
      %cond3A_1219 = arith.cmpi ne, %convert_element_type3A_1217, %cond3A_1218 : i32
      scf.if %cond3A_1219 {
        %iota3A = tpu.iota {dimensions = array<i32: 0>} : vector<16xi32>
        %add3A_1406 = arith.constant 0 : i32
        %add3A_1407 = vector.broadcast %add3A_1406 : i32 to vector<16xi32>
        %add3A_1408 = arith.addi %iota3A, %add3A_1407 : vector<16xi32>
        %gather3A = arith.constant 4 : i32
        %gather3A_1409 = arith.constant 0 : i32
        %gather3A_1410 = arith.constant 0 : i32
        %gather3A_1411 = tpu.memref_slice %arg7[%gather3A, %gather3A_1409, %gather3A_1410] : memref<8x64x128xf32, #tpu.memory_space<vmem>> -> memref<1x64x128xf32, #tpu.memory_space<vmem>>
        %gather3A_1412 = tpu.memref_squeeze %gather3A_1411 : memref<1x64x128xf32, #tpu.memory_space<vmem>> -> memref<64x128xf32, #tpu.memory_space<vmem>>
        %gather3A_1413 = tpu.vector_load_idx %gather3A_1412[%add3A_1408, %broadcast_in_dim3A_1206] : memref<64x128xf32, #tpu.memory_space<vmem>>[vector<16xi32>, vector<16xi32>], vector<16xf32>,
        %add3A_1414 = arith.constant 0 : i32
        %add3A_1415 = arith.addi %mul3A_1214, %add3A_1414 : i32
        %swap3A = arith.index_cast %add3A_1415 : i32 to index
        %swap3A_1416 = tpu.vector_load %arg8[%swap3A] {strides = array<i32>} : memref<32768xf32, #tpu.memory_space<vmem>>, vector<16xf32>,
        tpu.vector_store %arg8[%swap3A], %gather3A_1413 {strides = array<i32>} : memref<32768xf32, #tpu.memory_space<vmem>>, vector<16xf32>,
        %iota3A_1417 = tpu.iota {dimensions = array<i32: 0>} : vector<16xi32>
        %add3A_1418 = arith.constant 16 : i32
        %add3A_1419 = vector.broadcast %add3A_1418 : i32 to vector<16xi32>
        %add3A_1420 = arith.addi %iota3A_1417, %add3A_1419 : vector<16xi32>
        %gather3A_1421 = arith.constant 4 : i32
        %gather3A_1422 = arith.constant 0 : i32
        %gather3A_1423 = arith.constant 0 : i32
        %gather3A_1424 = tpu.memref_slice %arg7[%gather3A_1421, %gather3A_1422, %gather3A_1423] : memref<8x64x128xf32, #tpu.memory_space<vmem>> -> memref<1x64x128xf32, #tpu.memory_space<vmem>>
        %gather3A_1425 = tpu.memref_squeeze %gather3A_1424 : memref<1x64x128xf32, #tpu.memory_space<vmem>> -> memref<64x128xf32, #tpu.memory_space<vmem>>
        %gather3A_1426 = tpu.vector_load_idx %gather3A_1425[%add3A_1420, %broadcast_in_dim3A_1206] : memref<64x128xf32, #tpu.memory_space<vmem>>[vector<16xi32>, vector<16xi32>], vector<16xf32>,
        %add3A_1427 = arith.constant 16 : i32
        %add3A_1428 = arith.addi %mul3A_1214, %add3A_1427 : i32
        %swap3A_1429 = arith.index_cast %add3A_1428 : i32 to index
        %swap3A_1430 = tpu.vector_load %arg8[%swap3A_1429] {strides = array<i32>} : memref<32768xf32, #tpu.memory_space<vmem>>, vector<16xf32>,
        tpu.vector_store %arg8[%swap3A_1429], %gather3A_1426 {strides = array<i32>} : memref<32768xf32, #tpu.memory_space<vmem>>, vector<16xf32>,
        %iota3A_1431 = tpu.iota {dimensions = array<i32: 0>} : vector<16xi32>
        %add3A_1432 = arith.constant 32 : i32
        %add3A_1433 = vector.broadcast %add3A_1432 : i32 to vector<16xi32>
        %add3A_1434 = arith.addi %iota3A_1431, %add3A_1433 : vector<16xi32>
        %gather3A_1435 = arith.constant 4 : i32
        %gather3A_1436 = arith.constant 0 : i32
        %gather3A_1437 = arith.constant 0 : i32
        %gather3A_1438 = tpu.memref_slice %arg7[%gather3A_1435, %gather3A_1436, %gather3A_1437] : memref<8x64x128xf32, #tpu.memory_space<vmem>> -> memref<1x64x128xf32, #tpu.memory_space<vmem>>
        %gather3A_1439 = tpu.memref_squeeze %gather3A_1438 : memref<1x64x128xf32, #tpu.memory_space<vmem>> -> memref<64x128xf32, #tpu.memory_space<vmem>>
        %gather3A_1440 = tpu.vector_load_idx %gather3A_1439[%add3A_1434, %broadcast_in_dim3A_1206] : memref<64x128xf32, #tpu.memory_space<vmem>>[vector<16xi32>, vector<16xi32>], vector<16xf32>,
        %add3A_1441 = arith.constant 32 : i32
        %add3A_1442 = arith.addi %mul3A_1214, %add3A_1441 : i32
        %swap3A_1443 = arith.index_cast %add3A_1442 : i32 to index
        %swap3A_1444 = tpu.vector_load %arg8[%swap3A_1443] {strides = array<i32>} : memref<32768xf32, #tpu.memory_space<vmem>>, vector<16xf32>,
        tpu.vector_store %arg8[%swap3A_1443], %gather3A_1440 {strides = array<i32>} : memref<32768xf32, #tpu.memory_space<vmem>>, vector<16xf32>,
        %iota3A_1445 = tpu.iota {dimensions = array<i32: 0>} : vector<16xi32>
        %add3A_1446 = arith.constant 48 : i32
        %add3A_1447 = vector.broadcast %add3A_1446 : i32 to vector<16xi32>
        %add3A_1448 = arith.addi %iota3A_1445, %add3A_1447 : vector<16xi32>
        %gather3A_1449 = arith.constant 4 : i32
        %gather3A_1450 = arith.constant 0 : i32
        %gather3A_1451 = arith.constant 0 : i32
        %gather3A_1452 = tpu.memref_slice %arg7[%gather3A_1449, %gather3A_1450, %gather3A_1451] : memref<8x64x128xf32, #tpu.memory_space<vmem>> -> memref<1x64x128xf32, #tpu.memory_space<vmem>>
        %gather3A_1453 = tpu.memref_squeeze %gather3A_1452 : memref<1x64x128xf32, #tpu.memory_space<vmem>> -> memref<64x128xf32, #tpu.memory_space<vmem>>
        %gather3A_1454 = tpu.vector_load_idx %gather3A_1453[%add3A_1448, %broadcast_in_dim3A_1206] : memref<64x128xf32, #tpu.memory_space<vmem>>[vector<16xi32>, vector<16xi32>], vector<16xf32>,
        %add3A_1455 = arith.constant 48 : i32
        %add3A_1456 = arith.addi %mul3A_1214, %add3A_1455 : i32
        %swap3A_1457 = arith.index_cast %add3A_1456 : i32 to index
        %swap3A_1458 = tpu.vector_load %arg8[%swap3A_1457] {strides = array<i32>} : memref<32768xf32, #tpu.memory_space<vmem>>, vector<16xf32>,
        tpu.vector_store %arg8[%swap3A_1457], %gather3A_1454 {strides = array<i32>} : memref<32768xf32, #tpu.memory_space<vmem>>, vector<16xf32>,
      } else {
      }
      %ge3A_1220 = arith.constant 999936 : i32
      %ge3A_1221 = arith.cmpi sge, %squeeze3A_1203, %ge3A_1220 : i32
      %convert_element_type3A_1222 = arith.extui %ge3A_1221 : i1 to i32
      %cond3A_1223 = arith.constant 0 : i32
      %cond3A_1224 = arith.cmpi ne, %convert_element_type3A_1222, %cond3A_1223 : i32
      scf.if %cond3A_1224 {
        %sub3A = arith.constant 999936 : i32
        %sub3A_1406 = arith.subi %squeeze3A_1203, %sub3A : i32
        "tpu.region"() ({
          %run_scoped3A = tpu.sem_alloc : memref<!tpu.dma_semaphore, #tpu.memory_space<semaphore_mem>>
          %dma_start3A_1446 = arith.constant 0 : i32
          %dma_start3A_1447 = tpu.memref_slice %arg4[%sub3A_1406, %dma_start3A_1446] : memref<65x64xf32, #tpu.memory_space<hbm>> -> memref<1x64xf32, #tpu.memory_space<hbm>>
          %dma_start3A_1448 = arith.constant 0 : i32
          %dma_start3A_1449 = tpu.memref_slice %arg4[%sub3A_1406, %dma_start3A_1448] : memref<65x64xf32, #tpu.memory_space<hbm>> -> memref<1x64xf32, #tpu.memory_space<hbm>>
          tpu.enqueue_dma source(%dma_start3A_1449 : memref<1x64xf32, #tpu.memory_space<hbm>>) target(%arg9 : memref<1x64xf32, #tpu.memory_space<vmem>>) target_semaphore(%run_scoped3A : memref<!tpu.dma_semaphore, #tpu.memory_space<semaphore_mem>>)
          %dma_wait3A_1450 = arith.constant 0 : i32
          %dma_wait3A_1451 = tpu.memref_slice %arg4[%sub3A_1406, %dma_wait3A_1450] : memref<65x64xf32, #tpu.memory_space<hbm>> -> memref<1x64xf32, #tpu.memory_space<hbm>>
          %dma_wait3A_1452 = arith.constant 0 : i32
          %dma_wait3A_1453 = tpu.memref_slice %arg4[%sub3A_1406, %dma_wait3A_1452] : memref<65x64xf32, #tpu.memory_space<hbm>> -> memref<1x64xf32, #tpu.memory_space<hbm>>
          tpu.wait_dma2 semaphore(%run_scoped3A : memref<!tpu.dma_semaphore, #tpu.memory_space<semaphore_mem>>) src(%dma_wait3A_1453 : memref<1x64xf32, #tpu.memory_space<hbm>>) dst(%arg9 : memref<1x64xf32, #tpu.memory_space<vmem>>)
          tpu.yield
        }) : () -> ()
        %get3A_1407 = arith.constant 0 : i32
        %get3A_1408 = arith.constant 0 : i32
        %get3A_1409 = tpu.memref_slice %arg9[%get3A_1407, %get3A_1408] : memref<1x64xf32, #tpu.memory_space<vmem>> -> memref<1x64xf32, #tpu.memory_space<vmem>>
        %get3A_1410 = tpu.memref_squeeze %get3A_1409 : memref<1x64xf32, #tpu.memory_space<vmem>> -> memref<64xf32, #tpu.memory_space<vmem>>
        %get3A_1411 = arith.constant 0 : index
        %get3A_1412 = tpu.vector_load %get3A_1410[%get3A_1411] {strides = array<i32>} : memref<64xf32, #tpu.memory_space<vmem>>, vector<16xf32>,
        %add3A_1413 = arith.constant 0 : i32
        %add3A_1414 = arith.addi %mul3A_1214, %add3A_1413 : i32
        %swap3A = arith.index_cast %add3A_1414 : i32 to index
        %swap3A_1415 = tpu.vector_load %arg8[%swap3A] {strides = array<i32>} : memref<32768xf32, #tpu.memory_space<vmem>>, vector<16xf32>,
        tpu.vector_store %arg8[%swap3A], %get3A_1412 {strides = array<i32>} : memref<32768xf32, #tpu.memory_space<vmem>>, vector<16xf32>,
        %get3A_1416 = arith.constant 0 : i32
        %get3A_1417 = arith.constant 0 : i32
        %get3A_1418 = tpu.memref_slice %arg9[%get3A_1416, %get3A_1417] : memref<1x64xf32, #tpu.memory_space<vmem>> -> memref<1x64xf32, #tpu.memory_space<vmem>>
        %get3A_1419 = tpu.memref_squeeze %get3A_1418 : memref<1x64xf32, #tpu.memory_space<vmem>> -> memref<64xf32, #tpu.memory_space<vmem>>
        %get3A_1420 = arith.constant 16 : index
        %get3A_1421 = tpu.vector_load %get3A_1419[%get3A_1420] {strides = array<i32>} : memref<64xf32, #tpu.memory_space<vmem>>, vector<16xf32>,
        %add3A_1422 = arith.constant 16 : i32
        %add3A_1423 = arith.addi %mul3A_1214, %add3A_1422 : i32
        %swap3A_1424 = arith.index_cast %add3A_1423 : i32 to index
        %swap3A_1425 = tpu.vector_load %arg8[%swap3A_1424] {strides = array<i32>} : memref<32768xf32, #tpu.memory_space<vmem>>, vector<16xf32>,
        tpu.vector_store %arg8[%swap3A_1424], %get3A_1421 {strides = array<i32>} : memref<32768xf32, #tpu.memory_space<vmem>>, vector<16xf32>,
        %get3A_1426 = arith.constant 0 : i32
        %get3A_1427 = arith.constant 0 : i32
        %get3A_1428 = tpu.memref_slice %arg9[%get3A_1426, %get3A_1427] : memref<1x64xf32, #tpu.memory_space<vmem>> -> memref<1x64xf32, #tpu.memory_space<vmem>>
        %get3A_1429 = tpu.memref_squeeze %get3A_1428 : memref<1x64xf32, #tpu.memory_space<vmem>> -> memref<64xf32, #tpu.memory_space<vmem>>
        %get3A_1430 = arith.constant 32 : index
        %get3A_1431 = tpu.vector_load %get3A_1429[%get3A_1430] {strides = array<i32>} : memref<64xf32, #tpu.memory_space<vmem>>, vector<16xf32>,
        %add3A_1432 = arith.constant 32 : i32
        %add3A_1433 = arith.addi %mul3A_1214, %add3A_1432 : i32
        %swap3A_1434 = arith.index_cast %add3A_1433 : i32 to index
        %swap3A_1435 = tpu.vector_load %arg8[%swap3A_1434] {strides = array<i32>} : memref<32768xf32, #tpu.memory_space<vmem>>, vector<16xf32>,
        tpu.vector_store %arg8[%swap3A_1434], %get3A_1431 {strides = array<i32>} : memref<32768xf32, #tpu.memory_space<vmem>>, vector<16xf32>,
        %get3A_1436 = arith.constant 0 : i32
        %get3A_1437 = arith.constant 0 : i32
        %get3A_1438 = tpu.memref_slice %arg9[%get3A_1436, %get3A_1437] : memref<1x64xf32, #tpu.memory_space<vmem>> -> memref<1x64xf32, #tpu.memory_space<vmem>>
        %get3A_1439 = tpu.memref_squeeze %get3A_1438 : memref<1x64xf32, #tpu.memory_space<vmem>> -> memref<64xf32, #tpu.memory_space<vmem>>
        %get3A_1440 = arith.constant 48 : index
        %get3A_1441 = tpu.vector_load %get3A_1439[%get3A_1440] {strides = array<i32>} : memref<64xf32, #tpu.memory_space<vmem>>, vector<16xf32>,
        %add3A_1442 = arith.constant 48 : i32
        %add3A_1443 = arith.addi %mul3A_1214, %add3A_1442 : i32
        %swap3A_1444 = arith.index_cast %add3A_1443 : i32 to index
        %swap3A_1445 = tpu.vector_load %arg8[%swap3A_1444] {strides = array<i32>} : memref<32768xf32, #tpu.memory_space<vmem>>, vector<16xf32>,
        tpu.vector_store %arg8[%swap3A_1444], %get3A_1441 {strides = array<i32>} : memref<32768xf32, #tpu.memory_space<vmem>>, vector<16xf32>,
      } else {
      }
      %slice3A_1225 = vector.extract_strided_slice %get3A_348 {offsets = [13], sizes = [1], strides = [1]} : vector<16xi32> to vector<1xi32>
      %squeeze3A_1226 = vector.extract %slice3A_1225[0] : i32 from vector<1xi32>
      %and3A_1227 = arith.constant 127 : i32
      %and3A_1228 = arith.andi %squeeze3A_1226, %and3A_1227 : i32
      %broadcast_in_dim3A_1229 = vector.broadcast %and3A_1228 : i32 to vector<16xi32>
      %mul3A_1230 = arith.constant 16 : i32
      %mul3A_1231 = arith.muli %scan3A_344, %mul3A_1230 : i32
      %add3A_1232 = arith.constant 12 : i32
      %add3A_1233 = arith.addi %mul3A_1231, %add3A_1232 : i32
      %add3A_1234 = arith.constant 1 : i32
      %add3A_1235 = arith.addi %add3A_1233, %add3A_1234 : i32
      %mul3A_1236 = arith.constant 64 : i32
      %mul3A_1237 = arith.muli %add3A_1235, %mul3A_1236 : i32
      %lt3A_1238 = arith.constant 999936 : i32
      %lt3A_1239 = arith.cmpi slt, %squeeze3A_1226, %lt3A_1238 : i32
      %convert_element_type3A_1240 = arith.extui %lt3A_1239 : i1 to i32
      %cond3A_1241 = arith.constant 0 : i32
      %cond3A_1242 = arith.cmpi ne, %convert_element_type3A_1240, %cond3A_1241 : i32
      scf.if %cond3A_1242 {
        %iota3A = tpu.iota {dimensions = array<i32: 0>} : vector<16xi32>
        %add3A_1406 = arith.constant 0 : i32
        %add3A_1407 = vector.broadcast %add3A_1406 : i32 to vector<16xi32>
        %add3A_1408 = arith.addi %iota3A, %add3A_1407 : vector<16xi32>
        %gather3A = arith.constant 5 : i32
        %gather3A_1409 = arith.constant 0 : i32
        %gather3A_1410 = arith.constant 0 : i32
        %gather3A_1411 = tpu.memref_slice %arg7[%gather3A, %gather3A_1409, %gather3A_1410] : memref<8x64x128xf32, #tpu.memory_space<vmem>> -> memref<1x64x128xf32, #tpu.memory_space<vmem>>
        %gather3A_1412 = tpu.memref_squeeze %gather3A_1411 : memref<1x64x128xf32, #tpu.memory_space<vmem>> -> memref<64x128xf32, #tpu.memory_space<vmem>>
        %gather3A_1413 = tpu.vector_load_idx %gather3A_1412[%add3A_1408, %broadcast_in_dim3A_1229] : memref<64x128xf32, #tpu.memory_space<vmem>>[vector<16xi32>, vector<16xi32>], vector<16xf32>,
        %add3A_1414 = arith.constant 0 : i32
        %add3A_1415 = arith.addi %mul3A_1237, %add3A_1414 : i32
        %swap3A = arith.index_cast %add3A_1415 : i32 to index
        %swap3A_1416 = tpu.vector_load %arg8[%swap3A] {strides = array<i32>} : memref<32768xf32, #tpu.memory_space<vmem>>, vector<16xf32>,
        tpu.vector_store %arg8[%swap3A], %gather3A_1413 {strides = array<i32>} : memref<32768xf32, #tpu.memory_space<vmem>>, vector<16xf32>,
        %iota3A_1417 = tpu.iota {dimensions = array<i32: 0>} : vector<16xi32>
        %add3A_1418 = arith.constant 16 : i32
        %add3A_1419 = vector.broadcast %add3A_1418 : i32 to vector<16xi32>
        %add3A_1420 = arith.addi %iota3A_1417, %add3A_1419 : vector<16xi32>
        %gather3A_1421 = arith.constant 5 : i32
        %gather3A_1422 = arith.constant 0 : i32
        %gather3A_1423 = arith.constant 0 : i32
        %gather3A_1424 = tpu.memref_slice %arg7[%gather3A_1421, %gather3A_1422, %gather3A_1423] : memref<8x64x128xf32, #tpu.memory_space<vmem>> -> memref<1x64x128xf32, #tpu.memory_space<vmem>>
        %gather3A_1425 = tpu.memref_squeeze %gather3A_1424 : memref<1x64x128xf32, #tpu.memory_space<vmem>> -> memref<64x128xf32, #tpu.memory_space<vmem>>
        %gather3A_1426 = tpu.vector_load_idx %gather3A_1425[%add3A_1420, %broadcast_in_dim3A_1229] : memref<64x128xf32, #tpu.memory_space<vmem>>[vector<16xi32>, vector<16xi32>], vector<16xf32>,
        %add3A_1427 = arith.constant 16 : i32
        %add3A_1428 = arith.addi %mul3A_1237, %add3A_1427 : i32
        %swap3A_1429 = arith.index_cast %add3A_1428 : i32 to index
        %swap3A_1430 = tpu.vector_load %arg8[%swap3A_1429] {strides = array<i32>} : memref<32768xf32, #tpu.memory_space<vmem>>, vector<16xf32>,
        tpu.vector_store %arg8[%swap3A_1429], %gather3A_1426 {strides = array<i32>} : memref<32768xf32, #tpu.memory_space<vmem>>, vector<16xf32>,
        %iota3A_1431 = tpu.iota {dimensions = array<i32: 0>} : vector<16xi32>
        %add3A_1432 = arith.constant 32 : i32
        %add3A_1433 = vector.broadcast %add3A_1432 : i32 to vector<16xi32>
        %add3A_1434 = arith.addi %iota3A_1431, %add3A_1433 : vector<16xi32>
        %gather3A_1435 = arith.constant 5 : i32
        %gather3A_1436 = arith.constant 0 : i32
        %gather3A_1437 = arith.constant 0 : i32
        %gather3A_1438 = tpu.memref_slice %arg7[%gather3A_1435, %gather3A_1436, %gather3A_1437] : memref<8x64x128xf32, #tpu.memory_space<vmem>> -> memref<1x64x128xf32, #tpu.memory_space<vmem>>
        %gather3A_1439 = tpu.memref_squeeze %gather3A_1438 : memref<1x64x128xf32, #tpu.memory_space<vmem>> -> memref<64x128xf32, #tpu.memory_space<vmem>>
        %gather3A_1440 = tpu.vector_load_idx %gather3A_1439[%add3A_1434, %broadcast_in_dim3A_1229] : memref<64x128xf32, #tpu.memory_space<vmem>>[vector<16xi32>, vector<16xi32>], vector<16xf32>,
        %add3A_1441 = arith.constant 32 : i32
        %add3A_1442 = arith.addi %mul3A_1237, %add3A_1441 : i32
        %swap3A_1443 = arith.index_cast %add3A_1442 : i32 to index
        %swap3A_1444 = tpu.vector_load %arg8[%swap3A_1443] {strides = array<i32>} : memref<32768xf32, #tpu.memory_space<vmem>>, vector<16xf32>,
        tpu.vector_store %arg8[%swap3A_1443], %gather3A_1440 {strides = array<i32>} : memref<32768xf32, #tpu.memory_space<vmem>>, vector<16xf32>,
        %iota3A_1445 = tpu.iota {dimensions = array<i32: 0>} : vector<16xi32>
        %add3A_1446 = arith.constant 48 : i32
        %add3A_1447 = vector.broadcast %add3A_1446 : i32 to vector<16xi32>
        %add3A_1448 = arith.addi %iota3A_1445, %add3A_1447 : vector<16xi32>
        %gather3A_1449 = arith.constant 5 : i32
        %gather3A_1450 = arith.constant 0 : i32
        %gather3A_1451 = arith.constant 0 : i32
        %gather3A_1452 = tpu.memref_slice %arg7[%gather3A_1449, %gather3A_1450, %gather3A_1451] : memref<8x64x128xf32, #tpu.memory_space<vmem>> -> memref<1x64x128xf32, #tpu.memory_space<vmem>>
        %gather3A_1453 = tpu.memref_squeeze %gather3A_1452 : memref<1x64x128xf32, #tpu.memory_space<vmem>> -> memref<64x128xf32, #tpu.memory_space<vmem>>
        %gather3A_1454 = tpu.vector_load_idx %gather3A_1453[%add3A_1448, %broadcast_in_dim3A_1229] : memref<64x128xf32, #tpu.memory_space<vmem>>[vector<16xi32>, vector<16xi32>], vector<16xf32>,
        %add3A_1455 = arith.constant 48 : i32
        %add3A_1456 = arith.addi %mul3A_1237, %add3A_1455 : i32
        %swap3A_1457 = arith.index_cast %add3A_1456 : i32 to index
        %swap3A_1458 = tpu.vector_load %arg8[%swap3A_1457] {strides = array<i32>} : memref<32768xf32, #tpu.memory_space<vmem>>, vector<16xf32>,
        tpu.vector_store %arg8[%swap3A_1457], %gather3A_1454 {strides = array<i32>} : memref<32768xf32, #tpu.memory_space<vmem>>, vector<16xf32>,
      } else {
      }
      %ge3A_1243 = arith.constant 999936 : i32
      %ge3A_1244 = arith.cmpi sge, %squeeze3A_1226, %ge3A_1243 : i32
      %convert_element_type3A_1245 = arith.extui %ge3A_1244 : i1 to i32
      %cond3A_1246 = arith.constant 0 : i32
      %cond3A_1247 = arith.cmpi ne, %convert_element_type3A_1245, %cond3A_1246 : i32
      scf.if %cond3A_1247 {
        %sub3A = arith.constant 999936 : i32
        %sub3A_1406 = arith.subi %squeeze3A_1226, %sub3A : i32
        "tpu.region"() ({
          %run_scoped3A = tpu.sem_alloc : memref<!tpu.dma_semaphore, #tpu.memory_space<semaphore_mem>>
          %dma_start3A_1446 = arith.constant 0 : i32
          %dma_start3A_1447 = tpu.memref_slice %arg4[%sub3A_1406, %dma_start3A_1446] : memref<65x64xf32, #tpu.memory_space<hbm>> -> memref<1x64xf32, #tpu.memory_space<hbm>>
          %dma_start3A_1448 = arith.constant 0 : i32
          %dma_start3A_1449 = tpu.memref_slice %arg4[%sub3A_1406, %dma_start3A_1448] : memref<65x64xf32, #tpu.memory_space<hbm>> -> memref<1x64xf32, #tpu.memory_space<hbm>>
          tpu.enqueue_dma source(%dma_start3A_1449 : memref<1x64xf32, #tpu.memory_space<hbm>>) target(%arg9 : memref<1x64xf32, #tpu.memory_space<vmem>>) target_semaphore(%run_scoped3A : memref<!tpu.dma_semaphore, #tpu.memory_space<semaphore_mem>>)
          %dma_wait3A_1450 = arith.constant 0 : i32
          %dma_wait3A_1451 = tpu.memref_slice %arg4[%sub3A_1406, %dma_wait3A_1450] : memref<65x64xf32, #tpu.memory_space<hbm>> -> memref<1x64xf32, #tpu.memory_space<hbm>>
          %dma_wait3A_1452 = arith.constant 0 : i32
          %dma_wait3A_1453 = tpu.memref_slice %arg4[%sub3A_1406, %dma_wait3A_1452] : memref<65x64xf32, #tpu.memory_space<hbm>> -> memref<1x64xf32, #tpu.memory_space<hbm>>
          tpu.wait_dma2 semaphore(%run_scoped3A : memref<!tpu.dma_semaphore, #tpu.memory_space<semaphore_mem>>) src(%dma_wait3A_1453 : memref<1x64xf32, #tpu.memory_space<hbm>>) dst(%arg9 : memref<1x64xf32, #tpu.memory_space<vmem>>)
          tpu.yield
        }) : () -> ()
        %get3A_1407 = arith.constant 0 : i32
        %get3A_1408 = arith.constant 0 : i32
        %get3A_1409 = tpu.memref_slice %arg9[%get3A_1407, %get3A_1408] : memref<1x64xf32, #tpu.memory_space<vmem>> -> memref<1x64xf32, #tpu.memory_space<vmem>>
        %get3A_1410 = tpu.memref_squeeze %get3A_1409 : memref<1x64xf32, #tpu.memory_space<vmem>> -> memref<64xf32, #tpu.memory_space<vmem>>
        %get3A_1411 = arith.constant 0 : index
        %get3A_1412 = tpu.vector_load %get3A_1410[%get3A_1411] {strides = array<i32>} : memref<64xf32, #tpu.memory_space<vmem>>, vector<16xf32>,
        %add3A_1413 = arith.constant 0 : i32
        %add3A_1414 = arith.addi %mul3A_1237, %add3A_1413 : i32
        %swap3A = arith.index_cast %add3A_1414 : i32 to index
        %swap3A_1415 = tpu.vector_load %arg8[%swap3A] {strides = array<i32>} : memref<32768xf32, #tpu.memory_space<vmem>>, vector<16xf32>,
        tpu.vector_store %arg8[%swap3A], %get3A_1412 {strides = array<i32>} : memref<32768xf32, #tpu.memory_space<vmem>>, vector<16xf32>,
        %get3A_1416 = arith.constant 0 : i32
        %get3A_1417 = arith.constant 0 : i32
        %get3A_1418 = tpu.memref_slice %arg9[%get3A_1416, %get3A_1417] : memref<1x64xf32, #tpu.memory_space<vmem>> -> memref<1x64xf32, #tpu.memory_space<vmem>>
        %get3A_1419 = tpu.memref_squeeze %get3A_1418 : memref<1x64xf32, #tpu.memory_space<vmem>> -> memref<64xf32, #tpu.memory_space<vmem>>
        %get3A_1420 = arith.constant 16 : index
        %get3A_1421 = tpu.vector_load %get3A_1419[%get3A_1420] {strides = array<i32>} : memref<64xf32, #tpu.memory_space<vmem>>, vector<16xf32>,
        %add3A_1422 = arith.constant 16 : i32
        %add3A_1423 = arith.addi %mul3A_1237, %add3A_1422 : i32
        %swap3A_1424 = arith.index_cast %add3A_1423 : i32 to index
        %swap3A_1425 = tpu.vector_load %arg8[%swap3A_1424] {strides = array<i32>} : memref<32768xf32, #tpu.memory_space<vmem>>, vector<16xf32>,
        tpu.vector_store %arg8[%swap3A_1424], %get3A_1421 {strides = array<i32>} : memref<32768xf32, #tpu.memory_space<vmem>>, vector<16xf32>,
        %get3A_1426 = arith.constant 0 : i32
        %get3A_1427 = arith.constant 0 : i32
        %get3A_1428 = tpu.memref_slice %arg9[%get3A_1426, %get3A_1427] : memref<1x64xf32, #tpu.memory_space<vmem>> -> memref<1x64xf32, #tpu.memory_space<vmem>>
        %get3A_1429 = tpu.memref_squeeze %get3A_1428 : memref<1x64xf32, #tpu.memory_space<vmem>> -> memref<64xf32, #tpu.memory_space<vmem>>
        %get3A_1430 = arith.constant 32 : index
        %get3A_1431 = tpu.vector_load %get3A_1429[%get3A_1430] {strides = array<i32>} : memref<64xf32, #tpu.memory_space<vmem>>, vector<16xf32>,
        %add3A_1432 = arith.constant 32 : i32
        %add3A_1433 = arith.addi %mul3A_1237, %add3A_1432 : i32
        %swap3A_1434 = arith.index_cast %add3A_1433 : i32 to index
        %swap3A_1435 = tpu.vector_load %arg8[%swap3A_1434] {strides = array<i32>} : memref<32768xf32, #tpu.memory_space<vmem>>, vector<16xf32>,
        tpu.vector_store %arg8[%swap3A_1434], %get3A_1431 {strides = array<i32>} : memref<32768xf32, #tpu.memory_space<vmem>>, vector<16xf32>,
        %get3A_1436 = arith.constant 0 : i32
        %get3A_1437 = arith.constant 0 : i32
        %get3A_1438 = tpu.memref_slice %arg9[%get3A_1436, %get3A_1437] : memref<1x64xf32, #tpu.memory_space<vmem>> -> memref<1x64xf32, #tpu.memory_space<vmem>>
        %get3A_1439 = tpu.memref_squeeze %get3A_1438 : memref<1x64xf32, #tpu.memory_space<vmem>> -> memref<64xf32, #tpu.memory_space<vmem>>
        %get3A_1440 = arith.constant 48 : index
        %get3A_1441 = tpu.vector_load %get3A_1439[%get3A_1440] {strides = array<i32>} : memref<64xf32, #tpu.memory_space<vmem>>, vector<16xf32>,
        %add3A_1442 = arith.constant 48 : i32
        %add3A_1443 = arith.addi %mul3A_1237, %add3A_1442 : i32
        %swap3A_1444 = arith.index_cast %add3A_1443 : i32 to index
        %swap3A_1445 = tpu.vector_load %arg8[%swap3A_1444] {strides = array<i32>} : memref<32768xf32, #tpu.memory_space<vmem>>, vector<16xf32>,
        tpu.vector_store %arg8[%swap3A_1444], %get3A_1441 {strides = array<i32>} : memref<32768xf32, #tpu.memory_space<vmem>>, vector<16xf32>,
      } else {
      }
      %slice3A_1248 = vector.extract_strided_slice %get3A_348 {offsets = [14], sizes = [1], strides = [1]} : vector<16xi32> to vector<1xi32>
      %squeeze3A_1249 = vector.extract %slice3A_1248[0] : i32 from vector<1xi32>
      %and3A_1250 = arith.constant 127 : i32
      %and3A_1251 = arith.andi %squeeze3A_1249, %and3A_1250 : i32
      %broadcast_in_dim3A_1252 = vector.broadcast %and3A_1251 : i32 to vector<16xi32>
      %mul3A_1253 = arith.constant 16 : i32
      %mul3A_1254 = arith.muli %scan3A_344, %mul3A_1253 : i32
      %add3A_1255 = arith.constant 12 : i32
      %add3A_1256 = arith.addi %mul3A_1254, %add3A_1255 : i32
      %add3A_1257 = arith.constant 2 : i32
      %add3A_1258 = arith.addi %add3A_1256, %add3A_1257 : i32
      %mul3A_1259 = arith.constant 64 : i32
      %mul3A_1260 = arith.muli %add3A_1258, %mul3A_1259 : i32
      %lt3A_1261 = arith.constant 999936 : i32
      %lt3A_1262 = arith.cmpi slt, %squeeze3A_1249, %lt3A_1261 : i32
      %convert_element_type3A_1263 = arith.extui %lt3A_1262 : i1 to i32
      %cond3A_1264 = arith.constant 0 : i32
      %cond3A_1265 = arith.cmpi ne, %convert_element_type3A_1263, %cond3A_1264 : i32
      scf.if %cond3A_1265 {
        %iota3A = tpu.iota {dimensions = array<i32: 0>} : vector<16xi32>
        %add3A_1406 = arith.constant 0 : i32
        %add3A_1407 = vector.broadcast %add3A_1406 : i32 to vector<16xi32>
        %add3A_1408 = arith.addi %iota3A, %add3A_1407 : vector<16xi32>
        %gather3A = arith.constant 6 : i32
        %gather3A_1409 = arith.constant 0 : i32
        %gather3A_1410 = arith.constant 0 : i32
        %gather3A_1411 = tpu.memref_slice %arg7[%gather3A, %gather3A_1409, %gather3A_1410] : memref<8x64x128xf32, #tpu.memory_space<vmem>> -> memref<1x64x128xf32, #tpu.memory_space<vmem>>
        %gather3A_1412 = tpu.memref_squeeze %gather3A_1411 : memref<1x64x128xf32, #tpu.memory_space<vmem>> -> memref<64x128xf32, #tpu.memory_space<vmem>>
        %gather3A_1413 = tpu.vector_load_idx %gather3A_1412[%add3A_1408, %broadcast_in_dim3A_1252] : memref<64x128xf32, #tpu.memory_space<vmem>>[vector<16xi32>, vector<16xi32>], vector<16xf32>,
        %add3A_1414 = arith.constant 0 : i32
        %add3A_1415 = arith.addi %mul3A_1260, %add3A_1414 : i32
        %swap3A = arith.index_cast %add3A_1415 : i32 to index
        %swap3A_1416 = tpu.vector_load %arg8[%swap3A] {strides = array<i32>} : memref<32768xf32, #tpu.memory_space<vmem>>, vector<16xf32>,
        tpu.vector_store %arg8[%swap3A], %gather3A_1413 {strides = array<i32>} : memref<32768xf32, #tpu.memory_space<vmem>>, vector<16xf32>,
        %iota3A_1417 = tpu.iota {dimensions = array<i32: 0>} : vector<16xi32>
        %add3A_1418 = arith.constant 16 : i32
        %add3A_1419 = vector.broadcast %add3A_1418 : i32 to vector<16xi32>
        %add3A_1420 = arith.addi %iota3A_1417, %add3A_1419 : vector<16xi32>
        %gather3A_1421 = arith.constant 6 : i32
        %gather3A_1422 = arith.constant 0 : i32
        %gather3A_1423 = arith.constant 0 : i32
        %gather3A_1424 = tpu.memref_slice %arg7[%gather3A_1421, %gather3A_1422, %gather3A_1423] : memref<8x64x128xf32, #tpu.memory_space<vmem>> -> memref<1x64x128xf32, #tpu.memory_space<vmem>>
        %gather3A_1425 = tpu.memref_squeeze %gather3A_1424 : memref<1x64x128xf32, #tpu.memory_space<vmem>> -> memref<64x128xf32, #tpu.memory_space<vmem>>
        %gather3A_1426 = tpu.vector_load_idx %gather3A_1425[%add3A_1420, %broadcast_in_dim3A_1252] : memref<64x128xf32, #tpu.memory_space<vmem>>[vector<16xi32>, vector<16xi32>], vector<16xf32>,
        %add3A_1427 = arith.constant 16 : i32
        %add3A_1428 = arith.addi %mul3A_1260, %add3A_1427 : i32
        %swap3A_1429 = arith.index_cast %add3A_1428 : i32 to index
        %swap3A_1430 = tpu.vector_load %arg8[%swap3A_1429] {strides = array<i32>} : memref<32768xf32, #tpu.memory_space<vmem>>, vector<16xf32>,
        tpu.vector_store %arg8[%swap3A_1429], %gather3A_1426 {strides = array<i32>} : memref<32768xf32, #tpu.memory_space<vmem>>, vector<16xf32>,
        %iota3A_1431 = tpu.iota {dimensions = array<i32: 0>} : vector<16xi32>
        %add3A_1432 = arith.constant 32 : i32
        %add3A_1433 = vector.broadcast %add3A_1432 : i32 to vector<16xi32>
        %add3A_1434 = arith.addi %iota3A_1431, %add3A_1433 : vector<16xi32>
        %gather3A_1435 = arith.constant 6 : i32
        %gather3A_1436 = arith.constant 0 : i32
        %gather3A_1437 = arith.constant 0 : i32
        %gather3A_1438 = tpu.memref_slice %arg7[%gather3A_1435, %gather3A_1436, %gather3A_1437] : memref<8x64x128xf32, #tpu.memory_space<vmem>> -> memref<1x64x128xf32, #tpu.memory_space<vmem>>
        %gather3A_1439 = tpu.memref_squeeze %gather3A_1438 : memref<1x64x128xf32, #tpu.memory_space<vmem>> -> memref<64x128xf32, #tpu.memory_space<vmem>>
        %gather3A_1440 = tpu.vector_load_idx %gather3A_1439[%add3A_1434, %broadcast_in_dim3A_1252] : memref<64x128xf32, #tpu.memory_space<vmem>>[vector<16xi32>, vector<16xi32>], vector<16xf32>,
        %add3A_1441 = arith.constant 32 : i32
        %add3A_1442 = arith.addi %mul3A_1260, %add3A_1441 : i32
        %swap3A_1443 = arith.index_cast %add3A_1442 : i32 to index
        %swap3A_1444 = tpu.vector_load %arg8[%swap3A_1443] {strides = array<i32>} : memref<32768xf32, #tpu.memory_space<vmem>>, vector<16xf32>,
        tpu.vector_store %arg8[%swap3A_1443], %gather3A_1440 {strides = array<i32>} : memref<32768xf32, #tpu.memory_space<vmem>>, vector<16xf32>,
        %iota3A_1445 = tpu.iota {dimensions = array<i32: 0>} : vector<16xi32>
        %add3A_1446 = arith.constant 48 : i32
        %add3A_1447 = vector.broadcast %add3A_1446 : i32 to vector<16xi32>
        %add3A_1448 = arith.addi %iota3A_1445, %add3A_1447 : vector<16xi32>
        %gather3A_1449 = arith.constant 6 : i32
        %gather3A_1450 = arith.constant 0 : i32
        %gather3A_1451 = arith.constant 0 : i32
        %gather3A_1452 = tpu.memref_slice %arg7[%gather3A_1449, %gather3A_1450, %gather3A_1451] : memref<8x64x128xf32, #tpu.memory_space<vmem>> -> memref<1x64x128xf32, #tpu.memory_space<vmem>>
        %gather3A_1453 = tpu.memref_squeeze %gather3A_1452 : memref<1x64x128xf32, #tpu.memory_space<vmem>> -> memref<64x128xf32, #tpu.memory_space<vmem>>
        %gather3A_1454 = tpu.vector_load_idx %gather3A_1453[%add3A_1448, %broadcast_in_dim3A_1252] : memref<64x128xf32, #tpu.memory_space<vmem>>[vector<16xi32>, vector<16xi32>], vector<16xf32>,
        %add3A_1455 = arith.constant 48 : i32
        %add3A_1456 = arith.addi %mul3A_1260, %add3A_1455 : i32
        %swap3A_1457 = arith.index_cast %add3A_1456 : i32 to index
        %swap3A_1458 = tpu.vector_load %arg8[%swap3A_1457] {strides = array<i32>} : memref<32768xf32, #tpu.memory_space<vmem>>, vector<16xf32>,
        tpu.vector_store %arg8[%swap3A_1457], %gather3A_1454 {strides = array<i32>} : memref<32768xf32, #tpu.memory_space<vmem>>, vector<16xf32>,
      } else {
      }
      %ge3A_1266 = arith.constant 999936 : i32
      %ge3A_1267 = arith.cmpi sge, %squeeze3A_1249, %ge3A_1266 : i32
      %convert_element_type3A_1268 = arith.extui %ge3A_1267 : i1 to i32
      %cond3A_1269 = arith.constant 0 : i32
      %cond3A_1270 = arith.cmpi ne, %convert_element_type3A_1268, %cond3A_1269 : i32
      scf.if %cond3A_1270 {
        %sub3A = arith.constant 999936 : i32
        %sub3A_1406 = arith.subi %squeeze3A_1249, %sub3A : i32
        "tpu.region"() ({
          %run_scoped3A = tpu.sem_alloc : memref<!tpu.dma_semaphore, #tpu.memory_space<semaphore_mem>>
          %dma_start3A_1446 = arith.constant 0 : i32
          %dma_start3A_1447 = tpu.memref_slice %arg4[%sub3A_1406, %dma_start3A_1446] : memref<65x64xf32, #tpu.memory_space<hbm>> -> memref<1x64xf32, #tpu.memory_space<hbm>>
          %dma_start3A_1448 = arith.constant 0 : i32
          %dma_start3A_1449 = tpu.memref_slice %arg4[%sub3A_1406, %dma_start3A_1448] : memref<65x64xf32, #tpu.memory_space<hbm>> -> memref<1x64xf32, #tpu.memory_space<hbm>>
          tpu.enqueue_dma source(%dma_start3A_1449 : memref<1x64xf32, #tpu.memory_space<hbm>>) target(%arg9 : memref<1x64xf32, #tpu.memory_space<vmem>>) target_semaphore(%run_scoped3A : memref<!tpu.dma_semaphore, #tpu.memory_space<semaphore_mem>>)
          %dma_wait3A_1450 = arith.constant 0 : i32
          %dma_wait3A_1451 = tpu.memref_slice %arg4[%sub3A_1406, %dma_wait3A_1450] : memref<65x64xf32, #tpu.memory_space<hbm>> -> memref<1x64xf32, #tpu.memory_space<hbm>>
          %dma_wait3A_1452 = arith.constant 0 : i32
          %dma_wait3A_1453 = tpu.memref_slice %arg4[%sub3A_1406, %dma_wait3A_1452] : memref<65x64xf32, #tpu.memory_space<hbm>> -> memref<1x64xf32, #tpu.memory_space<hbm>>
          tpu.wait_dma2 semaphore(%run_scoped3A : memref<!tpu.dma_semaphore, #tpu.memory_space<semaphore_mem>>) src(%dma_wait3A_1453 : memref<1x64xf32, #tpu.memory_space<hbm>>) dst(%arg9 : memref<1x64xf32, #tpu.memory_space<vmem>>)
          tpu.yield
        }) : () -> ()
        %get3A_1407 = arith.constant 0 : i32
        %get3A_1408 = arith.constant 0 : i32
        %get3A_1409 = tpu.memref_slice %arg9[%get3A_1407, %get3A_1408] : memref<1x64xf32, #tpu.memory_space<vmem>> -> memref<1x64xf32, #tpu.memory_space<vmem>>
        %get3A_1410 = tpu.memref_squeeze %get3A_1409 : memref<1x64xf32, #tpu.memory_space<vmem>> -> memref<64xf32, #tpu.memory_space<vmem>>
        %get3A_1411 = arith.constant 0 : index
        %get3A_1412 = tpu.vector_load %get3A_1410[%get3A_1411] {strides = array<i32>} : memref<64xf32, #tpu.memory_space<vmem>>, vector<16xf32>,
        %add3A_1413 = arith.constant 0 : i32
        %add3A_1414 = arith.addi %mul3A_1260, %add3A_1413 : i32
        %swap3A = arith.index_cast %add3A_1414 : i32 to index
        %swap3A_1415 = tpu.vector_load %arg8[%swap3A] {strides = array<i32>} : memref<32768xf32, #tpu.memory_space<vmem>>, vector<16xf32>,
        tpu.vector_store %arg8[%swap3A], %get3A_1412 {strides = array<i32>} : memref<32768xf32, #tpu.memory_space<vmem>>, vector<16xf32>,
        %get3A_1416 = arith.constant 0 : i32
        %get3A_1417 = arith.constant 0 : i32
        %get3A_1418 = tpu.memref_slice %arg9[%get3A_1416, %get3A_1417] : memref<1x64xf32, #tpu.memory_space<vmem>> -> memref<1x64xf32, #tpu.memory_space<vmem>>
        %get3A_1419 = tpu.memref_squeeze %get3A_1418 : memref<1x64xf32, #tpu.memory_space<vmem>> -> memref<64xf32, #tpu.memory_space<vmem>>
        %get3A_1420 = arith.constant 16 : index
        %get3A_1421 = tpu.vector_load %get3A_1419[%get3A_1420] {strides = array<i32>} : memref<64xf32, #tpu.memory_space<vmem>>, vector<16xf32>,
        %add3A_1422 = arith.constant 16 : i32
        %add3A_1423 = arith.addi %mul3A_1260, %add3A_1422 : i32
        %swap3A_1424 = arith.index_cast %add3A_1423 : i32 to index
        %swap3A_1425 = tpu.vector_load %arg8[%swap3A_1424] {strides = array<i32>} : memref<32768xf32, #tpu.memory_space<vmem>>, vector<16xf32>,
        tpu.vector_store %arg8[%swap3A_1424], %get3A_1421 {strides = array<i32>} : memref<32768xf32, #tpu.memory_space<vmem>>, vector<16xf32>,
        %get3A_1426 = arith.constant 0 : i32
        %get3A_1427 = arith.constant 0 : i32
        %get3A_1428 = tpu.memref_slice %arg9[%get3A_1426, %get3A_1427] : memref<1x64xf32, #tpu.memory_space<vmem>> -> memref<1x64xf32, #tpu.memory_space<vmem>>
        %get3A_1429 = tpu.memref_squeeze %get3A_1428 : memref<1x64xf32, #tpu.memory_space<vmem>> -> memref<64xf32, #tpu.memory_space<vmem>>
        %get3A_1430 = arith.constant 32 : index
        %get3A_1431 = tpu.vector_load %get3A_1429[%get3A_1430] {strides = array<i32>} : memref<64xf32, #tpu.memory_space<vmem>>, vector<16xf32>,
        %add3A_1432 = arith.constant 32 : i32
        %add3A_1433 = arith.addi %mul3A_1260, %add3A_1432 : i32
        %swap3A_1434 = arith.index_cast %add3A_1433 : i32 to index
        %swap3A_1435 = tpu.vector_load %arg8[%swap3A_1434] {strides = array<i32>} : memref<32768xf32, #tpu.memory_space<vmem>>, vector<16xf32>,
        tpu.vector_store %arg8[%swap3A_1434], %get3A_1431 {strides = array<i32>} : memref<32768xf32, #tpu.memory_space<vmem>>, vector<16xf32>,
        %get3A_1436 = arith.constant 0 : i32
        %get3A_1437 = arith.constant 0 : i32
        %get3A_1438 = tpu.memref_slice %arg9[%get3A_1436, %get3A_1437] : memref<1x64xf32, #tpu.memory_space<vmem>> -> memref<1x64xf32, #tpu.memory_space<vmem>>
        %get3A_1439 = tpu.memref_squeeze %get3A_1438 : memref<1x64xf32, #tpu.memory_space<vmem>> -> memref<64xf32, #tpu.memory_space<vmem>>
        %get3A_1440 = arith.constant 48 : index
        %get3A_1441 = tpu.vector_load %get3A_1439[%get3A_1440] {strides = array<i32>} : memref<64xf32, #tpu.memory_space<vmem>>, vector<16xf32>,
        %add3A_1442 = arith.constant 48 : i32
        %add3A_1443 = arith.addi %mul3A_1260, %add3A_1442 : i32
        %swap3A_1444 = arith.index_cast %add3A_1443 : i32 to index
        %swap3A_1445 = tpu.vector_load %arg8[%swap3A_1444] {strides = array<i32>} : memref<32768xf32, #tpu.memory_space<vmem>>, vector<16xf32>,
        tpu.vector_store %arg8[%swap3A_1444], %get3A_1441 {strides = array<i32>} : memref<32768xf32, #tpu.memory_space<vmem>>, vector<16xf32>,
      } else {
      }
      %slice3A_1271 = vector.extract_strided_slice %get3A_348 {offsets = [15], sizes = [1], strides = [1]} : vector<16xi32> to vector<1xi32>
      %squeeze3A_1272 = vector.extract %slice3A_1271[0] : i32 from vector<1xi32>
      %and3A_1273 = arith.constant 127 : i32
      %and3A_1274 = arith.andi %squeeze3A_1272, %and3A_1273 : i32
      %broadcast_in_dim3A_1275 = vector.broadcast %and3A_1274 : i32 to vector<16xi32>
      %mul3A_1276 = arith.constant 16 : i32
      %mul3A_1277 = arith.muli %scan3A_344, %mul3A_1276 : i32
      %add3A_1278 = arith.constant 12 : i32
      %add3A_1279 = arith.addi %mul3A_1277, %add3A_1278 : i32
      %add3A_1280 = arith.constant 3 : i32
      %add3A_1281 = arith.addi %add3A_1279, %add3A_1280 : i32
      %mul3A_1282 = arith.constant 64 : i32
      %mul3A_1283 = arith.muli %add3A_1281, %mul3A_1282 : i32
      %lt3A_1284 = arith.constant 999936 : i32
      %lt3A_1285 = arith.cmpi slt, %squeeze3A_1272, %lt3A_1284 : i32
      %convert_element_type3A_1286 = arith.extui %lt3A_1285 : i1 to i32
      %cond3A_1287 = arith.constant 0 : i32
      %cond3A_1288 = arith.cmpi ne, %convert_element_type3A_1286, %cond3A_1287 : i32
      scf.if %cond3A_1288 {
        %iota3A = tpu.iota {dimensions = array<i32: 0>} : vector<16xi32>
        %add3A_1406 = arith.constant 0 : i32
        %add3A_1407 = vector.broadcast %add3A_1406 : i32 to vector<16xi32>
        %add3A_1408 = arith.addi %iota3A, %add3A_1407 : vector<16xi32>
        %gather3A = arith.constant 7 : i32
        %gather3A_1409 = arith.constant 0 : i32
        %gather3A_1410 = arith.constant 0 : i32
        %gather3A_1411 = tpu.memref_slice %arg7[%gather3A, %gather3A_1409, %gather3A_1410] : memref<8x64x128xf32, #tpu.memory_space<vmem>> -> memref<1x64x128xf32, #tpu.memory_space<vmem>>
        %gather3A_1412 = tpu.memref_squeeze %gather3A_1411 : memref<1x64x128xf32, #tpu.memory_space<vmem>> -> memref<64x128xf32, #tpu.memory_space<vmem>>
        %gather3A_1413 = tpu.vector_load_idx %gather3A_1412[%add3A_1408, %broadcast_in_dim3A_1275] : memref<64x128xf32, #tpu.memory_space<vmem>>[vector<16xi32>, vector<16xi32>], vector<16xf32>,
        %add3A_1414 = arith.constant 0 : i32
        %add3A_1415 = arith.addi %mul3A_1283, %add3A_1414 : i32
        %swap3A = arith.index_cast %add3A_1415 : i32 to index
        %swap3A_1416 = tpu.vector_load %arg8[%swap3A] {strides = array<i32>} : memref<32768xf32, #tpu.memory_space<vmem>>, vector<16xf32>,
        tpu.vector_store %arg8[%swap3A], %gather3A_1413 {strides = array<i32>} : memref<32768xf32, #tpu.memory_space<vmem>>, vector<16xf32>,
        %iota3A_1417 = tpu.iota {dimensions = array<i32: 0>} : vector<16xi32>
        %add3A_1418 = arith.constant 16 : i32
        %add3A_1419 = vector.broadcast %add3A_1418 : i32 to vector<16xi32>
        %add3A_1420 = arith.addi %iota3A_1417, %add3A_1419 : vector<16xi32>
        %gather3A_1421 = arith.constant 7 : i32
        %gather3A_1422 = arith.constant 0 : i32
        %gather3A_1423 = arith.constant 0 : i32
        %gather3A_1424 = tpu.memref_slice %arg7[%gather3A_1421, %gather3A_1422, %gather3A_1423] : memref<8x64x128xf32, #tpu.memory_space<vmem>> -> memref<1x64x128xf32, #tpu.memory_space<vmem>>
        %gather3A_1425 = tpu.memref_squeeze %gather3A_1424 : memref<1x64x128xf32, #tpu.memory_space<vmem>> -> memref<64x128xf32, #tpu.memory_space<vmem>>
        %gather3A_1426 = tpu.vector_load_idx %gather3A_1425[%add3A_1420, %broadcast_in_dim3A_1275] : memref<64x128xf32, #tpu.memory_space<vmem>>[vector<16xi32>, vector<16xi32>], vector<16xf32>,
        %add3A_1427 = arith.constant 16 : i32
        %add3A_1428 = arith.addi %mul3A_1283, %add3A_1427 : i32
        %swap3A_1429 = arith.index_cast %add3A_1428 : i32 to index
        %swap3A_1430 = tpu.vector_load %arg8[%swap3A_1429] {strides = array<i32>} : memref<32768xf32, #tpu.memory_space<vmem>>, vector<16xf32>,
        tpu.vector_store %arg8[%swap3A_1429], %gather3A_1426 {strides = array<i32>} : memref<32768xf32, #tpu.memory_space<vmem>>, vector<16xf32>,
        %iota3A_1431 = tpu.iota {dimensions = array<i32: 0>} : vector<16xi32>
        %add3A_1432 = arith.constant 32 : i32
        %add3A_1433 = vector.broadcast %add3A_1432 : i32 to vector<16xi32>
        %add3A_1434 = arith.addi %iota3A_1431, %add3A_1433 : vector<16xi32>
        %gather3A_1435 = arith.constant 7 : i32
        %gather3A_1436 = arith.constant 0 : i32
        %gather3A_1437 = arith.constant 0 : i32
        %gather3A_1438 = tpu.memref_slice %arg7[%gather3A_1435, %gather3A_1436, %gather3A_1437] : memref<8x64x128xf32, #tpu.memory_space<vmem>> -> memref<1x64x128xf32, #tpu.memory_space<vmem>>
        %gather3A_1439 = tpu.memref_squeeze %gather3A_1438 : memref<1x64x128xf32, #tpu.memory_space<vmem>> -> memref<64x128xf32, #tpu.memory_space<vmem>>
        %gather3A_1440 = tpu.vector_load_idx %gather3A_1439[%add3A_1434, %broadcast_in_dim3A_1275] : memref<64x128xf32, #tpu.memory_space<vmem>>[vector<16xi32>, vector<16xi32>], vector<16xf32>,
        %add3A_1441 = arith.constant 32 : i32
        %add3A_1442 = arith.addi %mul3A_1283, %add3A_1441 : i32
        %swap3A_1443 = arith.index_cast %add3A_1442 : i32 to index
        %swap3A_1444 = tpu.vector_load %arg8[%swap3A_1443] {strides = array<i32>} : memref<32768xf32, #tpu.memory_space<vmem>>, vector<16xf32>,
        tpu.vector_store %arg8[%swap3A_1443], %gather3A_1440 {strides = array<i32>} : memref<32768xf32, #tpu.memory_space<vmem>>, vector<16xf32>,
        %iota3A_1445 = tpu.iota {dimensions = array<i32: 0>} : vector<16xi32>
        %add3A_1446 = arith.constant 48 : i32
        %add3A_1447 = vector.broadcast %add3A_1446 : i32 to vector<16xi32>
        %add3A_1448 = arith.addi %iota3A_1445, %add3A_1447 : vector<16xi32>
        %gather3A_1449 = arith.constant 7 : i32
        %gather3A_1450 = arith.constant 0 : i32
        %gather3A_1451 = arith.constant 0 : i32
        %gather3A_1452 = tpu.memref_slice %arg7[%gather3A_1449, %gather3A_1450, %gather3A_1451] : memref<8x64x128xf32, #tpu.memory_space<vmem>> -> memref<1x64x128xf32, #tpu.memory_space<vmem>>
        %gather3A_1453 = tpu.memref_squeeze %gather3A_1452 : memref<1x64x128xf32, #tpu.memory_space<vmem>> -> memref<64x128xf32, #tpu.memory_space<vmem>>
        %gather3A_1454 = tpu.vector_load_idx %gather3A_1453[%add3A_1448, %broadcast_in_dim3A_1275] : memref<64x128xf32, #tpu.memory_space<vmem>>[vector<16xi32>, vector<16xi32>], vector<16xf32>,
        %add3A_1455 = arith.constant 48 : i32
        %add3A_1456 = arith.addi %mul3A_1283, %add3A_1455 : i32
        %swap3A_1457 = arith.index_cast %add3A_1456 : i32 to index
        %swap3A_1458 = tpu.vector_load %arg8[%swap3A_1457] {strides = array<i32>} : memref<32768xf32, #tpu.memory_space<vmem>>, vector<16xf32>,
        tpu.vector_store %arg8[%swap3A_1457], %gather3A_1454 {strides = array<i32>} : memref<32768xf32, #tpu.memory_space<vmem>>, vector<16xf32>,
      } else {
      }
      %ge3A_1289 = arith.constant 999936 : i32
      %ge3A_1290 = arith.cmpi sge, %squeeze3A_1272, %ge3A_1289 : i32
      %convert_element_type3A_1291 = arith.extui %ge3A_1290 : i1 to i32
      %cond3A_1292 = arith.constant 0 : i32
      %cond3A_1293 = arith.cmpi ne, %convert_element_type3A_1291, %cond3A_1292 : i32
      scf.if %cond3A_1293 {
        %sub3A = arith.constant 999936 : i32
        %sub3A_1406 = arith.subi %squeeze3A_1272, %sub3A : i32
        "tpu.region"() ({
          %run_scoped3A = tpu.sem_alloc : memref<!tpu.dma_semaphore, #tpu.memory_space<semaphore_mem>>
          %dma_start3A_1446 = arith.constant 0 : i32
          %dma_start3A_1447 = tpu.memref_slice %arg4[%sub3A_1406, %dma_start3A_1446] : memref<65x64xf32, #tpu.memory_space<hbm>> -> memref<1x64xf32, #tpu.memory_space<hbm>>
          %dma_start3A_1448 = arith.constant 0 : i32
          %dma_start3A_1449 = tpu.memref_slice %arg4[%sub3A_1406, %dma_start3A_1448] : memref<65x64xf32, #tpu.memory_space<hbm>> -> memref<1x64xf32, #tpu.memory_space<hbm>>
          tpu.enqueue_dma source(%dma_start3A_1449 : memref<1x64xf32, #tpu.memory_space<hbm>>) target(%arg9 : memref<1x64xf32, #tpu.memory_space<vmem>>) target_semaphore(%run_scoped3A : memref<!tpu.dma_semaphore, #tpu.memory_space<semaphore_mem>>)
          %dma_wait3A_1450 = arith.constant 0 : i32
          %dma_wait3A_1451 = tpu.memref_slice %arg4[%sub3A_1406, %dma_wait3A_1450] : memref<65x64xf32, #tpu.memory_space<hbm>> -> memref<1x64xf32, #tpu.memory_space<hbm>>
          %dma_wait3A_1452 = arith.constant 0 : i32
          %dma_wait3A_1453 = tpu.memref_slice %arg4[%sub3A_1406, %dma_wait3A_1452] : memref<65x64xf32, #tpu.memory_space<hbm>> -> memref<1x64xf32, #tpu.memory_space<hbm>>
          tpu.wait_dma2 semaphore(%run_scoped3A : memref<!tpu.dma_semaphore, #tpu.memory_space<semaphore_mem>>) src(%dma_wait3A_1453 : memref<1x64xf32, #tpu.memory_space<hbm>>) dst(%arg9 : memref<1x64xf32, #tpu.memory_space<vmem>>)
          tpu.yield
        }) : () -> ()
        %get3A_1407 = arith.constant 0 : i32
        %get3A_1408 = arith.constant 0 : i32
        %get3A_1409 = tpu.memref_slice %arg9[%get3A_1407, %get3A_1408] : memref<1x64xf32, #tpu.memory_space<vmem>> -> memref<1x64xf32, #tpu.memory_space<vmem>>
        %get3A_1410 = tpu.memref_squeeze %get3A_1409 : memref<1x64xf32, #tpu.memory_space<vmem>> -> memref<64xf32, #tpu.memory_space<vmem>>
        %get3A_1411 = arith.constant 0 : index
        %get3A_1412 = tpu.vector_load %get3A_1410[%get3A_1411] {strides = array<i32>} : memref<64xf32, #tpu.memory_space<vmem>>, vector<16xf32>,
        %add3A_1413 = arith.constant 0 : i32
        %add3A_1414 = arith.addi %mul3A_1283, %add3A_1413 : i32
        %swap3A = arith.index_cast %add3A_1414 : i32 to index
        %swap3A_1415 = tpu.vector_load %arg8[%swap3A] {strides = array<i32>} : memref<32768xf32, #tpu.memory_space<vmem>>, vector<16xf32>,
        tpu.vector_store %arg8[%swap3A], %get3A_1412 {strides = array<i32>} : memref<32768xf32, #tpu.memory_space<vmem>>, vector<16xf32>,
        %get3A_1416 = arith.constant 0 : i32
        %get3A_1417 = arith.constant 0 : i32
        %get3A_1418 = tpu.memref_slice %arg9[%get3A_1416, %get3A_1417] : memref<1x64xf32, #tpu.memory_space<vmem>> -> memref<1x64xf32, #tpu.memory_space<vmem>>
        %get3A_1419 = tpu.memref_squeeze %get3A_1418 : memref<1x64xf32, #tpu.memory_space<vmem>> -> memref<64xf32, #tpu.memory_space<vmem>>
        %get3A_1420 = arith.constant 16 : index
        %get3A_1421 = tpu.vector_load %get3A_1419[%get3A_1420] {strides = array<i32>} : memref<64xf32, #tpu.memory_space<vmem>>, vector<16xf32>,
        %add3A_1422 = arith.constant 16 : i32
        %add3A_1423 = arith.addi %mul3A_1283, %add3A_1422 : i32
        %swap3A_1424 = arith.index_cast %add3A_1423 : i32 to index
        %swap3A_1425 = tpu.vector_load %arg8[%swap3A_1424] {strides = array<i32>} : memref<32768xf32, #tpu.memory_space<vmem>>, vector<16xf32>,
        tpu.vector_store %arg8[%swap3A_1424], %get3A_1421 {strides = array<i32>} : memref<32768xf32, #tpu.memory_space<vmem>>, vector<16xf32>,
        %get3A_1426 = arith.constant 0 : i32
        %get3A_1427 = arith.constant 0 : i32
        %get3A_1428 = tpu.memref_slice %arg9[%get3A_1426, %get3A_1427] : memref<1x64xf32, #tpu.memory_space<vmem>> -> memref<1x64xf32, #tpu.memory_space<vmem>>
        %get3A_1429 = tpu.memref_squeeze %get3A_1428 : memref<1x64xf32, #tpu.memory_space<vmem>> -> memref<64xf32, #tpu.memory_space<vmem>>
        %get3A_1430 = arith.constant 32 : index
        %get3A_1431 = tpu.vector_load %get3A_1429[%get3A_1430] {strides = array<i32>} : memref<64xf32, #tpu.memory_space<vmem>>, vector<16xf32>,
        %add3A_1432 = arith.constant 32 : i32
        %add3A_1433 = arith.addi %mul3A_1283, %add3A_1432 : i32
        %swap3A_1434 = arith.index_cast %add3A_1433 : i32 to index
        %swap3A_1435 = tpu.vector_load %arg8[%swap3A_1434] {strides = array<i32>} : memref<32768xf32, #tpu.memory_space<vmem>>, vector<16xf32>,
        tpu.vector_store %arg8[%swap3A_1434], %get3A_1431 {strides = array<i32>} : memref<32768xf32, #tpu.memory_space<vmem>>, vector<16xf32>,
        %get3A_1436 = arith.constant 0 : i32
        %get3A_1437 = arith.constant 0 : i32
        %get3A_1438 = tpu.memref_slice %arg9[%get3A_1436, %get3A_1437] : memref<1x64xf32, #tpu.memory_space<vmem>> -> memref<1x64xf32, #tpu.memory_space<vmem>>
        %get3A_1439 = tpu.memref_squeeze %get3A_1438 : memref<1x64xf32, #tpu.memory_space<vmem>> -> memref<64xf32, #tpu.memory_space<vmem>>
        %get3A_1440 = arith.constant 48 : index
        %get3A_1441 = tpu.vector_load %get3A_1439[%get3A_1440] {strides = array<i32>} : memref<64xf32, #tpu.memory_space<vmem>>, vector<16xf32>,
        %add3A_1442 = arith.constant 48 : i32
        %add3A_1443 = arith.addi %mul3A_1283, %add3A_1442 : i32
        %swap3A_1444 = arith.index_cast %add3A_1443 : i32 to index
        %swap3A_1445 = tpu.vector_load %arg8[%swap3A_1444] {strides = array<i32>} : memref<32768xf32, #tpu.memory_space<vmem>>, vector<16xf32>,
        tpu.vector_store %arg8[%swap3A_1444], %get3A_1441 {strides = array<i32>} : memref<32768xf32, #tpu.memory_space<vmem>>, vector<16xf32>,
      } else {
      }
      %slice3A_1294 = vector.extract_strided_slice %get3A_354 {offsets = [4], sizes = [1], strides = [1]} : vector<16xi32> to vector<1xi32>
      %squeeze3A_1295 = vector.extract %slice3A_1294[0] : i32 from vector<1xi32>
      %ge3A_1296 = arith.constant 999936 : i32
      %ge3A_1297 = arith.cmpi sge, %squeeze3A_1295, %ge3A_1296 : i32
      %shift_right_arithmetic3A_1298 = arith.constant 7 : i32
      %shift_right_arithmetic3A_1299 = arith.shrsi %squeeze3A_1295, %shift_right_arithmetic3A_1298 : i32
      %jit3A_1300 = arith.constant 0 : i32
      %select_n3A_1301 = arith.select %ge3A_1297, %jit3A_1300, %shift_right_arithmetic3A_1299 : i32
      %jit3A_1302 = arith.constant 0 : i32
      %jit3A_1303 = arith.constant 7811 : i32
      %max3A_1304 = arith.maxsi %jit3A_1302, %select_n3A_1301 : i32
      %min3A_1305 = arith.minsi %jit3A_1303, %max3A_1304 : i32
      %mul3A_1306 = arith.constant 128 : i32
      %mul3A_1307 = arith.muli %min3A_1305, %mul3A_1306 : i32
      %multiple_of3A_1308 = tpu.assume_multiple %mul3A_1307, 128 : i32
      %dma_start3A_1309 = arith.constant 4 : i32
      %dma_start3A_1310 = arith.constant 0 : i32
      %dma_start3A_1311 = arith.constant 0 : i32
      %dma_start3A_1312 = tpu.memref_slice %arg7[%dma_start3A_1309, %dma_start3A_1310, %dma_start3A_1311] : memref<8x64x128xf32, #tpu.memory_space<vmem>> -> memref<1x64x128xf32, #tpu.memory_space<vmem>>
      %dma_start3A_1313 = tpu.memref_squeeze %dma_start3A_1312 : memref<1x64x128xf32, #tpu.memory_space<vmem>> -> memref<64x128xf32, #tpu.memory_space<vmem>>
      %dma_start3A_1314 = arith.constant 0 : i32
      %dma_start3A_1315 = tpu.memref_slice %arg3[%dma_start3A_1314, %multiple_of3A_1308] : memref<64x1000001xf32, #tpu.memory_space<hbm>> -> memref<64x128xf32, #tpu.memory_space<hbm>>
      %dma_start3A_1316 = arith.constant 0 : i32
      %dma_start3A_1317 = arith.constant 0 : i32
      %dma_start3A_1318 = tpu.memref_slice %arg7[%dma_start3A_1309, %dma_start3A_1316, %dma_start3A_1317] : memref<8x64x128xf32, #tpu.memory_space<vmem>> -> memref<1x64x128xf32, #tpu.memory_space<vmem>>
      %dma_start3A_1319 = tpu.memref_squeeze %dma_start3A_1318 : memref<1x64x128xf32, #tpu.memory_space<vmem>> -> memref<64x128xf32, #tpu.memory_space<vmem>>
      %dma_start3A_1320 = arith.constant 0 : i32
      %dma_start3A_1321 = tpu.memref_slice %arg3[%dma_start3A_1320, %multiple_of3A_1308] : memref<64x1000001xf32, #tpu.memory_space<hbm>> -> memref<64x128xf32, #tpu.memory_space<hbm>>
      tpu.enqueue_dma source(%dma_start3A_1321 : memref<64x128xf32, #tpu.memory_space<hbm>>) target(%dma_start3A_1319 : memref<64x128xf32, #tpu.memory_space<vmem>>) target_semaphore(%arg11 : memref<!tpu.dma_semaphore, #tpu.memory_space<semaphore_mem>>)
      %slice3A_1322 = vector.extract_strided_slice %get3A_354 {offsets = [5], sizes = [1], strides = [1]} : vector<16xi32> to vector<1xi32>
      %squeeze3A_1323 = vector.extract %slice3A_1322[0] : i32 from vector<1xi32>
      %ge3A_1324 = arith.constant 999936 : i32
      %ge3A_1325 = arith.cmpi sge, %squeeze3A_1323, %ge3A_1324 : i32
      %shift_right_arithmetic3A_1326 = arith.constant 7 : i32
      %shift_right_arithmetic3A_1327 = arith.shrsi %squeeze3A_1323, %shift_right_arithmetic3A_1326 : i32
      %jit3A_1328 = arith.constant 0 : i32
      %select_n3A_1329 = arith.select %ge3A_1325, %jit3A_1328, %shift_right_arithmetic3A_1327 : i32
      %jit3A_1330 = arith.constant 0 : i32
      %jit3A_1331 = arith.constant 7811 : i32
      %max3A_1332 = arith.maxsi %jit3A_1330, %select_n3A_1329 : i32
      %min3A_1333 = arith.minsi %jit3A_1331, %max3A_1332 : i32
      %mul3A_1334 = arith.constant 128 : i32
      %mul3A_1335 = arith.muli %min3A_1333, %mul3A_1334 : i32
      %multiple_of3A_1336 = tpu.assume_multiple %mul3A_1335, 128 : i32
      %dma_start3A_1337 = arith.constant 5 : i32
      %dma_start3A_1338 = arith.constant 0 : i32
      %dma_start3A_1339 = arith.constant 0 : i32
      %dma_start3A_1340 = tpu.memref_slice %arg7[%dma_start3A_1337, %dma_start3A_1338, %dma_start3A_1339] : memref<8x64x128xf32, #tpu.memory_space<vmem>> -> memref<1x64x128xf32, #tpu.memory_space<vmem>>
      %dma_start3A_1341 = tpu.memref_squeeze %dma_start3A_1340 : memref<1x64x128xf32, #tpu.memory_space<vmem>> -> memref<64x128xf32, #tpu.memory_space<vmem>>
      %dma_start3A_1342 = arith.constant 0 : i32
      %dma_start3A_1343 = tpu.memref_slice %arg3[%dma_start3A_1342, %multiple_of3A_1336] : memref<64x1000001xf32, #tpu.memory_space<hbm>> -> memref<64x128xf32, #tpu.memory_space<hbm>>
      %dma_start3A_1344 = arith.constant 0 : i32
      %dma_start3A_1345 = arith.constant 0 : i32
      %dma_start3A_1346 = tpu.memref_slice %arg7[%dma_start3A_1337, %dma_start3A_1344, %dma_start3A_1345] : memref<8x64x128xf32, #tpu.memory_space<vmem>> -> memref<1x64x128xf32, #tpu.memory_space<vmem>>
      %dma_start3A_1347 = tpu.memref_squeeze %dma_start3A_1346 : memref<1x64x128xf32, #tpu.memory_space<vmem>> -> memref<64x128xf32, #tpu.memory_space<vmem>>
      %dma_start3A_1348 = arith.constant 0 : i32
      %dma_start3A_1349 = tpu.memref_slice %arg3[%dma_start3A_1348, %multiple_of3A_1336] : memref<64x1000001xf32, #tpu.memory_space<hbm>> -> memref<64x128xf32, #tpu.memory_space<hbm>>
      tpu.enqueue_dma source(%dma_start3A_1349 : memref<64x128xf32, #tpu.memory_space<hbm>>) target(%dma_start3A_1347 : memref<64x128xf32, #tpu.memory_space<vmem>>) target_semaphore(%arg11 : memref<!tpu.dma_semaphore, #tpu.memory_space<semaphore_mem>>)
      %slice3A_1350 = vector.extract_strided_slice %get3A_354 {offsets = [6], sizes = [1], strides = [1]} : vector<16xi32> to vector<1xi32>
      %squeeze3A_1351 = vector.extract %slice3A_1350[0] : i32 from vector<1xi32>
      %ge3A_1352 = arith.constant 999936 : i32
      %ge3A_1353 = arith.cmpi sge, %squeeze3A_1351, %ge3A_1352 : i32
      %shift_right_arithmetic3A_1354 = arith.constant 7 : i32
      %shift_right_arithmetic3A_1355 = arith.shrsi %squeeze3A_1351, %shift_right_arithmetic3A_1354 : i32
      %jit3A_1356 = arith.constant 0 : i32
      %select_n3A_1357 = arith.select %ge3A_1353, %jit3A_1356, %shift_right_arithmetic3A_1355 : i32
      %jit3A_1358 = arith.constant 0 : i32
      %jit3A_1359 = arith.constant 7811 : i32
      %max3A_1360 = arith.maxsi %jit3A_1358, %select_n3A_1357 : i32
      %min3A_1361 = arith.minsi %jit3A_1359, %max3A_1360 : i32
      %mul3A_1362 = arith.constant 128 : i32
      %mul3A_1363 = arith.muli %min3A_1361, %mul3A_1362 : i32
      %multiple_of3A_1364 = tpu.assume_multiple %mul3A_1363, 128 : i32
      %dma_start3A_1365 = arith.constant 6 : i32
      %dma_start3A_1366 = arith.constant 0 : i32
      %dma_start3A_1367 = arith.constant 0 : i32
      %dma_start3A_1368 = tpu.memref_slice %arg7[%dma_start3A_1365, %dma_start3A_1366, %dma_start3A_1367] : memref<8x64x128xf32, #tpu.memory_space<vmem>> -> memref<1x64x128xf32, #tpu.memory_space<vmem>>
      %dma_start3A_1369 = tpu.memref_squeeze %dma_start3A_1368 : memref<1x64x128xf32, #tpu.memory_space<vmem>> -> memref<64x128xf32, #tpu.memory_space<vmem>>
      %dma_start3A_1370 = arith.constant 0 : i32
      %dma_start3A_1371 = tpu.memref_slice %arg3[%dma_start3A_1370, %multiple_of3A_1364] : memref<64x1000001xf32, #tpu.memory_space<hbm>> -> memref<64x128xf32, #tpu.memory_space<hbm>>
      %dma_start3A_1372 = arith.constant 0 : i32
      %dma_start3A_1373 = arith.constant 0 : i32
      %dma_start3A_1374 = tpu.memref_slice %arg7[%dma_start3A_1365, %dma_start3A_1372, %dma_start3A_1373] : memref<8x64x128xf32, #tpu.memory_space<vmem>> -> memref<1x64x128xf32, #tpu.memory_space<vmem>>
      %dma_start3A_1375 = tpu.memref_squeeze %dma_start3A_1374 : memref<1x64x128xf32, #tpu.memory_space<vmem>> -> memref<64x128xf32, #tpu.memory_space<vmem>>
      %dma_start3A_1376 = arith.constant 0 : i32
      %dma_start3A_1377 = tpu.memref_slice %arg3[%dma_start3A_1376, %multiple_of3A_1364] : memref<64x1000001xf32, #tpu.memory_space<hbm>> -> memref<64x128xf32, #tpu.memory_space<hbm>>
      tpu.enqueue_dma source(%dma_start3A_1377 : memref<64x128xf32, #tpu.memory_space<hbm>>) target(%dma_start3A_1375 : memref<64x128xf32, #tpu.memory_space<vmem>>) target_semaphore(%arg11 : memref<!tpu.dma_semaphore, #tpu.memory_space<semaphore_mem>>)
      %slice3A_1378 = vector.extract_strided_slice %get3A_354 {offsets = [7], sizes = [1], strides = [1]} : vector<16xi32> to vector<1xi32>
      %squeeze3A_1379 = vector.extract %slice3A_1378[0] : i32 from vector<1xi32>
      %ge3A_1380 = arith.constant 999936 : i32
      %ge3A_1381 = arith.cmpi sge, %squeeze3A_1379, %ge3A_1380 : i32
      %shift_right_arithmetic3A_1382 = arith.constant 7 : i32
      %shift_right_arithmetic3A_1383 = arith.shrsi %squeeze3A_1379, %shift_right_arithmetic3A_1382 : i32
      %jit3A_1384 = arith.constant 0 : i32
      %select_n3A_1385 = arith.select %ge3A_1381, %jit3A_1384, %shift_right_arithmetic3A_1383 : i32
      %jit3A_1386 = arith.constant 0 : i32
      %jit3A_1387 = arith.constant 7811 : i32
      %max3A_1388 = arith.maxsi %jit3A_1386, %select_n3A_1385 : i32
      %min3A_1389 = arith.minsi %jit3A_1387, %max3A_1388 : i32
      %mul3A_1390 = arith.constant 128 : i32
      %mul3A_1391 = arith.muli %min3A_1389, %mul3A_1390 : i32
      %multiple_of3A_1392 = tpu.assume_multiple %mul3A_1391, 128 : i32
      %dma_start3A_1393 = arith.constant 7 : i32
      %dma_start3A_1394 = arith.constant 0 : i32
      %dma_start3A_1395 = arith.constant 0 : i32
      %dma_start3A_1396 = tpu.memref_slice %arg7[%dma_start3A_1393, %dma_start3A_1394, %dma_start3A_1395] : memref<8x64x128xf32, #tpu.memory_space<vmem>> -> memref<1x64x128xf32, #tpu.memory_space<vmem>>
      %dma_start3A_1397 = tpu.memref_squeeze %dma_start3A_1396 : memref<1x64x128xf32, #tpu.memory_space<vmem>> -> memref<64x128xf32, #tpu.memory_space<vmem>>
      %dma_start3A_1398 = arith.constant 0 : i32
      %dma_start3A_1399 = tpu.memref_slice %arg3[%dma_start3A_1398, %multiple_of3A_1392] : memref<64x1000001xf32, #tpu.memory_space<hbm>> -> memref<64x128xf32, #tpu.memory_space<hbm>>
      %dma_start3A_1400 = arith.constant 0 : i32
      %dma_start3A_1401 = arith.constant 0 : i32
      %dma_start3A_1402 = tpu.memref_slice %arg7[%dma_start3A_1393, %dma_start3A_1400, %dma_start3A_1401] : memref<8x64x128xf32, #tpu.memory_space<vmem>> -> memref<1x64x128xf32, #tpu.memory_space<vmem>>
      %dma_start3A_1403 = tpu.memref_squeeze %dma_start3A_1402 : memref<1x64x128xf32, #tpu.memory_space<vmem>> -> memref<64x128xf32, #tpu.memory_space<vmem>>
      %dma_start3A_1404 = arith.constant 0 : i32
      %dma_start3A_1405 = tpu.memref_slice %arg3[%dma_start3A_1404, %multiple_of3A_1392] : memref<64x1000001xf32, #tpu.memory_space<hbm>> -> memref<64x128xf32, #tpu.memory_space<hbm>>
      tpu.enqueue_dma source(%dma_start3A_1405 : memref<64x128xf32, #tpu.memory_space<hbm>>) target(%dma_start3A_1403 : memref<64x128xf32, #tpu.memory_space<vmem>>) target_semaphore(%arg11 : memref<!tpu.dma_semaphore, #tpu.memory_space<semaphore_mem>>)
    }
    %scan3A_222 = arith.constant 32 : i32
    %dma_wait3A = arith.constant 0 : i32
    %dma_wait3A_223 = arith.constant 0 : i32
    %dma_wait3A_224 = arith.constant 0 : i32
    %dma_wait3A_225 = tpu.memref_slice %arg7[%dma_wait3A, %dma_wait3A_223, %dma_wait3A_224] : memref<8x64x128xf32, #tpu.memory_space<vmem>> -> memref<1x64x128xf32, #tpu.memory_space<vmem>>
    %dma_wait3A_226 = tpu.memref_squeeze %dma_wait3A_225 : memref<1x64x128xf32, #tpu.memory_space<vmem>> -> memref<64x128xf32, #tpu.memory_space<vmem>>
    %dma_wait3A_227 = arith.constant 0 : i32
    %dma_wait3A_228 = arith.constant 0 : i32
    %dma_wait3A_229 = tpu.memref_slice %arg3[%dma_wait3A_227, %dma_wait3A_228] : memref<64x1000001xf32, #tpu.memory_space<hbm>> -> memref<64x128xf32, #tpu.memory_space<hbm>>
    %dma_wait3A_230 = arith.constant 0 : i32
    %dma_wait3A_231 = arith.constant 0 : i32
    %dma_wait3A_232 = tpu.memref_slice %arg7[%dma_wait3A, %dma_wait3A_230, %dma_wait3A_231] : memref<8x64x128xf32, #tpu.memory_space<vmem>> -> memref<1x64x128xf32, #tpu.memory_space<vmem>>
    %dma_wait3A_233 = tpu.memref_squeeze %dma_wait3A_232 : memref<1x64x128xf32, #tpu.memory_space<vmem>> -> memref<64x128xf32, #tpu.memory_space<vmem>>
    %dma_wait3A_234 = arith.constant 0 : i32
    %dma_wait3A_235 = arith.constant 0 : i32
    %dma_wait3A_236 = tpu.memref_slice %arg3[%dma_wait3A_234, %dma_wait3A_235] : memref<64x1000001xf32, #tpu.memory_space<hbm>> -> memref<64x128xf32, #tpu.memory_space<hbm>>
    tpu.wait_dma2 semaphore(%arg10 : memref<!tpu.dma_semaphore, #tpu.memory_space<semaphore_mem>>) src(%dma_wait3A_236 : memref<64x128xf32, #tpu.memory_space<hbm>>) dst(%dma_wait3A_233 : memref<64x128xf32, #tpu.memory_space<vmem>>)
    %dma_wait3A_237 = arith.constant 1 : i32
    %dma_wait3A_238 = arith.constant 0 : i32
    %dma_wait3A_239 = arith.constant 0 : i32
    %dma_wait3A_240 = tpu.memref_slice %arg7[%dma_wait3A_237, %dma_wait3A_238, %dma_wait3A_239] : memref<8x64x128xf32, #tpu.memory_space<vmem>> -> memref<1x64x128xf32, #tpu.memory_space<vmem>>
    %dma_wait3A_241 = tpu.memref_squeeze %dma_wait3A_240 : memref<1x64x128xf32, #tpu.memory_space<vmem>> -> memref<64x128xf32, #tpu.memory_space<vmem>>
    %dma_wait3A_242 = arith.constant 0 : i32
    %dma_wait3A_243 = arith.constant 0 : i32
    %dma_wait3A_244 = tpu.memref_slice %arg3[%dma_wait3A_242, %dma_wait3A_243] : memref<64x1000001xf32, #tpu.memory_space<hbm>> -> memref<64x128xf32, #tpu.memory_space<hbm>>
    %dma_wait3A_245 = arith.constant 0 : i32
    %dma_wait3A_246 = arith.constant 0 : i32
    %dma_wait3A_247 = tpu.memref_slice %arg7[%dma_wait3A_237, %dma_wait3A_245, %dma_wait3A_246] : memref<8x64x128xf32, #tpu.memory_space<vmem>> -> memref<1x64x128xf32, #tpu.memory_space<vmem>>
    %dma_wait3A_248 = tpu.memref_squeeze %dma_wait3A_247 : memref<1x64x128xf32, #tpu.memory_space<vmem>> -> memref<64x128xf32, #tpu.memory_space<vmem>>
    %dma_wait3A_249 = arith.constant 0 : i32
    %dma_wait3A_250 = arith.constant 0 : i32
    %dma_wait3A_251 = tpu.memref_slice %arg3[%dma_wait3A_249, %dma_wait3A_250] : memref<64x1000001xf32, #tpu.memory_space<hbm>> -> memref<64x128xf32, #tpu.memory_space<hbm>>
    tpu.wait_dma2 semaphore(%arg10 : memref<!tpu.dma_semaphore, #tpu.memory_space<semaphore_mem>>) src(%dma_wait3A_251 : memref<64x128xf32, #tpu.memory_space<hbm>>) dst(%dma_wait3A_248 : memref<64x128xf32, #tpu.memory_space<vmem>>)
    %dma_wait3A_252 = arith.constant 2 : i32
    %dma_wait3A_253 = arith.constant 0 : i32
    %dma_wait3A_254 = arith.constant 0 : i32
    %dma_wait3A_255 = tpu.memref_slice %arg7[%dma_wait3A_252, %dma_wait3A_253, %dma_wait3A_254] : memref<8x64x128xf32, #tpu.memory_space<vmem>> -> memref<1x64x128xf32, #tpu.memory_space<vmem>>
    %dma_wait3A_256 = tpu.memref_squeeze %dma_wait3A_255 : memref<1x64x128xf32, #tpu.memory_space<vmem>> -> memref<64x128xf32, #tpu.memory_space<vmem>>
    %dma_wait3A_257 = arith.constant 0 : i32
    %dma_wait3A_258 = arith.constant 0 : i32
    %dma_wait3A_259 = tpu.memref_slice %arg3[%dma_wait3A_257, %dma_wait3A_258] : memref<64x1000001xf32, #tpu.memory_space<hbm>> -> memref<64x128xf32, #tpu.memory_space<hbm>>
    %dma_wait3A_260 = arith.constant 0 : i32
    %dma_wait3A_261 = arith.constant 0 : i32
    %dma_wait3A_262 = tpu.memref_slice %arg7[%dma_wait3A_252, %dma_wait3A_260, %dma_wait3A_261] : memref<8x64x128xf32, #tpu.memory_space<vmem>> -> memref<1x64x128xf32, #tpu.memory_space<vmem>>
    %dma_wait3A_263 = tpu.memref_squeeze %dma_wait3A_262 : memref<1x64x128xf32, #tpu.memory_space<vmem>> -> memref<64x128xf32, #tpu.memory_space<vmem>>
    %dma_wait3A_264 = arith.constant 0 : i32
    %dma_wait3A_265 = arith.constant 0 : i32
    %dma_wait3A_266 = tpu.memref_slice %arg3[%dma_wait3A_264, %dma_wait3A_265] : memref<64x1000001xf32, #tpu.memory_space<hbm>> -> memref<64x128xf32, #tpu.memory_space<hbm>>
    tpu.wait_dma2 semaphore(%arg10 : memref<!tpu.dma_semaphore, #tpu.memory_space<semaphore_mem>>) src(%dma_wait3A_266 : memref<64x128xf32, #tpu.memory_space<hbm>>) dst(%dma_wait3A_263 : memref<64x128xf32, #tpu.memory_space<vmem>>)
    %dma_wait3A_267 = arith.constant 3 : i32
    %dma_wait3A_268 = arith.constant 0 : i32
    %dma_wait3A_269 = arith.constant 0 : i32
    %dma_wait3A_270 = tpu.memref_slice %arg7[%dma_wait3A_267, %dma_wait3A_268, %dma_wait3A_269] : memref<8x64x128xf32, #tpu.memory_space<vmem>> -> memref<1x64x128xf32, #tpu.memory_space<vmem>>
    %dma_wait3A_271 = tpu.memref_squeeze %dma_wait3A_270 : memref<1x64x128xf32, #tpu.memory_space<vmem>> -> memref<64x128xf32, #tpu.memory_space<vmem>>
    %dma_wait3A_272 = arith.constant 0 : i32
    %dma_wait3A_273 = arith.constant 0 : i32
    %dma_wait3A_274 = tpu.memref_slice %arg3[%dma_wait3A_272, %dma_wait3A_273] : memref<64x1000001xf32, #tpu.memory_space<hbm>> -> memref<64x128xf32, #tpu.memory_space<hbm>>
    %dma_wait3A_275 = arith.constant 0 : i32
    %dma_wait3A_276 = arith.constant 0 : i32
    %dma_wait3A_277 = tpu.memref_slice %arg7[%dma_wait3A_267, %dma_wait3A_275, %dma_wait3A_276] : memref<8x64x128xf32, #tpu.memory_space<vmem>> -> memref<1x64x128xf32, #tpu.memory_space<vmem>>
    %dma_wait3A_278 = tpu.memref_squeeze %dma_wait3A_277 : memref<1x64x128xf32, #tpu.memory_space<vmem>> -> memref<64x128xf32, #tpu.memory_space<vmem>>
    %dma_wait3A_279 = arith.constant 0 : i32
    %dma_wait3A_280 = arith.constant 0 : i32
    %dma_wait3A_281 = tpu.memref_slice %arg3[%dma_wait3A_279, %dma_wait3A_280] : memref<64x1000001xf32, #tpu.memory_space<hbm>> -> memref<64x128xf32, #tpu.memory_space<hbm>>
    tpu.wait_dma2 semaphore(%arg10 : memref<!tpu.dma_semaphore, #tpu.memory_space<semaphore_mem>>) src(%dma_wait3A_281 : memref<64x128xf32, #tpu.memory_space<hbm>>) dst(%dma_wait3A_278 : memref<64x128xf32, #tpu.memory_space<vmem>>)
    %dma_wait3A_282 = arith.constant 4 : i32
    %dma_wait3A_283 = arith.constant 0 : i32
    %dma_wait3A_284 = arith.constant 0 : i32
    %dma_wait3A_285 = tpu.memref_slice %arg7[%dma_wait3A_282, %dma_wait3A_283, %dma_wait3A_284] : memref<8x64x128xf32, #tpu.memory_space<vmem>> -> memref<1x64x128xf32, #tpu.memory_space<vmem>>
    %dma_wait3A_286 = tpu.memref_squeeze %dma_wait3A_285 : memref<1x64x128xf32, #tpu.memory_space<vmem>> -> memref<64x128xf32, #tpu.memory_space<vmem>>
    %dma_wait3A_287 = arith.constant 0 : i32
    %dma_wait3A_288 = arith.constant 0 : i32
    %dma_wait3A_289 = tpu.memref_slice %arg3[%dma_wait3A_287, %dma_wait3A_288] : memref<64x1000001xf32, #tpu.memory_space<hbm>> -> memref<64x128xf32, #tpu.memory_space<hbm>>
    %dma_wait3A_290 = arith.constant 0 : i32
    %dma_wait3A_291 = arith.constant 0 : i32
    %dma_wait3A_292 = tpu.memref_slice %arg7[%dma_wait3A_282, %dma_wait3A_290, %dma_wait3A_291] : memref<8x64x128xf32, #tpu.memory_space<vmem>> -> memref<1x64x128xf32, #tpu.memory_space<vmem>>
    %dma_wait3A_293 = tpu.memref_squeeze %dma_wait3A_292 : memref<1x64x128xf32, #tpu.memory_space<vmem>> -> memref<64x128xf32, #tpu.memory_space<vmem>>
    %dma_wait3A_294 = arith.constant 0 : i32
    %dma_wait3A_295 = arith.constant 0 : i32
    %dma_wait3A_296 = tpu.memref_slice %arg3[%dma_wait3A_294, %dma_wait3A_295] : memref<64x1000001xf32, #tpu.memory_space<hbm>> -> memref<64x128xf32, #tpu.memory_space<hbm>>
    tpu.wait_dma2 semaphore(%arg11 : memref<!tpu.dma_semaphore, #tpu.memory_space<semaphore_mem>>) src(%dma_wait3A_296 : memref<64x128xf32, #tpu.memory_space<hbm>>) dst(%dma_wait3A_293 : memref<64x128xf32, #tpu.memory_space<vmem>>)
    %dma_wait3A_297 = arith.constant 5 : i32
    %dma_wait3A_298 = arith.constant 0 : i32
    %dma_wait3A_299 = arith.constant 0 : i32
    %dma_wait3A_300 = tpu.memref_slice %arg7[%dma_wait3A_297, %dma_wait3A_298, %dma_wait3A_299] : memref<8x64x128xf32, #tpu.memory_space<vmem>> -> memref<1x64x128xf32, #tpu.memory_space<vmem>>
    %dma_wait3A_301 = tpu.memref_squeeze %dma_wait3A_300 : memref<1x64x128xf32, #tpu.memory_space<vmem>> -> memref<64x128xf32, #tpu.memory_space<vmem>>
    %dma_wait3A_302 = arith.constant 0 : i32
    %dma_wait3A_303 = arith.constant 0 : i32
    %dma_wait3A_304 = tpu.memref_slice %arg3[%dma_wait3A_302, %dma_wait3A_303] : memref<64x1000001xf32, #tpu.memory_space<hbm>> -> memref<64x128xf32, #tpu.memory_space<hbm>>
    %dma_wait3A_305 = arith.constant 0 : i32
    %dma_wait3A_306 = arith.constant 0 : i32
    %dma_wait3A_307 = tpu.memref_slice %arg7[%dma_wait3A_297, %dma_wait3A_305, %dma_wait3A_306] : memref<8x64x128xf32, #tpu.memory_space<vmem>> -> memref<1x64x128xf32, #tpu.memory_space<vmem>>
    %dma_wait3A_308 = tpu.memref_squeeze %dma_wait3A_307 : memref<1x64x128xf32, #tpu.memory_space<vmem>> -> memref<64x128xf32, #tpu.memory_space<vmem>>
    %dma_wait3A_309 = arith.constant 0 : i32
    %dma_wait3A_310 = arith.constant 0 : i32
    %dma_wait3A_311 = tpu.memref_slice %arg3[%dma_wait3A_309, %dma_wait3A_310] : memref<64x1000001xf32, #tpu.memory_space<hbm>> -> memref<64x128xf32, #tpu.memory_space<hbm>>
    tpu.wait_dma2 semaphore(%arg11 : memref<!tpu.dma_semaphore, #tpu.memory_space<semaphore_mem>>) src(%dma_wait3A_311 : memref<64x128xf32, #tpu.memory_space<hbm>>) dst(%dma_wait3A_308 : memref<64x128xf32, #tpu.memory_space<vmem>>)
    %dma_wait3A_312 = arith.constant 6 : i32
    %dma_wait3A_313 = arith.constant 0 : i32
    %dma_wait3A_314 = arith.constant 0 : i32
    %dma_wait3A_315 = tpu.memref_slice %arg7[%dma_wait3A_312, %dma_wait3A_313, %dma_wait3A_314] : memref<8x64x128xf32, #tpu.memory_space<vmem>> -> memref<1x64x128xf32, #tpu.memory_space<vmem>>
    %dma_wait3A_316 = tpu.memref_squeeze %dma_wait3A_315 : memref<1x64x128xf32, #tpu.memory_space<vmem>> -> memref<64x128xf32, #tpu.memory_space<vmem>>
    %dma_wait3A_317 = arith.constant 0 : i32
    %dma_wait3A_318 = arith.constant 0 : i32
    %dma_wait3A_319 = tpu.memref_slice %arg3[%dma_wait3A_317, %dma_wait3A_318] : memref<64x1000001xf32, #tpu.memory_space<hbm>> -> memref<64x128xf32, #tpu.memory_space<hbm>>
    %dma_wait3A_320 = arith.constant 0 : i32
    %dma_wait3A_321 = arith.constant 0 : i32
    %dma_wait3A_322 = tpu.memref_slice %arg7[%dma_wait3A_312, %dma_wait3A_320, %dma_wait3A_321] : memref<8x64x128xf32, #tpu.memory_space<vmem>> -> memref<1x64x128xf32, #tpu.memory_space<vmem>>
    %dma_wait3A_323 = tpu.memref_squeeze %dma_wait3A_322 : memref<1x64x128xf32, #tpu.memory_space<vmem>> -> memref<64x128xf32, #tpu.memory_space<vmem>>
    %dma_wait3A_324 = arith.constant 0 : i32
    %dma_wait3A_325 = arith.constant 0 : i32
    %dma_wait3A_326 = tpu.memref_slice %arg3[%dma_wait3A_324, %dma_wait3A_325] : memref<64x1000001xf32, #tpu.memory_space<hbm>> -> memref<64x128xf32, #tpu.memory_space<hbm>>
    tpu.wait_dma2 semaphore(%arg11 : memref<!tpu.dma_semaphore, #tpu.memory_space<semaphore_mem>>) src(%dma_wait3A_326 : memref<64x128xf32, #tpu.memory_space<hbm>>) dst(%dma_wait3A_323 : memref<64x128xf32, #tpu.memory_space<vmem>>)
    %dma_wait3A_327 = arith.constant 7 : i32
    %dma_wait3A_328 = arith.constant 0 : i32
    %dma_wait3A_329 = arith.constant 0 : i32
    %dma_wait3A_330 = tpu.memref_slice %arg7[%dma_wait3A_327, %dma_wait3A_328, %dma_wait3A_329] : memref<8x64x128xf32, #tpu.memory_space<vmem>> -> memref<1x64x128xf32, #tpu.memory_space<vmem>>
    %dma_wait3A_331 = tpu.memref_squeeze %dma_wait3A_330 : memref<1x64x128xf32, #tpu.memory_space<vmem>> -> memref<64x128xf32, #tpu.memory_space<vmem>>
    %dma_wait3A_332 = arith.constant 0 : i32
    %dma_wait3A_333 = arith.constant 0 : i32
    %dma_wait3A_334 = tpu.memref_slice %arg3[%dma_wait3A_332, %dma_wait3A_333] : memref<64x1000001xf32, #tpu.memory_space<hbm>> -> memref<64x128xf32, #tpu.memory_space<hbm>>
    %dma_wait3A_335 = arith.constant 0 : i32
    %dma_wait3A_336 = arith.constant 0 : i32
    %dma_wait3A_337 = tpu.memref_slice %arg7[%dma_wait3A_327, %dma_wait3A_335, %dma_wait3A_336] : memref<8x64x128xf32, #tpu.memory_space<vmem>> -> memref<1x64x128xf32, #tpu.memory_space<vmem>>
    %dma_wait3A_338 = tpu.memref_squeeze %dma_wait3A_337 : memref<1x64x128xf32, #tpu.memory_space<vmem>> -> memref<64x128xf32, #tpu.memory_space<vmem>>
    %dma_wait3A_339 = arith.constant 0 : i32
    %dma_wait3A_340 = arith.constant 0 : i32
    %dma_wait3A_341 = tpu.memref_slice %arg3[%dma_wait3A_339, %dma_wait3A_340] : memref<64x1000001xf32, #tpu.memory_space<hbm>> -> memref<64x128xf32, #tpu.memory_space<hbm>>
    tpu.wait_dma2 semaphore(%arg11 : memref<!tpu.dma_semaphore, #tpu.memory_space<semaphore_mem>>) src(%dma_wait3A_341 : memref<64x128xf32, #tpu.memory_space<hbm>>) dst(%dma_wait3A_338 : memref<64x128xf32, #tpu.memory_space<vmem>>)
    %mul3A_342 = arith.constant 64 : i32
    %mul3A_343 = arith.muli %mul3A_2, %mul3A_342 : i32
    "tpu.region"() ({
      %run_scoped3A = tpu.sem_alloc : memref<!tpu.dma_semaphore, #tpu.memory_space<semaphore_mem>>
      %dma_start3A_344 = tpu.memref_slice %arg5[%mul3A_343] : memref<1048576xf32, #tpu.memory_space<hbm>> -> memref<32768xf32, #tpu.memory_space<hbm>>
      %dma_start3A_345 = tpu.memref_slice %arg5[%mul3A_343] : memref<1048576xf32, #tpu.memory_space<hbm>> -> memref<32768xf32, #tpu.memory_space<hbm>>
      tpu.enqueue_dma source(%arg8 : memref<32768xf32, #tpu.memory_space<vmem>>) target(%dma_start3A_345 : memref<32768xf32, #tpu.memory_space<hbm>>) target_semaphore(%run_scoped3A : memref<!tpu.dma_semaphore, #tpu.memory_space<semaphore_mem>>)
      %dma_wait3A_346 = tpu.memref_slice %arg5[%mul3A_343] : memref<1048576xf32, #tpu.memory_space<hbm>> -> memref<32768xf32, #tpu.memory_space<hbm>>
      %dma_wait3A_347 = tpu.memref_slice %arg5[%mul3A_343] : memref<1048576xf32, #tpu.memory_space<hbm>> -> memref<32768xf32, #tpu.memory_space<hbm>>
      tpu.wait_dma2 semaphore(%run_scoped3A : memref<!tpu.dma_semaphore, #tpu.memory_space<semaphore_mem>>) src(%arg8 : memref<32768xf32, #tpu.memory_space<vmem>>) dst(%dma_wait3A_347 : memref<32768xf32, #tpu.memory_space<hbm>>)
      tpu.yield
    }) : () -> ()
    return
  }
}

</mosaic_0001>

<sc_bundles>
// kernel: kernel.3.cloned.1.call-start
scs
__scs_entry_jumppad:
0x0: {  	(pc) =	sbr.rel $0x88, $3  }
0x1: {  	(tag) =	ssettag $0x0;
	lr =	simm.s32 $0x1  }
0x2: {  	[smem:$0x3F9F] =	sst lr;
	_ =	strace $0xD0000000  }
0x3: {  	_ = 	snop  }
0x4: {  	_ = 	snop  }
0x5: {  	_ = 	snop  }
0x6: {  	_ = 	snop  }
0x7: {  	_ = 	snop  }
__scs_overlays_trampoline_lowered:
0x8: {  	[smem:$0x3FAE] =	sst s0  }
0x9: {  	[smem:$0x3FAF] =	sst s1  }
0xa: {  	[smem:$0x3FB0] =	sst s2  }
0xb: {  	[smem:$0x3FB1] =	sst s3  }
0xc: {  	[smem:$0x3FB2] =	sst s4  }
0xd: {  	[smem:$0x3FB3] =	sst s5  }
0xe: {  	[smem:$0x3FB4] =	sst s6  }
0xf: {  	[smem:$0x3FB5] =	sst s7  }
0x10: {  	[smem:$0x3FB6] =	sst s8  }
0x11: {  	[smem:$0x3FB7] =	sst s9;
	s0 =	simm.s32 @!p0 $0x0  }
0x12: {  	s1 =	sld [smem:$0x3F9D];
	s0 =	simm.s32 @p0 $0x1  }
0x13: {  	[smem:$0x3FB8] =	sst s0;
	s0 =	simm.s32 @!p1 $0x0  }
0x14: {  	s2 =	sld [smem:$0x3F9C];
	s0 =	simm.s32 @p1 $0x1  }
0x15: {  	[smem:$0x3FB9] =	sst s0;
	s0 =	simm.s32 @!p2 $0x0  }
0x16: {  	s3 =	sld [smem:$0x3FDB];
	s0 =	simm.s32 @p2 $0x1  }
0x17: {  	s4 =	simm.s32 $0x1BF5;
	[smem:$0x3FBB] =	sst s0  }
0x18: {  	s0 =	sld [smem:$0x3F9E];
	_ =	swait.ge [sflag:s4], $0x0  }
0x19: {  	s7 =	sld [smem:$0x3F9F]  }
0x1a: {  	s8 =	sadd.s32 $0xFFFFE003, lr  }
0x1b: {  	s9 =	sadd.s32 $0xFFFFFEF7, lr;
	s5 =	simm.s32 $0xFFFFFFFF;
	p2 =	slt.u32 s8, $0xFFFFF086  }
0x1c: {  	p1 =	slt.u32 s9, $0xF7A;
	s5 =	simm.s32 @!p2 $0x0  }
0x1d: {  	s5 =	simm.s32 @p1 $0x1;
	p0 =	seq.s32 s7, s2  }
0x1e: {  	s7 =	smul.u32 @!p0 $0xF7A, s2;
	p2 =	seq.s32 @!p0 s5, $0x0  }
0x1f: {  	s9 =	smul.u32 $0xF7A, s1;
	s8 =	simm.s32 @!p0 $0x1BF5;
	p2 =	por !p2, p0  }
0x20: {  	[sflag:s8] =	ssyncset.s32 @!p0 $0xFFFFF086;
	s6 =	sadd.s32 @!p0 s3, s7;
	s7 =	simm.s32 @!p0 $0x108  }
0x21: {  	s3 =	sadd.s32 s3, s9;
	s6 =	sadd.s32 @!p0 $0x88, s6;
	s7 =	simm.s32 @p2 $0x1082  }
0x22: {  	[simem:s7], [sflag:s8] =	dma.local @!p0 [hbm:s6], $0xF7A  }
0x23: {  	s9 =	sor.u32 $0xD0000000, s2;
	s6 =	simm.s32 $0x108;
	_ =	swait.ge @!p0 [sflag:s8], $0x0  }
0x24: {  	s3 =	sadd.s32 $0x88, s3;
	s6 =	simm.s32 @!p1 $0x1082;
	[sflag:s4] =	ssyncset.s32 $0xFFFFF086  }
0x25: {  	[simem:s6], [sflag:s4] =	dma.local [hbm:s3], $0xF7A  }
0x26: {  	[smem:$0x3F9F] =	sst s1;
	(tag) =	ssettag s2;
	_ =	strace s9  }
0x27: {  	s1 =	sld [smem:$0x3FAF]  }
0x28: {  	s2 =	sld [smem:$0x3FB0]  }
0x29: {  	s4 =	sld [smem:$0x3FB2]  }
0x2a: {  	p0 =	seq.s32 s5, $0x0;
	s5 =	sld [smem:$0x3FB3]  }
0x2b: {  	s6 =	sld [smem:$0x3FB4]  }
0x2c: {  	s7 =	sld [smem:$0x3FB5]  }
0x2d: {  	s3 =	simm.s32 $0x108;
	s8 =	sld [smem:$0x3FB6]  }
0x2e: {  	s3 =	simm.s32 @!p0 $0x1082;
	s9 =	sld [smem:$0x3FB7]  }
0x2f: {  	lr =	sadd.s32 s0, s3;
	s0 =	sld [smem:$0x3FAE]  }
0x30: {  	s3 =	sld [smem:$0x3FB1]  }
0x31: {  	[smem:$0x3FBA] =	sst s10  }
0x32: {  	s10 =	sld [smem:$0x3FB8];
	_ =	sdelay $0x3  }
0x33: {  	p0 =	seq.s32 s10, $0x1;
	s10 =	sld [smem:$0x3FBA];
	_ =	sdelay $0x3  }
0x34: {  	[smem:$0x3FBA] =	sst s10  }
0x35: {  	s10 =	sld [smem:$0x3FB9];
	_ =	sdelay $0x3  }
0x36: {  	p1 =	seq.s32 s10, $0x1;
	s10 =	sld [smem:$0x3FBA];
	_ =	sdelay $0x3  }
0x37: {  	[smem:$0x3FBA] =	sst s10  }
0x38: {  	s10 =	sld [smem:$0x3FBB]  }
0x39: {  	_ = 	snop;
	(pc) =	sbr.ind lr, $3  }
0x3a: {  	_ = 	snop  }
0x3b: {  	_ = 	snop  }
0x3c: {  	p2 =	seq.s32 s10, $0x1;
	s10 =	sld [smem:$0x3FBA]  }
0x3d: {  	_ =	shalt  }
0x3e: {  	_ =	shalt  }
0x3f: {  	_ =	shalt  }
0x40: {  	_ =	shalt  }
0x41: {  	_ =	shalt  }
0x42: {  	_ =	shalt  }
0x43: {  	_ =	shalt  }
0x44: {  	_ =	shalt  }
0x45: {  	_ =	shalt  }
0x46: {  	_ =	shalt  }
0x47: {  	_ =	shalt  }
0x48: {  	_ =	shalt  }
0x49: {  	_ =	shalt  }
0x4a: {  	_ =	shalt  }
0x4b: {  	_ =	shalt  }
0x4c: {  	_ =	shalt  }
0x4d: {  	_ =	shalt  }
0x4e: {  	_ =	shalt  }
0x4f: {  	_ =	shalt  }
0x50: {  	_ =	shalt  }
0x51: {  	_ =	shalt  }
0x52: {  	_ =	shalt  }
0x53: {  	_ =	shalt  }
0x54: {  	_ =	shalt  }
0x55: {  	_ =	shalt  }
0x56: {  	_ =	shalt  }
0x57: {  	_ =	shalt  }
0x58: {  	_ =	shalt  }
0x59: {  	_ =	shalt  }
0x5a: {  	_ =	shalt  }
0x5b: {  	_ =	shalt  }
0x5c: {  	_ =	shalt  }
0x5d: {  	_ =	shalt  }
0x5e: {  	_ =	shalt  }
0x5f: {  	_ =	shalt  }
0x60: {  	_ =	shalt  }
0x61: {  	_ =	shalt  }
0x62: {  	_ =	shalt  }
0x63: {  	_ =	shalt  }
0x64: {  	_ =	shalt  }
0x65: {  	_ =	shalt  }
0x66: {  	_ =	shalt  }
0x67: {  	_ =	shalt  }
0x68: {  	_ =	shalt  }
0x69: {  	_ =	shalt  }
0x6a: {  	_ =	shalt  }
0x6b: {  	_ =	shalt  }
0x6c: {  	_ =	shalt  }
0x6d: {  	_ =	shalt  }
0x6e: {  	_ =	shalt  }
0x6f: {  	_ =	shalt  }
0x70: {  	_ =	shalt  }
0x71: {  	_ =	shalt  }
0x72: {  	_ =	shalt  }
0x73: {  	_ =	shalt  }
0x74: {  	_ =	shalt  }
0x75: {  	_ =	shalt  }
0x76: {  	_ =	shalt  }
0x77: {  	_ =	shalt  }
0x78: {  	_ =	shalt  }
0x79: {  	_ =	shalt  }
0x7a: {  	_ =	shalt  }
0x7b: {  	_ =	shalt  }
0x7c: {  	_ =	shalt  }
0x7d: {  	_ =	shalt  }
0x7e: {  	_ =	shalt  }
0x7f: {  	_ =	shalt  }
0x80: {  	_ =	shalt  }
0x81: {  	_ =	shalt  }
0x82: {  	_ =	shalt  }
0x83: {  	_ =	shalt  }
0x84: {  	_ =	shalt  }
0x85: {  	_ =	shalt  }
0x86: {  	_ =	shalt  }
0x87: {  	_ =	shalt  }
.Lfunc_end0:
.L_simem_size_0:
called_computation_lowered:
.L_overlay_start_0:
0x88: {  	s2 =	sld [smem:$0x3FD9]  }
0x89: {  	s3 =	sld [smem:$0x3FFE];
	_ =	sdelay $0x1  }
0x8a: {  	s1 =	srdreg.scid  }
0x8b: {  	s0 =	sand.u32 $0x1, s1  }
0x8c: {  	s17 =	sshll.u32 s0, $0xA;
	s2 =	sadd.s32 s3, s2  }
0x8d: {  	s2 =	sadd.s32 s2, s17  }
0x8e: {  	[smem:$0x3FC6] =	sst s2  }
0x8f: {  	_ = 	snop  }
0x90: {  	s2 =	sld [smem:$0x3FC9]  }
0x91: {  	s18 =	sld [smem:$0x3FC8]  }
0x92: {  	s4 =	sld [smem:$0x3FD0];
	(tm) =	ssettm $0x1  }
0x93: {  	s5 =	sld [smem:$0x3FFB];
	_ =	sdelay $0x3  }
0x94: {  	_ =	strace s5  }
0x95: {  	s5 =	sld [smem:$0x3FFC];
	_ =	sdelay $0x3  }
0x96: {  	_ =	strace s5  }
0x97: {  	s5 =	sld [smem:$0x3FFD];
	_ =	sdelay $0x3  }
0x98: {  	_ =	strace s5  }
0x99: {  	_ =	strace $0x8FFFFFFF  }
0x9a: {  	s19 =	sld [smem:$0x3FDB];
	_ =	sdelay $0x1  }
0x9b: {  	s6 =	simm.s32 $_scs_section_size  }
0x9c: {  	s7 =	simm.s32 $_size__tile_overlayer_lowered;
	s8 =	simm.s32 $_tile_overlayer_lowered  }
0x9d: {  	s22 =	simm.s32 $0x1BFF;
	s21 =	sshll.u32 s8, $0x1;
	s5 =	sadd.s32 s6, s19  }
0x9e: {  	s9 =	simm.s32 $0x0;
	s20 =	sshll.u32 s7, $0x1;
	s7 =	sadd.s32 s21, s5  }
0x9f: {  	[timem:s9], [sflag:s22] =	dma.local [hbm:s7], s20  }
0xa0: {  	_ =	swait.ge [sflag:s22], s20  }
0xa1: {  	s6 =	ssub.s32 $0x0, s20;
	[sflag:s22] =	ssyncset.done $0x0  }
0xa2: {  	[sflag:s22] =	ssyncadd.s32 s6;
	_ =	sdelay $0x1  }
0xa3: {  	s23 =	simm.s32 $0x1B8B  }
0xa4: {  	_ =	swait.ge [sflag:s23], $0x1  }
0xa5: {  	[sflag:s23] =	ssyncset.done $0x0  }
0xa6: {  	s25 =	simm.s32 $0x1B8E;
	s24 =	sld [smem:$0x3FFE];
	[sflag:s23] =	ssyncadd.s32 $0xFFFFFFFF  }
0xa7: {  	s26 =	simm.s32 $execute0_lowered;
	[smem:$0x3FD2] =	sst s25  }
0xa8: {  	s7 =	sshll.u32 s26, $0x1;
	_ =	strace $0x80000046;
	[dreg:$0x1] =	wrdreg $0xFFFFFFFF  }
0xa9: {  	s28 =	simm.s32 $_size_execute0_lowered;
	s5 =	sadd.s32 s5, s7;
	[dreg:$0x0] =	wrdreg $0x0  }
0xaa: {  	s7 =	sshll.u32 s28, $0x1;
	[dreg:$0x2] =	wrdreg s5  }
0xab: {  	[dreg:$0x3] =	wrdreg s7  }
0xac: {  	[dreg:$0x4] =	wrdreg $0xC0  }
0xad: {  	_ =	task [dreg:s9], $0x5FFFF  }
0xae: {  	[dreg:$0x1] =	wrdreg $0xFFFFFFFF  }
0xaf: {  	[dreg:$0x0] =	wrdreg $0x60  }
0xb0: {  	[dreg:$0x2] =	wrdreg s2  }
0xb1: {  	[dreg:$0x3] =	wrdreg s18  }
0xb2: {  	[dreg:$0x4] =	wrdreg s24  }
0xb3: {  	[dreg:$0x5] =	wrdreg s4  }
0xb4: {  	[dreg:$0x6] =	wrdreg $0x9  }
0xb5: {  	_ =	task.clear_ibuf [dreg:s9], $0x7FFFF;
	_ =	strace $0x90000046  }
0xb6: {  	s29 =	simm.s32 $0x9;
	_ =	strace $0x80000048  }
0xb7: {  	_ =	swait.ge [sflag:s29], $0x1  }
0xb8: {  	[sflag:s29] =	ssyncadd.s32 $0xFFFFFFFF  }
0xb9: {  	_ =	strace $0x90000048  }
0xba: {  	_ =	sfence  }
0xbb: {  	s30 =	sld [smem:$0x0];
	_ =	sdelay $0x2  }
0xbc: {  	s31 =	sshll.u32 s1, $0xD;
	s1 =	sshrl.u32 s1, $0x2  }
0xbd: {  	s3 =	sand.u32 $0x4000, s31;
	s1 =	sadd.s32 s1, s30  }
0xbe: {  	s0 =	sor.u32 s3, s0;
	s1 =	sshll.u32 s1, $0x11  }
0xbf: {  	s0 =	sor.u32 s1, s0  }
0xc0: {  	s0 =	sadd.s32 $0x8F2B, s0  }
0xc1: {  	[sflag:s0] =	ssyncadd.remote.s32 $0x1  }
0xc2: {  	_ =	sfence.sel $0xFFFF  }
0xc3: {  	[dreg:$0x0] =	wrdreg $0xFFFFFFFF;
	(pc) =	sbr.abs _section_cstart, $3  }
0xc4: {  	[dreg:$0x1] =	wrdreg $0xFFFFFFFF  }
0xc5: {  	_ =	task.clear_ibuf [dreg:s9], $0x2FFFF;
	_ =	strace $0x9FFFFFFF  }
0xc6: {  	(tm) =	ssettm $0x7FFFFFFF  }
0xc7: {  	_ =	shalt  }
tec
execute0_lowered:
.L_overlay_start_1:
0x0: {  	(tag) =	ssettag $0x1  }
0x1: {  	s0 =	rddreg [dreg:$0x0]  }
0x2: {  	s1 =	rddreg [dreg:$0x1]  }
0x3: {  	s2 =	rddreg [dreg:$0x2]  }
0x4: {  	s6 =	rddreg [dreg:$0x3];
	s21 =	simm.s32 $0x0;
	s4 =	srdreg.scid  }
0x5: {  	s3 =	stileid.u32;
	s9 =	simm.s32 $0x400;
	s10 =	simm.s32 $0x7A1400  }
0x6: {  	s11 =	simm.s32 $0x280;
	s12 =	simm.s32 $0x2280;
	s13 =	simm.s32 $0x4280  }
0x7: {  	s14 =	simm.s32 $0x6280;
	s15 =	simm.s32 $0x8280;
	s16 =	simm.s32 $0xA280  }
0x8: {  	s17 =	simm.s32 $0xC280;
	s18 =	simm.s32 $0xE280;
	s19 =	simm.s32 $0x1  }
0x9: {  	s20 =	simm.s32 $0x2;
	s22 =	simm.s32 $0x0;
	[smem:$0x7FF] =	sst s21  }
0xa: {  	s5 =	sand.u32 $0x1, s4;
	s8 =	sshll.u32 s3, $0x1;
	s4 =	sadd.s32 $0x400, s2  }
0xb: {  	_ =	strace $0x80000047;
	s7 =	ssub.s32 $0x2, s5;
	s5 =	sor.u32 s5, s8  }
0xc: {  	s30 =	sshrl.u32 s7, $0x1;
	s31 =	sshll.u32 s5, $0x6;
	s8 =	sshll.u32 s5, $0xC  }
0xd: {  	s2 =	ssub.s32 s7, s30;
	s0 =	sadd.s32 s0, s31;
	s6 =	sadd.s32 s6, s8  }
0xe: {  	s8 =	simm.s32 $0x3;
	[dreg:$0x5] =	wrdreg s0;
	s7 =	smax.u32 s2, $0x1  }
.LBB2_1:
0xf: {  	s0 =	rddreg [dreg:$0x5]  }
0x10: {  	[tilespmem:s21], [sflag:$0x3] =	stream.linear.gather [hbm4b:s0+s21], $0x200, $0x38;
	[tilespmem:$0x18300] =	vst v63  }
0x11: {  	_ =	swait.ge [sflag:s8], $0x200  }
0x12: {  	[sflag:s8] =	ssyncset.done $0x0  }
0x13: {  	[sflag:s8] =	ssyncadd.s32 $0xFFFFFE00  }
0x14: {  	v0 =	vld [tilespmem:$0x0];
	_ =	sdelay $0x4  }
0x15: {  	(v2sf) =	vpush v0, $0x0;
	_ =	sdelay $0x3  }
0x16: {  	(v2sf) =	vpush v0, $0x1;
	_ =	sdelay $0xa  }
0x17: {  	s23 =	spop (v2sf);
	(v2sf) =	vpush v0, $0x2;
	_ =	sdelay $0x3  }
0x18: {  	s24 =	spop (v2sf);
	(v2sf) =	vpush v0, $0x3;
	_ =	sdelay $0x1  }
0x19: {  	s2 =	sshra.s32 s23, $0x7  }
0x1a: {  	p0 =	sgt.s32 s2, $0x0  }
0x1b: {  	s2 =	simm.s32 @!p0 $0x0  }
0x1c: {  	s2 =	smin.u32 s2, $0x1E83  }
0x1d: {  	p0 =	sgt.s32 s23, $0xF41FF;
	s0 =	sshll.u32 s2, $0x7;
	s2 =	sshra.s32 s24, $0x7  }
0x1e: {  	s0 =	simm.s32 @p0 $0x0;
	p0 =	sgt.s32 s2, $0x0  }
0x1f: {  	s0 =	sadd.s32 s1, s0;
	s2 =	simm.s32 @!p0 $0x0  }
0x20: {  	[tilespmem:s11], [sflag:$0x1] =	stream.strided.gather [hbm4b:s0+s9], $0x2000, s10, s9, $0x38;
	[tilespmem:$0x18300] =	vst v63  }
0x21: {  	s2 =	smin.u32 s2, $0x1E83  }
0x22: {  	p0 =	sgt.s32 s24, $0xF41FF;
	s0 =	sshll.u32 s2, $0x7;
	s25 =	spop (v2sf);
	(v2sf) =	vpush v0, $0x4  }
0x23: {  	s0 =	simm.s32 @p0 $0x0  }
0x24: {  	s0 =	sadd.s32 s1, s0  }
0x25: {  	[tilespmem:s12], [sflag:$0x1] =	stream.strided.gather [hbm4b:s0+s9], $0x2000, s10, s9, $0x38;
	[tilespmem:$0x18300] =	vst v63  }
0x26: {  	s2 =	sshra.s32 s25, $0x7;
	s26 =	spop (v2sf);
	(v2sf) =	vpush v0, $0x5  }
0x27: {  	p0 =	sgt.s32 s2, $0x0  }
0x28: {  	s2 =	simm.s32 @!p0 $0x0  }
0x29: {  	s2 =	smin.u32 s2, $0x1E83  }
0x2a: {  	p0 =	sgt.s32 s25, $0xF41FF;
	s0 =	sshll.u32 s2, $0x7;
	s2 =	sshra.s32 s26, $0x7  }
0x2b: {  	s0 =	simm.s32 @p0 $0x0;
	p0 =	sgt.s32 s2, $0x0  }
0x2c: {  	s0 =	sadd.s32 s1, s0;
	s2 =	simm.s32 @!p0 $0x0  }
0x2d: {  	[tilespmem:s13], [sflag:$0x1] =	stream.strided.gather [hbm4b:s0+s9], $0x2000, s10, s9, $0x38;
	[tilespmem:$0x18300] =	vst v63  }
0x2e: {  	s2 =	smin.u32 s2, $0x1E83  }
0x2f: {  	p0 =	sgt.s32 s26, $0xF41FF;
	s0 =	sshll.u32 s2, $0x7  }
0x30: {  	s0 =	simm.s32 @p0 $0x0  }
0x31: {  	s0 =	sadd.s32 s1, s0;
	s28 =	spop (v2sf);
	(v2sf) =	vpush v0, $0x6  }
0x32: {  	[tilespmem:s14], [sflag:$0x1] =	stream.strided.gather [hbm4b:s0+s9], $0x2000, s10, s9, $0x38;
	[tilespmem:$0x18300] =	vst v63  }
0x33: {  	s2 =	sshra.s32 s28, $0x7  }
0x34: {  	p0 =	sgt.s32 s2, $0x0  }
0x35: {  	s29 =	spop (v2sf);
	(v2sf) =	vpush v0, $0x7;
	s2 =	simm.s32 @!p0 $0x0  }
0x36: {  	s2 =	smin.u32 s2, $0x1E83  }
0x37: {  	p0 =	sgt.s32 s28, $0xF41FF;
	s0 =	sshll.u32 s2, $0x7;
	s2 =	sshra.s32 s29, $0x7  }
0x38: {  	s0 =	simm.s32 @p0 $0x0;
	p0 =	sgt.s32 s2, $0x0  }
0x39: {  	s0 =	sadd.s32 s1, s0;
	s2 =	simm.s32 @!p0 $0x0  }
0x3a: {  	[tilespmem:s15], [sflag:$0x2] =	stream.strided.gather [hbm4b:s0+s9], $0x2000, s10, s9, $0x38;
	[tilespmem:$0x18300] =	vst v63  }
0x3b: {  	s2 =	smin.u32 s2, $0x1E83  }
0x3c: {  	p0 =	sgt.s32 s29, $0xF41FF;
	s0 =	sshll.u32 s2, $0x7  }
0x3d: {  	s0 =	simm.s32 @p0 $0x0  }
0x3e: {  	s0 =	sadd.s32 s1, s0  }
0x3f: {  	[tilespmem:s16], [sflag:$0x2] =	stream.strided.gather [hbm4b:s0+s9], $0x2000, s10, s9, $0x38;
	[tilespmem:$0x18300] =	vst v63  }
0x40: {  	s30 =	spop (v2sf)  }
0x41: {  	s0 =	sshra.s32 s30, $0x7  }
0x42: {  	p0 =	sgt.s32 s0, $0x0  }
0x43: {  	s0 =	simm.s32 @!p0 $0x0  }
0x44: {  	s31 =	spop (v2sf);
	s0 =	smin.u32 s0, $0x1E83  }
0x45: {  	s2 =	sshra.s32 s31, $0x7;
	p0 =	sgt.s32 s30, $0xF41FF;
	s0 =	sshll.u32 s0, $0x7  }
0x46: {  	s0 =	simm.s32 @p0 $0x0;
	p0 =	sgt.s32 s2, $0x0  }
0x47: {  	s0 =	sadd.s32 s1, s0;
	s2 =	simm.s32 @!p0 $0x0  }
0x48: {  	[tilespmem:s17], [sflag:$0x2] =	stream.strided.gather [hbm4b:s0+s9], $0x2000, s10, s9, $0x38;
	[tilespmem:$0x18300] =	vst v63  }
0x49: {  	s2 =	smin.u32 s2, $0x1E83  }
0x4a: {  	p0 =	sgt.s32 s31, $0xF41FF;
	s0 =	sshll.u32 s2, $0x7  }
0x4b: {  	s0 =	simm.s32 @p0 $0x0  }
0x4c: {  	s23 =	simm.s32 $0x10480;
	s24 =	simm.s32 $0x0;
	s0 =	sadd.s32 s1, s0  }
0x4d: {  	[tilespmem:s18], [sflag:$0x2] =	stream.strided.gather [hbm4b:s0+s9], $0x2000, s10, s9, $0x38;
	[tilespmem:$0x18300] =	vst v63  }
.LBB2_2:
0x4e: {  	s0 =	sshra.s32 s24, $0x2  }
0x4f: {  	v1 =	vld [tilespmem:s0+$0x0]  }
0x50: {  	v0 =	vld [tilespmem:s0+$0x10];
	_ =	swait.ge [sflag:s19], $0x2000  }
0x51: {  	[sflag:s19] =	ssyncset.done $0x0  }
0x52: {  	[sflag:s19] =	ssyncadd.s32 $0xFFFFE000  }
0x53: {  	_ =	swait.ge [sflag:s19], $0x2000  }
0x54: {  	[sflag:s19] =	ssyncset.done $0x0  }
0x55: {  	[sflag:s19] =	ssyncadd.s32 $0xFFFFE000  }
0x56: {  	_ =	swait.ge [sflag:s19], $0x2000  }
0x57: {  	[sflag:s19] =	ssyncset.done $0x0  }
0x58: {  	[sflag:s19] =	ssyncadd.s32 $0xFFFFE000  }
0x59: {  	_ =	swait.ge [sflag:s19], $0x2000  }
0x5a: {  	(v2sf) =	vpush v1, $0x0;
	_ =	sdelay $0xe  }
0x5b: {  	s0 =	spop (v2sf)  }
0x5c: {  	p0 =	sgt.s32 s0, $0xF41FF  }
0x5d: {  	s2 =	sshll.u32 @p0 s0, $0x7  }
0x5e: {  	[sflag:s19] =	ssyncset.done $0x0;
	s2 =	sadd.s32 @p0 $0xF85F0000, s2  }
0x5f: {  	[sflag:s19] =	ssyncadd.s32 $0xFFFFE000;
	s2 =	sshrl.u32 @p0 s2, $0x3  }
0x60: {  	s25 =	simm.s32 @p0 $0x0;
	s26 =	simm.s32 @p0 $0x18280;
	s2 =	sadd.s32 @p0 s4, s2  }
0x61: {  	[tilespmem:s26], [sflag:$0x3] =	stream.linear.gather @p0 [hbm4b:s2+s25], $0x80, $0x38;
	[tilespmem:$0x18300] =	vst v63  }
0x62: {  	s2 =	simm.s32 @p0 $0x3  }
0x63: {  	_ =	swait.ge @p0 [sflag:s2], $0x80  }
0x64: {  	[sflag:s2] =	ssyncset.done @p0 $0x0  }
0x65: {  	[sflag:s2] =	ssyncadd.s32 @p0 $0xFFFFFF80  }
0x66: {  	v2 =	vld @p0 [tilespmem:$0x18280];
	_ =	sdelay $0x4  }
0x67: {  	[tilespmem:s23+$0xFFFFFE00] =	vst @p0 v2  }
0x68: {  	v2 =	vld @p0 [tilespmem:$0x18290];
	_ =	sdelay $0x3  }
0x69: {  	v3 =	vlaneseq.u32 @!p0  }
0x6a: {  	[tilespmem:s23+$0xFFFFFE10] =	vst @p0 v2;
	v2 =	vmul.u32 @!p0 $0x80, v3  }
0x6b: {  	s0 =	sand.u32 @!p0 $0x7F, s0;
	v3 =	vld @p0 [tilespmem:$0x182A0]  }
0x6c: {  	v4 =	vor.u32 @!p0 s0, v2;
	_ =	sdelay $0x3  }
0x6d: {  	s2 =	simm.s32 @!p0 $0x280;
	[tilespmem:s23+$0xFFFFFE20] =	vst @p0 v3  }
0x6e: {  	v3 =	vld.idx.msk @!p0 [tilespmem:v4+s2+$0x0], $0xffff;
	v4 =	vor.u32 @!p0 $0x800, v2  }
0x6f: {  	v4 =	vor.u32 @!p0 s0, v4;
	_ =	sdelay $0x2  }
0x70: {  	(v2sf) =	vpush v1, $0x1  }
0x71: {  	v5 =	vld @p0 [tilespmem:$0x182B0];
	[tilespmem:s23+$0xFFFFFE00] =	vst @!p0 v3  }
0x72: {  	v3 =	vld.idx.msk @!p0 [tilespmem:v4+s2+$0x0], $0xffff;
	v4 =	vor.u32 @!p0 $0x1000, v2  }
0x73: {  	v4 =	vor.u32 @!p0 s0, v4;
	_ =	sdelay $0x3  }
0x74: {  	[tilespmem:s23+$0xFFFFFE10] =	vst @!p0 v3  }
0x75: {  	v2 =	vor.u32 @!p0 $0x1800, v2;
	v3 =	vld.idx.msk @!p0 [tilespmem:v4+s2+$0x0], $0xffff  }
0x76: {  	v2 =	vor.u32 @!p0 s0, v2;
	_ =	sdelay $0x3  }
0x77: {  	[tilespmem:s23+$0xFFFFFE20] =	vst @!p0 v3  }
0x78: {  	v2 =	vld.idx.msk @!p0 [tilespmem:v2+s2+$0x0], $0xffff  }
0x79: {  	s0 =	spop (v2sf)  }
0x7a: {  	p1 =	sgt.s32 s0, $0xF41FF  }
0x7b: {  	s2 =	sshll.u32 @p1 s0, $0x7  }
0x7c: {  	s2 =	sadd.s32 @p1 $0xF85F0000, s2  }
0x7d: {  	s2 =	sshrl.u32 @p1 s2, $0x3;
	v2 =	vpsel p0, v5, v2  }
0x7e: {  	s25 =	simm.s32 @p1 $0x0;
	s26 =	simm.s32 @p1 $0x18280;
	s2 =	sadd.s32 @p1 s4, s2;
	[tilespmem:s23+$0xFFFFFE30] =	vst v2  }
0x7f: {  	[tilespmem:s26], [sflag:$0x3] =	stream.linear.gather @p1 [hbm4b:s2+s25], $0x80, $0x38;
	[tilespmem:$0x18300] =	vst v63  }
0x80: {  	s2 =	simm.s32 @p1 $0x3  }
0x81: {  	_ =	swait.ge @p1 [sflag:s2], $0x80  }
0x82: {  	[sflag:s2] =	ssyncset.done @p1 $0x0  }
0x83: {  	[sflag:s2] =	ssyncadd.s32 @p1 $0xFFFFFF80  }
0x84: {  	v2 =	vld @p1 [tilespmem:$0x18280];
	_ =	sdelay $0x4  }
0x85: {  	[tilespmem:s23+$0xFFFFFE40] =	vst @p1 v2  }
0x86: {  	v2 =	vld @p1 [tilespmem:$0x18290];
	_ =	sdelay $0x3  }
0x87: {  	v3 =	vlaneseq.u32 @!p1  }
0x88: {  	[tilespmem:s23+$0xFFFFFE50] =	vst @p1 v2;
	v2 =	vmul.u32 @!p1 $0x80, v3  }
0x89: {  	s0 =	sand.u32 @!p1 $0x7F, s0;
	v3 =	vld @p1 [tilespmem:$0x182A0]  }
0x8a: {  	v4 =	vor.u32 @!p1 s0, v2;
	_ =	sdelay $0x3  }
0x8b: {  	s2 =	simm.s32 @!p1 $0x2280;
	[tilespmem:s23+$0xFFFFFE60] =	vst @p1 v3  }
0x8c: {  	v3 =	vld.idx.msk @!p1 [tilespmem:v4+s2+$0x0], $0xffff;
	v4 =	vor.u32 @!p1 $0x800, v2  }
0x8d: {  	v4 =	vor.u32 @!p1 s0, v4;
	_ =	sdelay $0x2  }
0x8e: {  	(v2sf) =	vpush v1, $0x2  }
0x8f: {  	v5 =	vld @p1 [tilespmem:$0x182B0];
	[tilespmem:s23+$0xFFFFFE40] =	vst @!p1 v3  }
0x90: {  	v3 =	vld.idx.msk @!p1 [tilespmem:v4+s2+$0x0], $0xffff;
	v4 =	vor.u32 @!p1 $0x1000, v2  }
0x91: {  	v4 =	vor.u32 @!p1 s0, v4;
	_ =	sdelay $0x3  }
0x92: {  	[tilespmem:s23+$0xFFFFFE50] =	vst @!p1 v3  }
0x93: {  	v2 =	vor.u32 @!p1 $0x1800, v2;
	v3 =	vld.idx.msk @!p1 [tilespmem:v4+s2+$0x0], $0xffff  }
0x94: {  	v2 =	vor.u32 @!p1 s0, v2;
	_ =	sdelay $0x3  }
0x95: {  	[tilespmem:s23+$0xFFFFFE60] =	vst @!p1 v3  }
0x96: {  	v2 =	vld.idx.msk @!p1 [tilespmem:v2+s2+$0x0], $0xffff  }
0x97: {  	s0 =	spop (v2sf)  }
0x98: {  	p2 =	sgt.s32 s0, $0xF41FF  }
0x99: {  	s2 =	sshll.u32 @p2 s0, $0x7  }
0x9a: {  	s2 =	sadd.s32 @p2 $0xF85F0000, s2  }
0x9b: {  	s2 =	sshrl.u32 @p2 s2, $0x3;
	v2 =	vpsel p1, v5, v2  }
0x9c: {  	s25 =	simm.s32 @p2 $0x0;
	s26 =	simm.s32 @p2 $0x18280;
	s2 =	sadd.s32 @p2 s4, s2;
	[tilespmem:s23+$0xFFFFFE70] =	vst v2  }
0x9d: {  	[tilespmem:s26], [sflag:$0x3] =	stream.linear.gather @p2 [hbm4b:s2+s25], $0x80, $0x38;
	[tilespmem:$0x18300] =	vst v63  }
0x9e: {  	s2 =	simm.s32 @p2 $0x3  }
0x9f: {  	_ =	swait.ge @p2 [sflag:s2], $0x80  }
0xa0: {  	[sflag:s2] =	ssyncset.done @p2 $0x0  }
0xa1: {  	[sflag:s2] =	ssyncadd.s32 @p2 $0xFFFFFF80  }
0xa2: {  	v2 =	vld @p2 [tilespmem:$0x18280];
	_ =	sdelay $0x4  }
0xa3: {  	[tilespmem:s23+$0xFFFFFE80] =	vst @p2 v2  }
0xa4: {  	v2 =	vld @p2 [tilespmem:$0x18290];
	_ =	sdelay $0x3  }
0xa5: {  	v3 =	vlaneseq.u32 @!p2  }
0xa6: {  	[tilespmem:s23+$0xFFFFFE90] =	vst @p2 v2;
	v2 =	vmul.u32 @!p2 $0x80, v3  }
0xa7: {  	s0 =	sand.u32 @!p2 $0x7F, s0;
	v3 =	vld @p2 [tilespmem:$0x182A0]  }
0xa8: {  	v4 =	vor.u32 @!p2 s0, v2;
	_ =	sdelay $0x3  }
0xa9: {  	s2 =	simm.s32 @!p2 $0x4280;
	[tilespmem:s23+$0xFFFFFEA0] =	vst @p2 v3  }
0xaa: {  	v3 =	vld.idx.msk @!p2 [tilespmem:v4+s2+$0x0], $0xffff;
	v4 =	vor.u32 @!p2 $0x800, v2  }
0xab: {  	v4 =	vor.u32 @!p2 s0, v4;
	_ =	sdelay $0x2  }
0xac: {  	(v2sf) =	vpush v1, $0x3  }
0xad: {  	v5 =	vld @p2 [tilespmem:$0x182B0];
	[tilespmem:s23+$0xFFFFFE80] =	vst @!p2 v3  }
0xae: {  	v3 =	vld.idx.msk @!p2 [tilespmem:v4+s2+$0x0], $0xffff;
	v4 =	vor.u32 @!p2 $0x1000, v2  }
0xaf: {  	v4 =	vor.u32 @!p2 s0, v4;
	_ =	sdelay $0x3  }
0xb0: {  	[tilespmem:s23+$0xFFFFFE90] =	vst @!p2 v3  }
0xb1: {  	v2 =	vor.u32 @!p2 $0x1800, v2;
	v3 =	vld.idx.msk @!p2 [tilespmem:v4+s2+$0x0], $0xffff  }
0xb2: {  	v2 =	vor.u32 @!p2 s0, v2;
	_ =	sdelay $0x3  }
0xb3: {  	[tilespmem:s23+$0xFFFFFEA0] =	vst @!p2 v3  }
0xb4: {  	v2 =	vld.idx.msk @!p2 [tilespmem:v2+s2+$0x0], $0xffff  }
0xb5: {  	s0 =	spop (v2sf)  }
0xb6: {  	p0 =	sgt.s32 s0, $0xF41FF  }
0xb7: {  	s2 =	sshll.u32 @p0 s0, $0x7  }
0xb8: {  	s2 =	sadd.s32 @p0 $0xF85F0000, s2  }
0xb9: {  	s2 =	sshrl.u32 @p0 s2, $0x3;
	v2 =	vpsel p2, v5, v2  }
0xba: {  	s25 =	simm.s32 @p0 $0x0;
	s26 =	simm.s32 @p0 $0x18280;
	s2 =	sadd.s32 @p0 s4, s2;
	[tilespmem:s23+$0xFFFFFEB0] =	vst v2  }
0xbb: {  	[tilespmem:s26], [sflag:$0x3] =	stream.linear.gather @p0 [hbm4b:s2+s25], $0x80, $0x38;
	[tilespmem:$0x18300] =	vst v63  }
0xbc: {  	s2 =	simm.s32 @p0 $0x3  }
0xbd: {  	_ =	swait.ge @p0 [sflag:s2], $0x80  }
0xbe: {  	[sflag:s2] =	ssyncset.done @p0 $0x0  }
0xbf: {  	[sflag:s2] =	ssyncadd.s32 @p0 $0xFFFFFF80  }
0xc0: {  	v2 =	vld @p0 [tilespmem:$0x18280];
	_ =	sdelay $0x4  }
0xc1: {  	[tilespmem:s23+$0xFFFFFEC0] =	vst @p0 v2  }
0xc2: {  	v2 =	vld @p0 [tilespmem:$0x18290];
	_ =	sdelay $0x3  }
0xc3: {  	v3 =	vlaneseq.u32 @!p0  }
0xc4: {  	[tilespmem:s23+$0xFFFFFED0] =	vst @p0 v2;
	v2 =	vmul.u32 @!p0 $0x80, v3  }
0xc5: {  	s0 =	sand.u32 @!p0 $0x7F, s0;
	v3 =	vld @p0 [tilespmem:$0x182A0]  }
0xc6: {  	v4 =	vor.u32 @!p0 s0, v2;
	_ =	sdelay $0x3  }
0xc7: {  	s2 =	simm.s32 @!p0 $0x6280;
	[tilespmem:s23+$0xFFFFFEE0] =	vst @p0 v3  }
0xc8: {  	v3 =	vld.idx.msk @!p0 [tilespmem:v4+s2+$0x0], $0xffff;
	v4 =	vor.u32 @!p0 $0x800, v2  }
0xc9: {  	v4 =	vor.u32 @!p0 s0, v4  }
0xca: {  	(v2sf) =	vpush v1, $0x8;
	_ =	sdelay $0x2  }
0xcb: {  	v5 =	vld @p0 [tilespmem:$0x182B0];
	[tilespmem:s23+$0xFFFFFEC0] =	vst @!p0 v3  }
0xcc: {  	v3 =	vld.idx.msk @!p0 [tilespmem:v4+s2+$0x0], $0xffff;
	v4 =	vor.u32 @!p0 $0x1000, v2  }
0xcd: {  	v4 =	vor.u32 @!p0 s0, v4;
	_ =	sdelay $0x1  }
0xce: {  	(v2sf) =	vpush v1, $0x9;
	_ =	sdelay $0x1  }
0xcf: {  	[tilespmem:s23+$0xFFFFFED0] =	vst @!p0 v3  }
0xd0: {  	v2 =	vor.u32 @!p0 $0x1800, v2;
	v3 =	vld.idx.msk @!p0 [tilespmem:v4+s2+$0x0], $0xffff  }
0xd1: {  	v2 =	vor.u32 @!p0 s0, v2;
	_ =	sdelay $0x3  }
0xd2: {  	(v2sf) =	vpush v1, $0xA;
	s0 =	spop (v2sf);
	[tilespmem:s23+$0xFFFFFEE0] =	vst @!p0 v3  }
0xd3: {  	v2 =	vld.idx.msk @!p0 [tilespmem:v2+s2+$0x0], $0xffff;
	s2 =	sshra.s32 s0, $0x7  }
0xd4: {  	p1 =	sgt.s32 s2, $0x0  }
0xd5: {  	s2 =	simm.s32 @!p1 $0x0  }
0xd6: {  	s2 =	smin.u32 s2, $0x1E83  }
0xd7: {  	p6 =	sgt.s32 s0, $0xF41FF;
	s2 =	sshll.u32 s2, $0x7  }
0xd8: {  	v2 =	vpsel p0, v5, v2;
	s2 =	simm.s32 @p6 $0x0  }
0xd9: {  	s30 =	spop (v2sf);
	[tilespmem:s23+$0xFFFFFEF0] =	vst v2;
	s2 =	sadd.s32 s1, s2  }
0xda: {  	(v2sf) =	vpush v1, $0xB;
	[tilespmem:s11], [sflag:$0x1] =	stream.strided.gather [hbm4b:s2+s9], $0x2000, s10, s9, $0x38;
	[tilespmem:$0x18300] =	vst v63  }
0xdb: {  	s2 =	sshra.s32 s30, $0x7  }
0xdc: {  	p0 =	sgt.s32 s2, $0x0  }
0xdd: {  	s2 =	simm.s32 @!p0 $0x0  }
0xde: {  	s2 =	smin.u32 s2, $0x1E83  }
0xdf: {  	p4 =	sgt.s32 s30, $0xF41FF;
	s2 =	sshll.u32 s2, $0x7  }
0xe0: {  	s2 =	simm.s32 @p4 $0x0  }
0xe1: {  	s28 =	spop (v2sf);
	s2 =	sadd.s32 s1, s2  }
0xe2: {  	[tilespmem:s12], [sflag:$0x1] =	stream.strided.gather [hbm4b:s2+s9], $0x2000, s10, s9, $0x38;
	[tilespmem:$0x18300] =	vst v63  }
0xe3: {  	s2 =	sshra.s32 s28, $0x7  }
0xe4: {  	p0 =	sgt.s32 s2, $0x0  }
0xe5: {  	s2 =	simm.s32 @!p0 $0x0  }
0xe6: {  	s2 =	smin.u32 s2, $0x1E83  }
0xe7: {  	p2 =	sgt.s32 s28, $0xF41FF;
	s2 =	sshll.u32 s2, $0x7  }
0xe8: {  	s2 =	simm.s32 @p2 $0x0  }
0xe9: {  	s25 =	spop (v2sf);
	s2 =	sadd.s32 s1, s2  }
0xea: {  	[tilespmem:s13], [sflag:$0x1] =	stream.strided.gather [hbm4b:s2+s9], $0x2000, s10, s9, $0x38;
	[tilespmem:$0x18300] =	vst v63  }
0xeb: {  	s2 =	sshra.s32 s25, $0x7  }
0xec: {  	p0 =	sgt.s32 s2, $0x0  }
0xed: {  	s2 =	simm.s32 @!p0 $0x0  }
0xee: {  	p0 =	sgt.s32 s25, $0xF41FF;
	s2 =	smin.u32 s2, $0x1E83  }
0xef: {  	s3 =	simm.s32 @!p0 $0x0;
	s2 =	sshll.u32 s2, $0x7  }
0xf0: {  	s3 =	simm.s32 @p0 $0x1;
	s2 =	simm.s32 @p0 $0x0  }
0xf1: {  	[smem:$0x7FD] =	sst s3;
	s2 =	sadd.s32 s1, s2  }
0xf2: {  	[tilespmem:s14], [sflag:$0x1] =	stream.strided.gather [hbm4b:s2+s9], $0x2000, s10, s9, $0x38;
	[tilespmem:$0x18300] =	vst v63  }
0xf3: {  	_ =	swait.ge [sflag:s20], $0x2000  }
0xf4: {  	[sflag:s20] =	ssyncset.done $0x0  }
0xf5: {  	[sflag:s20] =	ssyncadd.s32 $0xFFFFE000  }
0xf6: {  	_ =	swait.ge [sflag:s20], $0x2000  }
0xf7: {  	[sflag:s20] =	ssyncset.done $0x0  }
0xf8: {  	[sflag:s20] =	ssyncadd.s32 $0xFFFFE000  }
0xf9: {  	_ =	swait.ge [sflag:s20], $0x2000  }
0xfa: {  	[sflag:s20] =	ssyncset.done $0x0  }
0xfb: {  	[sflag:s20] =	ssyncadd.s32 $0xFFFFE000  }
0xfc: {  	_ =	swait.ge [sflag:s20], $0x2000  }
0xfd: {  	(v2sf) =	vpush v1, $0x4;
	_ =	sdelay $0xe  }
0xfe: {  	s2 =	spop (v2sf)  }
0xff: {  	p0 =	sgt.s32 s2, $0xF41FF  }
0x100: {  	s26 =	sshll.u32 @p0 s2, $0x7  }
0x101: {  	[sflag:s20] =	ssyncset.done $0x0;
	s26 =	sadd.s32 @p0 $0xF85F0000, s26  }
0x102: {  	[sflag:s20] =	ssyncadd.s32 $0xFFFFE000;
	s26 =	sshrl.u32 @p0 s26, $0x3  }
0x103: {  	s29 =	simm.s32 @p0 $0x0;
	s31 =	simm.s32 @p0 $0x18280;
	s26 =	sadd.s32 @p0 s4, s26  }
0x104: {  	[tilespmem:s31], [sflag:$0x3] =	stream.linear.gather @p0 [hbm4b:s26+s29], $0x80, $0x38;
	[tilespmem:$0x18300] =	vst v63  }
0x105: {  	s26 =	simm.s32 @p0 $0x3  }
0x106: {  	_ =	swait.ge @p0 [sflag:s26], $0x80  }
0x107: {  	[sflag:s26] =	ssyncset.done @p0 $0x0  }
0x108: {  	[sflag:s26] =	ssyncadd.s32 @p0 $0xFFFFFF80  }
0x109: {  	v2 =	vld @p0 [tilespmem:$0x18280];
	_ =	sdelay $0x4  }
0x10a: {  	[tilespmem:s23+$0xFFFFFF00] =	vst @p0 v2  }
0x10b: {  	v2 =	vld @p0 [tilespmem:$0x18290];
	_ =	sdelay $0x3  }
0x10c: {  	v3 =	vlaneseq.u32 @!p0  }
0x10d: {  	[tilespmem:s23+$0xFFFFFF10] =	vst @p0 v2;
	v2 =	vmul.u32 @!p0 $0x80, v3  }
0x10e: {  	s2 =	sand.u32 @!p0 $0x7F, s2;
	v3 =	vld @p0 [tilespmem:$0x182A0]  }
0x10f: {  	v4 =	vor.u32 @!p0 s2, v2;
	_ =	sdelay $0x3  }
0x110: {  	s26 =	simm.s32 @!p0 $0x8280;
	[tilespmem:s23+$0xFFFFFF20] =	vst @p0 v3  }
0x111: {  	v3 =	vld.idx.msk @!p0 [tilespmem:v4+s26+$0x0], $0xffff;
	v4 =	vor.u32 @!p0 $0x800, v2  }
0x112: {  	v4 =	vor.u32 @!p0 s2, v4;
	_ =	sdelay $0x2  }
0x113: {  	(v2sf) =	vpush v1, $0x5  }
0x114: {  	v5 =	vld @p0 [tilespmem:$0x182B0];
	[tilespmem:s23+$0xFFFFFF00] =	vst @!p0 v3  }
0x115: {  	v3 =	vld.idx.msk @!p0 [tilespmem:v4+s26+$0x0], $0xffff;
	v4 =	vor.u32 @!p0 $0x1000, v2  }
0x116: {  	v4 =	vor.u32 @!p0 s2, v4;
	_ =	sdelay $0x3  }
0x117: {  	[tilespmem:s23+$0xFFFFFF10] =	vst @!p0 v3  }
0x118: {  	v2 =	vor.u32 @!p0 $0x1800, v2;
	v3 =	vld.idx.msk @!p0 [tilespmem:v4+s26+$0x0], $0xffff  }
0x119: {  	v2 =	vor.u32 @!p0 s2, v2;
	_ =	sdelay $0x3  }
0x11a: {  	[tilespmem:s23+$0xFFFFFF20] =	vst @!p0 v3  }
0x11b: {  	v2 =	vld.idx.msk @!p0 [tilespmem:v2+s26+$0x0], $0xffff  }
0x11c: {  	s2 =	spop (v2sf)  }
0x11d: {  	p1 =	sgt.s32 s2, $0xF41FF  }
0x11e: {  	s26 =	sshll.u32 @p1 s2, $0x7  }
0x11f: {  	s26 =	sadd.s32 @p1 $0xF85F0000, s26  }
0x120: {  	s26 =	sshrl.u32 @p1 s26, $0x3;
	v2 =	vpsel p0, v5, v2  }
0x121: {  	s29 =	simm.s32 @p1 $0x0;
	s31 =	simm.s32 @p1 $0x18280;
	s26 =	sadd.s32 @p1 s4, s26;
	[tilespmem:s23+$0xFFFFFF30] =	vst v2  }
0x122: {  	[tilespmem:s31], [sflag:$0x3] =	stream.linear.gather @p1 [hbm4b:s26+s29], $0x80, $0x38;
	[tilespmem:$0x18300] =	vst v63  }
0x123: {  	s26 =	simm.s32 @p1 $0x3  }
0x124: {  	_ =	swait.ge @p1 [sflag:s26], $0x80  }
0x125: {  	[sflag:s26] =	ssyncset.done @p1 $0x0  }
0x126: {  	[sflag:s26] =	ssyncadd.s32 @p1 $0xFFFFFF80  }
0x127: {  	v2 =	vld @p1 [tilespmem:$0x18280];
	_ =	sdelay $0x4  }
0x128: {  	[tilespmem:s23+$0xFFFFFF40] =	vst @p1 v2  }
0x129: {  	v2 =	vld @p1 [tilespmem:$0x18290];
	_ =	sdelay $0x3  }
0x12a: {  	v3 =	vlaneseq.u32 @!p1  }
0x12b: {  	[tilespmem:s23+$0xFFFFFF50] =	vst @p1 v2;
	v2 =	vmul.u32 @!p1 $0x80, v3  }
0x12c: {  	s2 =	sand.u32 @!p1 $0x7F, s2;
	v3 =	vld @p1 [tilespmem:$0x182A0]  }
0x12d: {  	v4 =	vor.u32 @!p1 s2, v2;
	_ =	sdelay $0x3  }
0x12e: {  	s26 =	simm.s32 @!p1 $0xA280;
	[tilespmem:s23+$0xFFFFFF60] =	vst @p1 v3  }
0x12f: {  	v3 =	vld.idx.msk @!p1 [tilespmem:v4+s26+$0x0], $0xffff;
	v4 =	vor.u32 @!p1 $0x800, v2  }
0x130: {  	v4 =	vor.u32 @!p1 s2, v4;
	_ =	sdelay $0x2  }
0x131: {  	(v2sf) =	vpush v1, $0x6  }
0x132: {  	v5 =	vld @p1 [tilespmem:$0x182B0];
	[tilespmem:s23+$0xFFFFFF40] =	vst @!p1 v3  }
0x133: {  	v3 =	vld.idx.msk @!p1 [tilespmem:v4+s26+$0x0], $0xffff;
	v4 =	vor.u32 @!p1 $0x1000, v2  }
0x134: {  	v4 =	vor.u32 @!p1 s2, v4;
	_ =	sdelay $0x3  }
0x135: {  	[tilespmem:s23+$0xFFFFFF50] =	vst @!p1 v3  }
0x136: {  	v2 =	vor.u32 @!p1 $0x1800, v2;
	v3 =	vld.idx.msk @!p1 [tilespmem:v4+s26+$0x0], $0xffff  }
0x137: {  	v2 =	vor.u32 @!p1 s2, v2;
	_ =	sdelay $0x3  }
0x138: {  	[tilespmem:s23+$0xFFFFFF60] =	vst @!p1 v3  }
0x139: {  	v2 =	vld.idx.msk @!p1 [tilespmem:v2+s26+$0x0], $0xffff  }
0x13a: {  	s2 =	spop (v2sf)  }
0x13b: {  	p0 =	sgt.s32 s2, $0xF41FF  }
0x13c: {  	s26 =	sshll.u32 @p0 s2, $0x7  }
0x13d: {  	s26 =	sadd.s32 @p0 $0xF85F0000, s26  }
0x13e: {  	s26 =	sshrl.u32 @p0 s26, $0x3;
	v2 =	vpsel p1, v5, v2  }
0x13f: {  	s29 =	simm.s32 @p0 $0x0;
	s31 =	simm.s32 @p0 $0x18280;
	s26 =	sadd.s32 @p0 s4, s26;
	[tilespmem:s23+$0xFFFFFF70] =	vst v2  }
0x140: {  	[tilespmem:s31], [sflag:$0x3] =	stream.linear.gather @p0 [hbm4b:s26+s29], $0x80, $0x38;
	[tilespmem:$0x18300] =	vst v63  }
0x141: {  	s26 =	simm.s32 @p0 $0x3  }
0x142: {  	_ =	swait.ge @p0 [sflag:s26], $0x80  }
0x143: {  	[sflag:s26] =	ssyncset.done @p0 $0x0  }
0x144: {  	[sflag:s26] =	ssyncadd.s32 @p0 $0xFFFFFF80  }
0x145: {  	v2 =	vld @p0 [tilespmem:$0x18280];
	_ =	sdelay $0x4  }
0x146: {  	[tilespmem:s23+$0xFFFFFF80] =	vst @p0 v2  }
0x147: {  	v2 =	vld @p0 [tilespmem:$0x18290];
	_ =	sdelay $0x3  }
0x148: {  	v3 =	vlaneseq.u32 @!p0  }
0x149: {  	[tilespmem:s23+$0xFFFFFF90] =	vst @p0 v2;
	v2 =	vmul.u32 @!p0 $0x80, v3  }
0x14a: {  	s2 =	sand.u32 @!p0 $0x7F, s2;
	v3 =	vld @p0 [tilespmem:$0x182A0]  }
0x14b: {  	v4 =	vor.u32 @!p0 s2, v2;
	_ =	sdelay $0x3  }
0x14c: {  	s26 =	simm.s32 @!p0 $0xC280;
	[tilespmem:s23+$0xFFFFFFA0] =	vst @p0 v3  }
0x14d: {  	v3 =	vld.idx.msk @!p0 [tilespmem:v4+s26+$0x0], $0xffff;
	v4 =	vor.u32 @!p0 $0x800, v2  }
0x14e: {  	v4 =	vor.u32 @!p0 s2, v4;
	_ =	sdelay $0x2  }
0x14f: {  	(v2sf) =	vpush v1, $0x7  }
0x150: {  	v5 =	vld @p0 [tilespmem:$0x182B0];
	[tilespmem:s23+$0xFFFFFF80] =	vst @!p0 v3  }
0x151: {  	v3 =	vld.idx.msk @!p0 [tilespmem:v4+s26+$0x0], $0xffff;
	v4 =	vor.u32 @!p0 $0x1000, v2  }
0x152: {  	v4 =	vor.u32 @!p0 s2, v4;
	_ =	sdelay $0x3  }
0x153: {  	[tilespmem:s23+$0xFFFFFF90] =	vst @!p0 v3  }
0x154: {  	v2 =	vor.u32 @!p0 $0x1800, v2;
	v3 =	vld.idx.msk @!p0 [tilespmem:v4+s26+$0x0], $0xffff  }
0x155: {  	v2 =	vor.u32 @!p0 s2, v2;
	_ =	sdelay $0x3  }
0x156: {  	[tilespmem:s23+$0xFFFFFFA0] =	vst @!p0 v3  }
0x157: {  	v2 =	vld.idx.msk @!p0 [tilespmem:v2+s26+$0x0], $0xffff  }
0x158: {  	s2 =	spop (v2sf)  }
0x159: {  	p1 =	sgt.s32 s2, $0xF41FF  }
0x15a: {  	s26 =	sshll.u32 @p1 s2, $0x7  }
0x15b: {  	s26 =	sadd.s32 @p1 $0xF85F0000, s26  }
0x15c: {  	s26 =	sshrl.u32 @p1 s26, $0x3;
	v2 =	vpsel p0, v5, v2  }
0x15d: {  	s29 =	simm.s32 @p1 $0x0;
	s31 =	simm.s32 @p1 $0x18280;
	s26 =	sadd.s32 @p1 s4, s26;
	[tilespmem:s23+$0xFFFFFFB0] =	vst v2  }
0x15e: {  	[tilespmem:s31], [sflag:$0x3] =	stream.linear.gather @p1 [hbm4b:s26+s29], $0x80, $0x38;
	[tilespmem:$0x18300] =	vst v63  }
0x15f: {  	s26 =	simm.s32 @p1 $0x3  }
0x160: {  	_ =	swait.ge @p1 [sflag:s26], $0x80  }
0x161: {  	[sflag:s26] =	ssyncset.done @p1 $0x0  }
0x162: {  	[sflag:s26] =	ssyncadd.s32 @p1 $0xFFFFFF80  }
0x163: {  	v2 =	vld @p1 [tilespmem:$0x18280];
	_ =	sdelay $0x4  }
0x164: {  	[tilespmem:s23+$0xFFFFFFC0] =	vst @p1 v2  }
0x165: {  	v2 =	vld @p1 [tilespmem:$0x18290];
	_ =	sdelay $0x3  }
0x166: {  	v3 =	vlaneseq.u32 @!p1  }
0x167: {  	[tilespmem:s23+$0xFFFFFFD0] =	vst @p1 v2;
	v2 =	vmul.u32 @!p1 $0x80, v3  }
0x168: {  	s2 =	sand.u32 @!p1 $0x7F, s2;
	v3 =	vld @p1 [tilespmem:$0x182A0]  }
0x169: {  	v4 =	vor.u32 @!p1 s2, v2;
	_ =	sdelay $0x3  }
0x16a: {  	s26 =	simm.s32 @!p1 $0xE280;
	[tilespmem:s23+$0xFFFFFFE0] =	vst @p1 v3  }
0x16b: {  	v3 =	vld.idx.msk @!p1 [tilespmem:v4+s26+$0x0], $0xffff;
	v4 =	vor.u32 @!p1 $0x800, v2  }
0x16c: {  	v4 =	vor.u32 @!p1 s2, v4  }
0x16d: {  	(v2sf) =	vpush v1, $0xC;
	_ =	sdelay $0x2  }
0x16e: {  	v5 =	vld @p1 [tilespmem:$0x182B0];
	[tilespmem:s23+$0xFFFFFFC0] =	vst @!p1 v3  }
0x16f: {  	v3 =	vld.idx.msk @!p1 [tilespmem:v4+s26+$0x0], $0xffff;
	v4 =	vor.u32 @!p1 $0x1000, v2  }
0x170: {  	v4 =	vor.u32 @!p1 s2, v4;
	_ =	sdelay $0x1  }
0x171: {  	(v2sf) =	vpush v1, $0xD;
	_ =	sdelay $0x1  }
0x172: {  	[tilespmem:s23+$0xFFFFFFD0] =	vst @!p1 v3  }
0x173: {  	v2 =	vor.u32 @!p1 $0x1800, v2;
	v3 =	vld.idx.msk @!p1 [tilespmem:v4+s26+$0x0], $0xffff  }
0x174: {  	v2 =	vor.u32 @!p1 s2, v2;
	_ =	sdelay $0x3  }
0x175: {  	(v2sf) =	vpush v1, $0xE;
	s2 =	spop (v2sf);
	[tilespmem:s23+$0xFFFFFFE0] =	vst @!p1 v3  }
0x176: {  	v2 =	vld.idx.msk @!p1 [tilespmem:v2+s26+$0x0], $0xffff;
	s26 =	sshra.s32 s2, $0x7  }
0x177: {  	p0 =	sgt.s32 s26, $0x0  }
0x178: {  	s26 =	simm.s32 @!p0 $0x0  }
0x179: {  	s26 =	smin.u32 s26, $0x1E83  }
0x17a: {  	(v2sf) =	vpush v1, $0xF;
	p0 =	sgt.s32 s2, $0xF41FF;
	s26 =	sshll.u32 s26, $0x7  }
0x17b: {  	v2 =	vpsel p1, v5, v2;
	s26 =	simm.s32 @p0 $0x0  }
0x17c: {  	s31 =	spop (v2sf);
	[tilespmem:s23+$0xFFFFFFF0] =	vst v2;
	s26 =	sadd.s32 s1, s26  }
0x17d: {  	[tilespmem:s15], [sflag:$0x2] =	stream.strided.gather [hbm4b:s26+s9], $0x2000, s10, s9, $0x38;
	[tilespmem:$0x18300] =	vst v63  }
0x17e: {  	s26 =	sshra.s32 s31, $0x7  }
0x17f: {  	p1 =	sgt.s32 s26, $0x0  }
0x180: {  	s26 =	simm.s32 @!p1 $0x0  }
0x181: {  	s26 =	smin.u32 s26, $0x1E83  }
0x182: {  	p5 =	sgt.s32 s31, $0xF41FF;
	s26 =	sshll.u32 s26, $0x7  }
0x183: {  	s26 =	simm.s32 @p5 $0x0  }
0x184: {  	s29 =	spop (v2sf);
	s26 =	sadd.s32 s1, s26  }
0x185: {  	[tilespmem:s16], [sflag:$0x2] =	stream.strided.gather [hbm4b:s26+s9], $0x2000, s10, s9, $0x38;
	[tilespmem:$0x18300] =	vst v63  }
0x186: {  	s26 =	sshra.s32 s29, $0x7  }
0x187: {  	p1 =	sgt.s32 s26, $0x0  }
0x188: {  	s26 =	simm.s32 @!p1 $0x0  }
0x189: {  	s21 =	smin.u32 s26, $0x1E83;
	s26 =	spop (v2sf)  }
0x18a: {  	p3 =	sgt.s32 s29, $0xF41FF;
	s21 =	sshll.u32 s21, $0x7;
	s3 =	sshra.s32 s26, $0x7  }
0x18b: {  	s21 =	simm.s32 @p3 $0x0;
	p1 =	sgt.s32 s3, $0x0  }
0x18c: {  	s3 =	simm.s32 @!p1 $0x0;
	s21 =	sadd.s32 s1, s21  }
0x18d: {  	[tilespmem:s17], [sflag:$0x2] =	stream.strided.gather [hbm4b:s21+s9], $0x2000, s10, s9, $0x38;
	[tilespmem:$0x18300] =	vst v63  }
0x18e: {  	s3 =	smin.u32 s3, $0x1E83  }
0x18f: {  	p1 =	sgt.s32 s26, $0xF41FF;
	s3 =	sshll.u32 s3, $0x7  }
0x190: {  	s3 =	simm.s32 @p1 $0x0  }
0x191: {  	s3 =	sadd.s32 s1, s3  }
0x192: {  	[tilespmem:s18], [sflag:$0x2] =	stream.strided.gather [hbm4b:s3+s9], $0x2000, s10, s9, $0x38;
	[tilespmem:$0x18300] =	vst v63  }
0x193: {  	_ =	swait.ge [sflag:s19], $0x2000  }
0x194: {  	[sflag:s19] =	ssyncset.done $0x0  }
0x195: {  	[sflag:s19] =	ssyncadd.s32 $0xFFFFE000  }
0x196: {  	_ =	swait.ge [sflag:s19], $0x2000  }
0x197: {  	[sflag:s19] =	ssyncset.done $0x0  }
0x198: {  	[sflag:s19] =	ssyncadd.s32 $0xFFFFE000  }
0x199: {  	_ =	swait.ge [sflag:s19], $0x2000  }
0x19a: {  	[sflag:s19] =	ssyncset.done $0x0  }
0x19b: {  	s3 =	sshll.u32 @p6 s0, $0x7;
	[sflag:s19] =	ssyncadd.s32 $0xFFFFE000  }
0x19c: {  	s3 =	sadd.s32 @p6 $0xF85F0000, s3;
	_ =	swait.ge [sflag:s19], $0x2000  }
0x19d: {  	s5 =	simm.s32 @p6 $0x18280;
	s3 =	sshrl.u32 @p6 s3, $0x3;
	[sflag:s19] =	ssyncset.done $0x0  }
0x19e: {  	s21 =	simm.s32 @p6 $0x0;
	s3 =	sadd.s32 @p6 s4, s3;
	[sflag:s19] =	ssyncadd.s32 $0xFFFFE000  }
0x19f: {  	[tilespmem:s5], [sflag:$0x3] =	stream.linear.gather @p6 [hbm4b:s3+s21], $0x80, $0x38;
	[tilespmem:$0x18300] =	vst v63  }
0x1a0: {  	s3 =	simm.s32 @p6 $0x3  }
0x1a1: {  	_ =	swait.ge @p6 [sflag:s3], $0x80  }
0x1a2: {  	[sflag:s3] =	ssyncset.done @p6 $0x0  }
0x1a3: {  	[sflag:s3] =	ssyncadd.s32 @p6 $0xFFFFFF80  }
0x1a4: {  	v1 =	vld @p6 [tilespmem:$0x18280];
	_ =	sdelay $0x4  }
0x1a5: {  	[tilespmem:s23+$0x0] =	vst @p6 v1  }
0x1a6: {  	v1 =	vld @p6 [tilespmem:$0x18290];
	_ =	sdelay $0x3  }
0x1a7: {  	v2 =	vlaneseq.u32 @!p6  }
0x1a8: {  	[tilespmem:s23+$0x10] =	vst @p6 v1;
	v1 =	vmul.u32 @!p6 $0x80, v2  }
0x1a9: {  	s0 =	sand.u32 @!p6 $0x7F, s0;
	v2 =	vld @p6 [tilespmem:$0x182A0]  }
0x1aa: {  	v3 =	vor.u32 @!p6 s0, v1;
	_ =	sdelay $0x3  }
0x1ab: {  	s3 =	simm.s32 @!p6 $0x280;
	[tilespmem:s23+$0x20] =	vst @p6 v2  }
0x1ac: {  	v2 =	vld.idx.msk @!p6 [tilespmem:v3+s3+$0x0], $0xffff;
	v3 =	vor.u32 @!p6 $0x800, v1  }
0x1ad: {  	v3 =	vor.u32 @!p6 s0, v3;
	_ =	sdelay $0x3  }
0x1ae: {  	v4 =	vld @p6 [tilespmem:$0x182B0];
	[tilespmem:s23+$0x0] =	vst @!p6 v2  }
0x1af: {  	v2 =	vld.idx.msk @!p6 [tilespmem:v3+s3+$0x0], $0xffff;
	v3 =	vor.u32 @!p6 $0x1000, v1  }
0x1b0: {  	v3 =	vor.u32 @!p6 s0, v3;
	_ =	sdelay $0x3  }
0x1b1: {  	[tilespmem:s23+$0x10] =	vst @!p6 v2  }
0x1b2: {  	v1 =	vor.u32 @!p6 $0x1800, v1;
	v2 =	vld.idx.msk @!p6 [tilespmem:v3+s3+$0x0], $0xffff  }
0x1b3: {  	v1 =	vor.u32 @!p6 s0, v1;
	_ =	sdelay $0x3  }
0x1b4: {  	[tilespmem:s23+$0x20] =	vst @!p6 v2  }
0x1b5: {  	v1 =	vld.idx.msk @!p6 [tilespmem:v1+s3+$0x0], $0xffff;
	_ =	sdelay $0x2  }
0x1b6: {  	s0 =	sshll.u32 @p4 s30, $0x7  }
0x1b7: {  	s0 =	sadd.s32 @p4 $0xF85F0000, s0  }
0x1b8: {  	s0 =	sshrl.u32 @p4 s0, $0x3;
	v1 =	vpsel p6, v4, v1  }
0x1b9: {  	s5 =	simm.s32 @p4 $0x18280;
	s0 =	sadd.s32 @p4 s4, s0;
	s3 =	simm.s32 @p4 $0x0;
	[tilespmem:s23+$0x30] =	vst v1  }
0x1ba: {  	[tilespmem:s5], [sflag:$0x3] =	stream.linear.gather @p4 [hbm4b:s0+s3], $0x80, $0x38;
	[tilespmem:$0x18300] =	vst v63  }
0x1bb: {  	s0 =	simm.s32 @p4 $0x3  }
0x1bc: {  	_ =	swait.ge @p4 [sflag:s0], $0x80  }
0x1bd: {  	[sflag:s0] =	ssyncset.done @p4 $0x0  }
0x1be: {  	[sflag:s0] =	ssyncadd.s32 @p4 $0xFFFFFF80  }
0x1bf: {  	v1 =	vld @p4 [tilespmem:$0x18280];
	_ =	sdelay $0x4  }
0x1c0: {  	[tilespmem:s23+$0x40] =	vst @p4 v1  }
0x1c1: {  	v1 =	vld @p4 [tilespmem:$0x18290];
	_ =	sdelay $0x3  }
0x1c2: {  	v2 =	vlaneseq.u32 @!p4  }
0x1c3: {  	[tilespmem:s23+$0x50] =	vst @p4 v1;
	v1 =	vmul.u32 @!p4 $0x80, v2  }
0x1c4: {  	s0 =	sand.u32 @!p4 $0x7F, s30;
	v2 =	vld @p4 [tilespmem:$0x182A0]  }
0x1c5: {  	v3 =	vor.u32 @!p4 s0, v1;
	_ =	sdelay $0x3  }
0x1c6: {  	s3 =	simm.s32 @!p4 $0x2280;
	[tilespmem:s23+$0x60] =	vst @p4 v2  }
0x1c7: {  	v2 =	vld.idx.msk @!p4 [tilespmem:v3+s3+$0x0], $0xffff;
	v3 =	vor.u32 @!p4 $0x800, v1  }
0x1c8: {  	v3 =	vor.u32 @!p4 s0, v3;
	_ =	sdelay $0x3  }
0x1c9: {  	v4 =	vld @p4 [tilespmem:$0x182B0];
	[tilespmem:s23+$0x40] =	vst @!p4 v2  }
0x1ca: {  	v2 =	vld.idx.msk @!p4 [tilespmem:v3+s3+$0x0], $0xffff;
	v3 =	vor.u32 @!p4 $0x1000, v1  }
0x1cb: {  	v3 =	vor.u32 @!p4 s0, v3;
	_ =	sdelay $0x3  }
0x1cc: {  	[tilespmem:s23+$0x50] =	vst @!p4 v2  }
0x1cd: {  	v1 =	vor.u32 @!p4 $0x1800, v1;
	v2 =	vld.idx.msk @!p4 [tilespmem:v3+s3+$0x0], $0xffff  }
0x1ce: {  	v1 =	vor.u32 @!p4 s0, v1;
	_ =	sdelay $0x3  }
0x1cf: {  	[tilespmem:s23+$0x60] =	vst @!p4 v2  }
0x1d0: {  	v1 =	vld.idx.msk @!p4 [tilespmem:v1+s3+$0x0], $0xffff;
	_ =	sdelay $0x2  }
0x1d1: {  	s0 =	sshll.u32 @p2 s28, $0x7  }
0x1d2: {  	s0 =	sadd.s32 @p2 $0xF85F0000, s0  }
0x1d3: {  	s0 =	sshrl.u32 @p2 s0, $0x3;
	v1 =	vpsel p4, v4, v1  }
0x1d4: {  	s5 =	simm.s32 @p2 $0x18280;
	s0 =	sadd.s32 @p2 s4, s0;
	s3 =	simm.s32 @p2 $0x0;
	[tilespmem:s23+$0x70] =	vst v1  }
0x1d5: {  	[tilespmem:s5], [sflag:$0x3] =	stream.linear.gather @p2 [hbm4b:s0+s3], $0x80, $0x38;
	[tilespmem:$0x18300] =	vst v63  }
0x1d6: {  	s0 =	simm.s32 @p2 $0x3  }
0x1d7: {  	_ =	swait.ge @p2 [sflag:s0], $0x80  }
0x1d8: {  	[sflag:s0] =	ssyncset.done @p2 $0x0  }
0x1d9: {  	[sflag:s0] =	ssyncadd.s32 @p2 $0xFFFFFF80  }
0x1da: {  	v1 =	vld @p2 [tilespmem:$0x18280];
	_ =	sdelay $0x4  }
0x1db: {  	[tilespmem:s23+$0x80] =	vst @p2 v1  }
0x1dc: {  	v1 =	vld @p2 [tilespmem:$0x18290];
	_ =	sdelay $0x3  }
0x1dd: {  	v2 =	vlaneseq.u32 @!p2  }
0x1de: {  	[tilespmem:s23+$0x90] =	vst @p2 v1;
	v1 =	vmul.u32 @!p2 $0x80, v2  }
0x1df: {  	s0 =	sand.u32 @!p2 $0x7F, s28;
	v2 =	vld @p2 [tilespmem:$0x182A0]  }
0x1e0: {  	v3 =	vor.u32 @!p2 s0, v1;
	_ =	sdelay $0x3  }
0x1e1: {  	s3 =	simm.s32 @!p2 $0x4280;
	[tilespmem:s23+$0xA0] =	vst @p2 v2  }
0x1e2: {  	v2 =	vld.idx.msk @!p2 [tilespmem:v3+s3+$0x0], $0xffff;
	v3 =	vor.u32 @!p2 $0x800, v1  }
0x1e3: {  	v3 =	vor.u32 @!p2 s0, v3;
	_ =	sdelay $0x3  }
0x1e4: {  	v4 =	vld @p2 [tilespmem:$0x182B0];
	[tilespmem:s23+$0x80] =	vst @!p2 v2  }
0x1e5: {  	v2 =	vld.idx.msk @!p2 [tilespmem:v3+s3+$0x0], $0xffff;
	v3 =	vor.u32 @!p2 $0x1000, v1  }
0x1e6: {  	v3 =	vor.u32 @!p2 s0, v3;
	_ =	sdelay $0x3  }
0x1e7: {  	[tilespmem:s23+$0x90] =	vst @!p2 v2  }
0x1e8: {  	v1 =	vor.u32 @!p2 $0x1800, v1;
	v2 =	vld.idx.msk @!p2 [tilespmem:v3+s3+$0x0], $0xffff  }
0x1e9: {  	v1 =	vor.u32 @!p2 s0, v1;
	_ =	sdelay $0x3  }
0x1ea: {  	s5 =	sld [smem:$0x7FD];
	[tilespmem:s23+$0xA0] =	vst @!p2 v2  }
0x1eb: {  	v1 =	vld.idx.msk @!p2 [tilespmem:v1+s3+$0x0], $0xffff;
	_ =	sdelay $0x1  }
0x1ec: {  	p4 =	seq.s32 s5, $0x1  }
0x1ed: {  	s0 =	sshll.u32 @p4 s25, $0x7  }
0x1ee: {  	s0 =	sadd.s32 @p4 $0xF85F0000, s0  }
0x1ef: {  	s0 =	sshrl.u32 @p4 s0, $0x3;
	v1 =	vpsel p2, v4, v1  }
0x1f0: {  	s5 =	simm.s32 @p4 $0x18280;
	s0 =	sadd.s32 @p4 s4, s0;
	s3 =	simm.s32 @p4 $0x0;
	[tilespmem:s23+$0xB0] =	vst v1  }
0x1f1: {  	[tilespmem:s5], [sflag:$0x3] =	stream.linear.gather @p4 [hbm4b:s0+s3], $0x80, $0x38;
	[tilespmem:$0x18300] =	vst v63  }
0x1f2: {  	s0 =	simm.s32 @p4 $0x3  }
0x1f3: {  	_ =	swait.ge @p4 [sflag:s0], $0x80  }
0x1f4: {  	[sflag:s0] =	ssyncset.done @p4 $0x0  }
0x1f5: {  	[sflag:s0] =	ssyncadd.s32 @p4 $0xFFFFFF80  }
0x1f6: {  	v1 =	vld @p4 [tilespmem:$0x18280];
	_ =	sdelay $0x4  }
0x1f7: {  	[tilespmem:s23+$0xC0] =	vst @p4 v1  }
0x1f8: {  	v1 =	vld @p4 [tilespmem:$0x18290];
	_ =	sdelay $0x3  }
0x1f9: {  	v2 =	vlaneseq.u32 @!p4  }
0x1fa: {  	[tilespmem:s23+$0xD0] =	vst @p4 v1;
	v1 =	vmul.u32 @!p4 $0x80, v2  }
0x1fb: {  	s0 =	sand.u32 @!p4 $0x7F, s25;
	v2 =	vld @p4 [tilespmem:$0x182A0]  }
0x1fc: {  	v3 =	vor.u32 @!p4 s0, v1;
	_ =	sdelay $0x3  }
0x1fd: {  	s3 =	simm.s32 @!p4 $0x6280;
	(v2sf) =	vpush v0, $0x0;
	[tilespmem:s23+$0xE0] =	vst @p4 v2  }
0x1fe: {  	v2 =	vld.idx.msk @!p4 [tilespmem:v3+s3+$0x0], $0xffff;
	v3 =	vor.u32 @!p4 $0x800, v1  }
0x1ff: {  	v3 =	vor.u32 @!p4 s0, v3;
	_ =	sdelay $0x3  }
0x200: {  	v4 =	vld @p4 [tilespmem:$0x182B0];
	[tilespmem:s23+$0xC0] =	vst @!p4 v2  }
0x201: {  	v2 =	vld.idx.msk @!p4 [tilespmem:v3+s3+$0x0], $0xffff;
	v3 =	vor.u32 @!p4 $0x1000, v1  }
0x202: {  	v3 =	vor.u32 @!p4 s0, v3;
	_ =	sdelay $0x1  }
0x203: {  	(v2sf) =	vpush v0, $0x1;
	_ =	sdelay $0x1  }
0x204: {  	[tilespmem:s23+$0xD0] =	vst @!p4 v2  }
0x205: {  	v1 =	vor.u32 @!p4 $0x1800, v1;
	v2 =	vld.idx.msk @!p4 [tilespmem:v3+s3+$0x0], $0xffff  }
0x206: {  	(v2sf) =	vpush v0, $0x2;
	v1 =	vor.u32 @!p4 s0, v1  }
0x207: {  	s21 =	spop (v2sf);
	(v2sf) =	vpush v0, $0x3;
	_ =	sdelay $0x2  }
0x208: {  	[tilespmem:s23+$0xE0] =	vst @!p4 v2  }
0x209: {  	v1 =	vld.idx.msk @!p4 [tilespmem:v1+s3+$0x0], $0xffff;
	s3 =	sshra.s32 s21, $0x7  }
0x20a: {  	p2 =	sgt.s32 s3, $0x0  }
0x20b: {  	s3 =	simm.s32 @!p2 $0x0  }
0x20c: {  	s3 =	smin.u32 s3, $0x1E83  }
0x20d: {  	p2 =	sgt.s32 s21, $0xF41FF;
	s0 =	sshll.u32 s3, $0x7  }
0x20e: {  	v1 =	vpsel p4, v4, v1;
	s0 =	simm.s32 @p2 $0x0  }
0x20f: {  	s25 =	spop (v2sf);
	[tilespmem:s23+$0xF0] =	vst v1;
	s0 =	sadd.s32 s1, s0  }
0x210: {  	[tilespmem:s11], [sflag:$0x1] =	stream.strided.gather [hbm4b:s0+s9], $0x2000, s10, s9, $0x38;
	[tilespmem:$0x18300] =	vst v63  }
0x211: {  	s0 =	sshra.s32 s25, $0x7  }
0x212: {  	p2 =	sgt.s32 s0, $0x0  }
0x213: {  	s28 =	spop (v2sf);
	s0 =	simm.s32 @!p2 $0x0  }
0x214: {  	s30 =	spop (v2sf);
	s0 =	smin.u32 s0, $0x1E83  }
0x215: {  	s3 =	sshra.s32 s28, $0x7;
	p2 =	sgt.s32 s25, $0xF41FF;
	s0 =	sshll.u32 s0, $0x7  }
0x216: {  	s21 =	sshra.s32 s30, $0x7;
	s0 =	simm.s32 @p2 $0x0;
	p2 =	sgt.s32 s3, $0x0  }
0x217: {  	s0 =	sadd.s32 s1, s0;
	s3 =	simm.s32 @!p2 $0x0;
	p2 =	sgt.s32 s21, $0x0  }
0x218: {  	[tilespmem:s12], [sflag:$0x1] =	stream.strided.gather [hbm4b:s0+s9], $0x2000, s10, s9, $0x38;
	[tilespmem:$0x18300] =	vst v63  }
0x219: {  	s3 =	smin.u32 s3, $0x1E83;
	s21 =	simm.s32 @!p2 $0x0  }
0x21a: {  	p2 =	sgt.s32 s28, $0xF41FF;
	s0 =	sshll.u32 s3, $0x7;
	s21 =	smin.u32 s21, $0x1E83  }
0x21b: {  	s0 =	simm.s32 @p2 $0x0;
	p2 =	sgt.s32 s30, $0xF41FF;
	s3 =	sshll.u32 s21, $0x7  }
0x21c: {  	s3 =	simm.s32 @p2 $0x0;
	s0 =	sadd.s32 s1, s0  }
0x21d: {  	[tilespmem:s13], [sflag:$0x1] =	stream.strided.gather [hbm4b:s0+s9], $0x2000, s10, s9, $0x38;
	[tilespmem:$0x18300] =	vst v63  }
0x21e: {  	s25 =	sadd.s32 s1, s3  }
0x21f: {  	[tilespmem:s14], [sflag:$0x1] =	stream.strided.gather [hbm4b:s25+s9], $0x2000, s10, s9, $0x38;
	[tilespmem:$0x18300] =	vst v63  }
0x220: {  	_ =	swait.ge [sflag:s20], $0x2000  }
0x221: {  	[sflag:s20] =	ssyncset.done $0x0  }
0x222: {  	[sflag:s20] =	ssyncadd.s32 $0xFFFFE000  }
0x223: {  	_ =	swait.ge [sflag:s20], $0x2000  }
0x224: {  	[sflag:s20] =	ssyncset.done $0x0  }
0x225: {  	[sflag:s20] =	ssyncadd.s32 $0xFFFFE000  }
0x226: {  	_ =	swait.ge [sflag:s20], $0x2000  }
0x227: {  	[sflag:s20] =	ssyncset.done $0x0  }
0x228: {  	s0 =	sshll.u32 @p0 s2, $0x7;
	[sflag:s20] =	ssyncadd.s32 $0xFFFFE000  }
0x229: {  	s0 =	sadd.s32 @p0 $0xF85F0000, s0;
	_ =	swait.ge [sflag:s20], $0x2000  }
0x22a: {  	s5 =	simm.s32 @p0 $0x18280;
	s0 =	sshrl.u32 @p0 s0, $0x3;
	[sflag:s20] =	ssyncset.done $0x0  }
0x22b: {  	s3 =	simm.s32 @p0 $0x0;
	s0 =	sadd.s32 @p0 s4, s0;
	[sflag:s20] =	ssyncadd.s32 $0xFFFFE000  }
0x22c: {  	[tilespmem:s5], [sflag:$0x3] =	stream.linear.gather @p0 [hbm4b:s0+s3], $0x80, $0x38;
	[tilespmem:$0x18300] =	vst v63  }
0x22d: {  	s0 =	simm.s32 @p0 $0x3  }
0x22e: {  	_ =	swait.ge @p0 [sflag:s0], $0x80  }
0x22f: {  	[sflag:s0] =	ssyncset.done @p0 $0x0  }
0x230: {  	[sflag:s0] =	ssyncadd.s32 @p0 $0xFFFFFF80  }
0x231: {  	v1 =	vld @p0 [tilespmem:$0x18280];
	_ =	sdelay $0x4  }
0x232: {  	[tilespmem:s23+$0x100] =	vst @p0 v1  }
0x233: {  	v1 =	vld @p0 [tilespmem:$0x18290];
	_ =	sdelay $0x3  }
0x234: {  	v2 =	vlaneseq.u32 @!p0  }
0x235: {  	[tilespmem:s23+$0x110] =	vst @p0 v1;
	v1 =	vmul.u32 @!p0 $0x80, v2  }
0x236: {  	s0 =	sand.u32 @!p0 $0x7F, s2;
	v2 =	vld @p0 [tilespmem:$0x182A0]  }
0x237: {  	v3 =	vor.u32 @!p0 s0, v1;
	_ =	sdelay $0x3  }
0x238: {  	s2 =	simm.s32 @!p0 $0x8280;
	[tilespmem:s23+$0x120] =	vst @p0 v2  }
0x239: {  	v2 =	vld.idx.msk @!p0 [tilespmem:v3+s2+$0x0], $0xffff;
	v3 =	vor.u32 @!p0 $0x800, v1  }
0x23a: {  	v3 =	vor.u32 @!p0 s0, v3;
	_ =	sdelay $0x3  }
0x23b: {  	v4 =	vld @p0 [tilespmem:$0x182B0];
	[tilespmem:s23+$0x100] =	vst @!p0 v2  }
0x23c: {  	v2 =	vld.idx.msk @!p0 [tilespmem:v3+s2+$0x0], $0xffff;
	v3 =	vor.u32 @!p0 $0x1000, v1  }
0x23d: {  	v3 =	vor.u32 @!p0 s0, v3;
	_ =	sdelay $0x3  }
0x23e: {  	[tilespmem:s23+$0x110] =	vst @!p0 v2  }
0x23f: {  	v1 =	vor.u32 @!p0 $0x1800, v1;
	v2 =	vld.idx.msk @!p0 [tilespmem:v3+s2+$0x0], $0xffff  }
0x240: {  	v1 =	vor.u32 @!p0 s0, v1;
	_ =	sdelay $0x3  }
0x241: {  	[tilespmem:s23+$0x120] =	vst @!p0 v2  }
0x242: {  	v1 =	vld.idx.msk @!p0 [tilespmem:v1+s2+$0x0], $0xffff;
	_ =	sdelay $0x2  }
0x243: {  	s0 =	sshll.u32 @p5 s31, $0x7  }
0x244: {  	s0 =	sadd.s32 @p5 $0xF85F0000, s0  }
0x245: {  	s0 =	sshrl.u32 @p5 s0, $0x3;
	v1 =	vpsel p0, v4, v1  }
0x246: {  	s3 =	simm.s32 @p5 $0x18280;
	s0 =	sadd.s32 @p5 s4, s0;
	s2 =	simm.s32 @p5 $0x0;
	[tilespmem:s23+$0x130] =	vst v1  }
0x247: {  	[tilespmem:s3], [sflag:$0x3] =	stream.linear.gather @p5 [hbm4b:s0+s2], $0x80, $0x38;
	[tilespmem:$0x18300] =	vst v63  }
0x248: {  	s0 =	simm.s32 @p5 $0x3  }
0x249: {  	_ =	swait.ge @p5 [sflag:s0], $0x80  }
0x24a: {  	[sflag:s0] =	ssyncset.done @p5 $0x0  }
0x24b: {  	[sflag:s0] =	ssyncadd.s32 @p5 $0xFFFFFF80  }
0x24c: {  	v1 =	vld @p5 [tilespmem:$0x18280];
	_ =	sdelay $0x4  }
0x24d: {  	[tilespmem:s23+$0x140] =	vst @p5 v1  }
0x24e: {  	v1 =	vld @p5 [tilespmem:$0x18290];
	_ =	sdelay $0x3  }
0x24f: {  	v2 =	vlaneseq.u32 @!p5  }
0x250: {  	[tilespmem:s23+$0x150] =	vst @p5 v1;
	v1 =	vmul.u32 @!p5 $0x80, v2  }
0x251: {  	s0 =	sand.u32 @!p5 $0x7F, s31;
	v2 =	vld @p5 [tilespmem:$0x182A0]  }
0x252: {  	v3 =	vor.u32 @!p5 s0, v1;
	_ =	sdelay $0x3  }
0x253: {  	s2 =	simm.s32 @!p5 $0xA280;
	[tilespmem:s23+$0x160] =	vst @p5 v2  }
0x254: {  	v2 =	vld.idx.msk @!p5 [tilespmem:v3+s2+$0x0], $0xffff;
	v3 =	vor.u32 @!p5 $0x800, v1  }
0x255: {  	v3 =	vor.u32 @!p5 s0, v3;
	_ =	sdelay $0x3  }
0x256: {  	v4 =	vld @p5 [tilespmem:$0x182B0];
	[tilespmem:s23+$0x140] =	vst @!p5 v2  }
0x257: {  	v2 =	vld.idx.msk @!p5 [tilespmem:v3+s2+$0x0], $0xffff;
	v3 =	vor.u32 @!p5 $0x1000, v1  }
0x258: {  	v3 =	vor.u32 @!p5 s0, v3;
	_ =	sdelay $0x3  }
0x259: {  	[tilespmem:s23+$0x150] =	vst @!p5 v2  }
0x25a: {  	v1 =	vor.u32 @!p5 $0x1800, v1;
	v2 =	vld.idx.msk @!p5 [tilespmem:v3+s2+$0x0], $0xffff  }
0x25b: {  	v1 =	vor.u32 @!p5 s0, v1;
	_ =	sdelay $0x3  }
0x25c: {  	[tilespmem:s23+$0x160] =	vst @!p5 v2  }
0x25d: {  	v1 =	vld.idx.msk @!p5 [tilespmem:v1+s2+$0x0], $0xffff;
	_ =	sdelay $0x2  }
0x25e: {  	s0 =	sshll.u32 @p3 s29, $0x7  }
0x25f: {  	s0 =	sadd.s32 @p3 $0xF85F0000, s0  }
0x260: {  	s0 =	sshrl.u32 @p3 s0, $0x3;
	v1 =	vpsel p5, v4, v1  }
0x261: {  	s3 =	simm.s32 @p3 $0x18280;
	s0 =	sadd.s32 @p3 s4, s0;
	s2 =	simm.s32 @p3 $0x0;
	[tilespmem:s23+$0x170] =	vst v1  }
0x262: {  	[tilespmem:s3], [sflag:$0x3] =	stream.linear.gather @p3 [hbm4b:s0+s2], $0x80, $0x38;
	[tilespmem:$0x18300] =	vst v63  }
0x263: {  	s0 =	simm.s32 @p3 $0x3  }
0x264: {  	_ =	swait.ge @p3 [sflag:s0], $0x80  }
0x265: {  	[sflag:s0] =	ssyncset.done @p3 $0x0  }
0x266: {  	[sflag:s0] =	ssyncadd.s32 @p3 $0xFFFFFF80  }
0x267: {  	v1 =	vld @p3 [tilespmem:$0x18280];
	_ =	sdelay $0x4  }
0x268: {  	[tilespmem:s23+$0x180] =	vst @p3 v1  }
0x269: {  	v1 =	vld @p3 [tilespmem:$0x18290];
	_ =	sdelay $0x3  }
0x26a: {  	v2 =	vlaneseq.u32 @!p3  }
0x26b: {  	[tilespmem:s23+$0x190] =	vst @p3 v1;
	v1 =	vmul.u32 @!p3 $0x80, v2  }
0x26c: {  	s0 =	sand.u32 @!p3 $0x7F, s29;
	v2 =	vld @p3 [tilespmem:$0x182A0]  }
0x26d: {  	v3 =	vor.u32 @!p3 s0, v1;
	_ =	sdelay $0x3  }
0x26e: {  	s2 =	simm.s32 @!p3 $0xC280;
	[tilespmem:s23+$0x1A0] =	vst @p3 v2  }
0x26f: {  	v2 =	vld.idx.msk @!p3 [tilespmem:v3+s2+$0x0], $0xffff;
	v3 =	vor.u32 @!p3 $0x800, v1  }
0x270: {  	v3 =	vor.u32 @!p3 s0, v3;
	_ =	sdelay $0x3  }
0x271: {  	v4 =	vld @p3 [tilespmem:$0x182B0];
	[tilespmem:s23+$0x180] =	vst @!p3 v2  }
0x272: {  	v2 =	vld.idx.msk @!p3 [tilespmem:v3+s2+$0x0], $0xffff;
	v3 =	vor.u32 @!p3 $0x1000, v1  }
0x273: {  	v3 =	vor.u32 @!p3 s0, v3;
	_ =	sdelay $0x3  }
0x274: {  	[tilespmem:s23+$0x190] =	vst @!p3 v2  }
0x275: {  	v1 =	vor.u32 @!p3 $0x1800, v1;
	v2 =	vld.idx.msk @!p3 [tilespmem:v3+s2+$0x0], $0xffff  }
0x276: {  	v1 =	vor.u32 @!p3 s0, v1;
	_ =	sdelay $0x3  }
0x277: {  	[tilespmem:s23+$0x1A0] =	vst @!p3 v2  }
0x278: {  	v1 =	vld.idx.msk @!p3 [tilespmem:v1+s2+$0x0], $0xffff;
	_ =	sdelay $0x2  }
0x279: {  	s0 =	sshll.u32 @p1 s26, $0x7  }
0x27a: {  	s0 =	sadd.s32 @p1 $0xF85F0000, s0  }
0x27b: {  	s0 =	sshrl.u32 @p1 s0, $0x3;
	v1 =	vpsel p3, v4, v1  }
0x27c: {  	s3 =	simm.s32 @p1 $0x18280;
	s0 =	sadd.s32 @p1 s4, s0;
	s2 =	simm.s32 @p1 $0x0;
	[tilespmem:s23+$0x1B0] =	vst v1  }
0x27d: {  	[tilespmem:s3], [sflag:$0x3] =	stream.linear.gather @p1 [hbm4b:s0+s2], $0x80, $0x38;
	[tilespmem:$0x18300] =	vst v63  }
0x27e: {  	s0 =	simm.s32 @p1 $0x3  }
0x27f: {  	_ =	swait.ge @p1 [sflag:s0], $0x80  }
0x280: {  	[sflag:s0] =	ssyncset.done @p1 $0x0  }
0x281: {  	[sflag:s0] =	ssyncadd.s32 @p1 $0xFFFFFF80  }
0x282: {  	v1 =	vld @p1 [tilespmem:$0x18280];
	_ =	sdelay $0x4  }
0x283: {  	[tilespmem:s23+$0x1C0] =	vst @p1 v1  }
0x284: {  	v1 =	vld @p1 [tilespmem:$0x18290];
	_ =	sdelay $0x3  }
0x285: {  	v2 =	vlaneseq.u32 @!p1  }
0x286: {  	[tilespmem:s23+$0x1D0] =	vst @p1 v1;
	v1 =	vmul.u32 @!p1 $0x80, v2  }
0x287: {  	s0 =	sand.u32 @!p1 $0x7F, s26;
	v2 =	vld @p1 [tilespmem:$0x182A0]  }
0x288: {  	v3 =	vor.u32 @!p1 s0, v1;
	_ =	sdelay $0x3  }
0x289: {  	s2 =	simm.s32 @!p1 $0xE280;
	(v2sf) =	vpush v0, $0x4;
	[tilespmem:s23+$0x1E0] =	vst @p1 v2  }
0x28a: {  	v2 =	vld.idx.msk @!p1 [tilespmem:v3+s2+$0x0], $0xffff;
	v3 =	vor.u32 @!p1 $0x800, v1  }
0x28b: {  	v3 =	vor.u32 @!p1 s0, v3;
	_ =	sdelay $0x2  }
0x28c: {  	(v2sf) =	vpush v0, $0x5  }
0x28d: {  	v4 =	vld @p1 [tilespmem:$0x182B0];
	[tilespmem:s23+$0x1C0] =	vst @!p1 v2  }
0x28e: {  	v2 =	vld.idx.msk @!p1 [tilespmem:v3+s2+$0x0], $0xffff;
	v3 =	vor.u32 @!p1 $0x1000, v1  }
0x28f: {  	v3 =	vor.u32 @!p1 s0, v3;
	_ =	sdelay $0x3  }
0x290: {  	[tilespmem:s23+$0x1D0] =	vst @!p1 v2  }
0x291: {  	v1 =	vor.u32 @!p1 $0x1800, v1;
	v2 =	vld.idx.msk @!p1 [tilespmem:v3+s2+$0x0], $0xffff  }
0x292: {  	v1 =	vor.u32 @!p1 s0, v1  }
0x293: {  	s28 =	spop (v2sf);
	(v2sf) =	vpush v0, $0x6;
	_ =	sdelay $0x2  }
0x294: {  	[tilespmem:s23+$0x1E0] =	vst @!p1 v2  }
0x295: {  	v1 =	vld.idx.msk @!p1 [tilespmem:v1+s2+$0x0], $0xffff;
	s2 =	sshra.s32 s28, $0x7  }
0x296: {  	s29 =	spop (v2sf);
	(v2sf) =	vpush v0, $0x7;
	p0 =	sgt.s32 s2, $0x0  }
0x297: {  	s2 =	simm.s32 @!p0 $0x0  }
0x298: {  	s2 =	smin.u32 s2, $0x1E83  }
0x299: {  	p0 =	sgt.s32 s28, $0xF41FF;
	s0 =	sshll.u32 s2, $0x7;
	s2 =	sshra.s32 s29, $0x7  }
0x29a: {  	v1 =	vpsel p1, v4, v1;
	s0 =	simm.s32 @p0 $0x0;
	p0 =	sgt.s32 s2, $0x0  }
0x29b: {  	[tilespmem:s23+$0x1F0] =	vst v1;
	s0 =	sadd.s32 s1, s0;
	s2 =	simm.s32 @!p0 $0x0  }
0x29c: {  	[tilespmem:s15], [sflag:$0x2] =	stream.strided.gather [hbm4b:s0+s9], $0x2000, s10, s9, $0x38;
	[tilespmem:$0x18300] =	vst v63  }
0x29d: {  	s2 =	smin.u32 s2, $0x1E83  }
0x29e: {  	p0 =	sgt.s32 s29, $0xF41FF;
	s0 =	sshll.u32 s2, $0x7  }
0x29f: {  	s0 =	simm.s32 @p0 $0x0  }
0x2a0: {  	s30 =	spop (v2sf);
	s0 =	sadd.s32 s1, s0  }
0x2a1: {  	[tilespmem:s16], [sflag:$0x2] =	stream.strided.gather [hbm4b:s0+s9], $0x2000, s10, s9, $0x38;
	[tilespmem:$0x18300] =	vst v63  }
0x2a2: {  	s0 =	sshra.s32 s30, $0x7  }
0x2a3: {  	p0 =	sgt.s32 s0, $0x0  }
0x2a4: {  	s0 =	simm.s32 @!p0 $0x0  }
0x2a5: {  	s31 =	spop (v2sf);
	s0 =	smin.u32 s0, $0x1E83  }
0x2a6: {  	s2 =	sshra.s32 s31, $0x7;
	p0 =	sgt.s32 s30, $0xF41FF;
	s0 =	sshll.u32 s0, $0x7  }
0x2a7: {  	s0 =	simm.s32 @p0 $0x0;
	p0 =	sgt.s32 s2, $0x0  }
0x2a8: {  	s0 =	sadd.s32 s1, s0;
	s2 =	simm.s32 @!p0 $0x0  }
0x2a9: {  	[tilespmem:s17], [sflag:$0x2] =	stream.strided.gather [hbm4b:s0+s9], $0x2000, s10, s9, $0x38;
	[tilespmem:$0x18300] =	vst v63  }
0x2aa: {  	s2 =	smin.u32 s2, $0x1E83  }
0x2ab: {  	s24 =	sadd.s32 $0x40, s24;
	p0 =	sgt.s32 s31, $0xF41FF;
	s0 =	sshll.u32 s2, $0x7  }
0x2ac: {  	s0 =	simm.s32 @p0 $0x0;
	p0 =	sne.s32 s24, $0x800  }
.Ltmp0:
0x2ad: {  	_ = 	snop;
	(pc) =	sbr.rel @p0 .LBB2_2-.Ltmp0, $3  }
0x2ae: {  	_ =	sdelay $0x1  }
0x2af: {  	s23 =	sadd.s32 $0x400, s23;
	s0 =	sadd.s32 s1, s0  }
0x2b0: {  	[tilespmem:s18], [sflag:$0x2] =	stream.strided.gather [hbm4b:s0+s9], $0x2000, s10, s9, $0x38;
	[tilespmem:$0x18300] =	vst v63  }
0x2b1: {  	_ =	swait.ge [sflag:s19], $0x2000  }
0x2b2: {  	[sflag:s19] =	ssyncset.done $0x0  }
0x2b3: {  	[sflag:s19] =	ssyncadd.s32 $0xFFFFE000  }
0x2b4: {  	_ =	swait.ge [sflag:s19], $0x2000  }
0x2b5: {  	[sflag:s19] =	ssyncset.done $0x0  }
0x2b6: {  	[sflag:s19] =	ssyncadd.s32 $0xFFFFE000  }
0x2b7: {  	_ =	swait.ge [sflag:s19], $0x2000  }
0x2b8: {  	[sflag:s19] =	ssyncset.done $0x0  }
0x2b9: {  	[sflag:s19] =	ssyncadd.s32 $0xFFFFE000  }
0x2ba: {  	_ =	swait.ge [sflag:s19], $0x2000  }
0x2bb: {  	[sflag:s19] =	ssyncset.done $0x0  }
0x2bc: {  	[sflag:s19] =	ssyncadd.s32 $0xFFFFE000  }
0x2bd: {  	_ =	swait.ge [sflag:s20], $0x2000  }
0x2be: {  	[sflag:s20] =	ssyncset.done $0x0  }
0x2bf: {  	[sflag:s20] =	ssyncadd.s32 $0xFFFFE000  }
0x2c0: {  	_ =	swait.ge [sflag:s20], $0x2000  }
0x2c1: {  	[sflag:s20] =	ssyncset.done $0x0  }
0x2c2: {  	[sflag:s20] =	ssyncadd.s32 $0xFFFFE000  }
0x2c3: {  	_ =	swait.ge [sflag:s20], $0x2000  }
0x2c4: {  	[sflag:s20] =	ssyncset.done $0x0  }
0x2c5: {  	[sflag:s20] =	ssyncadd.s32 $0xFFFFE000  }
0x2c6: {  	s22 =	sadd.s32 $0x1, s22;
	_ =	swait.ge [sflag:s20], $0x2000  }
0x2c7: {  	s21 =	simm.s32 $0x0;
	p0 =	sne.s32 s22, s7;
	[sflag:s20] =	ssyncset.done $0x0  }
.Ltmp1:
0x2c8: {  	s0 =	simm.s32 $0x10280;
	[sflag:s20] =	ssyncadd.s32 $0xFFFFE000;
	(pc) =	sbr.rel @p0 .LBB2_1-.Ltmp1, $4  }
0x2c9: {  	[hbm4b:s6+s21] =	stream.linear.scatter [tilespmem:s0], [sflag:$0x3], $0x8000, $0x38;
	[tilespmem:$0x18300] =	vst v63  }
0x2ca: {  	_ =	swait.ge [sflag:s8], $0x8000  }
0x2cb: {  	[sflag:s8] =	ssyncset.done $0x0  }
0x2cc: {  	[sflag:s8] =	ssyncadd.s32 $0xFFFF8000  }
0x2cd: {  	_ =	sfence.sel $0x180000  }
0x2ce: {  	[bflag:$0x0] =	sbarrier.arrive $0xFFFF  }
0x2cf: {  	_ =	strace $0x90000047  }
0x2d0: {  	s0 =	stileid.u32;
	[bflag:$0x2] =	sbarrier.arrive $0xFFFF  }
0x2d1: {  	p0 =	sne.s32 s0, $0x0;
	s0 =	rddreg [dreg:$0x4]  }
0x2d2: {  	s0 =	sadd.s32 @!p0 $0x100000, s0  }
0x2d3: {  	[sflag:s0] =	ssyncadd.tile.s32 @!p0 $0x1;
	_ =	shalt  }
.Lfunc_end2:
_tile_overlayer_lowered:
.L_overlay_start_2:
0x2d4: {  	(tag) =	ssettag $0x2  }
0x2d5: {  	s0 =	rddreg [dreg:$0x0];
	s2 =	stileid.u32  }
0x2d6: {  	s1 =	rddreg [dreg:$0x1];
	p0 =	sne.s32 s2, $0x0  }
0x2d7: {  	s3 =	rddreg [dreg:$0x2];
	[bflag:$0x3] =	sbarrier.arrive $0xFFFF;
	s2 =	simm.s32 @!p0 $0x1C03  }
0x2d8: {  	[timem:s3], [sflag:s2] =	dma.local @!p0 [hbm:s0], s1  }
0x2d9: {  	s0 =	simm.s32 @!p0 $0x3  }
0x2da: {  	_ =	swait.ge @!p0 [sflag:s0], s1  }
0x2db: {  	s1 =	ssub.s32 @!p0 $0x0, s1;
	[sflag:s0] =	ssyncset.done @!p0 $0x0  }
0x2dc: {  	[sflag:s0] =	ssyncadd.s32 @!p0 s1  }
0x2dd: {  	[bflag:$0x3] =	sbarrier.arrive $0xFFFF  }
0x2de: {  	_ =	shalt  }

</sc_bundles>
